<compile_context>
chip_gen: v7x
topology: tpu7x:2x2x1
jax: 0.10.2.dev20260603
libtpu: 0.0.44.dev20260713+nightly
codegen_flags: <defaults>
</compile_context>

<pallas_src>
import functools

import jax
import jax.numpy as jnp
from jax import lax
from jax.experimental import pallas as pl
from jax.experimental.pallas import tpu as pltpu
from jax.experimental.pallas import tpu_sc as plsc

NC = 2
NS = 16
NW = NC * NS
CHUNK = 128
BLK = 1264

_P = jax.lax.Precision.HIGHEST


def _sc_mesh():
    return plsc.VectorSubcoreMesh(
        core_axis_name="c", subcore_axis_name="s", num_cores=NC,
        num_subcores=NS)


def _deg_body(npt, ch, sp_ref, rp_ref, ones_hbm, zero_hbm, out_ref,
              idx_s_v, idx_r_v, ones_v, degs_sp, degr_sp, sem):
    c = lax.axis_index("c")
    s = lax.axis_index("s")
    wid = c * NS + s
    rows = pl.ds(s * npt, npt)
    pltpu.sync_copy(zero_hbm.at[rows], degs_sp.at[rows])
    pltpu.sync_copy(zero_hbm.at[rows], degr_sp.at[rows])
    pltpu.sync_copy(ones_hbm, ones_v)
    pltpu.sync_copy(sp_ref.at[wid], idx_s_v)
    pltpu.sync_copy(rp_ref.at[wid], idx_r_v)
    plsc.subcore_barrier()

    def body(j, carry):
        pltpu.async_copy(ones_v, degs_sp.at[idx_s_v.at[j]], sem, add=True)
        pltpu.async_copy(ones_v, degr_sp.at[idx_r_v.at[j]], sem, add=True)
        return carry

    lax.fori_loop(0, ch, body, 0)

    def drain(j, carry):
        pltpu.make_async_copy(ones_v, degs_sp.at[idx_s_v.at[0]], sem).wait()
        pltpu.make_async_copy(ones_v, degr_sp.at[idx_r_v.at[0]], sem).wait()
        return carry

    lax.fori_loop(0, ch, drain, 0)
    plsc.subcore_barrier()
    pltpu.sync_copy(degs_sp.at[rows], out_ref.at[c, 0, rows])
    pltpu.sync_copy(degr_sp.at[rows], out_ref.at[c, 1, rows])


def _prop_body(npt, ch, nb, table_hbm, sp_ref, rp_ref, zero_hbm, out_ref,
               idx_s_v, idx_r_v, rows_v, agg_sp, gsem0, gsem1, ssem0, ssem1):
    c = lax.axis_index("c")
    s = lax.axis_index("s")
    wid = c * NS + s
    rows = pl.ds(s * npt, npt)
    gsem = (gsem0, gsem1)
    ssem = (ssem0, ssem1)
    pltpu.sync_copy(zero_hbm.at[rows], agg_sp.at[rows])
    pltpu.sync_copy(sp_ref.at[wid], idx_s_v)
    pltpu.sync_copy(rp_ref.at[wid], idx_r_v)
    plsc.subcore_barrier()

    def issue_gathers(p, base):
        for b in range(nb):
            pltpu.async_copy(table_hbm.at[idx_s_v.at[base + b]],
                             rows_v.at[p, b], gsem[p])

    def drain_gathers(p):
        for b in range(nb):
            pltpu.make_async_copy(table_hbm.at[idx_s_v.at[0]],
                                  rows_v.at[p, b], gsem[p]).wait()

    def issue_scatters(p, base):
        for b in range(nb):
            pltpu.async_copy(rows_v.at[p, b], agg_sp.at[idx_r_v.at[base + b]],
                             ssem[p], add=True)

    def drain_scatters(p):
        for b in range(nb):
            pltpu.make_async_copy(rows_v.at[p, b], agg_sp.at[idx_r_v.at[0]],
                                  ssem[p]).wait()

    nk = ch // (2 * nb)
    issue_gathers(0, 0)

    def body(k, carry):
        base0 = k * 2 * nb
        base1 = base0 + nb
        drain_gathers(0)

        @pl.when(k > 0)
        def _():
            drain_scatters(1)

        issue_gathers(1, base1)
        issue_scatters(0, base0)
        drain_gathers(1)
        drain_scatters(0)

        @pl.when(k + 1 < nk)
        def _():
            issue_gathers(0, base0 + 2 * nb)

        issue_scatters(1, base1)
        return carry

    lax.fori_loop(0, nk, body, 0)
    drain_scatters(1)
    plsc.subcore_barrier()
    pltpu.sync_copy(agg_sp.at[rows], out_ref.at[c, rows])


def _scales(dp):
    ds_ = dp[0, 0, :, 0:1] + dp[1, 0, :, 0:1]
    dr_ = dp[0, 1, :, 0:1] + dp[1, 1, :, 0:1]
    ss = lax.rsqrt(jnp.maximum(ds_, 1.0))
    sr = lax.rsqrt(jnp.maximum(dr_, 1.0))
    return ss, sr


def _softmax(a):
    e = jnp.exp(a - jnp.max(a, axis=-1, keepdims=True))
    return e / jnp.sum(e, axis=-1, keepdims=True)


def _pad_cols(t, w):
    return jnp.concatenate(
        [t, jnp.zeros((t.shape[0], w - t.shape[1]), jnp.float32)], axis=1)


def _prep1_body(hp, x_ref, deg_ref, w_ref, b_ref, o_ref):
    ss, _ = _scales(deg_ref[...])
    a = jnp.maximum(
        jnp.dot(x_ref[...], w_ref[...], preferred_element_type=jnp.float32,
                precision=_P) + b_ref[...], 0.0)
    o_ref[...] = _pad_cols(_softmax(a) * ss, hp)


def _prep2_body(h, hp, agg_ref, deg_ref, w_ref, b_ref, o_ref):
    ss, sr = _scales(deg_ref[...])
    h1 = (agg_ref[0] + agg_ref[1])[:, :h] * sr
    a = jnp.maximum(
        jnp.dot(h1, w_ref[...], preferred_element_type=jnp.float32,
                precision=_P) + b_ref[...], 0.0)
    o_ref[...] = _pad_cols(_softmax(a) * ss, hp)


def _final_body(h, hp, agg_ref, deg_ref, x_ref, nz_ref, wmu_ref,
                bmu_ref, wlv_ref, blv_ref, wd1_ref, bd1_ref, wd2_ref,
                bd2_ref, xs_ref, mu_ref, lv_ref):
    _, sr = _scales(deg_ref[...])
    h2 = (agg_ref[0] + agg_ref[1])[:, :h] * sr
    xb = x_ref[...]
    wmu = wmu_ref[...]
    wlv = wlv_ref[...]
    dot = functools.partial(jnp.dot, preferred_element_type=jnp.float32,
                            precision=_P)
    mu = dot(h2, wmu[:h]) + dot(xb, wmu[h:]) + bmu_ref[...]
    lv = dot(h2, wlv[:h]) + dot(xb, wlv[h:]) + blv_ref[...]
    sigma = 0.0001 + jnp.exp(0.5 * lv)
    z = mu + sigma * nz_ref[...]
    d = jnp.maximum(dot(z, wd1_ref[...]) + bd1_ref[...], 0.0)
    xs_ref[...] = dot(d, wd2_ref[...]) + bd2_ref[...]
    mu_ref[...] = mu
    lv_ref[...] = lv


def kernel(x, edge_index, noise, W1, b1, W2, b2, Wmu, bmu, Wlv, blv,
           Wd1, bd1, Wd2, bd2):
    f32 = jnp.float32
    n, d_feat = x.shape
    e = edge_index.shape[1]
    h = W1.shape[1]
    z_dim = Wmu.shape[1]
    dec_h = Wd1.shape[1]
    expr = Wd2.shape[1]

    hp = 32
    dw = 16
    nb = 8
    ch = 2 * nb * -(-e // (NW * CHUNK * 2 * nb))
    e_pad = NW * ch * CHUNK
    npad = BLK * (-(-(n + 1) // BLK))
    npt = npad // NS

    pad_ids = n + jnp.arange(e_pad - e, dtype=jnp.int32) % (npad - n)
    senders = jnp.concatenate(
        [edge_index[0], pad_ids]).reshape(NW, ch, CHUNK)
    receivers = jnp.concatenate(
        [edge_index[1], pad_ids]).reshape(NW, ch, CHUNK)

    zero_nd = jnp.zeros((npad, dw), f32)
    zero_nh = jnp.zeros((npad, hp), f32)
    ones_cd = jnp.ones((CHUNK, dw), f32)

    deg_part = pl.kernel(
        functools.partial(_deg_body, npt, ch),
        out_type=jax.ShapeDtypeStruct((NC, 2, npad, dw), f32),
        mesh=_sc_mesh(),
        scratch_types=[
            pltpu.VMEM((ch, CHUNK), jnp.int32),
            pltpu.VMEM((ch, CHUNK), jnp.int32),
            pltpu.VMEM((CHUNK, dw), f32),
            pltpu.VMEM_SHARED((npad, dw), f32),
            pltpu.VMEM_SHARED((npad, dw), f32),
            pltpu.SemaphoreType.DMA,
        ],
        compiler_params=pltpu.CompilerParams(use_tc_tiling_on_sc=False),
    )(senders, receivers, ones_cd, zero_nd)

    grid = (npad // BLK,)
    row_spec = lambda w: pl.BlockSpec((BLK, w), lambda i: (i, 0))
    full_spec = lambda a, b: pl.BlockSpec((a, b), lambda i: (0, 0))
    agg_spec = pl.BlockSpec((NC, BLK, hp), lambda i: (0, i, 0))
    deg_spec = pl.BlockSpec((NC, 2, BLK, dw), lambda i: (0, 0, i, 0))

    table1 = pl.pallas_call(
        functools.partial(_prep1_body, hp),
        grid=grid,
        in_specs=[row_spec(d_feat), deg_spec, full_spec(d_feat, h),
                  full_spec(1, h)],
        out_specs=row_spec(hp),
        out_shape=jax.ShapeDtypeStruct((npad, hp), f32),
    )(x, deg_part, W1, b1.reshape(1, h))

    def propagate(table):
        return pl.kernel(
            functools.partial(_prop_body, npt, ch, nb),
            out_type=jax.ShapeDtypeStruct((NC, npad, hp), f32),
            mesh=_sc_mesh(),
            scratch_types=[
                pltpu.VMEM((ch, CHUNK), jnp.int32),
                pltpu.VMEM((ch, CHUNK), jnp.int32),
                pltpu.VMEM((2, nb, CHUNK, hp), f32),
                pltpu.VMEM_SHARED((npad, hp), f32),
                pltpu.SemaphoreType.DMA,
                pltpu.SemaphoreType.DMA,
                pltpu.SemaphoreType.DMA,
                pltpu.SemaphoreType.DMA,
            ],
            compiler_params=pltpu.CompilerParams(use_tc_tiling_on_sc=False),
        )(table, senders, receivers, zero_nh)

    agg1 = propagate(table1)

    table2 = pl.pallas_call(
        functools.partial(_prep2_body, h, hp),
        grid=grid,
        in_specs=[agg_spec, deg_spec, full_spec(h, h), full_spec(1, h)],
        out_specs=row_spec(hp),
        out_shape=jax.ShapeDtypeStruct((npad, hp), f32),
    )(agg1, deg_part, W2, b2.reshape(1, h))

    agg2 = propagate(table2)

    xs, mu, lv = pl.pallas_call(
        functools.partial(_final_body, h, hp),
        grid=grid,
        in_specs=[agg_spec, deg_spec, row_spec(d_feat), row_spec(z_dim),
                  full_spec(h + d_feat, z_dim), full_spec(1, z_dim),
                  full_spec(h + d_feat, z_dim), full_spec(1, z_dim),
                  full_spec(z_dim, dec_h), full_spec(1, dec_h),
                  full_spec(dec_h, expr), full_spec(1, expr)],
        out_specs=[row_spec(expr), row_spec(z_dim), row_spec(z_dim)],
        out_shape=[
            jax.ShapeDtypeStruct((n, expr), f32),
            jax.ShapeDtypeStruct((n, z_dim), f32),
            jax.ShapeDtypeStruct((n, z_dim), f32),
        ],
    )(agg2, deg_part, x, noise,
      Wmu, bmu.reshape(1, z_dim),
      Wlv, blv.reshape(1, z_dim), Wd1, bd1.reshape(1, dec_h),
      Wd2, bd2.reshape(1, expr))

    return (xs, mu, lv)

# --- scband reference (transcript-rebuilt; emitter-appended) ---
"""Pipeline reference for scband-cvae-38268158607907 (READ-ONLY COPY).

The authoritative reference and input builder live on the scoring server;
editing this copy changes nothing except your own understanding.
"""

import jax, jax.numpy as jnp
import numpy as np

N = 10000
D_FEAT = 128
E = 320000
H = 20
Z_DIM = 64
DEC_H = 40
EXPR_DIM = 128


def _glorot(key, shape):
    fan_in, fan_out = shape[0], shape[1]
    s = jnp.sqrt(6.0 / (fan_in + fan_out))
    return jax.random.uniform(key, shape, jnp.float32, -s, s)


def setup_inputs(seed: int = 0):
    key = jax.random.key(seed)
    ks = jax.random.split(key, 16)
    inp = {}
    inp['x'] = jax.random.normal(ks[0], (N, D_FEAT), dtype=jnp.float32)
    inp['edge_index'] = jax.random.randint(ks[1], (2, E), 0, N, dtype=jnp.int32)
    inp['noise'] = jax.random.normal(ks[2], (N, Z_DIM), dtype=jnp.float32)
    inp['W1'] = _glorot(ks[3], (D_FEAT, H))
    inp['b1'] = jnp.zeros((H,), jnp.float32)
    inp['W2'] = _glorot(ks[4], (H, H))
    inp['b2'] = jnp.zeros((H,), jnp.float32)
    inp['Wmu'] = _glorot(ks[5], (H + D_FEAT, Z_DIM))
    inp['bmu'] = jnp.zeros((Z_DIM,), jnp.float32)
    inp['Wlv'] = _glorot(ks[6], (H + D_FEAT, Z_DIM))
    inp['blv'] = jnp.zeros((Z_DIM,), jnp.float32)
    inp['Wd1'] = _glorot(ks[7], (Z_DIM, DEC_H))
    inp['bd1'] = jnp.zeros((DEC_H,), jnp.float32)
    inp['Wd2'] = _glorot(ks[8], (DEC_H, EXPR_DIM))
    inp['bd2'] = jnp.zeros((EXPR_DIM,), jnp.float32)
    return inp


def _gcn_layer(nodes, senders, receivers, W, b, n_nodes):
    # jraph.GraphConvolution: update_node_fn = softmax(relu(Dense(nodes))), then
    # symmetric-normalized sum aggregation over edges.
    h = jax.nn.softmax(jnp.maximum(nodes @ W + b, 0.0), axis=-1)
    ones = jnp.ones((senders.shape[0],), jnp.float32)
    sender_deg = jax.ops.segment_sum(ones, senders, n_nodes)
    receiver_deg = jax.ops.segment_sum(ones, receivers, n_nodes)
    h = h * jax.lax.rsqrt(jnp.maximum(sender_deg, 1.0))[:, None]
    h = jax.ops.segment_sum(h[senders], receivers, n_nodes)
    h = h * jax.lax.rsqrt(jnp.maximum(receiver_deg, 1.0))[:, None]
    return h


def reference(x, edge_index, noise, W1, b1, W2, b2, Wmu, bmu, Wlv, blv, Wd1, bd1, Wd2, bd2):
    senders = edge_index[0]
    receivers = edge_index[1]
    n = x.shape[0]
    # CVAEEncoder: 2 GCLayers with softmax(relu(.)) activation
    h = _gcn_layer(x, senders, receivers, W1, b1, n)
    h = _gcn_layer(h, senders, receivers, W2, b2, n)
    h = jnp.concatenate([h, x], axis=-1)
    mu = h @ Wmu + bmu
    logvar = h @ Wlv + blv
    # reparameterization (key-based normal replaced by precomputed noise)
    sigma = 0.0001 + jnp.exp(0.5 * logvar)
    z = mu + sigma * noise
    # CVAEDecoder: nlayers=2 -> one hidden relu Dense(40), then Dense(expr_dim)
    d = jnp.maximum(z @ Wd1 + bd1, 0.0)
    xs = d @ Wd2 + bd2
    return (xs, mu, logvar)

if __name__ == "__main__":
    import jax
    _d = setup_inputs()
    print(jax.jit(kernel)(*tuple(_d.values())))

</pallas_src>

<mosaic_0001>
#map = affine_map<(d0, d1) -> (0, 0, 0)>
#map1 = affine_map<(d0, d1) -> (0, 0)>
#map2 = affine_map<(d0, d1) -> (0, 0, 0, 0)>
module attributes {stable_mosaic.version = 14 : i64} {
  func.func @_deg_body(%arg0: i32, %arg1: i32, %arg2: memref<32x80x128xi32, #tpu.memory_space<hbm>>, %arg3: memref<32x80x128xi32, #tpu.memory_space<hbm>>, %arg4: memref<128x16xf32, #tpu.memory_space<hbm>>, %arg5: memref<10112x16xf32, #tpu.memory_space<hbm>>, %arg6: memref<2x2x10112x16xf32, #tpu.memory_space<hbm>>, %arg7: memref<80x128xi32, #tpu.memory_space<vmem>>, %arg8: memref<80x128xi32, #tpu.memory_space<vmem>>, %arg9: memref<128x16xf32, #tpu.memory_space<vmem>>, %arg10: memref<10112x16xf32, #tpu.memory_space<vmem_shared>>, %arg11: memref<10112x16xf32, #tpu.memory_space<vmem_shared>>, %arg12: memref<!tpu.dma_semaphore, #tpu.memory_space<semaphore_mem>>) attributes {dimension_semantics = [#tpu.dimension_semantics<core_parallel>, #tpu.dimension_semantics<subcore_parallel>], iteration_bounds = array<i64: 2, 16>, scalar_prefetch = 0 : i64, scratch_operands = 6 : i64, tpu.core_type = #tpu.core_type<sc_vector_subcore>, window_params = [{transform_indices = #map}, {transform_indices = #map}, {transform_indices = #map1}, {transform_indices = #map1}, {transform_indices = #map2}]} {
    %mul3A = arith.constant 16 : i32
    %mul3A_0 = arith.muli %arg0, %mul3A : i32
    %add3A = arith.addi %mul3A_0, %arg1 : i32
    %mul3A_1 = arith.constant 632 : i32
    %mul3A_2 = arith.muli %arg1, %mul3A_1 : i32
    "tpu.region"() ({
      %run_scoped3A_16 = tpu.sem_alloc : memref<!tpu.dma_semaphore, #tpu.memory_space<semaphore_mem>>
      %dma_start3A = arith.constant 0 : i32
      %dma_start3A_17 = tpu.memref_slice %arg10[%mul3A_2, %dma_start3A] : memref<10112x16xf32, #tpu.memory_space<vmem_shared>> -> memref<632x16xf32, #tpu.memory_space<vmem_shared>>
      %dma_start3A_18 = arith.constant 0 : i32
      %dma_start3A_19 = tpu.memref_slice %arg5[%mul3A_2, %dma_start3A_18] : memref<10112x16xf32, #tpu.memory_space<hbm>> -> memref<632x16xf32, #tpu.memory_space<hbm>>
      tpu.enqueue_dma source(%dma_start3A_19 : memref<632x16xf32, #tpu.memory_space<hbm>>) target(%dma_start3A_17 : memref<632x16xf32, #tpu.memory_space<vmem_shared>>) target_semaphore(%run_scoped3A_16 : memref<!tpu.dma_semaphore, #tpu.memory_space<semaphore_mem>>)
      %dma_wait3A = arith.constant 0 : i32
      %dma_wait3A_20 = tpu.memref_slice %arg10[%mul3A_2, %dma_wait3A] : memref<10112x16xf32, #tpu.memory_space<vmem_shared>> -> memref<632x16xf32, #tpu.memory_space<vmem_shared>>
      %dma_wait3A_21 = arith.constant 0 : i32
      %dma_wait3A_22 = tpu.memref_slice %arg5[%mul3A_2, %dma_wait3A_21] : memref<10112x16xf32, #tpu.memory_space<hbm>> -> memref<632x16xf32, #tpu.memory_space<hbm>>
      tpu.wait_dma2 semaphore(%run_scoped3A_16 : memref<!tpu.dma_semaphore, #tpu.memory_space<semaphore_mem>>) src(%dma_wait3A_22 : memref<632x16xf32, #tpu.memory_space<hbm>>) dst(%dma_wait3A_20 : memref<632x16xf32, #tpu.memory_space<vmem_shared>>)
      tpu.yield
    }) : () -> ()
    "tpu.region"() ({
      %run_scoped3A_16 = tpu.sem_alloc : memref<!tpu.dma_semaphore, #tpu.memory_space<semaphore_mem>>
      %dma_start3A = arith.constant 0 : i32
      %dma_start3A_17 = tpu.memref_slice %arg11[%mul3A_2, %dma_start3A] : memref<10112x16xf32, #tpu.memory_space<vmem_shared>> -> memref<632x16xf32, #tpu.memory_space<vmem_shared>>
      %dma_start3A_18 = arith.constant 0 : i32
      %dma_start3A_19 = tpu.memref_slice %arg5[%mul3A_2, %dma_start3A_18] : memref<10112x16xf32, #tpu.memory_space<hbm>> -> memref<632x16xf32, #tpu.memory_space<hbm>>
      tpu.enqueue_dma source(%dma_start3A_19 : memref<632x16xf32, #tpu.memory_space<hbm>>) target(%dma_start3A_17 : memref<632x16xf32, #tpu.memory_space<vmem_shared>>) target_semaphore(%run_scoped3A_16 : memref<!tpu.dma_semaphore, #tpu.memory_space<semaphore_mem>>)
      %dma_wait3A = arith.constant 0 : i32
      %dma_wait3A_20 = tpu.memref_slice %arg11[%mul3A_2, %dma_wait3A] : memref<10112x16xf32, #tpu.memory_space<vmem_shared>> -> memref<632x16xf32, #tpu.memory_space<vmem_shared>>
      %dma_wait3A_21 = arith.constant 0 : i32
      %dma_wait3A_22 = tpu.memref_slice %arg5[%mul3A_2, %dma_wait3A_21] : memref<10112x16xf32, #tpu.memory_space<hbm>> -> memref<632x16xf32, #tpu.memory_space<hbm>>
      tpu.wait_dma2 semaphore(%run_scoped3A_16 : memref<!tpu.dma_semaphore, #tpu.memory_space<semaphore_mem>>) src(%dma_wait3A_22 : memref<632x16xf32, #tpu.memory_space<hbm>>) dst(%dma_wait3A_20 : memref<632x16xf32, #tpu.memory_space<vmem_shared>>)
      tpu.yield
    }) : () -> ()
    "tpu.region"() ({
      %run_scoped3A_16 = tpu.sem_alloc : memref<!tpu.dma_semaphore, #tpu.memory_space<semaphore_mem>>
      tpu.enqueue_dma source(%arg4 : memref<128x16xf32, #tpu.memory_space<hbm>>) target(%arg9 : memref<128x16xf32, #tpu.memory_space<vmem>>) target_semaphore(%run_scoped3A_16 : memref<!tpu.dma_semaphore, #tpu.memory_space<semaphore_mem>>)
      tpu.wait_dma2 semaphore(%run_scoped3A_16 : memref<!tpu.dma_semaphore, #tpu.memory_space<semaphore_mem>>) src(%arg4 : memref<128x16xf32, #tpu.memory_space<hbm>>) dst(%arg9 : memref<128x16xf32, #tpu.memory_space<vmem>>)
      tpu.yield
    }) : () -> ()
    "tpu.region"() ({
      %run_scoped3A_16 = tpu.sem_alloc : memref<!tpu.dma_semaphore, #tpu.memory_space<semaphore_mem>>
      %dma_start3A = arith.constant 0 : i32
      %dma_start3A_17 = arith.constant 0 : i32
      %dma_start3A_18 = tpu.memref_slice %arg2[%add3A, %dma_start3A, %dma_start3A_17] : memref<32x80x128xi32, #tpu.memory_space<hbm>> -> memref<1x80x128xi32, #tpu.memory_space<hbm>>
      %dma_start3A_19 = tpu.memref_squeeze %dma_start3A_18 : memref<1x80x128xi32, #tpu.memory_space<hbm>> -> memref<80x128xi32, #tpu.memory_space<hbm>>
      %dma_start3A_20 = arith.constant 0 : i32
      %dma_start3A_21 = arith.constant 0 : i32
      %dma_start3A_22 = tpu.memref_slice %arg2[%add3A, %dma_start3A_20, %dma_start3A_21] : memref<32x80x128xi32, #tpu.memory_space<hbm>> -> memref<1x80x128xi32, #tpu.memory_space<hbm>>
      %dma_start3A_23 = tpu.memref_squeeze %dma_start3A_22 : memref<1x80x128xi32, #tpu.memory_space<hbm>> -> memref<80x128xi32, #tpu.memory_space<hbm>>
      tpu.enqueue_dma source(%dma_start3A_23 : memref<80x128xi32, #tpu.memory_space<hbm>>) target(%arg7 : memref<80x128xi32, #tpu.memory_space<vmem>>) target_semaphore(%run_scoped3A_16 : memref<!tpu.dma_semaphore, #tpu.memory_space<semaphore_mem>>)
      %dma_wait3A = arith.constant 0 : i32
      %dma_wait3A_24 = arith.constant 0 : i32
      %dma_wait3A_25 = tpu.memref_slice %arg2[%add3A, %dma_wait3A, %dma_wait3A_24] : memref<32x80x128xi32, #tpu.memory_space<hbm>> -> memref<1x80x128xi32, #tpu.memory_space<hbm>>
      %dma_wait3A_26 = tpu.memref_squeeze %dma_wait3A_25 : memref<1x80x128xi32, #tpu.memory_space<hbm>> -> memref<80x128xi32, #tpu.memory_space<hbm>>
      %dma_wait3A_27 = arith.constant 0 : i32
      %dma_wait3A_28 = arith.constant 0 : i32
      %dma_wait3A_29 = tpu.memref_slice %arg2[%add3A, %dma_wait3A_27, %dma_wait3A_28] : memref<32x80x128xi32, #tpu.memory_space<hbm>> -> memref<1x80x128xi32, #tpu.memory_space<hbm>>
      %dma_wait3A_30 = tpu.memref_squeeze %dma_wait3A_29 : memref<1x80x128xi32, #tpu.memory_space<hbm>> -> memref<80x128xi32, #tpu.memory_space<hbm>>
      tpu.wait_dma2 semaphore(%run_scoped3A_16 : memref<!tpu.dma_semaphore, #tpu.memory_space<semaphore_mem>>) src(%dma_wait3A_30 : memref<80x128xi32, #tpu.memory_space<hbm>>) dst(%arg7 : memref<80x128xi32, #tpu.memory_space<vmem>>)
      tpu.yield
    }) : () -> ()
    "tpu.region"() ({
      %run_scoped3A_16 = tpu.sem_alloc : memref<!tpu.dma_semaphore, #tpu.memory_space<semaphore_mem>>
      %dma_start3A = arith.constant 0 : i32
      %dma_start3A_17 = arith.constant 0 : i32
      %dma_start3A_18 = tpu.memref_slice %arg3[%add3A, %dma_start3A, %dma_start3A_17] : memref<32x80x128xi32, #tpu.memory_space<hbm>> -> memref<1x80x128xi32, #tpu.memory_space<hbm>>
      %dma_start3A_19 = tpu.memref_squeeze %dma_start3A_18 : memref<1x80x128xi32, #tpu.memory_space<hbm>> -> memref<80x128xi32, #tpu.memory_space<hbm>>
      %dma_start3A_20 = arith.constant 0 : i32
      %dma_start3A_21 = arith.constant 0 : i32
      %dma_start3A_22 = tpu.memref_slice %arg3[%add3A, %dma_start3A_20, %dma_start3A_21] : memref<32x80x128xi32, #tpu.memory_space<hbm>> -> memref<1x80x128xi32, #tpu.memory_space<hbm>>
      %dma_start3A_23 = tpu.memref_squeeze %dma_start3A_22 : memref<1x80x128xi32, #tpu.memory_space<hbm>> -> memref<80x128xi32, #tpu.memory_space<hbm>>
      tpu.enqueue_dma source(%dma_start3A_23 : memref<80x128xi32, #tpu.memory_space<hbm>>) target(%arg8 : memref<80x128xi32, #tpu.memory_space<vmem>>) target_semaphore(%run_scoped3A_16 : memref<!tpu.dma_semaphore, #tpu.memory_space<semaphore_mem>>)
      %dma_wait3A = arith.constant 0 : i32
      %dma_wait3A_24 = arith.constant 0 : i32
      %dma_wait3A_25 = tpu.memref_slice %arg3[%add3A, %dma_wait3A, %dma_wait3A_24] : memref<32x80x128xi32, #tpu.memory_space<hbm>> -> memref<1x80x128xi32, #tpu.memory_space<hbm>>
      %dma_wait3A_26 = tpu.memref_squeeze %dma_wait3A_25 : memref<1x80x128xi32, #tpu.memory_space<hbm>> -> memref<80x128xi32, #tpu.memory_space<hbm>>
      %dma_wait3A_27 = arith.constant 0 : i32
      %dma_wait3A_28 = arith.constant 0 : i32
      %dma_wait3A_29 = tpu.memref_slice %arg3[%add3A, %dma_wait3A_27, %dma_wait3A_28] : memref<32x80x128xi32, #tpu.memory_space<hbm>> -> memref<1x80x128xi32, #tpu.memory_space<hbm>>
      %dma_wait3A_30 = tpu.memref_squeeze %dma_wait3A_29 : memref<1x80x128xi32, #tpu.memory_space<hbm>> -> memref<80x128xi32, #tpu.memory_space<hbm>>
      tpu.wait_dma2 semaphore(%run_scoped3A_16 : memref<!tpu.dma_semaphore, #tpu.memory_space<semaphore_mem>>) src(%dma_wait3A_30 : memref<80x128xi32, #tpu.memory_space<hbm>>) dst(%arg8 : memref<80x128xi32, #tpu.memory_space<vmem>>)
      tpu.yield
    }) : () -> ()
    %barrier3A = arith.constant 0 : index
    tpu.barrier barrier_id(%barrier3A)
    %scan3A = arith.constant 0 : i32
    %scan3A_3 = arith.constant 0 : i32
    %scan3A_4 = arith.constant 80 : i32
    %scan3A_5 = arith.addi %scan3A_3, %scan3A_4 : i32
    %scan3A_6 = arith.constant 1 : i32
    scf.for %scan3A_16 = %scan3A_3 to %scan3A_5 step %scan3A_6  : i32 {
      %dma_start3A = arith.constant 0 : i32
      %dma_start3A_17 = tpu.memref_slice %arg7[%scan3A_16, %dma_start3A] : memref<80x128xi32, #tpu.memory_space<vmem>> -> memref<1x128xi32, #tpu.memory_space<vmem>>
      %dma_start3A_18 = tpu.memref_squeeze %dma_start3A_17 : memref<1x128xi32, #tpu.memory_space<vmem>> -> memref<128xi32, #tpu.memory_space<vmem>>
      %dma_start3A_19 = arith.constant 0 : i32
      %dma_start3A_20 = arith.constant 0 : i32
      %dma_start3A_21 = tpu.memref_slice %arg10[%dma_start3A_19, %dma_start3A_20] : memref<10112x16xf32, #tpu.memory_space<vmem_shared>> -> memref<10112x16xf32, #tpu.memory_space<vmem_shared>>
      tpu.enqueue_indirect_dma source(%arg9 : memref<128x16xf32, #tpu.memory_space<vmem>>) target(%dma_start3A_21 : memref<10112x16xf32, #tpu.memory_space<vmem_shared>>) offsets(%dma_start3A_18 : memref<128xi32, #tpu.memory_space<vmem>>) semaphore(%arg12 : memref<!tpu.dma_semaphore, #tpu.memory_space<semaphore_mem>>) {add = true}
      %dma_start3A_22 = arith.constant 0 : i32
      %dma_start3A_23 = tpu.memref_slice %arg8[%scan3A_16, %dma_start3A_22] : memref<80x128xi32, #tpu.memory_space<vmem>> -> memref<1x128xi32, #tpu.memory_space<vmem>>
      %dma_start3A_24 = tpu.memref_squeeze %dma_start3A_23 : memref<1x128xi32, #tpu.memory_space<vmem>> -> memref<128xi32, #tpu.memory_space<vmem>>
      %dma_start3A_25 = arith.constant 0 : i32
      %dma_start3A_26 = arith.constant 0 : i32
      %dma_start3A_27 = tpu.memref_slice %arg11[%dma_start3A_25, %dma_start3A_26] : memref<10112x16xf32, #tpu.memory_space<vmem_shared>> -> memref<10112x16xf32, #tpu.memory_space<vmem_shared>>
      tpu.enqueue_indirect_dma source(%arg9 : memref<128x16xf32, #tpu.memory_space<vmem>>) target(%dma_start3A_27 : memref<10112x16xf32, #tpu.memory_space<vmem_shared>>) offsets(%dma_start3A_24 : memref<128xi32, #tpu.memory_space<vmem>>) semaphore(%arg12 : memref<!tpu.dma_semaphore, #tpu.memory_space<semaphore_mem>>) {add = true}
    }
    %scan3A_7 = arith.constant 80 : i32
    %scan3A_8 = arith.constant 0 : i32
    %scan3A_9 = arith.constant 0 : i32
    %scan3A_10 = arith.constant 80 : i32
    %scan3A_11 = arith.addi %scan3A_9, %scan3A_10 : i32
    %scan3A_12 = arith.constant 1 : i32
    scf.for %scan3A_16 = %scan3A_9 to %scan3A_11 step %scan3A_12  : i32 {
      %dma_wait3A = arith.constant 0 : i32
      %dma_wait3A_17 = arith.constant 0 : i32
      %dma_wait3A_18 = tpu.memref_slice %arg7[%dma_wait3A, %dma_wait3A_17] : memref<80x128xi32, #tpu.memory_space<vmem>> -> memref<1x128xi32, #tpu.memory_space<vmem>>
      %dma_wait3A_19 = tpu.memref_squeeze %dma_wait3A_18 : memref<1x128xi32, #tpu.memory_space<vmem>> -> memref<128xi32, #tpu.memory_space<vmem>>
      %dma_wait3A_20 = arith.constant 0 : i32
      %dma_wait3A_21 = arith.constant 0 : i32
      %dma_wait3A_22 = tpu.memref_slice %arg10[%dma_wait3A_20, %dma_wait3A_21] : memref<10112x16xf32, #tpu.memory_space<vmem_shared>> -> memref<10112x16xf32, #tpu.memory_space<vmem_shared>>
      tpu.wait_indirect_dma semaphore(%arg12 : memref<!tpu.dma_semaphore, #tpu.memory_space<semaphore_mem>>) src(%arg9 : memref<128x16xf32, #tpu.memory_space<vmem>>) dst(%dma_wait3A_22 : memref<10112x16xf32, #tpu.memory_space<vmem_shared>>)
      %dma_wait3A_23 = arith.constant 0 : i32
      %dma_wait3A_24 = arith.constant 0 : i32
      %dma_wait3A_25 = tpu.memref_slice %arg8[%dma_wait3A_23, %dma_wait3A_24] : memref<80x128xi32, #tpu.memory_space<vmem>> -> memref<1x128xi32, #tpu.memory_space<vmem>>
      %dma_wait3A_26 = tpu.memref_squeeze %dma_wait3A_25 : memref<1x128xi32, #tpu.memory_space<vmem>> -> memref<128xi32, #tpu.memory_space<vmem>>
      %dma_wait3A_27 = arith.constant 0 : i32
      %dma_wait3A_28 = arith.constant 0 : i32
      %dma_wait3A_29 = tpu.memref_slice %arg11[%dma_wait3A_27, %dma_wait3A_28] : memref<10112x16xf32, #tpu.memory_space<vmem_shared>> -> memref<10112x16xf32, #tpu.memory_space<vmem_shared>>
      tpu.wait_indirect_dma semaphore(%arg12 : memref<!tpu.dma_semaphore, #tpu.memory_space<semaphore_mem>>) src(%arg9 : memref<128x16xf32, #tpu.memory_space<vmem>>) dst(%dma_wait3A_29 : memref<10112x16xf32, #tpu.memory_space<vmem_shared>>)
    }
    %scan3A_13 = arith.constant 80 : i32
    %barrier3A_14 = arith.constant 0 : index
    tpu.barrier barrier_id(%barrier3A_14)
    %run_scoped3A = arith.constant 0 : i32
    "tpu.region"() ({
      %run_scoped3A_16 = tpu.sem_alloc : memref<!tpu.dma_semaphore, #tpu.memory_space<semaphore_mem>>
      %dma_start3A = arith.constant 0 : i32
      %dma_start3A_17 = tpu.memref_slice %arg6[%arg0, %run_scoped3A, %mul3A_2, %dma_start3A] : memref<2x2x10112x16xf32, #tpu.memory_space<hbm>> -> memref<1x1x632x16xf32, #tpu.memory_space<hbm>>
      %dma_start3A_18 = tpu.memref_squeeze %dma_start3A_17 : memref<1x1x632x16xf32, #tpu.memory_space<hbm>> -> memref<632x16xf32, #tpu.memory_space<hbm>>
      %dma_start3A_19 = arith.constant 0 : i32
      %dma_start3A_20 = tpu.memref_slice %arg10[%mul3A_2, %dma_start3A_19] : memref<10112x16xf32, #tpu.memory_space<vmem_shared>> -> memref<632x16xf32, #tpu.memory_space<vmem_shared>>
      tpu.enqueue_dma source(%dma_start3A_20 : memref<632x16xf32, #tpu.memory_space<vmem_shared>>) target(%dma_start3A_18 : memref<632x16xf32, #tpu.memory_space<hbm>>) target_semaphore(%run_scoped3A_16 : memref<!tpu.dma_semaphore, #tpu.memory_space<semaphore_mem>>)
      %dma_wait3A = arith.constant 0 : i32
      %dma_wait3A_21 = tpu.memref_slice %arg6[%arg0, %run_scoped3A, %mul3A_2, %dma_wait3A] : memref<2x2x10112x16xf32, #tpu.memory_space<hbm>> -> memref<1x1x632x16xf32, #tpu.memory_space<hbm>>
      %dma_wait3A_22 = tpu.memref_squeeze %dma_wait3A_21 : memref<1x1x632x16xf32, #tpu.memory_space<hbm>> -> memref<632x16xf32, #tpu.memory_space<hbm>>
      %dma_wait3A_23 = arith.constant 0 : i32
      %dma_wait3A_24 = tpu.memref_slice %arg10[%mul3A_2, %dma_wait3A_23] : memref<10112x16xf32, #tpu.memory_space<vmem_shared>> -> memref<632x16xf32, #tpu.memory_space<vmem_shared>>
      tpu.wait_dma2 semaphore(%run_scoped3A_16 : memref<!tpu.dma_semaphore, #tpu.memory_space<semaphore_mem>>) src(%dma_wait3A_24 : memref<632x16xf32, #tpu.memory_space<vmem_shared>>) dst(%dma_wait3A_22 : memref<632x16xf32, #tpu.memory_space<hbm>>)
      tpu.yield
    }) : () -> ()
    %run_scoped3A_15 = arith.constant 1 : i32
    "tpu.region"() ({
      %run_scoped3A_16 = tpu.sem_alloc : memref<!tpu.dma_semaphore, #tpu.memory_space<semaphore_mem>>
      %dma_start3A = arith.constant 0 : i32
      %dma_start3A_17 = tpu.memref_slice %arg6[%arg0, %run_scoped3A_15, %mul3A_2, %dma_start3A] : memref<2x2x10112x16xf32, #tpu.memory_space<hbm>> -> memref<1x1x632x16xf32, #tpu.memory_space<hbm>>
      %dma_start3A_18 = tpu.memref_squeeze %dma_start3A_17 : memref<1x1x632x16xf32, #tpu.memory_space<hbm>> -> memref<632x16xf32, #tpu.memory_space<hbm>>
      %dma_start3A_19 = arith.constant 0 : i32
      %dma_start3A_20 = tpu.memref_slice %arg11[%mul3A_2, %dma_start3A_19] : memref<10112x16xf32, #tpu.memory_space<vmem_shared>> -> memref<632x16xf32, #tpu.memory_space<vmem_shared>>
      tpu.enqueue_dma source(%dma_start3A_20 : memref<632x16xf32, #tpu.memory_space<vmem_shared>>) target(%dma_start3A_18 : memref<632x16xf32, #tpu.memory_space<hbm>>) target_semaphore(%run_scoped3A_16 : memref<!tpu.dma_semaphore, #tpu.memory_space<semaphore_mem>>)
      %dma_wait3A = arith.constant 0 : i32
      %dma_wait3A_21 = tpu.memref_slice %arg6[%arg0, %run_scoped3A_15, %mul3A_2, %dma_wait3A] : memref<2x2x10112x16xf32, #tpu.memory_space<hbm>> -> memref<1x1x632x16xf32, #tpu.memory_space<hbm>>
      %dma_wait3A_22 = tpu.memref_squeeze %dma_wait3A_21 : memref<1x1x632x16xf32, #tpu.memory_space<hbm>> -> memref<632x16xf32, #tpu.memory_space<hbm>>
      %dma_wait3A_23 = arith.constant 0 : i32
      %dma_wait3A_24 = tpu.memref_slice %arg11[%mul3A_2, %dma_wait3A_23] : memref<10112x16xf32, #tpu.memory_space<vmem_shared>> -> memref<632x16xf32, #tpu.memory_space<vmem_shared>>
      tpu.wait_dma2 semaphore(%run_scoped3A_16 : memref<!tpu.dma_semaphore, #tpu.memory_space<semaphore_mem>>) src(%dma_wait3A_24 : memref<632x16xf32, #tpu.memory_space<vmem_shared>>) dst(%dma_wait3A_22 : memref<632x16xf32, #tpu.memory_space<hbm>>)
      tpu.yield
    }) : () -> ()
    return
  }
}

#map = affine_map<(d0, d1) -> (0, 0)>
#map1 = affine_map<(d0, d1) -> (0, 0, 0)>
module attributes {stable_mosaic.version = 14 : i64} {
  func.func @_prop_body(%arg0: i32, %arg1: i32, %arg2: memref<10112x32xf32, #tpu.memory_space<hbm>>, %arg3: memref<32x80x128xi32, #tpu.memory_space<hbm>>, %arg4: memref<32x80x128xi32, #tpu.memory_space<hbm>>, %arg5: memref<10112x32xf32, #tpu.memory_space<hbm>>, %arg6: memref<2x10112x32xf32, #tpu.memory_space<hbm>>, %arg7: memref<80x128xi32, #tpu.memory_space<vmem>>, %arg8: memref<80x128xi32, #tpu.memory_space<vmem>>, %arg9: memref<2x8x128x32xf32, #tpu.memory_space<vmem>>, %arg10: memref<10112x32xf32, #tpu.memory_space<vmem_shared>>, %arg11: memref<!tpu.dma_semaphore, #tpu.memory_space<semaphore_mem>>, %arg12: memref<!tpu.dma_semaphore, #tpu.memory_space<semaphore_mem>>, %arg13: memref<!tpu.dma_semaphore, #tpu.memory_space<semaphore_mem>>, %arg14: memref<!tpu.dma_semaphore, #tpu.memory_space<semaphore_mem>>) attributes {dimension_semantics = [#tpu.dimension_semantics<core_parallel>, #tpu.dimension_semantics<subcore_parallel>], iteration_bounds = array<i64: 2, 16>, scalar_prefetch = 0 : i64, scratch_operands = 8 : i64, tpu.core_type = #tpu.core_type<sc_vector_subcore>, window_params = [{transform_indices = #map}, {transform_indices = #map1}, {transform_indices = #map1}, {transform_indices = #map}, {transform_indices = #map1}]} {
    %mul3A = arith.constant 16 : i32
    %mul3A_0 = arith.muli %arg0, %mul3A : i32
    %add3A = arith.addi %mul3A_0, %arg1 : i32
    %mul3A_1 = arith.constant 632 : i32
    %mul3A_2 = arith.muli %arg1, %mul3A_1 : i32
    "tpu.region"() ({
      %run_scoped3A = tpu.sem_alloc : memref<!tpu.dma_semaphore, #tpu.memory_space<semaphore_mem>>
      %dma_start3A_215 = arith.constant 0 : i32
      %dma_start3A_216 = tpu.memref_slice %arg10[%mul3A_2, %dma_start3A_215] : memref<10112x32xf32, #tpu.memory_space<vmem_shared>> -> memref<632x32xf32, #tpu.memory_space<vmem_shared>>
      %dma_start3A_217 = arith.constant 0 : i32
      %dma_start3A_218 = tpu.memref_slice %arg5[%mul3A_2, %dma_start3A_217] : memref<10112x32xf32, #tpu.memory_space<hbm>> -> memref<632x32xf32, #tpu.memory_space<hbm>>
      tpu.enqueue_dma source(%dma_start3A_218 : memref<632x32xf32, #tpu.memory_space<hbm>>) target(%dma_start3A_216 : memref<632x32xf32, #tpu.memory_space<vmem_shared>>) target_semaphore(%run_scoped3A : memref<!tpu.dma_semaphore, #tpu.memory_space<semaphore_mem>>)
      %dma_wait3A_219 = arith.constant 0 : i32
      %dma_wait3A_220 = tpu.memref_slice %arg10[%mul3A_2, %dma_wait3A_219] : memref<10112x32xf32, #tpu.memory_space<vmem_shared>> -> memref<632x32xf32, #tpu.memory_space<vmem_shared>>
      %dma_wait3A_221 = arith.constant 0 : i32
      %dma_wait3A_222 = tpu.memref_slice %arg5[%mul3A_2, %dma_wait3A_221] : memref<10112x32xf32, #tpu.memory_space<hbm>> -> memref<632x32xf32, #tpu.memory_space<hbm>>
      tpu.wait_dma2 semaphore(%run_scoped3A : memref<!tpu.dma_semaphore, #tpu.memory_space<semaphore_mem>>) src(%dma_wait3A_222 : memref<632x32xf32, #tpu.memory_space<hbm>>) dst(%dma_wait3A_220 : memref<632x32xf32, #tpu.memory_space<vmem_shared>>)
      tpu.yield
    }) : () -> ()
    "tpu.region"() ({
      %run_scoped3A = tpu.sem_alloc : memref<!tpu.dma_semaphore, #tpu.memory_space<semaphore_mem>>
      %dma_start3A_215 = arith.constant 0 : i32
      %dma_start3A_216 = arith.constant 0 : i32
      %dma_start3A_217 = tpu.memref_slice %arg3[%add3A, %dma_start3A_215, %dma_start3A_216] : memref<32x80x128xi32, #tpu.memory_space<hbm>> -> memref<1x80x128xi32, #tpu.memory_space<hbm>>
      %dma_start3A_218 = tpu.memref_squeeze %dma_start3A_217 : memref<1x80x128xi32, #tpu.memory_space<hbm>> -> memref<80x128xi32, #tpu.memory_space<hbm>>
      %dma_start3A_219 = arith.constant 0 : i32
      %dma_start3A_220 = arith.constant 0 : i32
      %dma_start3A_221 = tpu.memref_slice %arg3[%add3A, %dma_start3A_219, %dma_start3A_220] : memref<32x80x128xi32, #tpu.memory_space<hbm>> -> memref<1x80x128xi32, #tpu.memory_space<hbm>>
      %dma_start3A_222 = tpu.memref_squeeze %dma_start3A_221 : memref<1x80x128xi32, #tpu.memory_space<hbm>> -> memref<80x128xi32, #tpu.memory_space<hbm>>
      tpu.enqueue_dma source(%dma_start3A_222 : memref<80x128xi32, #tpu.memory_space<hbm>>) target(%arg7 : memref<80x128xi32, #tpu.memory_space<vmem>>) target_semaphore(%run_scoped3A : memref<!tpu.dma_semaphore, #tpu.memory_space<semaphore_mem>>)
      %dma_wait3A_223 = arith.constant 0 : i32
      %dma_wait3A_224 = arith.constant 0 : i32
      %dma_wait3A_225 = tpu.memref_slice %arg3[%add3A, %dma_wait3A_223, %dma_wait3A_224] : memref<32x80x128xi32, #tpu.memory_space<hbm>> -> memref<1x80x128xi32, #tpu.memory_space<hbm>>
      %dma_wait3A_226 = tpu.memref_squeeze %dma_wait3A_225 : memref<1x80x128xi32, #tpu.memory_space<hbm>> -> memref<80x128xi32, #tpu.memory_space<hbm>>
      %dma_wait3A_227 = arith.constant 0 : i32
      %dma_wait3A_228 = arith.constant 0 : i32
      %dma_wait3A_229 = tpu.memref_slice %arg3[%add3A, %dma_wait3A_227, %dma_wait3A_228] : memref<32x80x128xi32, #tpu.memory_space<hbm>> -> memref<1x80x128xi32, #tpu.memory_space<hbm>>
      %dma_wait3A_230 = tpu.memref_squeeze %dma_wait3A_229 : memref<1x80x128xi32, #tpu.memory_space<hbm>> -> memref<80x128xi32, #tpu.memory_space<hbm>>
      tpu.wait_dma2 semaphore(%run_scoped3A : memref<!tpu.dma_semaphore, #tpu.memory_space<semaphore_mem>>) src(%dma_wait3A_230 : memref<80x128xi32, #tpu.memory_space<hbm>>) dst(%arg7 : memref<80x128xi32, #tpu.memory_space<vmem>>)
      tpu.yield
    }) : () -> ()
    "tpu.region"() ({
      %run_scoped3A = tpu.sem_alloc : memref<!tpu.dma_semaphore, #tpu.memory_space<semaphore_mem>>
      %dma_start3A_215 = arith.constant 0 : i32
      %dma_start3A_216 = arith.constant 0 : i32
      %dma_start3A_217 = tpu.memref_slice %arg4[%add3A, %dma_start3A_215, %dma_start3A_216] : memref<32x80x128xi32, #tpu.memory_space<hbm>> -> memref<1x80x128xi32, #tpu.memory_space<hbm>>
      %dma_start3A_218 = tpu.memref_squeeze %dma_start3A_217 : memref<1x80x128xi32, #tpu.memory_space<hbm>> -> memref<80x128xi32, #tpu.memory_space<hbm>>
      %dma_start3A_219 = arith.constant 0 : i32
      %dma_start3A_220 = arith.constant 0 : i32
      %dma_start3A_221 = tpu.memref_slice %arg4[%add3A, %dma_start3A_219, %dma_start3A_220] : memref<32x80x128xi32, #tpu.memory_space<hbm>> -> memref<1x80x128xi32, #tpu.memory_space<hbm>>
      %dma_start3A_222 = tpu.memref_squeeze %dma_start3A_221 : memref<1x80x128xi32, #tpu.memory_space<hbm>> -> memref<80x128xi32, #tpu.memory_space<hbm>>
      tpu.enqueue_dma source(%dma_start3A_222 : memref<80x128xi32, #tpu.memory_space<hbm>>) target(%arg8 : memref<80x128xi32, #tpu.memory_space<vmem>>) target_semaphore(%run_scoped3A : memref<!tpu.dma_semaphore, #tpu.memory_space<semaphore_mem>>)
      %dma_wait3A_223 = arith.constant 0 : i32
      %dma_wait3A_224 = arith.constant 0 : i32
      %dma_wait3A_225 = tpu.memref_slice %arg4[%add3A, %dma_wait3A_223, %dma_wait3A_224] : memref<32x80x128xi32, #tpu.memory_space<hbm>> -> memref<1x80x128xi32, #tpu.memory_space<hbm>>
      %dma_wait3A_226 = tpu.memref_squeeze %dma_wait3A_225 : memref<1x80x128xi32, #tpu.memory_space<hbm>> -> memref<80x128xi32, #tpu.memory_space<hbm>>
      %dma_wait3A_227 = arith.constant 0 : i32
      %dma_wait3A_228 = arith.constant 0 : i32
      %dma_wait3A_229 = tpu.memref_slice %arg4[%add3A, %dma_wait3A_227, %dma_wait3A_228] : memref<32x80x128xi32, #tpu.memory_space<hbm>> -> memref<1x80x128xi32, #tpu.memory_space<hbm>>
      %dma_wait3A_230 = tpu.memref_squeeze %dma_wait3A_229 : memref<1x80x128xi32, #tpu.memory_space<hbm>> -> memref<80x128xi32, #tpu.memory_space<hbm>>
      tpu.wait_dma2 semaphore(%run_scoped3A : memref<!tpu.dma_semaphore, #tpu.memory_space<semaphore_mem>>) src(%dma_wait3A_230 : memref<80x128xi32, #tpu.memory_space<hbm>>) dst(%arg8 : memref<80x128xi32, #tpu.memory_space<vmem>>)
      tpu.yield
    }) : () -> ()
    %barrier3A = arith.constant 0 : index
    tpu.barrier barrier_id(%barrier3A)
    %dma_start3A = arith.constant 0 : i32
    %dma_start3A_3 = arith.constant 0 : i32
    %dma_start3A_4 = arith.constant 0 : i32
    %dma_start3A_5 = arith.constant 0 : i32
    %dma_start3A_6 = arith.constant 0 : i32
    %dma_start3A_7 = tpu.memref_slice %arg9[%dma_start3A_3, %dma_start3A_4, %dma_start3A_5, %dma_start3A_6] : memref<2x8x128x32xf32, #tpu.memory_space<vmem>> -> memref<1x1x128x32xf32, #tpu.memory_space<vmem>>
    %dma_start3A_8 = tpu.memref_squeeze %dma_start3A_7 : memref<1x1x128x32xf32, #tpu.memory_space<vmem>> -> memref<128x32xf32, #tpu.memory_space<vmem>>
    %dma_start3A_9 = arith.constant 0 : i32
    %dma_start3A_10 = tpu.memref_slice %arg7[%dma_start3A, %dma_start3A_9] : memref<80x128xi32, #tpu.memory_space<vmem>> -> memref<1x128xi32, #tpu.memory_space<vmem>>
    %dma_start3A_11 = tpu.memref_squeeze %dma_start3A_10 : memref<1x128xi32, #tpu.memory_space<vmem>> -> memref<128xi32, #tpu.memory_space<vmem>>
    %dma_start3A_12 = arith.constant 0 : i32
    %dma_start3A_13 = arith.constant 0 : i32
    %dma_start3A_14 = tpu.memref_slice %arg2[%dma_start3A_12, %dma_start3A_13] : memref<10112x32xf32, #tpu.memory_space<hbm>> -> memref<10112x32xf32, #tpu.memory_space<hbm>>
    tpu.enqueue_indirect_dma source(%dma_start3A_14 : memref<10112x32xf32, #tpu.memory_space<hbm>>) target(%dma_start3A_8 : memref<128x32xf32, #tpu.memory_space<vmem>>) offsets(%dma_start3A_11 : memref<128xi32, #tpu.memory_space<vmem>>) semaphore(%arg11 : memref<!tpu.dma_semaphore, #tpu.memory_space<semaphore_mem>>)
    %dma_start3A_15 = arith.constant 1 : i32
    %dma_start3A_16 = arith.constant 0 : i32
    %dma_start3A_17 = arith.constant 1 : i32
    %dma_start3A_18 = arith.constant 0 : i32
    %dma_start3A_19 = arith.constant 0 : i32
    %dma_start3A_20 = tpu.memref_slice %arg9[%dma_start3A_16, %dma_start3A_17, %dma_start3A_18, %dma_start3A_19] : memref<2x8x128x32xf32, #tpu.memory_space<vmem>> -> memref<1x1x128x32xf32, #tpu.memory_space<vmem>>
    %dma_start3A_21 = tpu.memref_squeeze %dma_start3A_20 : memref<1x1x128x32xf32, #tpu.memory_space<vmem>> -> memref<128x32xf32, #tpu.memory_space<vmem>>
    %dma_start3A_22 = arith.constant 0 : i32
    %dma_start3A_23 = tpu.memref_slice %arg7[%dma_start3A_15, %dma_start3A_22] : memref<80x128xi32, #tpu.memory_space<vmem>> -> memref<1x128xi32, #tpu.memory_space<vmem>>
    %dma_start3A_24 = tpu.memref_squeeze %dma_start3A_23 : memref<1x128xi32, #tpu.memory_space<vmem>> -> memref<128xi32, #tpu.memory_space<vmem>>
    %dma_start3A_25 = arith.constant 0 : i32
    %dma_start3A_26 = arith.constant 0 : i32
    %dma_start3A_27 = tpu.memref_slice %arg2[%dma_start3A_25, %dma_start3A_26] : memref<10112x32xf32, #tpu.memory_space<hbm>> -> memref<10112x32xf32, #tpu.memory_space<hbm>>
    tpu.enqueue_indirect_dma source(%dma_start3A_27 : memref<10112x32xf32, #tpu.memory_space<hbm>>) target(%dma_start3A_21 : memref<128x32xf32, #tpu.memory_space<vmem>>) offsets(%dma_start3A_24 : memref<128xi32, #tpu.memory_space<vmem>>) semaphore(%arg11 : memref<!tpu.dma_semaphore, #tpu.memory_space<semaphore_mem>>)
    %dma_start3A_28 = arith.constant 2 : i32
    %dma_start3A_29 = arith.constant 0 : i32
    %dma_start3A_30 = arith.constant 2 : i32
    %dma_start3A_31 = arith.constant 0 : i32
    %dma_start3A_32 = arith.constant 0 : i32
    %dma_start3A_33 = tpu.memref_slice %arg9[%dma_start3A_29, %dma_start3A_30, %dma_start3A_31, %dma_start3A_32] : memref<2x8x128x32xf32, #tpu.memory_space<vmem>> -> memref<1x1x128x32xf32, #tpu.memory_space<vmem>>
    %dma_start3A_34 = tpu.memref_squeeze %dma_start3A_33 : memref<1x1x128x32xf32, #tpu.memory_space<vmem>> -> memref<128x32xf32, #tpu.memory_space<vmem>>
    %dma_start3A_35 = arith.constant 0 : i32
    %dma_start3A_36 = tpu.memref_slice %arg7[%dma_start3A_28, %dma_start3A_35] : memref<80x128xi32, #tpu.memory_space<vmem>> -> memref<1x128xi32, #tpu.memory_space<vmem>>
    %dma_start3A_37 = tpu.memref_squeeze %dma_start3A_36 : memref<1x128xi32, #tpu.memory_space<vmem>> -> memref<128xi32, #tpu.memory_space<vmem>>
    %dma_start3A_38 = arith.constant 0 : i32
    %dma_start3A_39 = arith.constant 0 : i32
    %dma_start3A_40 = tpu.memref_slice %arg2[%dma_start3A_38, %dma_start3A_39] : memref<10112x32xf32, #tpu.memory_space<hbm>> -> memref<10112x32xf32, #tpu.memory_space<hbm>>
    tpu.enqueue_indirect_dma source(%dma_start3A_40 : memref<10112x32xf32, #tpu.memory_space<hbm>>) target(%dma_start3A_34 : memref<128x32xf32, #tpu.memory_space<vmem>>) offsets(%dma_start3A_37 : memref<128xi32, #tpu.memory_space<vmem>>) semaphore(%arg11 : memref<!tpu.dma_semaphore, #tpu.memory_space<semaphore_mem>>)
    %dma_start3A_41 = arith.constant 3 : i32
    %dma_start3A_42 = arith.constant 0 : i32
    %dma_start3A_43 = arith.constant 3 : i32
    %dma_start3A_44 = arith.constant 0 : i32
    %dma_start3A_45 = arith.constant 0 : i32
    %dma_start3A_46 = tpu.memref_slice %arg9[%dma_start3A_42, %dma_start3A_43, %dma_start3A_44, %dma_start3A_45] : memref<2x8x128x32xf32, #tpu.memory_space<vmem>> -> memref<1x1x128x32xf32, #tpu.memory_space<vmem>>
    %dma_start3A_47 = tpu.memref_squeeze %dma_start3A_46 : memref<1x1x128x32xf32, #tpu.memory_space<vmem>> -> memref<128x32xf32, #tpu.memory_space<vmem>>
    %dma_start3A_48 = arith.constant 0 : i32
    %dma_start3A_49 = tpu.memref_slice %arg7[%dma_start3A_41, %dma_start3A_48] : memref<80x128xi32, #tpu.memory_space<vmem>> -> memref<1x128xi32, #tpu.memory_space<vmem>>
    %dma_start3A_50 = tpu.memref_squeeze %dma_start3A_49 : memref<1x128xi32, #tpu.memory_space<vmem>> -> memref<128xi32, #tpu.memory_space<vmem>>
    %dma_start3A_51 = arith.constant 0 : i32
    %dma_start3A_52 = arith.constant 0 : i32
    %dma_start3A_53 = tpu.memref_slice %arg2[%dma_start3A_51, %dma_start3A_52] : memref<10112x32xf32, #tpu.memory_space<hbm>> -> memref<10112x32xf32, #tpu.memory_space<hbm>>
    tpu.enqueue_indirect_dma source(%dma_start3A_53 : memref<10112x32xf32, #tpu.memory_space<hbm>>) target(%dma_start3A_47 : memref<128x32xf32, #tpu.memory_space<vmem>>) offsets(%dma_start3A_50 : memref<128xi32, #tpu.memory_space<vmem>>) semaphore(%arg11 : memref<!tpu.dma_semaphore, #tpu.memory_space<semaphore_mem>>)
    %dma_start3A_54 = arith.constant 4 : i32
    %dma_start3A_55 = arith.constant 0 : i32
    %dma_start3A_56 = arith.constant 4 : i32
    %dma_start3A_57 = arith.constant 0 : i32
    %dma_start3A_58 = arith.constant 0 : i32
    %dma_start3A_59 = tpu.memref_slice %arg9[%dma_start3A_55, %dma_start3A_56, %dma_start3A_57, %dma_start3A_58] : memref<2x8x128x32xf32, #tpu.memory_space<vmem>> -> memref<1x1x128x32xf32, #tpu.memory_space<vmem>>
    %dma_start3A_60 = tpu.memref_squeeze %dma_start3A_59 : memref<1x1x128x32xf32, #tpu.memory_space<vmem>> -> memref<128x32xf32, #tpu.memory_space<vmem>>
    %dma_start3A_61 = arith.constant 0 : i32
    %dma_start3A_62 = tpu.memref_slice %arg7[%dma_start3A_54, %dma_start3A_61] : memref<80x128xi32, #tpu.memory_space<vmem>> -> memref<1x128xi32, #tpu.memory_space<vmem>>
    %dma_start3A_63 = tpu.memref_squeeze %dma_start3A_62 : memref<1x128xi32, #tpu.memory_space<vmem>> -> memref<128xi32, #tpu.memory_space<vmem>>
    %dma_start3A_64 = arith.constant 0 : i32
    %dma_start3A_65 = arith.constant 0 : i32
    %dma_start3A_66 = tpu.memref_slice %arg2[%dma_start3A_64, %dma_start3A_65] : memref<10112x32xf32, #tpu.memory_space<hbm>> -> memref<10112x32xf32, #tpu.memory_space<hbm>>
    tpu.enqueue_indirect_dma source(%dma_start3A_66 : memref<10112x32xf32, #tpu.memory_space<hbm>>) target(%dma_start3A_60 : memref<128x32xf32, #tpu.memory_space<vmem>>) offsets(%dma_start3A_63 : memref<128xi32, #tpu.memory_space<vmem>>) semaphore(%arg11 : memref<!tpu.dma_semaphore, #tpu.memory_space<semaphore_mem>>)
    %dma_start3A_67 = arith.constant 5 : i32
    %dma_start3A_68 = arith.constant 0 : i32
    %dma_start3A_69 = arith.constant 5 : i32
    %dma_start3A_70 = arith.constant 0 : i32
    %dma_start3A_71 = arith.constant 0 : i32
    %dma_start3A_72 = tpu.memref_slice %arg9[%dma_start3A_68, %dma_start3A_69, %dma_start3A_70, %dma_start3A_71] : memref<2x8x128x32xf32, #tpu.memory_space<vmem>> -> memref<1x1x128x32xf32, #tpu.memory_space<vmem>>
    %dma_start3A_73 = tpu.memref_squeeze %dma_start3A_72 : memref<1x1x128x32xf32, #tpu.memory_space<vmem>> -> memref<128x32xf32, #tpu.memory_space<vmem>>
    %dma_start3A_74 = arith.constant 0 : i32
    %dma_start3A_75 = tpu.memref_slice %arg7[%dma_start3A_67, %dma_start3A_74] : memref<80x128xi32, #tpu.memory_space<vmem>> -> memref<1x128xi32, #tpu.memory_space<vmem>>
    %dma_start3A_76 = tpu.memref_squeeze %dma_start3A_75 : memref<1x128xi32, #tpu.memory_space<vmem>> -> memref<128xi32, #tpu.memory_space<vmem>>
    %dma_start3A_77 = arith.constant 0 : i32
    %dma_start3A_78 = arith.constant 0 : i32
    %dma_start3A_79 = tpu.memref_slice %arg2[%dma_start3A_77, %dma_start3A_78] : memref<10112x32xf32, #tpu.memory_space<hbm>> -> memref<10112x32xf32, #tpu.memory_space<hbm>>
    tpu.enqueue_indirect_dma source(%dma_start3A_79 : memref<10112x32xf32, #tpu.memory_space<hbm>>) target(%dma_start3A_73 : memref<128x32xf32, #tpu.memory_space<vmem>>) offsets(%dma_start3A_76 : memref<128xi32, #tpu.memory_space<vmem>>) semaphore(%arg11 : memref<!tpu.dma_semaphore, #tpu.memory_space<semaphore_mem>>)
    %dma_start3A_80 = arith.constant 6 : i32
    %dma_start3A_81 = arith.constant 0 : i32
    %dma_start3A_82 = arith.constant 6 : i32
    %dma_start3A_83 = arith.constant 0 : i32
    %dma_start3A_84 = arith.constant 0 : i32
    %dma_start3A_85 = tpu.memref_slice %arg9[%dma_start3A_81, %dma_start3A_82, %dma_start3A_83, %dma_start3A_84] : memref<2x8x128x32xf32, #tpu.memory_space<vmem>> -> memref<1x1x128x32xf32, #tpu.memory_space<vmem>>
    %dma_start3A_86 = tpu.memref_squeeze %dma_start3A_85 : memref<1x1x128x32xf32, #tpu.memory_space<vmem>> -> memref<128x32xf32, #tpu.memory_space<vmem>>
    %dma_start3A_87 = arith.constant 0 : i32
    %dma_start3A_88 = tpu.memref_slice %arg7[%dma_start3A_80, %dma_start3A_87] : memref<80x128xi32, #tpu.memory_space<vmem>> -> memref<1x128xi32, #tpu.memory_space<vmem>>
    %dma_start3A_89 = tpu.memref_squeeze %dma_start3A_88 : memref<1x128xi32, #tpu.memory_space<vmem>> -> memref<128xi32, #tpu.memory_space<vmem>>
    %dma_start3A_90 = arith.constant 0 : i32
    %dma_start3A_91 = arith.constant 0 : i32
    %dma_start3A_92 = tpu.memref_slice %arg2[%dma_start3A_90, %dma_start3A_91] : memref<10112x32xf32, #tpu.memory_space<hbm>> -> memref<10112x32xf32, #tpu.memory_space<hbm>>
    tpu.enqueue_indirect_dma source(%dma_start3A_92 : memref<10112x32xf32, #tpu.memory_space<hbm>>) target(%dma_start3A_86 : memref<128x32xf32, #tpu.memory_space<vmem>>) offsets(%dma_start3A_89 : memref<128xi32, #tpu.memory_space<vmem>>) semaphore(%arg11 : memref<!tpu.dma_semaphore, #tpu.memory_space<semaphore_mem>>)
    %dma_start3A_93 = arith.constant 7 : i32
    %dma_start3A_94 = arith.constant 0 : i32
    %dma_start3A_95 = arith.constant 7 : i32
    %dma_start3A_96 = arith.constant 0 : i32
    %dma_start3A_97 = arith.constant 0 : i32
    %dma_start3A_98 = tpu.memref_slice %arg9[%dma_start3A_94, %dma_start3A_95, %dma_start3A_96, %dma_start3A_97] : memref<2x8x128x32xf32, #tpu.memory_space<vmem>> -> memref<1x1x128x32xf32, #tpu.memory_space<vmem>>
    %dma_start3A_99 = tpu.memref_squeeze %dma_start3A_98 : memref<1x1x128x32xf32, #tpu.memory_space<vmem>> -> memref<128x32xf32, #tpu.memory_space<vmem>>
    %dma_start3A_100 = arith.constant 0 : i32
    %dma_start3A_101 = tpu.memref_slice %arg7[%dma_start3A_93, %dma_start3A_100] : memref<80x128xi32, #tpu.memory_space<vmem>> -> memref<1x128xi32, #tpu.memory_space<vmem>>
    %dma_start3A_102 = tpu.memref_squeeze %dma_start3A_101 : memref<1x128xi32, #tpu.memory_space<vmem>> -> memref<128xi32, #tpu.memory_space<vmem>>
    %dma_start3A_103 = arith.constant 0 : i32
    %dma_start3A_104 = arith.constant 0 : i32
    %dma_start3A_105 = tpu.memref_slice %arg2[%dma_start3A_103, %dma_start3A_104] : memref<10112x32xf32, #tpu.memory_space<hbm>> -> memref<10112x32xf32, #tpu.memory_space<hbm>>
    tpu.enqueue_indirect_dma source(%dma_start3A_105 : memref<10112x32xf32, #tpu.memory_space<hbm>>) target(%dma_start3A_99 : memref<128x32xf32, #tpu.memory_space<vmem>>) offsets(%dma_start3A_102 : memref<128xi32, #tpu.memory_space<vmem>>) semaphore(%arg11 : memref<!tpu.dma_semaphore, #tpu.memory_space<semaphore_mem>>)
    %scan3A = arith.constant 0 : i32
    %scan3A_106 = arith.constant 0 : i32
    %scan3A_107 = arith.constant 5 : i32
    %scan3A_108 = arith.addi %scan3A_106, %scan3A_107 : i32
    %scan3A_109 = arith.constant 1 : i32
    scf.for %scan3A_215 = %scan3A_106 to %scan3A_108 step %scan3A_109  : i32 {
      %mul3A_216 = arith.constant 2 : i32
      %mul3A_217 = arith.muli %scan3A_215, %mul3A_216 : i32
      %mul3A_218 = arith.constant 8 : i32
      %mul3A_219 = arith.muli %mul3A_217, %mul3A_218 : i32
      %add3A_220 = arith.constant 8 : i32
      %add3A_221 = arith.addi %mul3A_219, %add3A_220 : i32
      %dma_wait3A_222 = arith.constant 0 : i32
      %dma_wait3A_223 = arith.constant 0 : i32
      %dma_wait3A_224 = arith.constant 0 : i32
      %dma_wait3A_225 = arith.constant 0 : i32
      %dma_wait3A_226 = arith.constant 0 : i32
      %dma_wait3A_227 = tpu.memref_slice %arg9[%dma_wait3A_223, %dma_wait3A_224, %dma_wait3A_225, %dma_wait3A_226] : memref<2x8x128x32xf32, #tpu.memory_space<vmem>> -> memref<1x1x128x32xf32, #tpu.memory_space<vmem>>
      %dma_wait3A_228 = tpu.memref_squeeze %dma_wait3A_227 : memref<1x1x128x32xf32, #tpu.memory_space<vmem>> -> memref<128x32xf32, #tpu.memory_space<vmem>>
      %dma_wait3A_229 = arith.constant 0 : i32
      %dma_wait3A_230 = tpu.memref_slice %arg7[%dma_wait3A_222, %dma_wait3A_229] : memref<80x128xi32, #tpu.memory_space<vmem>> -> memref<1x128xi32, #tpu.memory_space<vmem>>
      %dma_wait3A_231 = tpu.memref_squeeze %dma_wait3A_230 : memref<1x128xi32, #tpu.memory_space<vmem>> -> memref<128xi32, #tpu.memory_space<vmem>>
      %dma_wait3A_232 = arith.constant 0 : i32
      %dma_wait3A_233 = arith.constant 0 : i32
      %dma_wait3A_234 = tpu.memref_slice %arg2[%dma_wait3A_232, %dma_wait3A_233] : memref<10112x32xf32, #tpu.memory_space<hbm>> -> memref<10112x32xf32, #tpu.memory_space<hbm>>
      tpu.wait_indirect_dma semaphore(%arg11 : memref<!tpu.dma_semaphore, #tpu.memory_space<semaphore_mem>>) src(%dma_wait3A_234 : memref<10112x32xf32, #tpu.memory_space<hbm>>) dst(%dma_wait3A_228 : memref<128x32xf32, #tpu.memory_space<vmem>>)
      %dma_wait3A_235 = arith.constant 0 : i32
      %dma_wait3A_236 = arith.constant 0 : i32
      %dma_wait3A_237 = arith.constant 1 : i32
      %dma_wait3A_238 = arith.constant 0 : i32
      %dma_wait3A_239 = arith.constant 0 : i32
      %dma_wait3A_240 = tpu.memref_slice %arg9[%dma_wait3A_236, %dma_wait3A_237, %dma_wait3A_238, %dma_wait3A_239] : memref<2x8x128x32xf32, #tpu.memory_space<vmem>> -> memref<1x1x128x32xf32, #tpu.memory_space<vmem>>
      %dma_wait3A_241 = tpu.memref_squeeze %dma_wait3A_240 : memref<1x1x128x32xf32, #tpu.memory_space<vmem>> -> memref<128x32xf32, #tpu.memory_space<vmem>>
      %dma_wait3A_242 = arith.constant 0 : i32
      %dma_wait3A_243 = tpu.memref_slice %arg7[%dma_wait3A_235, %dma_wait3A_242] : memref<80x128xi32, #tpu.memory_space<vmem>> -> memref<1x128xi32, #tpu.memory_space<vmem>>
      %dma_wait3A_244 = tpu.memref_squeeze %dma_wait3A_243 : memref<1x128xi32, #tpu.memory_space<vmem>> -> memref<128xi32, #tpu.memory_space<vmem>>
      %dma_wait3A_245 = arith.constant 0 : i32
      %dma_wait3A_246 = arith.constant 0 : i32
      %dma_wait3A_247 = tpu.memref_slice %arg2[%dma_wait3A_245, %dma_wait3A_246] : memref<10112x32xf32, #tpu.memory_space<hbm>> -> memref<10112x32xf32, #tpu.memory_space<hbm>>
      tpu.wait_indirect_dma semaphore(%arg11 : memref<!tpu.dma_semaphore, #tpu.memory_space<semaphore_mem>>) src(%dma_wait3A_247 : memref<10112x32xf32, #tpu.memory_space<hbm>>) dst(%dma_wait3A_241 : memref<128x32xf32, #tpu.memory_space<vmem>>)
      %dma_wait3A_248 = arith.constant 0 : i32
      %dma_wait3A_249 = arith.constant 0 : i32
      %dma_wait3A_250 = arith.constant 2 : i32
      %dma_wait3A_251 = arith.constant 0 : i32
      %dma_wait3A_252 = arith.constant 0 : i32
      %dma_wait3A_253 = tpu.memref_slice %arg9[%dma_wait3A_249, %dma_wait3A_250, %dma_wait3A_251, %dma_wait3A_252] : memref<2x8x128x32xf32, #tpu.memory_space<vmem>> -> memref<1x1x128x32xf32, #tpu.memory_space<vmem>>
      %dma_wait3A_254 = tpu.memref_squeeze %dma_wait3A_253 : memref<1x1x128x32xf32, #tpu.memory_space<vmem>> -> memref<128x32xf32, #tpu.memory_space<vmem>>
      %dma_wait3A_255 = arith.constant 0 : i32
      %dma_wait3A_256 = tpu.memref_slice %arg7[%dma_wait3A_248, %dma_wait3A_255] : memref<80x128xi32, #tpu.memory_space<vmem>> -> memref<1x128xi32, #tpu.memory_space<vmem>>
      %dma_wait3A_257 = tpu.memref_squeeze %dma_wait3A_256 : memref<1x128xi32, #tpu.memory_space<vmem>> -> memref<128xi32, #tpu.memory_space<vmem>>
      %dma_wait3A_258 = arith.constant 0 : i32
      %dma_wait3A_259 = arith.constant 0 : i32
      %dma_wait3A_260 = tpu.memref_slice %arg2[%dma_wait3A_258, %dma_wait3A_259] : memref<10112x32xf32, #tpu.memory_space<hbm>> -> memref<10112x32xf32, #tpu.memory_space<hbm>>
      tpu.wait_indirect_dma semaphore(%arg11 : memref<!tpu.dma_semaphore, #tpu.memory_space<semaphore_mem>>) src(%dma_wait3A_260 : memref<10112x32xf32, #tpu.memory_space<hbm>>) dst(%dma_wait3A_254 : memref<128x32xf32, #tpu.memory_space<vmem>>)
      %dma_wait3A_261 = arith.constant 0 : i32
      %dma_wait3A_262 = arith.constant 0 : i32
      %dma_wait3A_263 = arith.constant 3 : i32
      %dma_wait3A_264 = arith.constant 0 : i32
      %dma_wait3A_265 = arith.constant 0 : i32
      %dma_wait3A_266 = tpu.memref_slice %arg9[%dma_wait3A_262, %dma_wait3A_263, %dma_wait3A_264, %dma_wait3A_265] : memref<2x8x128x32xf32, #tpu.memory_space<vmem>> -> memref<1x1x128x32xf32, #tpu.memory_space<vmem>>
      %dma_wait3A_267 = tpu.memref_squeeze %dma_wait3A_266 : memref<1x1x128x32xf32, #tpu.memory_space<vmem>> -> memref<128x32xf32, #tpu.memory_space<vmem>>
      %dma_wait3A_268 = arith.constant 0 : i32
      %dma_wait3A_269 = tpu.memref_slice %arg7[%dma_wait3A_261, %dma_wait3A_268] : memref<80x128xi32, #tpu.memory_space<vmem>> -> memref<1x128xi32, #tpu.memory_space<vmem>>
      %dma_wait3A_270 = tpu.memref_squeeze %dma_wait3A_269 : memref<1x128xi32, #tpu.memory_space<vmem>> -> memref<128xi32, #tpu.memory_space<vmem>>
      %dma_wait3A_271 = arith.constant 0 : i32
      %dma_wait3A_272 = arith.constant 0 : i32
      %dma_wait3A_273 = tpu.memref_slice %arg2[%dma_wait3A_271, %dma_wait3A_272] : memref<10112x32xf32, #tpu.memory_space<hbm>> -> memref<10112x32xf32, #tpu.memory_space<hbm>>
      tpu.wait_indirect_dma semaphore(%arg11 : memref<!tpu.dma_semaphore, #tpu.memory_space<semaphore_mem>>) src(%dma_wait3A_273 : memref<10112x32xf32, #tpu.memory_space<hbm>>) dst(%dma_wait3A_267 : memref<128x32xf32, #tpu.memory_space<vmem>>)
      %dma_wait3A_274 = arith.constant 0 : i32
      %dma_wait3A_275 = arith.constant 0 : i32
      %dma_wait3A_276 = arith.constant 4 : i32
      %dma_wait3A_277 = arith.constant 0 : i32
      %dma_wait3A_278 = arith.constant 0 : i32
      %dma_wait3A_279 = tpu.memref_slice %arg9[%dma_wait3A_275, %dma_wait3A_276, %dma_wait3A_277, %dma_wait3A_278] : memref<2x8x128x32xf32, #tpu.memory_space<vmem>> -> memref<1x1x128x32xf32, #tpu.memory_space<vmem>>
      %dma_wait3A_280 = tpu.memref_squeeze %dma_wait3A_279 : memref<1x1x128x32xf32, #tpu.memory_space<vmem>> -> memref<128x32xf32, #tpu.memory_space<vmem>>
      %dma_wait3A_281 = arith.constant 0 : i32
      %dma_wait3A_282 = tpu.memref_slice %arg7[%dma_wait3A_274, %dma_wait3A_281] : memref<80x128xi32, #tpu.memory_space<vmem>> -> memref<1x128xi32, #tpu.memory_space<vmem>>
      %dma_wait3A_283 = tpu.memref_squeeze %dma_wait3A_282 : memref<1x128xi32, #tpu.memory_space<vmem>> -> memref<128xi32, #tpu.memory_space<vmem>>
      %dma_wait3A_284 = arith.constant 0 : i32
      %dma_wait3A_285 = arith.constant 0 : i32
      %dma_wait3A_286 = tpu.memref_slice %arg2[%dma_wait3A_284, %dma_wait3A_285] : memref<10112x32xf32, #tpu.memory_space<hbm>> -> memref<10112x32xf32, #tpu.memory_space<hbm>>
      tpu.wait_indirect_dma semaphore(%arg11 : memref<!tpu.dma_semaphore, #tpu.memory_space<semaphore_mem>>) src(%dma_wait3A_286 : memref<10112x32xf32, #tpu.memory_space<hbm>>) dst(%dma_wait3A_280 : memref<128x32xf32, #tpu.memory_space<vmem>>)
      %dma_wait3A_287 = arith.constant 0 : i32
      %dma_wait3A_288 = arith.constant 0 : i32
      %dma_wait3A_289 = arith.constant 5 : i32
      %dma_wait3A_290 = arith.constant 0 : i32
      %dma_wait3A_291 = arith.constant 0 : i32
      %dma_wait3A_292 = tpu.memref_slice %arg9[%dma_wait3A_288, %dma_wait3A_289, %dma_wait3A_290, %dma_wait3A_291] : memref<2x8x128x32xf32, #tpu.memory_space<vmem>> -> memref<1x1x128x32xf32, #tpu.memory_space<vmem>>
      %dma_wait3A_293 = tpu.memref_squeeze %dma_wait3A_292 : memref<1x1x128x32xf32, #tpu.memory_space<vmem>> -> memref<128x32xf32, #tpu.memory_space<vmem>>
      %dma_wait3A_294 = arith.constant 0 : i32
      %dma_wait3A_295 = tpu.memref_slice %arg7[%dma_wait3A_287, %dma_wait3A_294] : memref<80x128xi32, #tpu.memory_space<vmem>> -> memref<1x128xi32, #tpu.memory_space<vmem>>
      %dma_wait3A_296 = tpu.memref_squeeze %dma_wait3A_295 : memref<1x128xi32, #tpu.memory_space<vmem>> -> memref<128xi32, #tpu.memory_space<vmem>>
      %dma_wait3A_297 = arith.constant 0 : i32
      %dma_wait3A_298 = arith.constant 0 : i32
      %dma_wait3A_299 = tpu.memref_slice %arg2[%dma_wait3A_297, %dma_wait3A_298] : memref<10112x32xf32, #tpu.memory_space<hbm>> -> memref<10112x32xf32, #tpu.memory_space<hbm>>
      tpu.wait_indirect_dma semaphore(%arg11 : memref<!tpu.dma_semaphore, #tpu.memory_space<semaphore_mem>>) src(%dma_wait3A_299 : memref<10112x32xf32, #tpu.memory_space<hbm>>) dst(%dma_wait3A_293 : memref<128x32xf32, #tpu.memory_space<vmem>>)
      %dma_wait3A_300 = arith.constant 0 : i32
      %dma_wait3A_301 = arith.constant 0 : i32
      %dma_wait3A_302 = arith.constant 6 : i32
      %dma_wait3A_303 = arith.constant 0 : i32
      %dma_wait3A_304 = arith.constant 0 : i32
      %dma_wait3A_305 = tpu.memref_slice %arg9[%dma_wait3A_301, %dma_wait3A_302, %dma_wait3A_303, %dma_wait3A_304] : memref<2x8x128x32xf32, #tpu.memory_space<vmem>> -> memref<1x1x128x32xf32, #tpu.memory_space<vmem>>
      %dma_wait3A_306 = tpu.memref_squeeze %dma_wait3A_305 : memref<1x1x128x32xf32, #tpu.memory_space<vmem>> -> memref<128x32xf32, #tpu.memory_space<vmem>>
      %dma_wait3A_307 = arith.constant 0 : i32
      %dma_wait3A_308 = tpu.memref_slice %arg7[%dma_wait3A_300, %dma_wait3A_307] : memref<80x128xi32, #tpu.memory_space<vmem>> -> memref<1x128xi32, #tpu.memory_space<vmem>>
      %dma_wait3A_309 = tpu.memref_squeeze %dma_wait3A_308 : memref<1x128xi32, #tpu.memory_space<vmem>> -> memref<128xi32, #tpu.memory_space<vmem>>
      %dma_wait3A_310 = arith.constant 0 : i32
      %dma_wait3A_311 = arith.constant 0 : i32
      %dma_wait3A_312 = tpu.memref_slice %arg2[%dma_wait3A_310, %dma_wait3A_311] : memref<10112x32xf32, #tpu.memory_space<hbm>> -> memref<10112x32xf32, #tpu.memory_space<hbm>>
      tpu.wait_indirect_dma semaphore(%arg11 : memref<!tpu.dma_semaphore, #tpu.memory_space<semaphore_mem>>) src(%dma_wait3A_312 : memref<10112x32xf32, #tpu.memory_space<hbm>>) dst(%dma_wait3A_306 : memref<128x32xf32, #tpu.memory_space<vmem>>)
      %dma_wait3A_313 = arith.constant 0 : i32
      %dma_wait3A_314 = arith.constant 0 : i32
      %dma_wait3A_315 = arith.constant 7 : i32
      %dma_wait3A_316 = arith.constant 0 : i32
      %dma_wait3A_317 = arith.constant 0 : i32
      %dma_wait3A_318 = tpu.memref_slice %arg9[%dma_wait3A_314, %dma_wait3A_315, %dma_wait3A_316, %dma_wait3A_317] : memref<2x8x128x32xf32, #tpu.memory_space<vmem>> -> memref<1x1x128x32xf32, #tpu.memory_space<vmem>>
      %dma_wait3A_319 = tpu.memref_squeeze %dma_wait3A_318 : memref<1x1x128x32xf32, #tpu.memory_space<vmem>> -> memref<128x32xf32, #tpu.memory_space<vmem>>
      %dma_wait3A_320 = arith.constant 0 : i32
      %dma_wait3A_321 = tpu.memref_slice %arg7[%dma_wait3A_313, %dma_wait3A_320] : memref<80x128xi32, #tpu.memory_space<vmem>> -> memref<1x128xi32, #tpu.memory_space<vmem>>
      %dma_wait3A_322 = tpu.memref_squeeze %dma_wait3A_321 : memref<1x128xi32, #tpu.memory_space<vmem>> -> memref<128xi32, #tpu.memory_space<vmem>>
      %dma_wait3A_323 = arith.constant 0 : i32
      %dma_wait3A_324 = arith.constant 0 : i32
      %dma_wait3A_325 = tpu.memref_slice %arg2[%dma_wait3A_323, %dma_wait3A_324] : memref<10112x32xf32, #tpu.memory_space<hbm>> -> memref<10112x32xf32, #tpu.memory_space<hbm>>
      tpu.wait_indirect_dma semaphore(%arg11 : memref<!tpu.dma_semaphore, #tpu.memory_space<semaphore_mem>>) src(%dma_wait3A_325 : memref<10112x32xf32, #tpu.memory_space<hbm>>) dst(%dma_wait3A_319 : memref<128x32xf32, #tpu.memory_space<vmem>>)
      %gt3A = arith.constant 0 : i32
      %gt3A_326 = arith.cmpi sgt, %scan3A_215, %gt3A : i32
      %convert_element_type3A = arith.extui %gt3A_326 : i1 to i32
      %cond3A = arith.constant 0 : i32
      %cond3A_327 = arith.cmpi ne, %convert_element_type3A, %cond3A : i32
      scf.if %cond3A_327 {
        %dma_wait3A_878 = arith.constant 1 : i32
        %dma_wait3A_879 = arith.constant 0 : i32
        %dma_wait3A_880 = arith.constant 0 : i32
        %dma_wait3A_881 = arith.constant 0 : i32
        %dma_wait3A_882 = arith.constant 0 : i32
        %dma_wait3A_883 = tpu.memref_slice %arg9[%dma_wait3A_878, %dma_wait3A_879, %dma_wait3A_881, %dma_wait3A_882] : memref<2x8x128x32xf32, #tpu.memory_space<vmem>> -> memref<1x1x128x32xf32, #tpu.memory_space<vmem>>
        %dma_wait3A_884 = tpu.memref_squeeze %dma_wait3A_883 : memref<1x1x128x32xf32, #tpu.memory_space<vmem>> -> memref<128x32xf32, #tpu.memory_space<vmem>>
        %dma_wait3A_885 = arith.constant 0 : i32
        %dma_wait3A_886 = tpu.memref_slice %arg8[%dma_wait3A_880, %dma_wait3A_885] : memref<80x128xi32, #tpu.memory_space<vmem>> -> memref<1x128xi32, #tpu.memory_space<vmem>>
        %dma_wait3A_887 = tpu.memref_squeeze %dma_wait3A_886 : memref<1x128xi32, #tpu.memory_space<vmem>> -> memref<128xi32, #tpu.memory_space<vmem>>
        %dma_wait3A_888 = arith.constant 0 : i32
        %dma_wait3A_889 = arith.constant 0 : i32
        %dma_wait3A_890 = tpu.memref_slice %arg10[%dma_wait3A_888, %dma_wait3A_889] : memref<10112x32xf32, #tpu.memory_space<vmem_shared>> -> memref<10112x32xf32, #tpu.memory_space<vmem_shared>>
        tpu.wait_indirect_dma semaphore(%arg14 : memref<!tpu.dma_semaphore, #tpu.memory_space<semaphore_mem>>) src(%dma_wait3A_884 : memref<128x32xf32, #tpu.memory_space<vmem>>) dst(%dma_wait3A_890 : memref<10112x32xf32, #tpu.memory_space<vmem_shared>>)
        %dma_wait3A_891 = arith.constant 1 : i32
        %dma_wait3A_892 = arith.constant 1 : i32
        %dma_wait3A_893 = arith.constant 0 : i32
        %dma_wait3A_894 = arith.constant 0 : i32
        %dma_wait3A_895 = arith.constant 0 : i32
        %dma_wait3A_896 = tpu.memref_slice %arg9[%dma_wait3A_891, %dma_wait3A_892, %dma_wait3A_894, %dma_wait3A_895] : memref<2x8x128x32xf32, #tpu.memory_space<vmem>> -> memref<1x1x128x32xf32, #tpu.memory_space<vmem>>
        %dma_wait3A_897 = tpu.memref_squeeze %dma_wait3A_896 : memref<1x1x128x32xf32, #tpu.memory_space<vmem>> -> memref<128x32xf32, #tpu.memory_space<vmem>>
        %dma_wait3A_898 = arith.constant 0 : i32
        %dma_wait3A_899 = tpu.memref_slice %arg8[%dma_wait3A_893, %dma_wait3A_898] : memref<80x128xi32, #tpu.memory_space<vmem>> -> memref<1x128xi32, #tpu.memory_space<vmem>>
        %dma_wait3A_900 = tpu.memref_squeeze %dma_wait3A_899 : memref<1x128xi32, #tpu.memory_space<vmem>> -> memref<128xi32, #tpu.memory_space<vmem>>
        %dma_wait3A_901 = arith.constant 0 : i32
        %dma_wait3A_902 = arith.constant 0 : i32
        %dma_wait3A_903 = tpu.memref_slice %arg10[%dma_wait3A_901, %dma_wait3A_902] : memref<10112x32xf32, #tpu.memory_space<vmem_shared>> -> memref<10112x32xf32, #tpu.memory_space<vmem_shared>>
        tpu.wait_indirect_dma semaphore(%arg14 : memref<!tpu.dma_semaphore, #tpu.memory_space<semaphore_mem>>) src(%dma_wait3A_897 : memref<128x32xf32, #tpu.memory_space<vmem>>) dst(%dma_wait3A_903 : memref<10112x32xf32, #tpu.memory_space<vmem_shared>>)
        %dma_wait3A_904 = arith.constant 1 : i32
        %dma_wait3A_905 = arith.constant 2 : i32
        %dma_wait3A_906 = arith.constant 0 : i32
        %dma_wait3A_907 = arith.constant 0 : i32
        %dma_wait3A_908 = arith.constant 0 : i32
        %dma_wait3A_909 = tpu.memref_slice %arg9[%dma_wait3A_904, %dma_wait3A_905, %dma_wait3A_907, %dma_wait3A_908] : memref<2x8x128x32xf32, #tpu.memory_space<vmem>> -> memref<1x1x128x32xf32, #tpu.memory_space<vmem>>
        %dma_wait3A_910 = tpu.memref_squeeze %dma_wait3A_909 : memref<1x1x128x32xf32, #tpu.memory_space<vmem>> -> memref<128x32xf32, #tpu.memory_space<vmem>>
        %dma_wait3A_911 = arith.constant 0 : i32
        %dma_wait3A_912 = tpu.memref_slice %arg8[%dma_wait3A_906, %dma_wait3A_911] : memref<80x128xi32, #tpu.memory_space<vmem>> -> memref<1x128xi32, #tpu.memory_space<vmem>>
        %dma_wait3A_913 = tpu.memref_squeeze %dma_wait3A_912 : memref<1x128xi32, #tpu.memory_space<vmem>> -> memref<128xi32, #tpu.memory_space<vmem>>
        %dma_wait3A_914 = arith.constant 0 : i32
        %dma_wait3A_915 = arith.constant 0 : i32
        %dma_wait3A_916 = tpu.memref_slice %arg10[%dma_wait3A_914, %dma_wait3A_915] : memref<10112x32xf32, #tpu.memory_space<vmem_shared>> -> memref<10112x32xf32, #tpu.memory_space<vmem_shared>>
        tpu.wait_indirect_dma semaphore(%arg14 : memref<!tpu.dma_semaphore, #tpu.memory_space<semaphore_mem>>) src(%dma_wait3A_910 : memref<128x32xf32, #tpu.memory_space<vmem>>) dst(%dma_wait3A_916 : memref<10112x32xf32, #tpu.memory_space<vmem_shared>>)
        %dma_wait3A_917 = arith.constant 1 : i32
        %dma_wait3A_918 = arith.constant 3 : i32
        %dma_wait3A_919 = arith.constant 0 : i32
        %dma_wait3A_920 = arith.constant 0 : i32
        %dma_wait3A_921 = arith.constant 0 : i32
        %dma_wait3A_922 = tpu.memref_slice %arg9[%dma_wait3A_917, %dma_wait3A_918, %dma_wait3A_920, %dma_wait3A_921] : memref<2x8x128x32xf32, #tpu.memory_space<vmem>> -> memref<1x1x128x32xf32, #tpu.memory_space<vmem>>
        %dma_wait3A_923 = tpu.memref_squeeze %dma_wait3A_922 : memref<1x1x128x32xf32, #tpu.memory_space<vmem>> -> memref<128x32xf32, #tpu.memory_space<vmem>>
        %dma_wait3A_924 = arith.constant 0 : i32
        %dma_wait3A_925 = tpu.memref_slice %arg8[%dma_wait3A_919, %dma_wait3A_924] : memref<80x128xi32, #tpu.memory_space<vmem>> -> memref<1x128xi32, #tpu.memory_space<vmem>>
        %dma_wait3A_926 = tpu.memref_squeeze %dma_wait3A_925 : memref<1x128xi32, #tpu.memory_space<vmem>> -> memref<128xi32, #tpu.memory_space<vmem>>
        %dma_wait3A_927 = arith.constant 0 : i32
        %dma_wait3A_928 = arith.constant 0 : i32
        %dma_wait3A_929 = tpu.memref_slice %arg10[%dma_wait3A_927, %dma_wait3A_928] : memref<10112x32xf32, #tpu.memory_space<vmem_shared>> -> memref<10112x32xf32, #tpu.memory_space<vmem_shared>>
        tpu.wait_indirect_dma semaphore(%arg14 : memref<!tpu.dma_semaphore, #tpu.memory_space<semaphore_mem>>) src(%dma_wait3A_923 : memref<128x32xf32, #tpu.memory_space<vmem>>) dst(%dma_wait3A_929 : memref<10112x32xf32, #tpu.memory_space<vmem_shared>>)
        %dma_wait3A_930 = arith.constant 1 : i32
        %dma_wait3A_931 = arith.constant 4 : i32
        %dma_wait3A_932 = arith.constant 0 : i32
        %dma_wait3A_933 = arith.constant 0 : i32
        %dma_wait3A_934 = arith.constant 0 : i32
        %dma_wait3A_935 = tpu.memref_slice %arg9[%dma_wait3A_930, %dma_wait3A_931, %dma_wait3A_933, %dma_wait3A_934] : memref<2x8x128x32xf32, #tpu.memory_space<vmem>> -> memref<1x1x128x32xf32, #tpu.memory_space<vmem>>
        %dma_wait3A_936 = tpu.memref_squeeze %dma_wait3A_935 : memref<1x1x128x32xf32, #tpu.memory_space<vmem>> -> memref<128x32xf32, #tpu.memory_space<vmem>>
        %dma_wait3A_937 = arith.constant 0 : i32
        %dma_wait3A_938 = tpu.memref_slice %arg8[%dma_wait3A_932, %dma_wait3A_937] : memref<80x128xi32, #tpu.memory_space<vmem>> -> memref<1x128xi32, #tpu.memory_space<vmem>>
        %dma_wait3A_939 = tpu.memref_squeeze %dma_wait3A_938 : memref<1x128xi32, #tpu.memory_space<vmem>> -> memref<128xi32, #tpu.memory_space<vmem>>
        %dma_wait3A_940 = arith.constant 0 : i32
        %dma_wait3A_941 = arith.constant 0 : i32
        %dma_wait3A_942 = tpu.memref_slice %arg10[%dma_wait3A_940, %dma_wait3A_941] : memref<10112x32xf32, #tpu.memory_space<vmem_shared>> -> memref<10112x32xf32, #tpu.memory_space<vmem_shared>>
        tpu.wait_indirect_dma semaphore(%arg14 : memref<!tpu.dma_semaphore, #tpu.memory_space<semaphore_mem>>) src(%dma_wait3A_936 : memref<128x32xf32, #tpu.memory_space<vmem>>) dst(%dma_wait3A_942 : memref<10112x32xf32, #tpu.memory_space<vmem_shared>>)
        %dma_wait3A_943 = arith.constant 1 : i32
        %dma_wait3A_944 = arith.constant 5 : i32
        %dma_wait3A_945 = arith.constant 0 : i32
        %dma_wait3A_946 = arith.constant 0 : i32
        %dma_wait3A_947 = arith.constant 0 : i32
        %dma_wait3A_948 = tpu.memref_slice %arg9[%dma_wait3A_943, %dma_wait3A_944, %dma_wait3A_946, %dma_wait3A_947] : memref<2x8x128x32xf32, #tpu.memory_space<vmem>> -> memref<1x1x128x32xf32, #tpu.memory_space<vmem>>
        %dma_wait3A_949 = tpu.memref_squeeze %dma_wait3A_948 : memref<1x1x128x32xf32, #tpu.memory_space<vmem>> -> memref<128x32xf32, #tpu.memory_space<vmem>>
        %dma_wait3A_950 = arith.constant 0 : i32
        %dma_wait3A_951 = tpu.memref_slice %arg8[%dma_wait3A_945, %dma_wait3A_950] : memref<80x128xi32, #tpu.memory_space<vmem>> -> memref<1x128xi32, #tpu.memory_space<vmem>>
        %dma_wait3A_952 = tpu.memref_squeeze %dma_wait3A_951 : memref<1x128xi32, #tpu.memory_space<vmem>> -> memref<128xi32, #tpu.memory_space<vmem>>
        %dma_wait3A_953 = arith.constant 0 : i32
        %dma_wait3A_954 = arith.constant 0 : i32
        %dma_wait3A_955 = tpu.memref_slice %arg10[%dma_wait3A_953, %dma_wait3A_954] : memref<10112x32xf32, #tpu.memory_space<vmem_shared>> -> memref<10112x32xf32, #tpu.memory_space<vmem_shared>>
        tpu.wait_indirect_dma semaphore(%arg14 : memref<!tpu.dma_semaphore, #tpu.memory_space<semaphore_mem>>) src(%dma_wait3A_949 : memref<128x32xf32, #tpu.memory_space<vmem>>) dst(%dma_wait3A_955 : memref<10112x32xf32, #tpu.memory_space<vmem_shared>>)
        %dma_wait3A_956 = arith.constant 1 : i32
        %dma_wait3A_957 = arith.constant 6 : i32
        %dma_wait3A_958 = arith.constant 0 : i32
        %dma_wait3A_959 = arith.constant 0 : i32
        %dma_wait3A_960 = arith.constant 0 : i32
        %dma_wait3A_961 = tpu.memref_slice %arg9[%dma_wait3A_956, %dma_wait3A_957, %dma_wait3A_959, %dma_wait3A_960] : memref<2x8x128x32xf32, #tpu.memory_space<vmem>> -> memref<1x1x128x32xf32, #tpu.memory_space<vmem>>
        %dma_wait3A_962 = tpu.memref_squeeze %dma_wait3A_961 : memref<1x1x128x32xf32, #tpu.memory_space<vmem>> -> memref<128x32xf32, #tpu.memory_space<vmem>>
        %dma_wait3A_963 = arith.constant 0 : i32
        %dma_wait3A_964 = tpu.memref_slice %arg8[%dma_wait3A_958, %dma_wait3A_963] : memref<80x128xi32, #tpu.memory_space<vmem>> -> memref<1x128xi32, #tpu.memory_space<vmem>>
        %dma_wait3A_965 = tpu.memref_squeeze %dma_wait3A_964 : memref<1x128xi32, #tpu.memory_space<vmem>> -> memref<128xi32, #tpu.memory_space<vmem>>
        %dma_wait3A_966 = arith.constant 0 : i32
        %dma_wait3A_967 = arith.constant 0 : i32
        %dma_wait3A_968 = tpu.memref_slice %arg10[%dma_wait3A_966, %dma_wait3A_967] : memref<10112x32xf32, #tpu.memory_space<vmem_shared>> -> memref<10112x32xf32, #tpu.memory_space<vmem_shared>>
        tpu.wait_indirect_dma semaphore(%arg14 : memref<!tpu.dma_semaphore, #tpu.memory_space<semaphore_mem>>) src(%dma_wait3A_962 : memref<128x32xf32, #tpu.memory_space<vmem>>) dst(%dma_wait3A_968 : memref<10112x32xf32, #tpu.memory_space<vmem_shared>>)
        %dma_wait3A_969 = arith.constant 1 : i32
        %dma_wait3A_970 = arith.constant 7 : i32
        %dma_wait3A_971 = arith.constant 0 : i32
        %dma_wait3A_972 = arith.constant 0 : i32
        %dma_wait3A_973 = arith.constant 0 : i32
        %dma_wait3A_974 = tpu.memref_slice %arg9[%dma_wait3A_969, %dma_wait3A_970, %dma_wait3A_972, %dma_wait3A_973] : memref<2x8x128x32xf32, #tpu.memory_space<vmem>> -> memref<1x1x128x32xf32, #tpu.memory_space<vmem>>
        %dma_wait3A_975 = tpu.memref_squeeze %dma_wait3A_974 : memref<1x1x128x32xf32, #tpu.memory_space<vmem>> -> memref<128x32xf32, #tpu.memory_space<vmem>>
        %dma_wait3A_976 = arith.constant 0 : i32
        %dma_wait3A_977 = tpu.memref_slice %arg8[%dma_wait3A_971, %dma_wait3A_976] : memref<80x128xi32, #tpu.memory_space<vmem>> -> memref<1x128xi32, #tpu.memory_space<vmem>>
        %dma_wait3A_978 = tpu.memref_squeeze %dma_wait3A_977 : memref<1x128xi32, #tpu.memory_space<vmem>> -> memref<128xi32, #tpu.memory_space<vmem>>
        %dma_wait3A_979 = arith.constant 0 : i32
        %dma_wait3A_980 = arith.constant 0 : i32
        %dma_wait3A_981 = tpu.memref_slice %arg10[%dma_wait3A_979, %dma_wait3A_980] : memref<10112x32xf32, #tpu.memory_space<vmem_shared>> -> memref<10112x32xf32, #tpu.memory_space<vmem_shared>>
        tpu.wait_indirect_dma semaphore(%arg14 : memref<!tpu.dma_semaphore, #tpu.memory_space<semaphore_mem>>) src(%dma_wait3A_975 : memref<128x32xf32, #tpu.memory_space<vmem>>) dst(%dma_wait3A_981 : memref<10112x32xf32, #tpu.memory_space<vmem_shared>>)
      } else {
      }
      %add3A_328 = arith.constant 0 : i32
      %add3A_329 = arith.addi %add3A_221, %add3A_328 : i32
      %dma_start3A_330 = arith.constant 1 : i32
      %dma_start3A_331 = arith.constant 0 : i32
      %dma_start3A_332 = arith.constant 0 : i32
      %dma_start3A_333 = arith.constant 0 : i32
      %dma_start3A_334 = tpu.memref_slice %arg9[%dma_start3A_330, %dma_start3A_331, %dma_start3A_332, %dma_start3A_333] : memref<2x8x128x32xf32, #tpu.memory_space<vmem>> -> memref<1x1x128x32xf32, #tpu.memory_space<vmem>>
      %dma_start3A_335 = tpu.memref_squeeze %dma_start3A_334 : memref<1x1x128x32xf32, #tpu.memory_space<vmem>> -> memref<128x32xf32, #tpu.memory_space<vmem>>
      %dma_start3A_336 = arith.constant 0 : i32
      %dma_start3A_337 = tpu.memref_slice %arg7[%add3A_329, %dma_start3A_336] : memref<80x128xi32, #tpu.memory_space<vmem>> -> memref<1x128xi32, #tpu.memory_space<vmem>>
      %dma_start3A_338 = tpu.memref_squeeze %dma_start3A_337 : memref<1x128xi32, #tpu.memory_space<vmem>> -> memref<128xi32, #tpu.memory_space<vmem>>
      %dma_start3A_339 = arith.constant 0 : i32
      %dma_start3A_340 = arith.constant 0 : i32
      %dma_start3A_341 = tpu.memref_slice %arg2[%dma_start3A_339, %dma_start3A_340] : memref<10112x32xf32, #tpu.memory_space<hbm>> -> memref<10112x32xf32, #tpu.memory_space<hbm>>
      tpu.enqueue_indirect_dma source(%dma_start3A_341 : memref<10112x32xf32, #tpu.memory_space<hbm>>) target(%dma_start3A_335 : memref<128x32xf32, #tpu.memory_space<vmem>>) offsets(%dma_start3A_338 : memref<128xi32, #tpu.memory_space<vmem>>) semaphore(%arg12 : memref<!tpu.dma_semaphore, #tpu.memory_space<semaphore_mem>>)
      %add3A_342 = arith.constant 1 : i32
      %add3A_343 = arith.addi %add3A_221, %add3A_342 : i32
      %dma_start3A_344 = arith.constant 1 : i32
      %dma_start3A_345 = arith.constant 1 : i32
      %dma_start3A_346 = arith.constant 0 : i32
      %dma_start3A_347 = arith.constant 0 : i32
      %dma_start3A_348 = tpu.memref_slice %arg9[%dma_start3A_344, %dma_start3A_345, %dma_start3A_346, %dma_start3A_347] : memref<2x8x128x32xf32, #tpu.memory_space<vmem>> -> memref<1x1x128x32xf32, #tpu.memory_space<vmem>>
      %dma_start3A_349 = tpu.memref_squeeze %dma_start3A_348 : memref<1x1x128x32xf32, #tpu.memory_space<vmem>> -> memref<128x32xf32, #tpu.memory_space<vmem>>
      %dma_start3A_350 = arith.constant 0 : i32
      %dma_start3A_351 = tpu.memref_slice %arg7[%add3A_343, %dma_start3A_350] : memref<80x128xi32, #tpu.memory_space<vmem>> -> memref<1x128xi32, #tpu.memory_space<vmem>>
      %dma_start3A_352 = tpu.memref_squeeze %dma_start3A_351 : memref<1x128xi32, #tpu.memory_space<vmem>> -> memref<128xi32, #tpu.memory_space<vmem>>
      %dma_start3A_353 = arith.constant 0 : i32
      %dma_start3A_354 = arith.constant 0 : i32
      %dma_start3A_355 = tpu.memref_slice %arg2[%dma_start3A_353, %dma_start3A_354] : memref<10112x32xf32, #tpu.memory_space<hbm>> -> memref<10112x32xf32, #tpu.memory_space<hbm>>
      tpu.enqueue_indirect_dma source(%dma_start3A_355 : memref<10112x32xf32, #tpu.memory_space<hbm>>) target(%dma_start3A_349 : memref<128x32xf32, #tpu.memory_space<vmem>>) offsets(%dma_start3A_352 : memref<128xi32, #tpu.memory_space<vmem>>) semaphore(%arg12 : memref<!tpu.dma_semaphore, #tpu.memory_space<semaphore_mem>>)
      %add3A_356 = arith.constant 2 : i32
      %add3A_357 = arith.addi %add3A_221, %add3A_356 : i32
      %dma_start3A_358 = arith.constant 1 : i32
      %dma_start3A_359 = arith.constant 2 : i32
      %dma_start3A_360 = arith.constant 0 : i32
      %dma_start3A_361 = arith.constant 0 : i32
      %dma_start3A_362 = tpu.memref_slice %arg9[%dma_start3A_358, %dma_start3A_359, %dma_start3A_360, %dma_start3A_361] : memref<2x8x128x32xf32, #tpu.memory_space<vmem>> -> memref<1x1x128x32xf32, #tpu.memory_space<vmem>>
      %dma_start3A_363 = tpu.memref_squeeze %dma_start3A_362 : memref<1x1x128x32xf32, #tpu.memory_space<vmem>> -> memref<128x32xf32, #tpu.memory_space<vmem>>
      %dma_start3A_364 = arith.constant 0 : i32
      %dma_start3A_365 = tpu.memref_slice %arg7[%add3A_357, %dma_start3A_364] : memref<80x128xi32, #tpu.memory_space<vmem>> -> memref<1x128xi32, #tpu.memory_space<vmem>>
      %dma_start3A_366 = tpu.memref_squeeze %dma_start3A_365 : memref<1x128xi32, #tpu.memory_space<vmem>> -> memref<128xi32, #tpu.memory_space<vmem>>
      %dma_start3A_367 = arith.constant 0 : i32
      %dma_start3A_368 = arith.constant 0 : i32
      %dma_start3A_369 = tpu.memref_slice %arg2[%dma_start3A_367, %dma_start3A_368] : memref<10112x32xf32, #tpu.memory_space<hbm>> -> memref<10112x32xf32, #tpu.memory_space<hbm>>
      tpu.enqueue_indirect_dma source(%dma_start3A_369 : memref<10112x32xf32, #tpu.memory_space<hbm>>) target(%dma_start3A_363 : memref<128x32xf32, #tpu.memory_space<vmem>>) offsets(%dma_start3A_366 : memref<128xi32, #tpu.memory_space<vmem>>) semaphore(%arg12 : memref<!tpu.dma_semaphore, #tpu.memory_space<semaphore_mem>>)
      %add3A_370 = arith.constant 3 : i32
      %add3A_371 = arith.addi %add3A_221, %add3A_370 : i32
      %dma_start3A_372 = arith.constant 1 : i32
      %dma_start3A_373 = arith.constant 3 : i32
      %dma_start3A_374 = arith.constant 0 : i32
      %dma_start3A_375 = arith.constant 0 : i32
      %dma_start3A_376 = tpu.memref_slice %arg9[%dma_start3A_372, %dma_start3A_373, %dma_start3A_374, %dma_start3A_375] : memref<2x8x128x32xf32, #tpu.memory_space<vmem>> -> memref<1x1x128x32xf32, #tpu.memory_space<vmem>>
      %dma_start3A_377 = tpu.memref_squeeze %dma_start3A_376 : memref<1x1x128x32xf32, #tpu.memory_space<vmem>> -> memref<128x32xf32, #tpu.memory_space<vmem>>
      %dma_start3A_378 = arith.constant 0 : i32
      %dma_start3A_379 = tpu.memref_slice %arg7[%add3A_371, %dma_start3A_378] : memref<80x128xi32, #tpu.memory_space<vmem>> -> memref<1x128xi32, #tpu.memory_space<vmem>>
      %dma_start3A_380 = tpu.memref_squeeze %dma_start3A_379 : memref<1x128xi32, #tpu.memory_space<vmem>> -> memref<128xi32, #tpu.memory_space<vmem>>
      %dma_start3A_381 = arith.constant 0 : i32
      %dma_start3A_382 = arith.constant 0 : i32
      %dma_start3A_383 = tpu.memref_slice %arg2[%dma_start3A_381, %dma_start3A_382] : memref<10112x32xf32, #tpu.memory_space<hbm>> -> memref<10112x32xf32, #tpu.memory_space<hbm>>
      tpu.enqueue_indirect_dma source(%dma_start3A_383 : memref<10112x32xf32, #tpu.memory_space<hbm>>) target(%dma_start3A_377 : memref<128x32xf32, #tpu.memory_space<vmem>>) offsets(%dma_start3A_380 : memref<128xi32, #tpu.memory_space<vmem>>) semaphore(%arg12 : memref<!tpu.dma_semaphore, #tpu.memory_space<semaphore_mem>>)
      %add3A_384 = arith.constant 4 : i32
      %add3A_385 = arith.addi %add3A_221, %add3A_384 : i32
      %dma_start3A_386 = arith.constant 1 : i32
      %dma_start3A_387 = arith.constant 4 : i32
      %dma_start3A_388 = arith.constant 0 : i32
      %dma_start3A_389 = arith.constant 0 : i32
      %dma_start3A_390 = tpu.memref_slice %arg9[%dma_start3A_386, %dma_start3A_387, %dma_start3A_388, %dma_start3A_389] : memref<2x8x128x32xf32, #tpu.memory_space<vmem>> -> memref<1x1x128x32xf32, #tpu.memory_space<vmem>>
      %dma_start3A_391 = tpu.memref_squeeze %dma_start3A_390 : memref<1x1x128x32xf32, #tpu.memory_space<vmem>> -> memref<128x32xf32, #tpu.memory_space<vmem>>
      %dma_start3A_392 = arith.constant 0 : i32
      %dma_start3A_393 = tpu.memref_slice %arg7[%add3A_385, %dma_start3A_392] : memref<80x128xi32, #tpu.memory_space<vmem>> -> memref<1x128xi32, #tpu.memory_space<vmem>>
      %dma_start3A_394 = tpu.memref_squeeze %dma_start3A_393 : memref<1x128xi32, #tpu.memory_space<vmem>> -> memref<128xi32, #tpu.memory_space<vmem>>
      %dma_start3A_395 = arith.constant 0 : i32
      %dma_start3A_396 = arith.constant 0 : i32
      %dma_start3A_397 = tpu.memref_slice %arg2[%dma_start3A_395, %dma_start3A_396] : memref<10112x32xf32, #tpu.memory_space<hbm>> -> memref<10112x32xf32, #tpu.memory_space<hbm>>
      tpu.enqueue_indirect_dma source(%dma_start3A_397 : memref<10112x32xf32, #tpu.memory_space<hbm>>) target(%dma_start3A_391 : memref<128x32xf32, #tpu.memory_space<vmem>>) offsets(%dma_start3A_394 : memref<128xi32, #tpu.memory_space<vmem>>) semaphore(%arg12 : memref<!tpu.dma_semaphore, #tpu.memory_space<semaphore_mem>>)
      %add3A_398 = arith.constant 5 : i32
      %add3A_399 = arith.addi %add3A_221, %add3A_398 : i32
      %dma_start3A_400 = arith.constant 1 : i32
      %dma_start3A_401 = arith.constant 5 : i32
      %dma_start3A_402 = arith.constant 0 : i32
      %dma_start3A_403 = arith.constant 0 : i32
      %dma_start3A_404 = tpu.memref_slice %arg9[%dma_start3A_400, %dma_start3A_401, %dma_start3A_402, %dma_start3A_403] : memref<2x8x128x32xf32, #tpu.memory_space<vmem>> -> memref<1x1x128x32xf32, #tpu.memory_space<vmem>>
      %dma_start3A_405 = tpu.memref_squeeze %dma_start3A_404 : memref<1x1x128x32xf32, #tpu.memory_space<vmem>> -> memref<128x32xf32, #tpu.memory_space<vmem>>
      %dma_start3A_406 = arith.constant 0 : i32
      %dma_start3A_407 = tpu.memref_slice %arg7[%add3A_399, %dma_start3A_406] : memref<80x128xi32, #tpu.memory_space<vmem>> -> memref<1x128xi32, #tpu.memory_space<vmem>>
      %dma_start3A_408 = tpu.memref_squeeze %dma_start3A_407 : memref<1x128xi32, #tpu.memory_space<vmem>> -> memref<128xi32, #tpu.memory_space<vmem>>
      %dma_start3A_409 = arith.constant 0 : i32
      %dma_start3A_410 = arith.constant 0 : i32
      %dma_start3A_411 = tpu.memref_slice %arg2[%dma_start3A_409, %dma_start3A_410] : memref<10112x32xf32, #tpu.memory_space<hbm>> -> memref<10112x32xf32, #tpu.memory_space<hbm>>
      tpu.enqueue_indirect_dma source(%dma_start3A_411 : memref<10112x32xf32, #tpu.memory_space<hbm>>) target(%dma_start3A_405 : memref<128x32xf32, #tpu.memory_space<vmem>>) offsets(%dma_start3A_408 : memref<128xi32, #tpu.memory_space<vmem>>) semaphore(%arg12 : memref<!tpu.dma_semaphore, #tpu.memory_space<semaphore_mem>>)
      %add3A_412 = arith.constant 6 : i32
      %add3A_413 = arith.addi %add3A_221, %add3A_412 : i32
      %dma_start3A_414 = arith.constant 1 : i32
      %dma_start3A_415 = arith.constant 6 : i32
      %dma_start3A_416 = arith.constant 0 : i32
      %dma_start3A_417 = arith.constant 0 : i32
      %dma_start3A_418 = tpu.memref_slice %arg9[%dma_start3A_414, %dma_start3A_415, %dma_start3A_416, %dma_start3A_417] : memref<2x8x128x32xf32, #tpu.memory_space<vmem>> -> memref<1x1x128x32xf32, #tpu.memory_space<vmem>>
      %dma_start3A_419 = tpu.memref_squeeze %dma_start3A_418 : memref<1x1x128x32xf32, #tpu.memory_space<vmem>> -> memref<128x32xf32, #tpu.memory_space<vmem>>
      %dma_start3A_420 = arith.constant 0 : i32
      %dma_start3A_421 = tpu.memref_slice %arg7[%add3A_413, %dma_start3A_420] : memref<80x128xi32, #tpu.memory_space<vmem>> -> memref<1x128xi32, #tpu.memory_space<vmem>>
      %dma_start3A_422 = tpu.memref_squeeze %dma_start3A_421 : memref<1x128xi32, #tpu.memory_space<vmem>> -> memref<128xi32, #tpu.memory_space<vmem>>
      %dma_start3A_423 = arith.constant 0 : i32
      %dma_start3A_424 = arith.constant 0 : i32
      %dma_start3A_425 = tpu.memref_slice %arg2[%dma_start3A_423, %dma_start3A_424] : memref<10112x32xf32, #tpu.memory_space<hbm>> -> memref<10112x32xf32, #tpu.memory_space<hbm>>
      tpu.enqueue_indirect_dma source(%dma_start3A_425 : memref<10112x32xf32, #tpu.memory_space<hbm>>) target(%dma_start3A_419 : memref<128x32xf32, #tpu.memory_space<vmem>>) offsets(%dma_start3A_422 : memref<128xi32, #tpu.memory_space<vmem>>) semaphore(%arg12 : memref<!tpu.dma_semaphore, #tpu.memory_space<semaphore_mem>>)
      %add3A_426 = arith.constant 7 : i32
      %add3A_427 = arith.addi %add3A_221, %add3A_426 : i32
      %dma_start3A_428 = arith.constant 1 : i32
      %dma_start3A_429 = arith.constant 7 : i32
      %dma_start3A_430 = arith.constant 0 : i32
      %dma_start3A_431 = arith.constant 0 : i32
      %dma_start3A_432 = tpu.memref_slice %arg9[%dma_start3A_428, %dma_start3A_429, %dma_start3A_430, %dma_start3A_431] : memref<2x8x128x32xf32, #tpu.memory_space<vmem>> -> memref<1x1x128x32xf32, #tpu.memory_space<vmem>>
      %dma_start3A_433 = tpu.memref_squeeze %dma_start3A_432 : memref<1x1x128x32xf32, #tpu.memory_space<vmem>> -> memref<128x32xf32, #tpu.memory_space<vmem>>
      %dma_start3A_434 = arith.constant 0 : i32
      %dma_start3A_435 = tpu.memref_slice %arg7[%add3A_427, %dma_start3A_434] : memref<80x128xi32, #tpu.memory_space<vmem>> -> memref<1x128xi32, #tpu.memory_space<vmem>>
      %dma_start3A_436 = tpu.memref_squeeze %dma_start3A_435 : memref<1x128xi32, #tpu.memory_space<vmem>> -> memref<128xi32, #tpu.memory_space<vmem>>
      %dma_start3A_437 = arith.constant 0 : i32
      %dma_start3A_438 = arith.constant 0 : i32
      %dma_start3A_439 = tpu.memref_slice %arg2[%dma_start3A_437, %dma_start3A_438] : memref<10112x32xf32, #tpu.memory_space<hbm>> -> memref<10112x32xf32, #tpu.memory_space<hbm>>
      tpu.enqueue_indirect_dma source(%dma_start3A_439 : memref<10112x32xf32, #tpu.memory_space<hbm>>) target(%dma_start3A_433 : memref<128x32xf32, #tpu.memory_space<vmem>>) offsets(%dma_start3A_436 : memref<128xi32, #tpu.memory_space<vmem>>) semaphore(%arg12 : memref<!tpu.dma_semaphore, #tpu.memory_space<semaphore_mem>>)
      %add3A_440 = arith.constant 0 : i32
      %add3A_441 = arith.addi %mul3A_219, %add3A_440 : i32
      %dma_start3A_442 = arith.constant 0 : i32
      %dma_start3A_443 = arith.constant 0 : i32
      %dma_start3A_444 = arith.constant 0 : i32
      %dma_start3A_445 = arith.constant 0 : i32
      %dma_start3A_446 = tpu.memref_slice %arg9[%dma_start3A_442, %dma_start3A_443, %dma_start3A_444, %dma_start3A_445] : memref<2x8x128x32xf32, #tpu.memory_space<vmem>> -> memref<1x1x128x32xf32, #tpu.memory_space<vmem>>
      %dma_start3A_447 = tpu.memref_squeeze %dma_start3A_446 : memref<1x1x128x32xf32, #tpu.memory_space<vmem>> -> memref<128x32xf32, #tpu.memory_space<vmem>>
      %dma_start3A_448 = arith.constant 0 : i32
      %dma_start3A_449 = tpu.memref_slice %arg8[%add3A_441, %dma_start3A_448] : memref<80x128xi32, #tpu.memory_space<vmem>> -> memref<1x128xi32, #tpu.memory_space<vmem>>
      %dma_start3A_450 = tpu.memref_squeeze %dma_start3A_449 : memref<1x128xi32, #tpu.memory_space<vmem>> -> memref<128xi32, #tpu.memory_space<vmem>>
      %dma_start3A_451 = arith.constant 0 : i32
      %dma_start3A_452 = arith.constant 0 : i32
      %dma_start3A_453 = tpu.memref_slice %arg10[%dma_start3A_451, %dma_start3A_452] : memref<10112x32xf32, #tpu.memory_space<vmem_shared>> -> memref<10112x32xf32, #tpu.memory_space<vmem_shared>>
      tpu.enqueue_indirect_dma source(%dma_start3A_447 : memref<128x32xf32, #tpu.memory_space<vmem>>) target(%dma_start3A_453 : memref<10112x32xf32, #tpu.memory_space<vmem_shared>>) offsets(%dma_start3A_450 : memref<128xi32, #tpu.memory_space<vmem>>) semaphore(%arg13 : memref<!tpu.dma_semaphore, #tpu.memory_space<semaphore_mem>>) {add = true}
      %add3A_454 = arith.constant 1 : i32
      %add3A_455 = arith.addi %mul3A_219, %add3A_454 : i32
      %dma_start3A_456 = arith.constant 0 : i32
      %dma_start3A_457 = arith.constant 1 : i32
      %dma_start3A_458 = arith.constant 0 : i32
      %dma_start3A_459 = arith.constant 0 : i32
      %dma_start3A_460 = tpu.memref_slice %arg9[%dma_start3A_456, %dma_start3A_457, %dma_start3A_458, %dma_start3A_459] : memref<2x8x128x32xf32, #tpu.memory_space<vmem>> -> memref<1x1x128x32xf32, #tpu.memory_space<vmem>>
      %dma_start3A_461 = tpu.memref_squeeze %dma_start3A_460 : memref<1x1x128x32xf32, #tpu.memory_space<vmem>> -> memref<128x32xf32, #tpu.memory_space<vmem>>
      %dma_start3A_462 = arith.constant 0 : i32
      %dma_start3A_463 = tpu.memref_slice %arg8[%add3A_455, %dma_start3A_462] : memref<80x128xi32, #tpu.memory_space<vmem>> -> memref<1x128xi32, #tpu.memory_space<vmem>>
      %dma_start3A_464 = tpu.memref_squeeze %dma_start3A_463 : memref<1x128xi32, #tpu.memory_space<vmem>> -> memref<128xi32, #tpu.memory_space<vmem>>
      %dma_start3A_465 = arith.constant 0 : i32
      %dma_start3A_466 = arith.constant 0 : i32
      %dma_start3A_467 = tpu.memref_slice %arg10[%dma_start3A_465, %dma_start3A_466] : memref<10112x32xf32, #tpu.memory_space<vmem_shared>> -> memref<10112x32xf32, #tpu.memory_space<vmem_shared>>
      tpu.enqueue_indirect_dma source(%dma_start3A_461 : memref<128x32xf32, #tpu.memory_space<vmem>>) target(%dma_start3A_467 : memref<10112x32xf32, #tpu.memory_space<vmem_shared>>) offsets(%dma_start3A_464 : memref<128xi32, #tpu.memory_space<vmem>>) semaphore(%arg13 : memref<!tpu.dma_semaphore, #tpu.memory_space<semaphore_mem>>) {add = true}
      %add3A_468 = arith.constant 2 : i32
      %add3A_469 = arith.addi %mul3A_219, %add3A_468 : i32
      %dma_start3A_470 = arith.constant 0 : i32
      %dma_start3A_471 = arith.constant 2 : i32
      %dma_start3A_472 = arith.constant 0 : i32
      %dma_start3A_473 = arith.constant 0 : i32
      %dma_start3A_474 = tpu.memref_slice %arg9[%dma_start3A_470, %dma_start3A_471, %dma_start3A_472, %dma_start3A_473] : memref<2x8x128x32xf32, #tpu.memory_space<vmem>> -> memref<1x1x128x32xf32, #tpu.memory_space<vmem>>
      %dma_start3A_475 = tpu.memref_squeeze %dma_start3A_474 : memref<1x1x128x32xf32, #tpu.memory_space<vmem>> -> memref<128x32xf32, #tpu.memory_space<vmem>>
      %dma_start3A_476 = arith.constant 0 : i32
      %dma_start3A_477 = tpu.memref_slice %arg8[%add3A_469, %dma_start3A_476] : memref<80x128xi32, #tpu.memory_space<vmem>> -> memref<1x128xi32, #tpu.memory_space<vmem>>
      %dma_start3A_478 = tpu.memref_squeeze %dma_start3A_477 : memref<1x128xi32, #tpu.memory_space<vmem>> -> memref<128xi32, #tpu.memory_space<vmem>>
      %dma_start3A_479 = arith.constant 0 : i32
      %dma_start3A_480 = arith.constant 0 : i32
      %dma_start3A_481 = tpu.memref_slice %arg10[%dma_start3A_479, %dma_start3A_480] : memref<10112x32xf32, #tpu.memory_space<vmem_shared>> -> memref<10112x32xf32, #tpu.memory_space<vmem_shared>>
      tpu.enqueue_indirect_dma source(%dma_start3A_475 : memref<128x32xf32, #tpu.memory_space<vmem>>) target(%dma_start3A_481 : memref<10112x32xf32, #tpu.memory_space<vmem_shared>>) offsets(%dma_start3A_478 : memref<128xi32, #tpu.memory_space<vmem>>) semaphore(%arg13 : memref<!tpu.dma_semaphore, #tpu.memory_space<semaphore_mem>>) {add = true}
      %add3A_482 = arith.constant 3 : i32
      %add3A_483 = arith.addi %mul3A_219, %add3A_482 : i32
      %dma_start3A_484 = arith.constant 0 : i32
      %dma_start3A_485 = arith.constant 3 : i32
      %dma_start3A_486 = arith.constant 0 : i32
      %dma_start3A_487 = arith.constant 0 : i32
      %dma_start3A_488 = tpu.memref_slice %arg9[%dma_start3A_484, %dma_start3A_485, %dma_start3A_486, %dma_start3A_487] : memref<2x8x128x32xf32, #tpu.memory_space<vmem>> -> memref<1x1x128x32xf32, #tpu.memory_space<vmem>>
      %dma_start3A_489 = tpu.memref_squeeze %dma_start3A_488 : memref<1x1x128x32xf32, #tpu.memory_space<vmem>> -> memref<128x32xf32, #tpu.memory_space<vmem>>
      %dma_start3A_490 = arith.constant 0 : i32
      %dma_start3A_491 = tpu.memref_slice %arg8[%add3A_483, %dma_start3A_490] : memref<80x128xi32, #tpu.memory_space<vmem>> -> memref<1x128xi32, #tpu.memory_space<vmem>>
      %dma_start3A_492 = tpu.memref_squeeze %dma_start3A_491 : memref<1x128xi32, #tpu.memory_space<vmem>> -> memref<128xi32, #tpu.memory_space<vmem>>
      %dma_start3A_493 = arith.constant 0 : i32
      %dma_start3A_494 = arith.constant 0 : i32
      %dma_start3A_495 = tpu.memref_slice %arg10[%dma_start3A_493, %dma_start3A_494] : memref<10112x32xf32, #tpu.memory_space<vmem_shared>> -> memref<10112x32xf32, #tpu.memory_space<vmem_shared>>
      tpu.enqueue_indirect_dma source(%dma_start3A_489 : memref<128x32xf32, #tpu.memory_space<vmem>>) target(%dma_start3A_495 : memref<10112x32xf32, #tpu.memory_space<vmem_shared>>) offsets(%dma_start3A_492 : memref<128xi32, #tpu.memory_space<vmem>>) semaphore(%arg13 : memref<!tpu.dma_semaphore, #tpu.memory_space<semaphore_mem>>) {add = true}
      %add3A_496 = arith.constant 4 : i32
      %add3A_497 = arith.addi %mul3A_219, %add3A_496 : i32
      %dma_start3A_498 = arith.constant 0 : i32
      %dma_start3A_499 = arith.constant 4 : i32
      %dma_start3A_500 = arith.constant 0 : i32
      %dma_start3A_501 = arith.constant 0 : i32
      %dma_start3A_502 = tpu.memref_slice %arg9[%dma_start3A_498, %dma_start3A_499, %dma_start3A_500, %dma_start3A_501] : memref<2x8x128x32xf32, #tpu.memory_space<vmem>> -> memref<1x1x128x32xf32, #tpu.memory_space<vmem>>
      %dma_start3A_503 = tpu.memref_squeeze %dma_start3A_502 : memref<1x1x128x32xf32, #tpu.memory_space<vmem>> -> memref<128x32xf32, #tpu.memory_space<vmem>>
      %dma_start3A_504 = arith.constant 0 : i32
      %dma_start3A_505 = tpu.memref_slice %arg8[%add3A_497, %dma_start3A_504] : memref<80x128xi32, #tpu.memory_space<vmem>> -> memref<1x128xi32, #tpu.memory_space<vmem>>
      %dma_start3A_506 = tpu.memref_squeeze %dma_start3A_505 : memref<1x128xi32, #tpu.memory_space<vmem>> -> memref<128xi32, #tpu.memory_space<vmem>>
      %dma_start3A_507 = arith.constant 0 : i32
      %dma_start3A_508 = arith.constant 0 : i32
      %dma_start3A_509 = tpu.memref_slice %arg10[%dma_start3A_507, %dma_start3A_508] : memref<10112x32xf32, #tpu.memory_space<vmem_shared>> -> memref<10112x32xf32, #tpu.memory_space<vmem_shared>>
      tpu.enqueue_indirect_dma source(%dma_start3A_503 : memref<128x32xf32, #tpu.memory_space<vmem>>) target(%dma_start3A_509 : memref<10112x32xf32, #tpu.memory_space<vmem_shared>>) offsets(%dma_start3A_506 : memref<128xi32, #tpu.memory_space<vmem>>) semaphore(%arg13 : memref<!tpu.dma_semaphore, #tpu.memory_space<semaphore_mem>>) {add = true}
      %add3A_510 = arith.constant 5 : i32
      %add3A_511 = arith.addi %mul3A_219, %add3A_510 : i32
      %dma_start3A_512 = arith.constant 0 : i32
      %dma_start3A_513 = arith.constant 5 : i32
      %dma_start3A_514 = arith.constant 0 : i32
      %dma_start3A_515 = arith.constant 0 : i32
      %dma_start3A_516 = tpu.memref_slice %arg9[%dma_start3A_512, %dma_start3A_513, %dma_start3A_514, %dma_start3A_515] : memref<2x8x128x32xf32, #tpu.memory_space<vmem>> -> memref<1x1x128x32xf32, #tpu.memory_space<vmem>>
      %dma_start3A_517 = tpu.memref_squeeze %dma_start3A_516 : memref<1x1x128x32xf32, #tpu.memory_space<vmem>> -> memref<128x32xf32, #tpu.memory_space<vmem>>
      %dma_start3A_518 = arith.constant 0 : i32
      %dma_start3A_519 = tpu.memref_slice %arg8[%add3A_511, %dma_start3A_518] : memref<80x128xi32, #tpu.memory_space<vmem>> -> memref<1x128xi32, #tpu.memory_space<vmem>>
      %dma_start3A_520 = tpu.memref_squeeze %dma_start3A_519 : memref<1x128xi32, #tpu.memory_space<vmem>> -> memref<128xi32, #tpu.memory_space<vmem>>
      %dma_start3A_521 = arith.constant 0 : i32
      %dma_start3A_522 = arith.constant 0 : i32
      %dma_start3A_523 = tpu.memref_slice %arg10[%dma_start3A_521, %dma_start3A_522] : memref<10112x32xf32, #tpu.memory_space<vmem_shared>> -> memref<10112x32xf32, #tpu.memory_space<vmem_shared>>
      tpu.enqueue_indirect_dma source(%dma_start3A_517 : memref<128x32xf32, #tpu.memory_space<vmem>>) target(%dma_start3A_523 : memref<10112x32xf32, #tpu.memory_space<vmem_shared>>) offsets(%dma_start3A_520 : memref<128xi32, #tpu.memory_space<vmem>>) semaphore(%arg13 : memref<!tpu.dma_semaphore, #tpu.memory_space<semaphore_mem>>) {add = true}
      %add3A_524 = arith.constant 6 : i32
      %add3A_525 = arith.addi %mul3A_219, %add3A_524 : i32
      %dma_start3A_526 = arith.constant 0 : i32
      %dma_start3A_527 = arith.constant 6 : i32
      %dma_start3A_528 = arith.constant 0 : i32
      %dma_start3A_529 = arith.constant 0 : i32
      %dma_start3A_530 = tpu.memref_slice %arg9[%dma_start3A_526, %dma_start3A_527, %dma_start3A_528, %dma_start3A_529] : memref<2x8x128x32xf32, #tpu.memory_space<vmem>> -> memref<1x1x128x32xf32, #tpu.memory_space<vmem>>
      %dma_start3A_531 = tpu.memref_squeeze %dma_start3A_530 : memref<1x1x128x32xf32, #tpu.memory_space<vmem>> -> memref<128x32xf32, #tpu.memory_space<vmem>>
      %dma_start3A_532 = arith.constant 0 : i32
      %dma_start3A_533 = tpu.memref_slice %arg8[%add3A_525, %dma_start3A_532] : memref<80x128xi32, #tpu.memory_space<vmem>> -> memref<1x128xi32, #tpu.memory_space<vmem>>
      %dma_start3A_534 = tpu.memref_squeeze %dma_start3A_533 : memref<1x128xi32, #tpu.memory_space<vmem>> -> memref<128xi32, #tpu.memory_space<vmem>>
      %dma_start3A_535 = arith.constant 0 : i32
      %dma_start3A_536 = arith.constant 0 : i32
      %dma_start3A_537 = tpu.memref_slice %arg10[%dma_start3A_535, %dma_start3A_536] : memref<10112x32xf32, #tpu.memory_space<vmem_shared>> -> memref<10112x32xf32, #tpu.memory_space<vmem_shared>>
      tpu.enqueue_indirect_dma source(%dma_start3A_531 : memref<128x32xf32, #tpu.memory_space<vmem>>) target(%dma_start3A_537 : memref<10112x32xf32, #tpu.memory_space<vmem_shared>>) offsets(%dma_start3A_534 : memref<128xi32, #tpu.memory_space<vmem>>) semaphore(%arg13 : memref<!tpu.dma_semaphore, #tpu.memory_space<semaphore_mem>>) {add = true}
      %add3A_538 = arith.constant 7 : i32
      %add3A_539 = arith.addi %mul3A_219, %add3A_538 : i32
      %dma_start3A_540 = arith.constant 0 : i32
      %dma_start3A_541 = arith.constant 7 : i32
      %dma_start3A_542 = arith.constant 0 : i32
      %dma_start3A_543 = arith.constant 0 : i32
      %dma_start3A_544 = tpu.memref_slice %arg9[%dma_start3A_540, %dma_start3A_541, %dma_start3A_542, %dma_start3A_543] : memref<2x8x128x32xf32, #tpu.memory_space<vmem>> -> memref<1x1x128x32xf32, #tpu.memory_space<vmem>>
      %dma_start3A_545 = tpu.memref_squeeze %dma_start3A_544 : memref<1x1x128x32xf32, #tpu.memory_space<vmem>> -> memref<128x32xf32, #tpu.memory_space<vmem>>
      %dma_start3A_546 = arith.constant 0 : i32
      %dma_start3A_547 = tpu.memref_slice %arg8[%add3A_539, %dma_start3A_546] : memref<80x128xi32, #tpu.memory_space<vmem>> -> memref<1x128xi32, #tpu.memory_space<vmem>>
      %dma_start3A_548 = tpu.memref_squeeze %dma_start3A_547 : memref<1x128xi32, #tpu.memory_space<vmem>> -> memref<128xi32, #tpu.memory_space<vmem>>
      %dma_start3A_549 = arith.constant 0 : i32
      %dma_start3A_550 = arith.constant 0 : i32
      %dma_start3A_551 = tpu.memref_slice %arg10[%dma_start3A_549, %dma_start3A_550] : memref<10112x32xf32, #tpu.memory_space<vmem_shared>> -> memref<10112x32xf32, #tpu.memory_space<vmem_shared>>
      tpu.enqueue_indirect_dma source(%dma_start3A_545 : memref<128x32xf32, #tpu.memory_space<vmem>>) target(%dma_start3A_551 : memref<10112x32xf32, #tpu.memory_space<vmem_shared>>) offsets(%dma_start3A_548 : memref<128xi32, #tpu.memory_space<vmem>>) semaphore(%arg13 : memref<!tpu.dma_semaphore, #tpu.memory_space<semaphore_mem>>) {add = true}
      %dma_wait3A_552 = arith.constant 0 : i32
      %dma_wait3A_553 = arith.constant 1 : i32
      %dma_wait3A_554 = arith.constant 0 : i32
      %dma_wait3A_555 = arith.constant 0 : i32
      %dma_wait3A_556 = arith.constant 0 : i32
      %dma_wait3A_557 = tpu.memref_slice %arg9[%dma_wait3A_553, %dma_wait3A_554, %dma_wait3A_555, %dma_wait3A_556] : memref<2x8x128x32xf32, #tpu.memory_space<vmem>> -> memref<1x1x128x32xf32, #tpu.memory_space<vmem>>
      %dma_wait3A_558 = tpu.memref_squeeze %dma_wait3A_557 : memref<1x1x128x32xf32, #tpu.memory_space<vmem>> -> memref<128x32xf32, #tpu.memory_space<vmem>>
      %dma_wait3A_559 = arith.constant 0 : i32
      %dma_wait3A_560 = tpu.memref_slice %arg7[%dma_wait3A_552, %dma_wait3A_559] : memref<80x128xi32, #tpu.memory_space<vmem>> -> memref<1x128xi32, #tpu.memory_space<vmem>>
      %dma_wait3A_561 = tpu.memref_squeeze %dma_wait3A_560 : memref<1x128xi32, #tpu.memory_space<vmem>> -> memref<128xi32, #tpu.memory_space<vmem>>
      %dma_wait3A_562 = arith.constant 0 : i32
      %dma_wait3A_563 = arith.constant 0 : i32
      %dma_wait3A_564 = tpu.memref_slice %arg2[%dma_wait3A_562, %dma_wait3A_563] : memref<10112x32xf32, #tpu.memory_space<hbm>> -> memref<10112x32xf32, #tpu.memory_space<hbm>>
      tpu.wait_indirect_dma semaphore(%arg12 : memref<!tpu.dma_semaphore, #tpu.memory_space<semaphore_mem>>) src(%dma_wait3A_564 : memref<10112x32xf32, #tpu.memory_space<hbm>>) dst(%dma_wait3A_558 : memref<128x32xf32, #tpu.memory_space<vmem>>)
      %dma_wait3A_565 = arith.constant 0 : i32
      %dma_wait3A_566 = arith.constant 1 : i32
      %dma_wait3A_567 = arith.constant 1 : i32
      %dma_wait3A_568 = arith.constant 0 : i32
      %dma_wait3A_569 = arith.constant 0 : i32
      %dma_wait3A_570 = tpu.memref_slice %arg9[%dma_wait3A_566, %dma_wait3A_567, %dma_wait3A_568, %dma_wait3A_569] : memref<2x8x128x32xf32, #tpu.memory_space<vmem>> -> memref<1x1x128x32xf32, #tpu.memory_space<vmem>>
      %dma_wait3A_571 = tpu.memref_squeeze %dma_wait3A_570 : memref<1x1x128x32xf32, #tpu.memory_space<vmem>> -> memref<128x32xf32, #tpu.memory_space<vmem>>
      %dma_wait3A_572 = arith.constant 0 : i32
      %dma_wait3A_573 = tpu.memref_slice %arg7[%dma_wait3A_565, %dma_wait3A_572] : memref<80x128xi32, #tpu.memory_space<vmem>> -> memref<1x128xi32, #tpu.memory_space<vmem>>
      %dma_wait3A_574 = tpu.memref_squeeze %dma_wait3A_573 : memref<1x128xi32, #tpu.memory_space<vmem>> -> memref<128xi32, #tpu.memory_space<vmem>>
      %dma_wait3A_575 = arith.constant 0 : i32
      %dma_wait3A_576 = arith.constant 0 : i32
      %dma_wait3A_577 = tpu.memref_slice %arg2[%dma_wait3A_575, %dma_wait3A_576] : memref<10112x32xf32, #tpu.memory_space<hbm>> -> memref<10112x32xf32, #tpu.memory_space<hbm>>
      tpu.wait_indirect_dma semaphore(%arg12 : memref<!tpu.dma_semaphore, #tpu.memory_space<semaphore_mem>>) src(%dma_wait3A_577 : memref<10112x32xf32, #tpu.memory_space<hbm>>) dst(%dma_wait3A_571 : memref<128x32xf32, #tpu.memory_space<vmem>>)
      %dma_wait3A_578 = arith.constant 0 : i32
      %dma_wait3A_579 = arith.constant 1 : i32
      %dma_wait3A_580 = arith.constant 2 : i32
      %dma_wait3A_581 = arith.constant 0 : i32
      %dma_wait3A_582 = arith.constant 0 : i32
      %dma_wait3A_583 = tpu.memref_slice %arg9[%dma_wait3A_579, %dma_wait3A_580, %dma_wait3A_581, %dma_wait3A_582] : memref<2x8x128x32xf32, #tpu.memory_space<vmem>> -> memref<1x1x128x32xf32, #tpu.memory_space<vmem>>
      %dma_wait3A_584 = tpu.memref_squeeze %dma_wait3A_583 : memref<1x1x128x32xf32, #tpu.memory_space<vmem>> -> memref<128x32xf32, #tpu.memory_space<vmem>>
      %dma_wait3A_585 = arith.constant 0 : i32
      %dma_wait3A_586 = tpu.memref_slice %arg7[%dma_wait3A_578, %dma_wait3A_585] : memref<80x128xi32, #tpu.memory_space<vmem>> -> memref<1x128xi32, #tpu.memory_space<vmem>>
      %dma_wait3A_587 = tpu.memref_squeeze %dma_wait3A_586 : memref<1x128xi32, #tpu.memory_space<vmem>> -> memref<128xi32, #tpu.memory_space<vmem>>
      %dma_wait3A_588 = arith.constant 0 : i32
      %dma_wait3A_589 = arith.constant 0 : i32
      %dma_wait3A_590 = tpu.memref_slice %arg2[%dma_wait3A_588, %dma_wait3A_589] : memref<10112x32xf32, #tpu.memory_space<hbm>> -> memref<10112x32xf32, #tpu.memory_space<hbm>>
      tpu.wait_indirect_dma semaphore(%arg12 : memref<!tpu.dma_semaphore, #tpu.memory_space<semaphore_mem>>) src(%dma_wait3A_590 : memref<10112x32xf32, #tpu.memory_space<hbm>>) dst(%dma_wait3A_584 : memref<128x32xf32, #tpu.memory_space<vmem>>)
      %dma_wait3A_591 = arith.constant 0 : i32
      %dma_wait3A_592 = arith.constant 1 : i32
      %dma_wait3A_593 = arith.constant 3 : i32
      %dma_wait3A_594 = arith.constant 0 : i32
      %dma_wait3A_595 = arith.constant 0 : i32
      %dma_wait3A_596 = tpu.memref_slice %arg9[%dma_wait3A_592, %dma_wait3A_593, %dma_wait3A_594, %dma_wait3A_595] : memref<2x8x128x32xf32, #tpu.memory_space<vmem>> -> memref<1x1x128x32xf32, #tpu.memory_space<vmem>>
      %dma_wait3A_597 = tpu.memref_squeeze %dma_wait3A_596 : memref<1x1x128x32xf32, #tpu.memory_space<vmem>> -> memref<128x32xf32, #tpu.memory_space<vmem>>
      %dma_wait3A_598 = arith.constant 0 : i32
      %dma_wait3A_599 = tpu.memref_slice %arg7[%dma_wait3A_591, %dma_wait3A_598] : memref<80x128xi32, #tpu.memory_space<vmem>> -> memref<1x128xi32, #tpu.memory_space<vmem>>
      %dma_wait3A_600 = tpu.memref_squeeze %dma_wait3A_599 : memref<1x128xi32, #tpu.memory_space<vmem>> -> memref<128xi32, #tpu.memory_space<vmem>>
      %dma_wait3A_601 = arith.constant 0 : i32
      %dma_wait3A_602 = arith.constant 0 : i32
      %dma_wait3A_603 = tpu.memref_slice %arg2[%dma_wait3A_601, %dma_wait3A_602] : memref<10112x32xf32, #tpu.memory_space<hbm>> -> memref<10112x32xf32, #tpu.memory_space<hbm>>
      tpu.wait_indirect_dma semaphore(%arg12 : memref<!tpu.dma_semaphore, #tpu.memory_space<semaphore_mem>>) src(%dma_wait3A_603 : memref<10112x32xf32, #tpu.memory_space<hbm>>) dst(%dma_wait3A_597 : memref<128x32xf32, #tpu.memory_space<vmem>>)
      %dma_wait3A_604 = arith.constant 0 : i32
      %dma_wait3A_605 = arith.constant 1 : i32
      %dma_wait3A_606 = arith.constant 4 : i32
      %dma_wait3A_607 = arith.constant 0 : i32
      %dma_wait3A_608 = arith.constant 0 : i32
      %dma_wait3A_609 = tpu.memref_slice %arg9[%dma_wait3A_605, %dma_wait3A_606, %dma_wait3A_607, %dma_wait3A_608] : memref<2x8x128x32xf32, #tpu.memory_space<vmem>> -> memref<1x1x128x32xf32, #tpu.memory_space<vmem>>
      %dma_wait3A_610 = tpu.memref_squeeze %dma_wait3A_609 : memref<1x1x128x32xf32, #tpu.memory_space<vmem>> -> memref<128x32xf32, #tpu.memory_space<vmem>>
      %dma_wait3A_611 = arith.constant 0 : i32
      %dma_wait3A_612 = tpu.memref_slice %arg7[%dma_wait3A_604, %dma_wait3A_611] : memref<80x128xi32, #tpu.memory_space<vmem>> -> memref<1x128xi32, #tpu.memory_space<vmem>>
      %dma_wait3A_613 = tpu.memref_squeeze %dma_wait3A_612 : memref<1x128xi32, #tpu.memory_space<vmem>> -> memref<128xi32, #tpu.memory_space<vmem>>
      %dma_wait3A_614 = arith.constant 0 : i32
      %dma_wait3A_615 = arith.constant 0 : i32
      %dma_wait3A_616 = tpu.memref_slice %arg2[%dma_wait3A_614, %dma_wait3A_615] : memref<10112x32xf32, #tpu.memory_space<hbm>> -> memref<10112x32xf32, #tpu.memory_space<hbm>>
      tpu.wait_indirect_dma semaphore(%arg12 : memref<!tpu.dma_semaphore, #tpu.memory_space<semaphore_mem>>) src(%dma_wait3A_616 : memref<10112x32xf32, #tpu.memory_space<hbm>>) dst(%dma_wait3A_610 : memref<128x32xf32, #tpu.memory_space<vmem>>)
      %dma_wait3A_617 = arith.constant 0 : i32
      %dma_wait3A_618 = arith.constant 1 : i32
      %dma_wait3A_619 = arith.constant 5 : i32
      %dma_wait3A_620 = arith.constant 0 : i32
      %dma_wait3A_621 = arith.constant 0 : i32
      %dma_wait3A_622 = tpu.memref_slice %arg9[%dma_wait3A_618, %dma_wait3A_619, %dma_wait3A_620, %dma_wait3A_621] : memref<2x8x128x32xf32, #tpu.memory_space<vmem>> -> memref<1x1x128x32xf32, #tpu.memory_space<vmem>>
      %dma_wait3A_623 = tpu.memref_squeeze %dma_wait3A_622 : memref<1x1x128x32xf32, #tpu.memory_space<vmem>> -> memref<128x32xf32, #tpu.memory_space<vmem>>
      %dma_wait3A_624 = arith.constant 0 : i32
      %dma_wait3A_625 = tpu.memref_slice %arg7[%dma_wait3A_617, %dma_wait3A_624] : memref<80x128xi32, #tpu.memory_space<vmem>> -> memref<1x128xi32, #tpu.memory_space<vmem>>
      %dma_wait3A_626 = tpu.memref_squeeze %dma_wait3A_625 : memref<1x128xi32, #tpu.memory_space<vmem>> -> memref<128xi32, #tpu.memory_space<vmem>>
      %dma_wait3A_627 = arith.constant 0 : i32
      %dma_wait3A_628 = arith.constant 0 : i32
      %dma_wait3A_629 = tpu.memref_slice %arg2[%dma_wait3A_627, %dma_wait3A_628] : memref<10112x32xf32, #tpu.memory_space<hbm>> -> memref<10112x32xf32, #tpu.memory_space<hbm>>
      tpu.wait_indirect_dma semaphore(%arg12 : memref<!tpu.dma_semaphore, #tpu.memory_space<semaphore_mem>>) src(%dma_wait3A_629 : memref<10112x32xf32, #tpu.memory_space<hbm>>) dst(%dma_wait3A_623 : memref<128x32xf32, #tpu.memory_space<vmem>>)
      %dma_wait3A_630 = arith.constant 0 : i32
      %dma_wait3A_631 = arith.constant 1 : i32
      %dma_wait3A_632 = arith.constant 6 : i32
      %dma_wait3A_633 = arith.constant 0 : i32
      %dma_wait3A_634 = arith.constant 0 : i32
      %dma_wait3A_635 = tpu.memref_slice %arg9[%dma_wait3A_631, %dma_wait3A_632, %dma_wait3A_633, %dma_wait3A_634] : memref<2x8x128x32xf32, #tpu.memory_space<vmem>> -> memref<1x1x128x32xf32, #tpu.memory_space<vmem>>
      %dma_wait3A_636 = tpu.memref_squeeze %dma_wait3A_635 : memref<1x1x128x32xf32, #tpu.memory_space<vmem>> -> memref<128x32xf32, #tpu.memory_space<vmem>>
      %dma_wait3A_637 = arith.constant 0 : i32
      %dma_wait3A_638 = tpu.memref_slice %arg7[%dma_wait3A_630, %dma_wait3A_637] : memref<80x128xi32, #tpu.memory_space<vmem>> -> memref<1x128xi32, #tpu.memory_space<vmem>>
      %dma_wait3A_639 = tpu.memref_squeeze %dma_wait3A_638 : memref<1x128xi32, #tpu.memory_space<vmem>> -> memref<128xi32, #tpu.memory_space<vmem>>
      %dma_wait3A_640 = arith.constant 0 : i32
      %dma_wait3A_641 = arith.constant 0 : i32
      %dma_wait3A_642 = tpu.memref_slice %arg2[%dma_wait3A_640, %dma_wait3A_641] : memref<10112x32xf32, #tpu.memory_space<hbm>> -> memref<10112x32xf32, #tpu.memory_space<hbm>>
      tpu.wait_indirect_dma semaphore(%arg12 : memref<!tpu.dma_semaphore, #tpu.memory_space<semaphore_mem>>) src(%dma_wait3A_642 : memref<10112x32xf32, #tpu.memory_space<hbm>>) dst(%dma_wait3A_636 : memref<128x32xf32, #tpu.memory_space<vmem>>)
      %dma_wait3A_643 = arith.constant 0 : i32
      %dma_wait3A_644 = arith.constant 1 : i32
      %dma_wait3A_645 = arith.constant 7 : i32
      %dma_wait3A_646 = arith.constant 0 : i32
      %dma_wait3A_647 = arith.constant 0 : i32
      %dma_wait3A_648 = tpu.memref_slice %arg9[%dma_wait3A_644, %dma_wait3A_645, %dma_wait3A_646, %dma_wait3A_647] : memref<2x8x128x32xf32, #tpu.memory_space<vmem>> -> memref<1x1x128x32xf32, #tpu.memory_space<vmem>>
      %dma_wait3A_649 = tpu.memref_squeeze %dma_wait3A_648 : memref<1x1x128x32xf32, #tpu.memory_space<vmem>> -> memref<128x32xf32, #tpu.memory_space<vmem>>
      %dma_wait3A_650 = arith.constant 0 : i32
      %dma_wait3A_651 = tpu.memref_slice %arg7[%dma_wait3A_643, %dma_wait3A_650] : memref<80x128xi32, #tpu.memory_space<vmem>> -> memref<1x128xi32, #tpu.memory_space<vmem>>
      %dma_wait3A_652 = tpu.memref_squeeze %dma_wait3A_651 : memref<1x128xi32, #tpu.memory_space<vmem>> -> memref<128xi32, #tpu.memory_space<vmem>>
      %dma_wait3A_653 = arith.constant 0 : i32
      %dma_wait3A_654 = arith.constant 0 : i32
      %dma_wait3A_655 = tpu.memref_slice %arg2[%dma_wait3A_653, %dma_wait3A_654] : memref<10112x32xf32, #tpu.memory_space<hbm>> -> memref<10112x32xf32, #tpu.memory_space<hbm>>
      tpu.wait_indirect_dma semaphore(%arg12 : memref<!tpu.dma_semaphore, #tpu.memory_space<semaphore_mem>>) src(%dma_wait3A_655 : memref<10112x32xf32, #tpu.memory_space<hbm>>) dst(%dma_wait3A_649 : memref<128x32xf32, #tpu.memory_space<vmem>>)
      %dma_wait3A_656 = arith.constant 0 : i32
      %dma_wait3A_657 = arith.constant 0 : i32
      %dma_wait3A_658 = arith.constant 0 : i32
      %dma_wait3A_659 = arith.constant 0 : i32
      %dma_wait3A_660 = arith.constant 0 : i32
      %dma_wait3A_661 = tpu.memref_slice %arg9[%dma_wait3A_656, %dma_wait3A_657, %dma_wait3A_659, %dma_wait3A_660] : memref<2x8x128x32xf32, #tpu.memory_space<vmem>> -> memref<1x1x128x32xf32, #tpu.memory_space<vmem>>
      %dma_wait3A_662 = tpu.memref_squeeze %dma_wait3A_661 : memref<1x1x128x32xf32, #tpu.memory_space<vmem>> -> memref<128x32xf32, #tpu.memory_space<vmem>>
      %dma_wait3A_663 = arith.constant 0 : i32
      %dma_wait3A_664 = tpu.memref_slice %arg8[%dma_wait3A_658, %dma_wait3A_663] : memref<80x128xi32, #tpu.memory_space<vmem>> -> memref<1x128xi32, #tpu.memory_space<vmem>>
      %dma_wait3A_665 = tpu.memref_squeeze %dma_wait3A_664 : memref<1x128xi32, #tpu.memory_space<vmem>> -> memref<128xi32, #tpu.memory_space<vmem>>
      %dma_wait3A_666 = arith.constant 0 : i32
      %dma_wait3A_667 = arith.constant 0 : i32
      %dma_wait3A_668 = tpu.memref_slice %arg10[%dma_wait3A_666, %dma_wait3A_667] : memref<10112x32xf32, #tpu.memory_space<vmem_shared>> -> memref<10112x32xf32, #tpu.memory_space<vmem_shared>>
      tpu.wait_indirect_dma semaphore(%arg13 : memref<!tpu.dma_semaphore, #tpu.memory_space<semaphore_mem>>) src(%dma_wait3A_662 : memref<128x32xf32, #tpu.memory_space<vmem>>) dst(%dma_wait3A_668 : memref<10112x32xf32, #tpu.memory_space<vmem_shared>>)
      %dma_wait3A_669 = arith.constant 0 : i32
      %dma_wait3A_670 = arith.constant 1 : i32
      %dma_wait3A_671 = arith.constant 0 : i32
      %dma_wait3A_672 = arith.constant 0 : i32
      %dma_wait3A_673 = arith.constant 0 : i32
      %dma_wait3A_674 = tpu.memref_slice %arg9[%dma_wait3A_669, %dma_wait3A_670, %dma_wait3A_672, %dma_wait3A_673] : memref<2x8x128x32xf32, #tpu.memory_space<vmem>> -> memref<1x1x128x32xf32, #tpu.memory_space<vmem>>
      %dma_wait3A_675 = tpu.memref_squeeze %dma_wait3A_674 : memref<1x1x128x32xf32, #tpu.memory_space<vmem>> -> memref<128x32xf32, #tpu.memory_space<vmem>>
      %dma_wait3A_676 = arith.constant 0 : i32
      %dma_wait3A_677 = tpu.memref_slice %arg8[%dma_wait3A_671, %dma_wait3A_676] : memref<80x128xi32, #tpu.memory_space<vmem>> -> memref<1x128xi32, #tpu.memory_space<vmem>>
      %dma_wait3A_678 = tpu.memref_squeeze %dma_wait3A_677 : memref<1x128xi32, #tpu.memory_space<vmem>> -> memref<128xi32, #tpu.memory_space<vmem>>
      %dma_wait3A_679 = arith.constant 0 : i32
      %dma_wait3A_680 = arith.constant 0 : i32
      %dma_wait3A_681 = tpu.memref_slice %arg10[%dma_wait3A_679, %dma_wait3A_680] : memref<10112x32xf32, #tpu.memory_space<vmem_shared>> -> memref<10112x32xf32, #tpu.memory_space<vmem_shared>>
      tpu.wait_indirect_dma semaphore(%arg13 : memref<!tpu.dma_semaphore, #tpu.memory_space<semaphore_mem>>) src(%dma_wait3A_675 : memref<128x32xf32, #tpu.memory_space<vmem>>) dst(%dma_wait3A_681 : memref<10112x32xf32, #tpu.memory_space<vmem_shared>>)
      %dma_wait3A_682 = arith.constant 0 : i32
      %dma_wait3A_683 = arith.constant 2 : i32
      %dma_wait3A_684 = arith.constant 0 : i32
      %dma_wait3A_685 = arith.constant 0 : i32
      %dma_wait3A_686 = arith.constant 0 : i32
      %dma_wait3A_687 = tpu.memref_slice %arg9[%dma_wait3A_682, %dma_wait3A_683, %dma_wait3A_685, %dma_wait3A_686] : memref<2x8x128x32xf32, #tpu.memory_space<vmem>> -> memref<1x1x128x32xf32, #tpu.memory_space<vmem>>
      %dma_wait3A_688 = tpu.memref_squeeze %dma_wait3A_687 : memref<1x1x128x32xf32, #tpu.memory_space<vmem>> -> memref<128x32xf32, #tpu.memory_space<vmem>>
      %dma_wait3A_689 = arith.constant 0 : i32
      %dma_wait3A_690 = tpu.memref_slice %arg8[%dma_wait3A_684, %dma_wait3A_689] : memref<80x128xi32, #tpu.memory_space<vmem>> -> memref<1x128xi32, #tpu.memory_space<vmem>>
      %dma_wait3A_691 = tpu.memref_squeeze %dma_wait3A_690 : memref<1x128xi32, #tpu.memory_space<vmem>> -> memref<128xi32, #tpu.memory_space<vmem>>
      %dma_wait3A_692 = arith.constant 0 : i32
      %dma_wait3A_693 = arith.constant 0 : i32
      %dma_wait3A_694 = tpu.memref_slice %arg10[%dma_wait3A_692, %dma_wait3A_693] : memref<10112x32xf32, #tpu.memory_space<vmem_shared>> -> memref<10112x32xf32, #tpu.memory_space<vmem_shared>>
      tpu.wait_indirect_dma semaphore(%arg13 : memref<!tpu.dma_semaphore, #tpu.memory_space<semaphore_mem>>) src(%dma_wait3A_688 : memref<128x32xf32, #tpu.memory_space<vmem>>) dst(%dma_wait3A_694 : memref<10112x32xf32, #tpu.memory_space<vmem_shared>>)
      %dma_wait3A_695 = arith.constant 0 : i32
      %dma_wait3A_696 = arith.constant 3 : i32
      %dma_wait3A_697 = arith.constant 0 : i32
      %dma_wait3A_698 = arith.constant 0 : i32
      %dma_wait3A_699 = arith.constant 0 : i32
      %dma_wait3A_700 = tpu.memref_slice %arg9[%dma_wait3A_695, %dma_wait3A_696, %dma_wait3A_698, %dma_wait3A_699] : memref<2x8x128x32xf32, #tpu.memory_space<vmem>> -> memref<1x1x128x32xf32, #tpu.memory_space<vmem>>
      %dma_wait3A_701 = tpu.memref_squeeze %dma_wait3A_700 : memref<1x1x128x32xf32, #tpu.memory_space<vmem>> -> memref<128x32xf32, #tpu.memory_space<vmem>>
      %dma_wait3A_702 = arith.constant 0 : i32
      %dma_wait3A_703 = tpu.memref_slice %arg8[%dma_wait3A_697, %dma_wait3A_702] : memref<80x128xi32, #tpu.memory_space<vmem>> -> memref<1x128xi32, #tpu.memory_space<vmem>>
      %dma_wait3A_704 = tpu.memref_squeeze %dma_wait3A_703 : memref<1x128xi32, #tpu.memory_space<vmem>> -> memref<128xi32, #tpu.memory_space<vmem>>
      %dma_wait3A_705 = arith.constant 0 : i32
      %dma_wait3A_706 = arith.constant 0 : i32
      %dma_wait3A_707 = tpu.memref_slice %arg10[%dma_wait3A_705, %dma_wait3A_706] : memref<10112x32xf32, #tpu.memory_space<vmem_shared>> -> memref<10112x32xf32, #tpu.memory_space<vmem_shared>>
      tpu.wait_indirect_dma semaphore(%arg13 : memref<!tpu.dma_semaphore, #tpu.memory_space<semaphore_mem>>) src(%dma_wait3A_701 : memref<128x32xf32, #tpu.memory_space<vmem>>) dst(%dma_wait3A_707 : memref<10112x32xf32, #tpu.memory_space<vmem_shared>>)
      %dma_wait3A_708 = arith.constant 0 : i32
      %dma_wait3A_709 = arith.constant 4 : i32
      %dma_wait3A_710 = arith.constant 0 : i32
      %dma_wait3A_711 = arith.constant 0 : i32
      %dma_wait3A_712 = arith.constant 0 : i32
      %dma_wait3A_713 = tpu.memref_slice %arg9[%dma_wait3A_708, %dma_wait3A_709, %dma_wait3A_711, %dma_wait3A_712] : memref<2x8x128x32xf32, #tpu.memory_space<vmem>> -> memref<1x1x128x32xf32, #tpu.memory_space<vmem>>
      %dma_wait3A_714 = tpu.memref_squeeze %dma_wait3A_713 : memref<1x1x128x32xf32, #tpu.memory_space<vmem>> -> memref<128x32xf32, #tpu.memory_space<vmem>>
      %dma_wait3A_715 = arith.constant 0 : i32
      %dma_wait3A_716 = tpu.memref_slice %arg8[%dma_wait3A_710, %dma_wait3A_715] : memref<80x128xi32, #tpu.memory_space<vmem>> -> memref<1x128xi32, #tpu.memory_space<vmem>>
      %dma_wait3A_717 = tpu.memref_squeeze %dma_wait3A_716 : memref<1x128xi32, #tpu.memory_space<vmem>> -> memref<128xi32, #tpu.memory_space<vmem>>
      %dma_wait3A_718 = arith.constant 0 : i32
      %dma_wait3A_719 = arith.constant 0 : i32
      %dma_wait3A_720 = tpu.memref_slice %arg10[%dma_wait3A_718, %dma_wait3A_719] : memref<10112x32xf32, #tpu.memory_space<vmem_shared>> -> memref<10112x32xf32, #tpu.memory_space<vmem_shared>>
      tpu.wait_indirect_dma semaphore(%arg13 : memref<!tpu.dma_semaphore, #tpu.memory_space<semaphore_mem>>) src(%dma_wait3A_714 : memref<128x32xf32, #tpu.memory_space<vmem>>) dst(%dma_wait3A_720 : memref<10112x32xf32, #tpu.memory_space<vmem_shared>>)
      %dma_wait3A_721 = arith.constant 0 : i32
      %dma_wait3A_722 = arith.constant 5 : i32
      %dma_wait3A_723 = arith.constant 0 : i32
      %dma_wait3A_724 = arith.constant 0 : i32
      %dma_wait3A_725 = arith.constant 0 : i32
      %dma_wait3A_726 = tpu.memref_slice %arg9[%dma_wait3A_721, %dma_wait3A_722, %dma_wait3A_724, %dma_wait3A_725] : memref<2x8x128x32xf32, #tpu.memory_space<vmem>> -> memref<1x1x128x32xf32, #tpu.memory_space<vmem>>
      %dma_wait3A_727 = tpu.memref_squeeze %dma_wait3A_726 : memref<1x1x128x32xf32, #tpu.memory_space<vmem>> -> memref<128x32xf32, #tpu.memory_space<vmem>>
      %dma_wait3A_728 = arith.constant 0 : i32
      %dma_wait3A_729 = tpu.memref_slice %arg8[%dma_wait3A_723, %dma_wait3A_728] : memref<80x128xi32, #tpu.memory_space<vmem>> -> memref<1x128xi32, #tpu.memory_space<vmem>>
      %dma_wait3A_730 = tpu.memref_squeeze %dma_wait3A_729 : memref<1x128xi32, #tpu.memory_space<vmem>> -> memref<128xi32, #tpu.memory_space<vmem>>
      %dma_wait3A_731 = arith.constant 0 : i32
      %dma_wait3A_732 = arith.constant 0 : i32
      %dma_wait3A_733 = tpu.memref_slice %arg10[%dma_wait3A_731, %dma_wait3A_732] : memref<10112x32xf32, #tpu.memory_space<vmem_shared>> -> memref<10112x32xf32, #tpu.memory_space<vmem_shared>>
      tpu.wait_indirect_dma semaphore(%arg13 : memref<!tpu.dma_semaphore, #tpu.memory_space<semaphore_mem>>) src(%dma_wait3A_727 : memref<128x32xf32, #tpu.memory_space<vmem>>) dst(%dma_wait3A_733 : memref<10112x32xf32, #tpu.memory_space<vmem_shared>>)
      %dma_wait3A_734 = arith.constant 0 : i32
      %dma_wait3A_735 = arith.constant 6 : i32
      %dma_wait3A_736 = arith.constant 0 : i32
      %dma_wait3A_737 = arith.constant 0 : i32
      %dma_wait3A_738 = arith.constant 0 : i32
      %dma_wait3A_739 = tpu.memref_slice %arg9[%dma_wait3A_734, %dma_wait3A_735, %dma_wait3A_737, %dma_wait3A_738] : memref<2x8x128x32xf32, #tpu.memory_space<vmem>> -> memref<1x1x128x32xf32, #tpu.memory_space<vmem>>
      %dma_wait3A_740 = tpu.memref_squeeze %dma_wait3A_739 : memref<1x1x128x32xf32, #tpu.memory_space<vmem>> -> memref<128x32xf32, #tpu.memory_space<vmem>>
      %dma_wait3A_741 = arith.constant 0 : i32
      %dma_wait3A_742 = tpu.memref_slice %arg8[%dma_wait3A_736, %dma_wait3A_741] : memref<80x128xi32, #tpu.memory_space<vmem>> -> memref<1x128xi32, #tpu.memory_space<vmem>>
      %dma_wait3A_743 = tpu.memref_squeeze %dma_wait3A_742 : memref<1x128xi32, #tpu.memory_space<vmem>> -> memref<128xi32, #tpu.memory_space<vmem>>
      %dma_wait3A_744 = arith.constant 0 : i32
      %dma_wait3A_745 = arith.constant 0 : i32
      %dma_wait3A_746 = tpu.memref_slice %arg10[%dma_wait3A_744, %dma_wait3A_745] : memref<10112x32xf32, #tpu.memory_space<vmem_shared>> -> memref<10112x32xf32, #tpu.memory_space<vmem_shared>>
      tpu.wait_indirect_dma semaphore(%arg13 : memref<!tpu.dma_semaphore, #tpu.memory_space<semaphore_mem>>) src(%dma_wait3A_740 : memref<128x32xf32, #tpu.memory_space<vmem>>) dst(%dma_wait3A_746 : memref<10112x32xf32, #tpu.memory_space<vmem_shared>>)
      %dma_wait3A_747 = arith.constant 0 : i32
      %dma_wait3A_748 = arith.constant 7 : i32
      %dma_wait3A_749 = arith.constant 0 : i32
      %dma_wait3A_750 = arith.constant 0 : i32
      %dma_wait3A_751 = arith.constant 0 : i32
      %dma_wait3A_752 = tpu.memref_slice %arg9[%dma_wait3A_747, %dma_wait3A_748, %dma_wait3A_750, %dma_wait3A_751] : memref<2x8x128x32xf32, #tpu.memory_space<vmem>> -> memref<1x1x128x32xf32, #tpu.memory_space<vmem>>
      %dma_wait3A_753 = tpu.memref_squeeze %dma_wait3A_752 : memref<1x1x128x32xf32, #tpu.memory_space<vmem>> -> memref<128x32xf32, #tpu.memory_space<vmem>>
      %dma_wait3A_754 = arith.constant 0 : i32
      %dma_wait3A_755 = tpu.memref_slice %arg8[%dma_wait3A_749, %dma_wait3A_754] : memref<80x128xi32, #tpu.memory_space<vmem>> -> memref<1x128xi32, #tpu.memory_space<vmem>>
      %dma_wait3A_756 = tpu.memref_squeeze %dma_wait3A_755 : memref<1x128xi32, #tpu.memory_space<vmem>> -> memref<128xi32, #tpu.memory_space<vmem>>
      %dma_wait3A_757 = arith.constant 0 : i32
      %dma_wait3A_758 = arith.constant 0 : i32
      %dma_wait3A_759 = tpu.memref_slice %arg10[%dma_wait3A_757, %dma_wait3A_758] : memref<10112x32xf32, #tpu.memory_space<vmem_shared>> -> memref<10112x32xf32, #tpu.memory_space<vmem_shared>>
      tpu.wait_indirect_dma semaphore(%arg13 : memref<!tpu.dma_semaphore, #tpu.memory_space<semaphore_mem>>) src(%dma_wait3A_753 : memref<128x32xf32, #tpu.memory_space<vmem>>) dst(%dma_wait3A_759 : memref<10112x32xf32, #tpu.memory_space<vmem_shared>>)
      %add3A_760 = arith.constant 1 : i32
      %add3A_761 = arith.addi %scan3A_215, %add3A_760 : i32
      %lt3A = arith.constant 5 : i32
      %lt3A_762 = arith.cmpi slt, %add3A_761, %lt3A : i32
      %convert_element_type3A_763 = arith.extui %lt3A_762 : i1 to i32
      %cond3A_764 = arith.constant 0 : i32
      %cond3A_765 = arith.cmpi ne, %convert_element_type3A_763, %cond3A_764 : i32
      scf.if %cond3A_765 {
        %add3A_878 = arith.constant 16 : i32
        %add3A_879 = arith.addi %mul3A_219, %add3A_878 : i32
        %add3A_880 = arith.constant 0 : i32
        %add3A_881 = arith.addi %add3A_879, %add3A_880 : i32
        %dma_start3A_882 = arith.constant 0 : i32
        %dma_start3A_883 = arith.constant 0 : i32
        %dma_start3A_884 = arith.constant 0 : i32
        %dma_start3A_885 = arith.constant 0 : i32
        %dma_start3A_886 = tpu.memref_slice %arg9[%dma_start3A_882, %dma_start3A_883, %dma_start3A_884, %dma_start3A_885] : memref<2x8x128x32xf32, #tpu.memory_space<vmem>> -> memref<1x1x128x32xf32, #tpu.memory_space<vmem>>
        %dma_start3A_887 = tpu.memref_squeeze %dma_start3A_886 : memref<1x1x128x32xf32, #tpu.memory_space<vmem>> -> memref<128x32xf32, #tpu.memory_space<vmem>>
        %dma_start3A_888 = arith.constant 0 : i32
        %dma_start3A_889 = tpu.memref_slice %arg7[%add3A_881, %dma_start3A_888] : memref<80x128xi32, #tpu.memory_space<vmem>> -> memref<1x128xi32, #tpu.memory_space<vmem>>
        %dma_start3A_890 = tpu.memref_squeeze %dma_start3A_889 : memref<1x128xi32, #tpu.memory_space<vmem>> -> memref<128xi32, #tpu.memory_space<vmem>>
        %dma_start3A_891 = arith.constant 0 : i32
        %dma_start3A_892 = arith.constant 0 : i32
        %dma_start3A_893 = tpu.memref_slice %arg2[%dma_start3A_891, %dma_start3A_892] : memref<10112x32xf32, #tpu.memory_space<hbm>> -> memref<10112x32xf32, #tpu.memory_space<hbm>>
        tpu.enqueue_indirect_dma source(%dma_start3A_893 : memref<10112x32xf32, #tpu.memory_space<hbm>>) target(%dma_start3A_887 : memref<128x32xf32, #tpu.memory_space<vmem>>) offsets(%dma_start3A_890 : memref<128xi32, #tpu.memory_space<vmem>>) semaphore(%arg11 : memref<!tpu.dma_semaphore, #tpu.memory_space<semaphore_mem>>)
        %add3A_894 = arith.constant 1 : i32
        %add3A_895 = arith.addi %add3A_879, %add3A_894 : i32
        %dma_start3A_896 = arith.constant 0 : i32
        %dma_start3A_897 = arith.constant 1 : i32
        %dma_start3A_898 = arith.constant 0 : i32
        %dma_start3A_899 = arith.constant 0 : i32
        %dma_start3A_900 = tpu.memref_slice %arg9[%dma_start3A_896, %dma_start3A_897, %dma_start3A_898, %dma_start3A_899] : memref<2x8x128x32xf32, #tpu.memory_space<vmem>> -> memref<1x1x128x32xf32, #tpu.memory_space<vmem>>
        %dma_start3A_901 = tpu.memref_squeeze %dma_start3A_900 : memref<1x1x128x32xf32, #tpu.memory_space<vmem>> -> memref<128x32xf32, #tpu.memory_space<vmem>>
        %dma_start3A_902 = arith.constant 0 : i32
        %dma_start3A_903 = tpu.memref_slice %arg7[%add3A_895, %dma_start3A_902] : memref<80x128xi32, #tpu.memory_space<vmem>> -> memref<1x128xi32, #tpu.memory_space<vmem>>
        %dma_start3A_904 = tpu.memref_squeeze %dma_start3A_903 : memref<1x128xi32, #tpu.memory_space<vmem>> -> memref<128xi32, #tpu.memory_space<vmem>>
        %dma_start3A_905 = arith.constant 0 : i32
        %dma_start3A_906 = arith.constant 0 : i32
        %dma_start3A_907 = tpu.memref_slice %arg2[%dma_start3A_905, %dma_start3A_906] : memref<10112x32xf32, #tpu.memory_space<hbm>> -> memref<10112x32xf32, #tpu.memory_space<hbm>>
        tpu.enqueue_indirect_dma source(%dma_start3A_907 : memref<10112x32xf32, #tpu.memory_space<hbm>>) target(%dma_start3A_901 : memref<128x32xf32, #tpu.memory_space<vmem>>) offsets(%dma_start3A_904 : memref<128xi32, #tpu.memory_space<vmem>>) semaphore(%arg11 : memref<!tpu.dma_semaphore, #tpu.memory_space<semaphore_mem>>)
        %add3A_908 = arith.constant 2 : i32
        %add3A_909 = arith.addi %add3A_879, %add3A_908 : i32
        %dma_start3A_910 = arith.constant 0 : i32
        %dma_start3A_911 = arith.constant 2 : i32
        %dma_start3A_912 = arith.constant 0 : i32
        %dma_start3A_913 = arith.constant 0 : i32
        %dma_start3A_914 = tpu.memref_slice %arg9[%dma_start3A_910, %dma_start3A_911, %dma_start3A_912, %dma_start3A_913] : memref<2x8x128x32xf32, #tpu.memory_space<vmem>> -> memref<1x1x128x32xf32, #tpu.memory_space<vmem>>
        %dma_start3A_915 = tpu.memref_squeeze %dma_start3A_914 : memref<1x1x128x32xf32, #tpu.memory_space<vmem>> -> memref<128x32xf32, #tpu.memory_space<vmem>>
        %dma_start3A_916 = arith.constant 0 : i32
        %dma_start3A_917 = tpu.memref_slice %arg7[%add3A_909, %dma_start3A_916] : memref<80x128xi32, #tpu.memory_space<vmem>> -> memref<1x128xi32, #tpu.memory_space<vmem>>
        %dma_start3A_918 = tpu.memref_squeeze %dma_start3A_917 : memref<1x128xi32, #tpu.memory_space<vmem>> -> memref<128xi32, #tpu.memory_space<vmem>>
        %dma_start3A_919 = arith.constant 0 : i32
        %dma_start3A_920 = arith.constant 0 : i32
        %dma_start3A_921 = tpu.memref_slice %arg2[%dma_start3A_919, %dma_start3A_920] : memref<10112x32xf32, #tpu.memory_space<hbm>> -> memref<10112x32xf32, #tpu.memory_space<hbm>>
        tpu.enqueue_indirect_dma source(%dma_start3A_921 : memref<10112x32xf32, #tpu.memory_space<hbm>>) target(%dma_start3A_915 : memref<128x32xf32, #tpu.memory_space<vmem>>) offsets(%dma_start3A_918 : memref<128xi32, #tpu.memory_space<vmem>>) semaphore(%arg11 : memref<!tpu.dma_semaphore, #tpu.memory_space<semaphore_mem>>)
        %add3A_922 = arith.constant 3 : i32
        %add3A_923 = arith.addi %add3A_879, %add3A_922 : i32
        %dma_start3A_924 = arith.constant 0 : i32
        %dma_start3A_925 = arith.constant 3 : i32
        %dma_start3A_926 = arith.constant 0 : i32
        %dma_start3A_927 = arith.constant 0 : i32
        %dma_start3A_928 = tpu.memref_slice %arg9[%dma_start3A_924, %dma_start3A_925, %dma_start3A_926, %dma_start3A_927] : memref<2x8x128x32xf32, #tpu.memory_space<vmem>> -> memref<1x1x128x32xf32, #tpu.memory_space<vmem>>
        %dma_start3A_929 = tpu.memref_squeeze %dma_start3A_928 : memref<1x1x128x32xf32, #tpu.memory_space<vmem>> -> memref<128x32xf32, #tpu.memory_space<vmem>>
        %dma_start3A_930 = arith.constant 0 : i32
        %dma_start3A_931 = tpu.memref_slice %arg7[%add3A_923, %dma_start3A_930] : memref<80x128xi32, #tpu.memory_space<vmem>> -> memref<1x128xi32, #tpu.memory_space<vmem>>
        %dma_start3A_932 = tpu.memref_squeeze %dma_start3A_931 : memref<1x128xi32, #tpu.memory_space<vmem>> -> memref<128xi32, #tpu.memory_space<vmem>>
        %dma_start3A_933 = arith.constant 0 : i32
        %dma_start3A_934 = arith.constant 0 : i32
        %dma_start3A_935 = tpu.memref_slice %arg2[%dma_start3A_933, %dma_start3A_934] : memref<10112x32xf32, #tpu.memory_space<hbm>> -> memref<10112x32xf32, #tpu.memory_space<hbm>>
        tpu.enqueue_indirect_dma source(%dma_start3A_935 : memref<10112x32xf32, #tpu.memory_space<hbm>>) target(%dma_start3A_929 : memref<128x32xf32, #tpu.memory_space<vmem>>) offsets(%dma_start3A_932 : memref<128xi32, #tpu.memory_space<vmem>>) semaphore(%arg11 : memref<!tpu.dma_semaphore, #tpu.memory_space<semaphore_mem>>)
        %add3A_936 = arith.constant 4 : i32
        %add3A_937 = arith.addi %add3A_879, %add3A_936 : i32
        %dma_start3A_938 = arith.constant 0 : i32
        %dma_start3A_939 = arith.constant 4 : i32
        %dma_start3A_940 = arith.constant 0 : i32
        %dma_start3A_941 = arith.constant 0 : i32
        %dma_start3A_942 = tpu.memref_slice %arg9[%dma_start3A_938, %dma_start3A_939, %dma_start3A_940, %dma_start3A_941] : memref<2x8x128x32xf32, #tpu.memory_space<vmem>> -> memref<1x1x128x32xf32, #tpu.memory_space<vmem>>
        %dma_start3A_943 = tpu.memref_squeeze %dma_start3A_942 : memref<1x1x128x32xf32, #tpu.memory_space<vmem>> -> memref<128x32xf32, #tpu.memory_space<vmem>>
        %dma_start3A_944 = arith.constant 0 : i32
        %dma_start3A_945 = tpu.memref_slice %arg7[%add3A_937, %dma_start3A_944] : memref<80x128xi32, #tpu.memory_space<vmem>> -> memref<1x128xi32, #tpu.memory_space<vmem>>
        %dma_start3A_946 = tpu.memref_squeeze %dma_start3A_945 : memref<1x128xi32, #tpu.memory_space<vmem>> -> memref<128xi32, #tpu.memory_space<vmem>>
        %dma_start3A_947 = arith.constant 0 : i32
        %dma_start3A_948 = arith.constant 0 : i32
        %dma_start3A_949 = tpu.memref_slice %arg2[%dma_start3A_947, %dma_start3A_948] : memref<10112x32xf32, #tpu.memory_space<hbm>> -> memref<10112x32xf32, #tpu.memory_space<hbm>>
        tpu.enqueue_indirect_dma source(%dma_start3A_949 : memref<10112x32xf32, #tpu.memory_space<hbm>>) target(%dma_start3A_943 : memref<128x32xf32, #tpu.memory_space<vmem>>) offsets(%dma_start3A_946 : memref<128xi32, #tpu.memory_space<vmem>>) semaphore(%arg11 : memref<!tpu.dma_semaphore, #tpu.memory_space<semaphore_mem>>)
        %add3A_950 = arith.constant 5 : i32
        %add3A_951 = arith.addi %add3A_879, %add3A_950 : i32
        %dma_start3A_952 = arith.constant 0 : i32
        %dma_start3A_953 = arith.constant 5 : i32
        %dma_start3A_954 = arith.constant 0 : i32
        %dma_start3A_955 = arith.constant 0 : i32
        %dma_start3A_956 = tpu.memref_slice %arg9[%dma_start3A_952, %dma_start3A_953, %dma_start3A_954, %dma_start3A_955] : memref<2x8x128x32xf32, #tpu.memory_space<vmem>> -> memref<1x1x128x32xf32, #tpu.memory_space<vmem>>
        %dma_start3A_957 = tpu.memref_squeeze %dma_start3A_956 : memref<1x1x128x32xf32, #tpu.memory_space<vmem>> -> memref<128x32xf32, #tpu.memory_space<vmem>>
        %dma_start3A_958 = arith.constant 0 : i32
        %dma_start3A_959 = tpu.memref_slice %arg7[%add3A_951, %dma_start3A_958] : memref<80x128xi32, #tpu.memory_space<vmem>> -> memref<1x128xi32, #tpu.memory_space<vmem>>
        %dma_start3A_960 = tpu.memref_squeeze %dma_start3A_959 : memref<1x128xi32, #tpu.memory_space<vmem>> -> memref<128xi32, #tpu.memory_space<vmem>>
        %dma_start3A_961 = arith.constant 0 : i32
        %dma_start3A_962 = arith.constant 0 : i32
        %dma_start3A_963 = tpu.memref_slice %arg2[%dma_start3A_961, %dma_start3A_962] : memref<10112x32xf32, #tpu.memory_space<hbm>> -> memref<10112x32xf32, #tpu.memory_space<hbm>>
        tpu.enqueue_indirect_dma source(%dma_start3A_963 : memref<10112x32xf32, #tpu.memory_space<hbm>>) target(%dma_start3A_957 : memref<128x32xf32, #tpu.memory_space<vmem>>) offsets(%dma_start3A_960 : memref<128xi32, #tpu.memory_space<vmem>>) semaphore(%arg11 : memref<!tpu.dma_semaphore, #tpu.memory_space<semaphore_mem>>)
        %add3A_964 = arith.constant 6 : i32
        %add3A_965 = arith.addi %add3A_879, %add3A_964 : i32
        %dma_start3A_966 = arith.constant 0 : i32
        %dma_start3A_967 = arith.constant 6 : i32
        %dma_start3A_968 = arith.constant 0 : i32
        %dma_start3A_969 = arith.constant 0 : i32
        %dma_start3A_970 = tpu.memref_slice %arg9[%dma_start3A_966, %dma_start3A_967, %dma_start3A_968, %dma_start3A_969] : memref<2x8x128x32xf32, #tpu.memory_space<vmem>> -> memref<1x1x128x32xf32, #tpu.memory_space<vmem>>
        %dma_start3A_971 = tpu.memref_squeeze %dma_start3A_970 : memref<1x1x128x32xf32, #tpu.memory_space<vmem>> -> memref<128x32xf32, #tpu.memory_space<vmem>>
        %dma_start3A_972 = arith.constant 0 : i32
        %dma_start3A_973 = tpu.memref_slice %arg7[%add3A_965, %dma_start3A_972] : memref<80x128xi32, #tpu.memory_space<vmem>> -> memref<1x128xi32, #tpu.memory_space<vmem>>
        %dma_start3A_974 = tpu.memref_squeeze %dma_start3A_973 : memref<1x128xi32, #tpu.memory_space<vmem>> -> memref<128xi32, #tpu.memory_space<vmem>>
        %dma_start3A_975 = arith.constant 0 : i32
        %dma_start3A_976 = arith.constant 0 : i32
        %dma_start3A_977 = tpu.memref_slice %arg2[%dma_start3A_975, %dma_start3A_976] : memref<10112x32xf32, #tpu.memory_space<hbm>> -> memref<10112x32xf32, #tpu.memory_space<hbm>>
        tpu.enqueue_indirect_dma source(%dma_start3A_977 : memref<10112x32xf32, #tpu.memory_space<hbm>>) target(%dma_start3A_971 : memref<128x32xf32, #tpu.memory_space<vmem>>) offsets(%dma_start3A_974 : memref<128xi32, #tpu.memory_space<vmem>>) semaphore(%arg11 : memref<!tpu.dma_semaphore, #tpu.memory_space<semaphore_mem>>)
        %add3A_978 = arith.constant 7 : i32
        %add3A_979 = arith.addi %add3A_879, %add3A_978 : i32
        %dma_start3A_980 = arith.constant 0 : i32
        %dma_start3A_981 = arith.constant 7 : i32
        %dma_start3A_982 = arith.constant 0 : i32
        %dma_start3A_983 = arith.constant 0 : i32
        %dma_start3A_984 = tpu.memref_slice %arg9[%dma_start3A_980, %dma_start3A_981, %dma_start3A_982, %dma_start3A_983] : memref<2x8x128x32xf32, #tpu.memory_space<vmem>> -> memref<1x1x128x32xf32, #tpu.memory_space<vmem>>
        %dma_start3A_985 = tpu.memref_squeeze %dma_start3A_984 : memref<1x1x128x32xf32, #tpu.memory_space<vmem>> -> memref<128x32xf32, #tpu.memory_space<vmem>>
        %dma_start3A_986 = arith.constant 0 : i32
        %dma_start3A_987 = tpu.memref_slice %arg7[%add3A_979, %dma_start3A_986] : memref<80x128xi32, #tpu.memory_space<vmem>> -> memref<1x128xi32, #tpu.memory_space<vmem>>
        %dma_start3A_988 = tpu.memref_squeeze %dma_start3A_987 : memref<1x128xi32, #tpu.memory_space<vmem>> -> memref<128xi32, #tpu.memory_space<vmem>>
        %dma_start3A_989 = arith.constant 0 : i32
        %dma_start3A_990 = arith.constant 0 : i32
        %dma_start3A_991 = tpu.memref_slice %arg2[%dma_start3A_989, %dma_start3A_990] : memref<10112x32xf32, #tpu.memory_space<hbm>> -> memref<10112x32xf32, #tpu.memory_space<hbm>>
        tpu.enqueue_indirect_dma source(%dma_start3A_991 : memref<10112x32xf32, #tpu.memory_space<hbm>>) target(%dma_start3A_985 : memref<128x32xf32, #tpu.memory_space<vmem>>) offsets(%dma_start3A_988 : memref<128xi32, #tpu.memory_space<vmem>>) semaphore(%arg11 : memref<!tpu.dma_semaphore, #tpu.memory_space<semaphore_mem>>)
      } else {
      }
      %add3A_766 = arith.constant 0 : i32
      %add3A_767 = arith.addi %add3A_221, %add3A_766 : i32
      %dma_start3A_768 = arith.constant 1 : i32
      %dma_start3A_769 = arith.constant 0 : i32
      %dma_start3A_770 = arith.constant 0 : i32
      %dma_start3A_771 = arith.constant 0 : i32
      %dma_start3A_772 = tpu.memref_slice %arg9[%dma_start3A_768, %dma_start3A_769, %dma_start3A_770, %dma_start3A_771] : memref<2x8x128x32xf32, #tpu.memory_space<vmem>> -> memref<1x1x128x32xf32, #tpu.memory_space<vmem>>
      %dma_start3A_773 = tpu.memref_squeeze %dma_start3A_772 : memref<1x1x128x32xf32, #tpu.memory_space<vmem>> -> memref<128x32xf32, #tpu.memory_space<vmem>>
      %dma_start3A_774 = arith.constant 0 : i32
      %dma_start3A_775 = tpu.memref_slice %arg8[%add3A_767, %dma_start3A_774] : memref<80x128xi32, #tpu.memory_space<vmem>> -> memref<1x128xi32, #tpu.memory_space<vmem>>
      %dma_start3A_776 = tpu.memref_squeeze %dma_start3A_775 : memref<1x128xi32, #tpu.memory_space<vmem>> -> memref<128xi32, #tpu.memory_space<vmem>>
      %dma_start3A_777 = arith.constant 0 : i32
      %dma_start3A_778 = arith.constant 0 : i32
      %dma_start3A_779 = tpu.memref_slice %arg10[%dma_start3A_777, %dma_start3A_778] : memref<10112x32xf32, #tpu.memory_space<vmem_shared>> -> memref<10112x32xf32, #tpu.memory_space<vmem_shared>>
      tpu.enqueue_indirect_dma source(%dma_start3A_773 : memref<128x32xf32, #tpu.memory_space<vmem>>) target(%dma_start3A_779 : memref<10112x32xf32, #tpu.memory_space<vmem_shared>>) offsets(%dma_start3A_776 : memref<128xi32, #tpu.memory_space<vmem>>) semaphore(%arg14 : memref<!tpu.dma_semaphore, #tpu.memory_space<semaphore_mem>>) {add = true}
      %add3A_780 = arith.constant 1 : i32
      %add3A_781 = arith.addi %add3A_221, %add3A_780 : i32
      %dma_start3A_782 = arith.constant 1 : i32
      %dma_start3A_783 = arith.constant 1 : i32
      %dma_start3A_784 = arith.constant 0 : i32
      %dma_start3A_785 = arith.constant 0 : i32
      %dma_start3A_786 = tpu.memref_slice %arg9[%dma_start3A_782, %dma_start3A_783, %dma_start3A_784, %dma_start3A_785] : memref<2x8x128x32xf32, #tpu.memory_space<vmem>> -> memref<1x1x128x32xf32, #tpu.memory_space<vmem>>
      %dma_start3A_787 = tpu.memref_squeeze %dma_start3A_786 : memref<1x1x128x32xf32, #tpu.memory_space<vmem>> -> memref<128x32xf32, #tpu.memory_space<vmem>>
      %dma_start3A_788 = arith.constant 0 : i32
      %dma_start3A_789 = tpu.memref_slice %arg8[%add3A_781, %dma_start3A_788] : memref<80x128xi32, #tpu.memory_space<vmem>> -> memref<1x128xi32, #tpu.memory_space<vmem>>
      %dma_start3A_790 = tpu.memref_squeeze %dma_start3A_789 : memref<1x128xi32, #tpu.memory_space<vmem>> -> memref<128xi32, #tpu.memory_space<vmem>>
      %dma_start3A_791 = arith.constant 0 : i32
      %dma_start3A_792 = arith.constant 0 : i32
      %dma_start3A_793 = tpu.memref_slice %arg10[%dma_start3A_791, %dma_start3A_792] : memref<10112x32xf32, #tpu.memory_space<vmem_shared>> -> memref<10112x32xf32, #tpu.memory_space<vmem_shared>>
      tpu.enqueue_indirect_dma source(%dma_start3A_787 : memref<128x32xf32, #tpu.memory_space<vmem>>) target(%dma_start3A_793 : memref<10112x32xf32, #tpu.memory_space<vmem_shared>>) offsets(%dma_start3A_790 : memref<128xi32, #tpu.memory_space<vmem>>) semaphore(%arg14 : memref<!tpu.dma_semaphore, #tpu.memory_space<semaphore_mem>>) {add = true}
      %add3A_794 = arith.constant 2 : i32
      %add3A_795 = arith.addi %add3A_221, %add3A_794 : i32
      %dma_start3A_796 = arith.constant 1 : i32
      %dma_start3A_797 = arith.constant 2 : i32
      %dma_start3A_798 = arith.constant 0 : i32
      %dma_start3A_799 = arith.constant 0 : i32
      %dma_start3A_800 = tpu.memref_slice %arg9[%dma_start3A_796, %dma_start3A_797, %dma_start3A_798, %dma_start3A_799] : memref<2x8x128x32xf32, #tpu.memory_space<vmem>> -> memref<1x1x128x32xf32, #tpu.memory_space<vmem>>
      %dma_start3A_801 = tpu.memref_squeeze %dma_start3A_800 : memref<1x1x128x32xf32, #tpu.memory_space<vmem>> -> memref<128x32xf32, #tpu.memory_space<vmem>>
      %dma_start3A_802 = arith.constant 0 : i32
      %dma_start3A_803 = tpu.memref_slice %arg8[%add3A_795, %dma_start3A_802] : memref<80x128xi32, #tpu.memory_space<vmem>> -> memref<1x128xi32, #tpu.memory_space<vmem>>
      %dma_start3A_804 = tpu.memref_squeeze %dma_start3A_803 : memref<1x128xi32, #tpu.memory_space<vmem>> -> memref<128xi32, #tpu.memory_space<vmem>>
      %dma_start3A_805 = arith.constant 0 : i32
      %dma_start3A_806 = arith.constant 0 : i32
      %dma_start3A_807 = tpu.memref_slice %arg10[%dma_start3A_805, %dma_start3A_806] : memref<10112x32xf32, #tpu.memory_space<vmem_shared>> -> memref<10112x32xf32, #tpu.memory_space<vmem_shared>>
      tpu.enqueue_indirect_dma source(%dma_start3A_801 : memref<128x32xf32, #tpu.memory_space<vmem>>) target(%dma_start3A_807 : memref<10112x32xf32, #tpu.memory_space<vmem_shared>>) offsets(%dma_start3A_804 : memref<128xi32, #tpu.memory_space<vmem>>) semaphore(%arg14 : memref<!tpu.dma_semaphore, #tpu.memory_space<semaphore_mem>>) {add = true}
      %add3A_808 = arith.constant 3 : i32
      %add3A_809 = arith.addi %add3A_221, %add3A_808 : i32
      %dma_start3A_810 = arith.constant 1 : i32
      %dma_start3A_811 = arith.constant 3 : i32
      %dma_start3A_812 = arith.constant 0 : i32
      %dma_start3A_813 = arith.constant 0 : i32
      %dma_start3A_814 = tpu.memref_slice %arg9[%dma_start3A_810, %dma_start3A_811, %dma_start3A_812, %dma_start3A_813] : memref<2x8x128x32xf32, #tpu.memory_space<vmem>> -> memref<1x1x128x32xf32, #tpu.memory_space<vmem>>
      %dma_start3A_815 = tpu.memref_squeeze %dma_start3A_814 : memref<1x1x128x32xf32, #tpu.memory_space<vmem>> -> memref<128x32xf32, #tpu.memory_space<vmem>>
      %dma_start3A_816 = arith.constant 0 : i32
      %dma_start3A_817 = tpu.memref_slice %arg8[%add3A_809, %dma_start3A_816] : memref<80x128xi32, #tpu.memory_space<vmem>> -> memref<1x128xi32, #tpu.memory_space<vmem>>
      %dma_start3A_818 = tpu.memref_squeeze %dma_start3A_817 : memref<1x128xi32, #tpu.memory_space<vmem>> -> memref<128xi32, #tpu.memory_space<vmem>>
      %dma_start3A_819 = arith.constant 0 : i32
      %dma_start3A_820 = arith.constant 0 : i32
      %dma_start3A_821 = tpu.memref_slice %arg10[%dma_start3A_819, %dma_start3A_820] : memref<10112x32xf32, #tpu.memory_space<vmem_shared>> -> memref<10112x32xf32, #tpu.memory_space<vmem_shared>>
      tpu.enqueue_indirect_dma source(%dma_start3A_815 : memref<128x32xf32, #tpu.memory_space<vmem>>) target(%dma_start3A_821 : memref<10112x32xf32, #tpu.memory_space<vmem_shared>>) offsets(%dma_start3A_818 : memref<128xi32, #tpu.memory_space<vmem>>) semaphore(%arg14 : memref<!tpu.dma_semaphore, #tpu.memory_space<semaphore_mem>>) {add = true}
      %add3A_822 = arith.constant 4 : i32
      %add3A_823 = arith.addi %add3A_221, %add3A_822 : i32
      %dma_start3A_824 = arith.constant 1 : i32
      %dma_start3A_825 = arith.constant 4 : i32
      %dma_start3A_826 = arith.constant 0 : i32
      %dma_start3A_827 = arith.constant 0 : i32
      %dma_start3A_828 = tpu.memref_slice %arg9[%dma_start3A_824, %dma_start3A_825, %dma_start3A_826, %dma_start3A_827] : memref<2x8x128x32xf32, #tpu.memory_space<vmem>> -> memref<1x1x128x32xf32, #tpu.memory_space<vmem>>
      %dma_start3A_829 = tpu.memref_squeeze %dma_start3A_828 : memref<1x1x128x32xf32, #tpu.memory_space<vmem>> -> memref<128x32xf32, #tpu.memory_space<vmem>>
      %dma_start3A_830 = arith.constant 0 : i32
      %dma_start3A_831 = tpu.memref_slice %arg8[%add3A_823, %dma_start3A_830] : memref<80x128xi32, #tpu.memory_space<vmem>> -> memref<1x128xi32, #tpu.memory_space<vmem>>
      %dma_start3A_832 = tpu.memref_squeeze %dma_start3A_831 : memref<1x128xi32, #tpu.memory_space<vmem>> -> memref<128xi32, #tpu.memory_space<vmem>>
      %dma_start3A_833 = arith.constant 0 : i32
      %dma_start3A_834 = arith.constant 0 : i32
      %dma_start3A_835 = tpu.memref_slice %arg10[%dma_start3A_833, %dma_start3A_834] : memref<10112x32xf32, #tpu.memory_space<vmem_shared>> -> memref<10112x32xf32, #tpu.memory_space<vmem_shared>>
      tpu.enqueue_indirect_dma source(%dma_start3A_829 : memref<128x32xf32, #tpu.memory_space<vmem>>) target(%dma_start3A_835 : memref<10112x32xf32, #tpu.memory_space<vmem_shared>>) offsets(%dma_start3A_832 : memref<128xi32, #tpu.memory_space<vmem>>) semaphore(%arg14 : memref<!tpu.dma_semaphore, #tpu.memory_space<semaphore_mem>>) {add = true}
      %add3A_836 = arith.constant 5 : i32
      %add3A_837 = arith.addi %add3A_221, %add3A_836 : i32
      %dma_start3A_838 = arith.constant 1 : i32
      %dma_start3A_839 = arith.constant 5 : i32
      %dma_start3A_840 = arith.constant 0 : i32
      %dma_start3A_841 = arith.constant 0 : i32
      %dma_start3A_842 = tpu.memref_slice %arg9[%dma_start3A_838, %dma_start3A_839, %dma_start3A_840, %dma_start3A_841] : memref<2x8x128x32xf32, #tpu.memory_space<vmem>> -> memref<1x1x128x32xf32, #tpu.memory_space<vmem>>
      %dma_start3A_843 = tpu.memref_squeeze %dma_start3A_842 : memref<1x1x128x32xf32, #tpu.memory_space<vmem>> -> memref<128x32xf32, #tpu.memory_space<vmem>>
      %dma_start3A_844 = arith.constant 0 : i32
      %dma_start3A_845 = tpu.memref_slice %arg8[%add3A_837, %dma_start3A_844] : memref<80x128xi32, #tpu.memory_space<vmem>> -> memref<1x128xi32, #tpu.memory_space<vmem>>
      %dma_start3A_846 = tpu.memref_squeeze %dma_start3A_845 : memref<1x128xi32, #tpu.memory_space<vmem>> -> memref<128xi32, #tpu.memory_space<vmem>>
      %dma_start3A_847 = arith.constant 0 : i32
      %dma_start3A_848 = arith.constant 0 : i32
      %dma_start3A_849 = tpu.memref_slice %arg10[%dma_start3A_847, %dma_start3A_848] : memref<10112x32xf32, #tpu.memory_space<vmem_shared>> -> memref<10112x32xf32, #tpu.memory_space<vmem_shared>>
      tpu.enqueue_indirect_dma source(%dma_start3A_843 : memref<128x32xf32, #tpu.memory_space<vmem>>) target(%dma_start3A_849 : memref<10112x32xf32, #tpu.memory_space<vmem_shared>>) offsets(%dma_start3A_846 : memref<128xi32, #tpu.memory_space<vmem>>) semaphore(%arg14 : memref<!tpu.dma_semaphore, #tpu.memory_space<semaphore_mem>>) {add = true}
      %add3A_850 = arith.constant 6 : i32
      %add3A_851 = arith.addi %add3A_221, %add3A_850 : i32
      %dma_start3A_852 = arith.constant 1 : i32
      %dma_start3A_853 = arith.constant 6 : i32
      %dma_start3A_854 = arith.constant 0 : i32
      %dma_start3A_855 = arith.constant 0 : i32
      %dma_start3A_856 = tpu.memref_slice %arg9[%dma_start3A_852, %dma_start3A_853, %dma_start3A_854, %dma_start3A_855] : memref<2x8x128x32xf32, #tpu.memory_space<vmem>> -> memref<1x1x128x32xf32, #tpu.memory_space<vmem>>
      %dma_start3A_857 = tpu.memref_squeeze %dma_start3A_856 : memref<1x1x128x32xf32, #tpu.memory_space<vmem>> -> memref<128x32xf32, #tpu.memory_space<vmem>>
      %dma_start3A_858 = arith.constant 0 : i32
      %dma_start3A_859 = tpu.memref_slice %arg8[%add3A_851, %dma_start3A_858] : memref<80x128xi32, #tpu.memory_space<vmem>> -> memref<1x128xi32, #tpu.memory_space<vmem>>
      %dma_start3A_860 = tpu.memref_squeeze %dma_start3A_859 : memref<1x128xi32, #tpu.memory_space<vmem>> -> memref<128xi32, #tpu.memory_space<vmem>>
      %dma_start3A_861 = arith.constant 0 : i32
      %dma_start3A_862 = arith.constant 0 : i32
      %dma_start3A_863 = tpu.memref_slice %arg10[%dma_start3A_861, %dma_start3A_862] : memref<10112x32xf32, #tpu.memory_space<vmem_shared>> -> memref<10112x32xf32, #tpu.memory_space<vmem_shared>>
      tpu.enqueue_indirect_dma source(%dma_start3A_857 : memref<128x32xf32, #tpu.memory_space<vmem>>) target(%dma_start3A_863 : memref<10112x32xf32, #tpu.memory_space<vmem_shared>>) offsets(%dma_start3A_860 : memref<128xi32, #tpu.memory_space<vmem>>) semaphore(%arg14 : memref<!tpu.dma_semaphore, #tpu.memory_space<semaphore_mem>>) {add = true}
      %add3A_864 = arith.constant 7 : i32
      %add3A_865 = arith.addi %add3A_221, %add3A_864 : i32
      %dma_start3A_866 = arith.constant 1 : i32
      %dma_start3A_867 = arith.constant 7 : i32
      %dma_start3A_868 = arith.constant 0 : i32
      %dma_start3A_869 = arith.constant 0 : i32
      %dma_start3A_870 = tpu.memref_slice %arg9[%dma_start3A_866, %dma_start3A_867, %dma_start3A_868, %dma_start3A_869] : memref<2x8x128x32xf32, #tpu.memory_space<vmem>> -> memref<1x1x128x32xf32, #tpu.memory_space<vmem>>
      %dma_start3A_871 = tpu.memref_squeeze %dma_start3A_870 : memref<1x1x128x32xf32, #tpu.memory_space<vmem>> -> memref<128x32xf32, #tpu.memory_space<vmem>>
      %dma_start3A_872 = arith.constant 0 : i32
      %dma_start3A_873 = tpu.memref_slice %arg8[%add3A_865, %dma_start3A_872] : memref<80x128xi32, #tpu.memory_space<vmem>> -> memref<1x128xi32, #tpu.memory_space<vmem>>
      %dma_start3A_874 = tpu.memref_squeeze %dma_start3A_873 : memref<1x128xi32, #tpu.memory_space<vmem>> -> memref<128xi32, #tpu.memory_space<vmem>>
      %dma_start3A_875 = arith.constant 0 : i32
      %dma_start3A_876 = arith.constant 0 : i32
      %dma_start3A_877 = tpu.memref_slice %arg10[%dma_start3A_875, %dma_start3A_876] : memref<10112x32xf32, #tpu.memory_space<vmem_shared>> -> memref<10112x32xf32, #tpu.memory_space<vmem_shared>>
      tpu.enqueue_indirect_dma source(%dma_start3A_871 : memref<128x32xf32, #tpu.memory_space<vmem>>) target(%dma_start3A_877 : memref<10112x32xf32, #tpu.memory_space<vmem_shared>>) offsets(%dma_start3A_874 : memref<128xi32, #tpu.memory_space<vmem>>) semaphore(%arg14 : memref<!tpu.dma_semaphore, #tpu.memory_space<semaphore_mem>>) {add = true}
    }
    %scan3A_110 = arith.constant 5 : i32
    %dma_wait3A = arith.constant 1 : i32
    %dma_wait3A_111 = arith.constant 0 : i32
    %dma_wait3A_112 = arith.constant 0 : i32
    %dma_wait3A_113 = arith.constant 0 : i32
    %dma_wait3A_114 = arith.constant 0 : i32
    %dma_wait3A_115 = tpu.memref_slice %arg9[%dma_wait3A, %dma_wait3A_111, %dma_wait3A_113, %dma_wait3A_114] : memref<2x8x128x32xf32, #tpu.memory_space<vmem>> -> memref<1x1x128x32xf32, #tpu.memory_space<vmem>>
    %dma_wait3A_116 = tpu.memref_squeeze %dma_wait3A_115 : memref<1x1x128x32xf32, #tpu.memory_space<vmem>> -> memref<128x32xf32, #tpu.memory_space<vmem>>
    %dma_wait3A_117 = arith.constant 0 : i32
    %dma_wait3A_118 = tpu.memref_slice %arg8[%dma_wait3A_112, %dma_wait3A_117] : memref<80x128xi32, #tpu.memory_space<vmem>> -> memref<1x128xi32, #tpu.memory_space<vmem>>
    %dma_wait3A_119 = tpu.memref_squeeze %dma_wait3A_118 : memref<1x128xi32, #tpu.memory_space<vmem>> -> memref<128xi32, #tpu.memory_space<vmem>>
    %dma_wait3A_120 = arith.constant 0 : i32
    %dma_wait3A_121 = arith.constant 0 : i32
    %dma_wait3A_122 = tpu.memref_slice %arg10[%dma_wait3A_120, %dma_wait3A_121] : memref<10112x32xf32, #tpu.memory_space<vmem_shared>> -> memref<10112x32xf32, #tpu.memory_space<vmem_shared>>
    tpu.wait_indirect_dma semaphore(%arg14 : memref<!tpu.dma_semaphore, #tpu.memory_space<semaphore_mem>>) src(%dma_wait3A_116 : memref<128x32xf32, #tpu.memory_space<vmem>>) dst(%dma_wait3A_122 : memref<10112x32xf32, #tpu.memory_space<vmem_shared>>)
    %dma_wait3A_123 = arith.constant 1 : i32
    %dma_wait3A_124 = arith.constant 1 : i32
    %dma_wait3A_125 = arith.constant 0 : i32
    %dma_wait3A_126 = arith.constant 0 : i32
    %dma_wait3A_127 = arith.constant 0 : i32
    %dma_wait3A_128 = tpu.memref_slice %arg9[%dma_wait3A_123, %dma_wait3A_124, %dma_wait3A_126, %dma_wait3A_127] : memref<2x8x128x32xf32, #tpu.memory_space<vmem>> -> memref<1x1x128x32xf32, #tpu.memory_space<vmem>>
    %dma_wait3A_129 = tpu.memref_squeeze %dma_wait3A_128 : memref<1x1x128x32xf32, #tpu.memory_space<vmem>> -> memref<128x32xf32, #tpu.memory_space<vmem>>
    %dma_wait3A_130 = arith.constant 0 : i32
    %dma_wait3A_131 = tpu.memref_slice %arg8[%dma_wait3A_125, %dma_wait3A_130] : memref<80x128xi32, #tpu.memory_space<vmem>> -> memref<1x128xi32, #tpu.memory_space<vmem>>
    %dma_wait3A_132 = tpu.memref_squeeze %dma_wait3A_131 : memref<1x128xi32, #tpu.memory_space<vmem>> -> memref<128xi32, #tpu.memory_space<vmem>>
    %dma_wait3A_133 = arith.constant 0 : i32
    %dma_wait3A_134 = arith.constant 0 : i32
    %dma_wait3A_135 = tpu.memref_slice %arg10[%dma_wait3A_133, %dma_wait3A_134] : memref<10112x32xf32, #tpu.memory_space<vmem_shared>> -> memref<10112x32xf32, #tpu.memory_space<vmem_shared>>
    tpu.wait_indirect_dma semaphore(%arg14 : memref<!tpu.dma_semaphore, #tpu.memory_space<semaphore_mem>>) src(%dma_wait3A_129 : memref<128x32xf32, #tpu.memory_space<vmem>>) dst(%dma_wait3A_135 : memref<10112x32xf32, #tpu.memory_space<vmem_shared>>)
    %dma_wait3A_136 = arith.constant 1 : i32
    %dma_wait3A_137 = arith.constant 2 : i32
    %dma_wait3A_138 = arith.constant 0 : i32
    %dma_wait3A_139 = arith.constant 0 : i32
    %dma_wait3A_140 = arith.constant 0 : i32
    %dma_wait3A_141 = tpu.memref_slice %arg9[%dma_wait3A_136, %dma_wait3A_137, %dma_wait3A_139, %dma_wait3A_140] : memref<2x8x128x32xf32, #tpu.memory_space<vmem>> -> memref<1x1x128x32xf32, #tpu.memory_space<vmem>>
    %dma_wait3A_142 = tpu.memref_squeeze %dma_wait3A_141 : memref<1x1x128x32xf32, #tpu.memory_space<vmem>> -> memref<128x32xf32, #tpu.memory_space<vmem>>
    %dma_wait3A_143 = arith.constant 0 : i32
    %dma_wait3A_144 = tpu.memref_slice %arg8[%dma_wait3A_138, %dma_wait3A_143] : memref<80x128xi32, #tpu.memory_space<vmem>> -> memref<1x128xi32, #tpu.memory_space<vmem>>
    %dma_wait3A_145 = tpu.memref_squeeze %dma_wait3A_144 : memref<1x128xi32, #tpu.memory_space<vmem>> -> memref<128xi32, #tpu.memory_space<vmem>>
    %dma_wait3A_146 = arith.constant 0 : i32
    %dma_wait3A_147 = arith.constant 0 : i32
    %dma_wait3A_148 = tpu.memref_slice %arg10[%dma_wait3A_146, %dma_wait3A_147] : memref<10112x32xf32, #tpu.memory_space<vmem_shared>> -> memref<10112x32xf32, #tpu.memory_space<vmem_shared>>
    tpu.wait_indirect_dma semaphore(%arg14 : memref<!tpu.dma_semaphore, #tpu.memory_space<semaphore_mem>>) src(%dma_wait3A_142 : memref<128x32xf32, #tpu.memory_space<vmem>>) dst(%dma_wait3A_148 : memref<10112x32xf32, #tpu.memory_space<vmem_shared>>)
    %dma_wait3A_149 = arith.constant 1 : i32
    %dma_wait3A_150 = arith.constant 3 : i32
    %dma_wait3A_151 = arith.constant 0 : i32
    %dma_wait3A_152 = arith.constant 0 : i32
    %dma_wait3A_153 = arith.constant 0 : i32
    %dma_wait3A_154 = tpu.memref_slice %arg9[%dma_wait3A_149, %dma_wait3A_150, %dma_wait3A_152, %dma_wait3A_153] : memref<2x8x128x32xf32, #tpu.memory_space<vmem>> -> memref<1x1x128x32xf32, #tpu.memory_space<vmem>>
    %dma_wait3A_155 = tpu.memref_squeeze %dma_wait3A_154 : memref<1x1x128x32xf32, #tpu.memory_space<vmem>> -> memref<128x32xf32, #tpu.memory_space<vmem>>
    %dma_wait3A_156 = arith.constant 0 : i32
    %dma_wait3A_157 = tpu.memref_slice %arg8[%dma_wait3A_151, %dma_wait3A_156] : memref<80x128xi32, #tpu.memory_space<vmem>> -> memref<1x128xi32, #tpu.memory_space<vmem>>
    %dma_wait3A_158 = tpu.memref_squeeze %dma_wait3A_157 : memref<1x128xi32, #tpu.memory_space<vmem>> -> memref<128xi32, #tpu.memory_space<vmem>>
    %dma_wait3A_159 = arith.constant 0 : i32
    %dma_wait3A_160 = arith.constant 0 : i32
    %dma_wait3A_161 = tpu.memref_slice %arg10[%dma_wait3A_159, %dma_wait3A_160] : memref<10112x32xf32, #tpu.memory_space<vmem_shared>> -> memref<10112x32xf32, #tpu.memory_space<vmem_shared>>
    tpu.wait_indirect_dma semaphore(%arg14 : memref<!tpu.dma_semaphore, #tpu.memory_space<semaphore_mem>>) src(%dma_wait3A_155 : memref<128x32xf32, #tpu.memory_space<vmem>>) dst(%dma_wait3A_161 : memref<10112x32xf32, #tpu.memory_space<vmem_shared>>)
    %dma_wait3A_162 = arith.constant 1 : i32
    %dma_wait3A_163 = arith.constant 4 : i32
    %dma_wait3A_164 = arith.constant 0 : i32
    %dma_wait3A_165 = arith.constant 0 : i32
    %dma_wait3A_166 = arith.constant 0 : i32
    %dma_wait3A_167 = tpu.memref_slice %arg9[%dma_wait3A_162, %dma_wait3A_163, %dma_wait3A_165, %dma_wait3A_166] : memref<2x8x128x32xf32, #tpu.memory_space<vmem>> -> memref<1x1x128x32xf32, #tpu.memory_space<vmem>>
    %dma_wait3A_168 = tpu.memref_squeeze %dma_wait3A_167 : memref<1x1x128x32xf32, #tpu.memory_space<vmem>> -> memref<128x32xf32, #tpu.memory_space<vmem>>
    %dma_wait3A_169 = arith.constant 0 : i32
    %dma_wait3A_170 = tpu.memref_slice %arg8[%dma_wait3A_164, %dma_wait3A_169] : memref<80x128xi32, #tpu.memory_space<vmem>> -> memref<1x128xi32, #tpu.memory_space<vmem>>
    %dma_wait3A_171 = tpu.memref_squeeze %dma_wait3A_170 : memref<1x128xi32, #tpu.memory_space<vmem>> -> memref<128xi32, #tpu.memory_space<vmem>>
    %dma_wait3A_172 = arith.constant 0 : i32
    %dma_wait3A_173 = arith.constant 0 : i32
    %dma_wait3A_174 = tpu.memref_slice %arg10[%dma_wait3A_172, %dma_wait3A_173] : memref<10112x32xf32, #tpu.memory_space<vmem_shared>> -> memref<10112x32xf32, #tpu.memory_space<vmem_shared>>
    tpu.wait_indirect_dma semaphore(%arg14 : memref<!tpu.dma_semaphore, #tpu.memory_space<semaphore_mem>>) src(%dma_wait3A_168 : memref<128x32xf32, #tpu.memory_space<vmem>>) dst(%dma_wait3A_174 : memref<10112x32xf32, #tpu.memory_space<vmem_shared>>)
    %dma_wait3A_175 = arith.constant 1 : i32
    %dma_wait3A_176 = arith.constant 5 : i32
    %dma_wait3A_177 = arith.constant 0 : i32
    %dma_wait3A_178 = arith.constant 0 : i32
    %dma_wait3A_179 = arith.constant 0 : i32
    %dma_wait3A_180 = tpu.memref_slice %arg9[%dma_wait3A_175, %dma_wait3A_176, %dma_wait3A_178, %dma_wait3A_179] : memref<2x8x128x32xf32, #tpu.memory_space<vmem>> -> memref<1x1x128x32xf32, #tpu.memory_space<vmem>>
    %dma_wait3A_181 = tpu.memref_squeeze %dma_wait3A_180 : memref<1x1x128x32xf32, #tpu.memory_space<vmem>> -> memref<128x32xf32, #tpu.memory_space<vmem>>
    %dma_wait3A_182 = arith.constant 0 : i32
    %dma_wait3A_183 = tpu.memref_slice %arg8[%dma_wait3A_177, %dma_wait3A_182] : memref<80x128xi32, #tpu.memory_space<vmem>> -> memref<1x128xi32, #tpu.memory_space<vmem>>
    %dma_wait3A_184 = tpu.memref_squeeze %dma_wait3A_183 : memref<1x128xi32, #tpu.memory_space<vmem>> -> memref<128xi32, #tpu.memory_space<vmem>>
    %dma_wait3A_185 = arith.constant 0 : i32
    %dma_wait3A_186 = arith.constant 0 : i32
    %dma_wait3A_187 = tpu.memref_slice %arg10[%dma_wait3A_185, %dma_wait3A_186] : memref<10112x32xf32, #tpu.memory_space<vmem_shared>> -> memref<10112x32xf32, #tpu.memory_space<vmem_shared>>
    tpu.wait_indirect_dma semaphore(%arg14 : memref<!tpu.dma_semaphore, #tpu.memory_space<semaphore_mem>>) src(%dma_wait3A_181 : memref<128x32xf32, #tpu.memory_space<vmem>>) dst(%dma_wait3A_187 : memref<10112x32xf32, #tpu.memory_space<vmem_shared>>)
    %dma_wait3A_188 = arith.constant 1 : i32
    %dma_wait3A_189 = arith.constant 6 : i32
    %dma_wait3A_190 = arith.constant 0 : i32
    %dma_wait3A_191 = arith.constant 0 : i32
    %dma_wait3A_192 = arith.constant 0 : i32
    %dma_wait3A_193 = tpu.memref_slice %arg9[%dma_wait3A_188, %dma_wait3A_189, %dma_wait3A_191, %dma_wait3A_192] : memref<2x8x128x32xf32, #tpu.memory_space<vmem>> -> memref<1x1x128x32xf32, #tpu.memory_space<vmem>>
    %dma_wait3A_194 = tpu.memref_squeeze %dma_wait3A_193 : memref<1x1x128x32xf32, #tpu.memory_space<vmem>> -> memref<128x32xf32, #tpu.memory_space<vmem>>
    %dma_wait3A_195 = arith.constant 0 : i32
    %dma_wait3A_196 = tpu.memref_slice %arg8[%dma_wait3A_190, %dma_wait3A_195] : memref<80x128xi32, #tpu.memory_space<vmem>> -> memref<1x128xi32, #tpu.memory_space<vmem>>
    %dma_wait3A_197 = tpu.memref_squeeze %dma_wait3A_196 : memref<1x128xi32, #tpu.memory_space<vmem>> -> memref<128xi32, #tpu.memory_space<vmem>>
    %dma_wait3A_198 = arith.constant 0 : i32
    %dma_wait3A_199 = arith.constant 0 : i32
    %dma_wait3A_200 = tpu.memref_slice %arg10[%dma_wait3A_198, %dma_wait3A_199] : memref<10112x32xf32, #tpu.memory_space<vmem_shared>> -> memref<10112x32xf32, #tpu.memory_space<vmem_shared>>
    tpu.wait_indirect_dma semaphore(%arg14 : memref<!tpu.dma_semaphore, #tpu.memory_space<semaphore_mem>>) src(%dma_wait3A_194 : memref<128x32xf32, #tpu.memory_space<vmem>>) dst(%dma_wait3A_200 : memref<10112x32xf32, #tpu.memory_space<vmem_shared>>)
    %dma_wait3A_201 = arith.constant 1 : i32
    %dma_wait3A_202 = arith.constant 7 : i32
    %dma_wait3A_203 = arith.constant 0 : i32
    %dma_wait3A_204 = arith.constant 0 : i32
    %dma_wait3A_205 = arith.constant 0 : i32
    %dma_wait3A_206 = tpu.memref_slice %arg9[%dma_wait3A_201, %dma_wait3A_202, %dma_wait3A_204, %dma_wait3A_205] : memref<2x8x128x32xf32, #tpu.memory_space<vmem>> -> memref<1x1x128x32xf32, #tpu.memory_space<vmem>>
    %dma_wait3A_207 = tpu.memref_squeeze %dma_wait3A_206 : memref<1x1x128x32xf32, #tpu.memory_space<vmem>> -> memref<128x32xf32, #tpu.memory_space<vmem>>
    %dma_wait3A_208 = arith.constant 0 : i32
    %dma_wait3A_209 = tpu.memref_slice %arg8[%dma_wait3A_203, %dma_wait3A_208] : memref<80x128xi32, #tpu.memory_space<vmem>> -> memref<1x128xi32, #tpu.memory_space<vmem>>
    %dma_wait3A_210 = tpu.memref_squeeze %dma_wait3A_209 : memref<1x128xi32, #tpu.memory_space<vmem>> -> memref<128xi32, #tpu.memory_space<vmem>>
    %dma_wait3A_211 = arith.constant 0 : i32
    %dma_wait3A_212 = arith.constant 0 : i32
    %dma_wait3A_213 = tpu.memref_slice %arg10[%dma_wait3A_211, %dma_wait3A_212] : memref<10112x32xf32, #tpu.memory_space<vmem_shared>> -> memref<10112x32xf32, #tpu.memory_space<vmem_shared>>
    tpu.wait_indirect_dma semaphore(%arg14 : memref<!tpu.dma_semaphore, #tpu.memory_space<semaphore_mem>>) src(%dma_wait3A_207 : memref<128x32xf32, #tpu.memory_space<vmem>>) dst(%dma_wait3A_213 : memref<10112x32xf32, #tpu.memory_space<vmem_shared>>)
    %barrier3A_214 = arith.constant 0 : index
    tpu.barrier barrier_id(%barrier3A_214)
    "tpu.region"() ({
      %run_scoped3A = tpu.sem_alloc : memref<!tpu.dma_semaphore, #tpu.memory_space<semaphore_mem>>
      %dma_start3A_215 = arith.constant 0 : i32
      %dma_start3A_216 = tpu.memref_slice %arg6[%arg0, %mul3A_2, %dma_start3A_215] : memref<2x10112x32xf32, #tpu.memory_space<hbm>> -> memref<1x632x32xf32, #tpu.memory_space<hbm>>
      %dma_start3A_217 = tpu.memref_squeeze %dma_start3A_216 : memref<1x632x32xf32, #tpu.memory_space<hbm>> -> memref<632x32xf32, #tpu.memory_space<hbm>>
      %dma_start3A_218 = arith.constant 0 : i32
      %dma_start3A_219 = tpu.memref_slice %arg10[%mul3A_2, %dma_start3A_218] : memref<10112x32xf32, #tpu.memory_space<vmem_shared>> -> memref<632x32xf32, #tpu.memory_space<vmem_shared>>
      tpu.enqueue_dma source(%dma_start3A_219 : memref<632x32xf32, #tpu.memory_space<vmem_shared>>) target(%dma_start3A_217 : memref<632x32xf32, #tpu.memory_space<hbm>>) target_semaphore(%run_scoped3A : memref<!tpu.dma_semaphore, #tpu.memory_space<semaphore_mem>>)
      %dma_wait3A_220 = arith.constant 0 : i32
      %dma_wait3A_221 = tpu.memref_slice %arg6[%arg0, %mul3A_2, %dma_wait3A_220] : memref<2x10112x32xf32, #tpu.memory_space<hbm>> -> memref<1x632x32xf32, #tpu.memory_space<hbm>>
      %dma_wait3A_222 = tpu.memref_squeeze %dma_wait3A_221 : memref<1x632x32xf32, #tpu.memory_space<hbm>> -> memref<632x32xf32, #tpu.memory_space<hbm>>
      %dma_wait3A_223 = arith.constant 0 : i32
      %dma_wait3A_224 = tpu.memref_slice %arg10[%mul3A_2, %dma_wait3A_223] : memref<10112x32xf32, #tpu.memory_space<vmem_shared>> -> memref<632x32xf32, #tpu.memory_space<vmem_shared>>
      tpu.wait_dma2 semaphore(%run_scoped3A : memref<!tpu.dma_semaphore, #tpu.memory_space<semaphore_mem>>) src(%dma_wait3A_224 : memref<632x32xf32, #tpu.memory_space<vmem_shared>>) dst(%dma_wait3A_222 : memref<632x32xf32, #tpu.memory_space<hbm>>)
      tpu.yield
    }) : () -> ()
    return
  }
}

#map = affine_map<(d0, d1) -> (0, 0)>
#map1 = affine_map<(d0, d1) -> (0, 0, 0)>
module attributes {stable_mosaic.version = 14 : i64} {
  func.func @_prop_body(%arg0: i32, %arg1: i32, %arg2: memref<10112x32xf32, #tpu.memory_space<hbm>>, %arg3: memref<32x80x128xi32, #tpu.memory_space<hbm>>, %arg4: memref<32x80x128xi32, #tpu.memory_space<hbm>>, %arg5: memref<10112x32xf32, #tpu.memory_space<hbm>>, %arg6: memref<2x10112x32xf32, #tpu.memory_space<hbm>>, %arg7: memref<80x128xi32, #tpu.memory_space<vmem>>, %arg8: memref<80x128xi32, #tpu.memory_space<vmem>>, %arg9: memref<2x8x128x32xf32, #tpu.memory_space<vmem>>, %arg10: memref<10112x32xf32, #tpu.memory_space<vmem_shared>>, %arg11: memref<!tpu.dma_semaphore, #tpu.memory_space<semaphore_mem>>, %arg12: memref<!tpu.dma_semaphore, #tpu.memory_space<semaphore_mem>>, %arg13: memref<!tpu.dma_semaphore, #tpu.memory_space<semaphore_mem>>, %arg14: memref<!tpu.dma_semaphore, #tpu.memory_space<semaphore_mem>>) attributes {dimension_semantics = [#tpu.dimension_semantics<core_parallel>, #tpu.dimension_semantics<subcore_parallel>], iteration_bounds = array<i64: 2, 16>, scalar_prefetch = 0 : i64, scratch_operands = 8 : i64, tpu.core_type = #tpu.core_type<sc_vector_subcore>, window_params = [{transform_indices = #map}, {transform_indices = #map1}, {transform_indices = #map1}, {transform_indices = #map}, {transform_indices = #map1}]} {
    %mul3A = arith.constant 16 : i32
    %mul3A_0 = arith.muli %arg0, %mul3A : i32
    %add3A = arith.addi %mul3A_0, %arg1 : i32
    %mul3A_1 = arith.constant 632 : i32
    %mul3A_2 = arith.muli %arg1, %mul3A_1 : i32
    "tpu.region"() ({
      %run_scoped3A = tpu.sem_alloc : memref<!tpu.dma_semaphore, #tpu.memory_space<semaphore_mem>>
      %dma_start3A_215 = arith.constant 0 : i32
      %dma_start3A_216 = tpu.memref_slice %arg10[%mul3A_2, %dma_start3A_215] : memref<10112x32xf32, #tpu.memory_space<vmem_shared>> -> memref<632x32xf32, #tpu.memory_space<vmem_shared>>
      %dma_start3A_217 = arith.constant 0 : i32
      %dma_start3A_218 = tpu.memref_slice %arg5[%mul3A_2, %dma_start3A_217] : memref<10112x32xf32, #tpu.memory_space<hbm>> -> memref<632x32xf32, #tpu.memory_space<hbm>>
      tpu.enqueue_dma source(%dma_start3A_218 : memref<632x32xf32, #tpu.memory_space<hbm>>) target(%dma_start3A_216 : memref<632x32xf32, #tpu.memory_space<vmem_shared>>) target_semaphore(%run_scoped3A : memref<!tpu.dma_semaphore, #tpu.memory_space<semaphore_mem>>)
      %dma_wait3A_219 = arith.constant 0 : i32
      %dma_wait3A_220 = tpu.memref_slice %arg10[%mul3A_2, %dma_wait3A_219] : memref<10112x32xf32, #tpu.memory_space<vmem_shared>> -> memref<632x32xf32, #tpu.memory_space<vmem_shared>>
      %dma_wait3A_221 = arith.constant 0 : i32
      %dma_wait3A_222 = tpu.memref_slice %arg5[%mul3A_2, %dma_wait3A_221] : memref<10112x32xf32, #tpu.memory_space<hbm>> -> memref<632x32xf32, #tpu.memory_space<hbm>>
      tpu.wait_dma2 semaphore(%run_scoped3A : memref<!tpu.dma_semaphore, #tpu.memory_space<semaphore_mem>>) src(%dma_wait3A_222 : memref<632x32xf32, #tpu.memory_space<hbm>>) dst(%dma_wait3A_220 : memref<632x32xf32, #tpu.memory_space<vmem_shared>>)
      tpu.yield
    }) : () -> ()
    "tpu.region"() ({
      %run_scoped3A = tpu.sem_alloc : memref<!tpu.dma_semaphore, #tpu.memory_space<semaphore_mem>>
      %dma_start3A_215 = arith.constant 0 : i32
      %dma_start3A_216 = arith.constant 0 : i32
      %dma_start3A_217 = tpu.memref_slice %arg3[%add3A, %dma_start3A_215, %dma_start3A_216] : memref<32x80x128xi32, #tpu.memory_space<hbm>> -> memref<1x80x128xi32, #tpu.memory_space<hbm>>
      %dma_start3A_218 = tpu.memref_squeeze %dma_start3A_217 : memref<1x80x128xi32, #tpu.memory_space<hbm>> -> memref<80x128xi32, #tpu.memory_space<hbm>>
      %dma_start3A_219 = arith.constant 0 : i32
      %dma_start3A_220 = arith.constant 0 : i32
      %dma_start3A_221 = tpu.memref_slice %arg3[%add3A, %dma_start3A_219, %dma_start3A_220] : memref<32x80x128xi32, #tpu.memory_space<hbm>> -> memref<1x80x128xi32, #tpu.memory_space<hbm>>
      %dma_start3A_222 = tpu.memref_squeeze %dma_start3A_221 : memref<1x80x128xi32, #tpu.memory_space<hbm>> -> memref<80x128xi32, #tpu.memory_space<hbm>>
      tpu.enqueue_dma source(%dma_start3A_222 : memref<80x128xi32, #tpu.memory_space<hbm>>) target(%arg7 : memref<80x128xi32, #tpu.memory_space<vmem>>) target_semaphore(%run_scoped3A : memref<!tpu.dma_semaphore, #tpu.memory_space<semaphore_mem>>)
      %dma_wait3A_223 = arith.constant 0 : i32
      %dma_wait3A_224 = arith.constant 0 : i32
      %dma_wait3A_225 = tpu.memref_slice %arg3[%add3A, %dma_wait3A_223, %dma_wait3A_224] : memref<32x80x128xi32, #tpu.memory_space<hbm>> -> memref<1x80x128xi32, #tpu.memory_space<hbm>>
      %dma_wait3A_226 = tpu.memref_squeeze %dma_wait3A_225 : memref<1x80x128xi32, #tpu.memory_space<hbm>> -> memref<80x128xi32, #tpu.memory_space<hbm>>
      %dma_wait3A_227 = arith.constant 0 : i32
      %dma_wait3A_228 = arith.constant 0 : i32
      %dma_wait3A_229 = tpu.memref_slice %arg3[%add3A, %dma_wait3A_227, %dma_wait3A_228] : memref<32x80x128xi32, #tpu.memory_space<hbm>> -> memref<1x80x128xi32, #tpu.memory_space<hbm>>
      %dma_wait3A_230 = tpu.memref_squeeze %dma_wait3A_229 : memref<1x80x128xi32, #tpu.memory_space<hbm>> -> memref<80x128xi32, #tpu.memory_space<hbm>>
      tpu.wait_dma2 semaphore(%run_scoped3A : memref<!tpu.dma_semaphore, #tpu.memory_space<semaphore_mem>>) src(%dma_wait3A_230 : memref<80x128xi32, #tpu.memory_space<hbm>>) dst(%arg7 : memref<80x128xi32, #tpu.memory_space<vmem>>)
      tpu.yield
    }) : () -> ()
    "tpu.region"() ({
      %run_scoped3A = tpu.sem_alloc : memref<!tpu.dma_semaphore, #tpu.memory_space<semaphore_mem>>
      %dma_start3A_215 = arith.constant 0 : i32
      %dma_start3A_216 = arith.constant 0 : i32
      %dma_start3A_217 = tpu.memref_slice %arg4[%add3A, %dma_start3A_215, %dma_start3A_216] : memref<32x80x128xi32, #tpu.memory_space<hbm>> -> memref<1x80x128xi32, #tpu.memory_space<hbm>>
      %dma_start3A_218 = tpu.memref_squeeze %dma_start3A_217 : memref<1x80x128xi32, #tpu.memory_space<hbm>> -> memref<80x128xi32, #tpu.memory_space<hbm>>
      %dma_start3A_219 = arith.constant 0 : i32
      %dma_start3A_220 = arith.constant 0 : i32
      %dma_start3A_221 = tpu.memref_slice %arg4[%add3A, %dma_start3A_219, %dma_start3A_220] : memref<32x80x128xi32, #tpu.memory_space<hbm>> -> memref<1x80x128xi32, #tpu.memory_space<hbm>>
      %dma_start3A_222 = tpu.memref_squeeze %dma_start3A_221 : memref<1x80x128xi32, #tpu.memory_space<hbm>> -> memref<80x128xi32, #tpu.memory_space<hbm>>
      tpu.enqueue_dma source(%dma_start3A_222 : memref<80x128xi32, #tpu.memory_space<hbm>>) target(%arg8 : memref<80x128xi32, #tpu.memory_space<vmem>>) target_semaphore(%run_scoped3A : memref<!tpu.dma_semaphore, #tpu.memory_space<semaphore_mem>>)
      %dma_wait3A_223 = arith.constant 0 : i32
      %dma_wait3A_224 = arith.constant 0 : i32
      %dma_wait3A_225 = tpu.memref_slice %arg4[%add3A, %dma_wait3A_223, %dma_wait3A_224] : memref<32x80x128xi32, #tpu.memory_space<hbm>> -> memref<1x80x128xi32, #tpu.memory_space<hbm>>
      %dma_wait3A_226 = tpu.memref_squeeze %dma_wait3A_225 : memref<1x80x128xi32, #tpu.memory_space<hbm>> -> memref<80x128xi32, #tpu.memory_space<hbm>>
      %dma_wait3A_227 = arith.constant 0 : i32
      %dma_wait3A_228 = arith.constant 0 : i32
      %dma_wait3A_229 = tpu.memref_slice %arg4[%add3A, %dma_wait3A_227, %dma_wait3A_228] : memref<32x80x128xi32, #tpu.memory_space<hbm>> -> memref<1x80x128xi32, #tpu.memory_space<hbm>>
      %dma_wait3A_230 = tpu.memref_squeeze %dma_wait3A_229 : memref<1x80x128xi32, #tpu.memory_space<hbm>> -> memref<80x128xi32, #tpu.memory_space<hbm>>
      tpu.wait_dma2 semaphore(%run_scoped3A : memref<!tpu.dma_semaphore, #tpu.memory_space<semaphore_mem>>) src(%dma_wait3A_230 : memref<80x128xi32, #tpu.memory_space<hbm>>) dst(%arg8 : memref<80x128xi32, #tpu.memory_space<vmem>>)
      tpu.yield
    }) : () -> ()
    %barrier3A = arith.constant 0 : index
    tpu.barrier barrier_id(%barrier3A)
    %dma_start3A = arith.constant 0 : i32
    %dma_start3A_3 = arith.constant 0 : i32
    %dma_start3A_4 = arith.constant 0 : i32
    %dma_start3A_5 = arith.constant 0 : i32
    %dma_start3A_6 = arith.constant 0 : i32
    %dma_start3A_7 = tpu.memref_slice %arg9[%dma_start3A_3, %dma_start3A_4, %dma_start3A_5, %dma_start3A_6] : memref<2x8x128x32xf32, #tpu.memory_space<vmem>> -> memref<1x1x128x32xf32, #tpu.memory_space<vmem>>
    %dma_start3A_8 = tpu.memref_squeeze %dma_start3A_7 : memref<1x1x128x32xf32, #tpu.memory_space<vmem>> -> memref<128x32xf32, #tpu.memory_space<vmem>>
    %dma_start3A_9 = arith.constant 0 : i32
    %dma_start3A_10 = tpu.memref_slice %arg7[%dma_start3A, %dma_start3A_9] : memref<80x128xi32, #tpu.memory_space<vmem>> -> memref<1x128xi32, #tpu.memory_space<vmem>>
    %dma_start3A_11 = tpu.memref_squeeze %dma_start3A_10 : memref<1x128xi32, #tpu.memory_space<vmem>> -> memref<128xi32, #tpu.memory_space<vmem>>
    %dma_start3A_12 = arith.constant 0 : i32
    %dma_start3A_13 = arith.constant 0 : i32
    %dma_start3A_14 = tpu.memref_slice %arg2[%dma_start3A_12, %dma_start3A_13] : memref<10112x32xf32, #tpu.memory_space<hbm>> -> memref<10112x32xf32, #tpu.memory_space<hbm>>
    tpu.enqueue_indirect_dma source(%dma_start3A_14 : memref<10112x32xf32, #tpu.memory_space<hbm>>) target(%dma_start3A_8 : memref<128x32xf32, #tpu.memory_space<vmem>>) offsets(%dma_start3A_11 : memref<128xi32, #tpu.memory_space<vmem>>) semaphore(%arg11 : memref<!tpu.dma_semaphore, #tpu.memory_space<semaphore_mem>>)
    %dma_start3A_15 = arith.constant 1 : i32
    %dma_start3A_16 = arith.constant 0 : i32
    %dma_start3A_17 = arith.constant 1 : i32
    %dma_start3A_18 = arith.constant 0 : i32
    %dma_start3A_19 = arith.constant 0 : i32
    %dma_start3A_20 = tpu.memref_slice %arg9[%dma_start3A_16, %dma_start3A_17, %dma_start3A_18, %dma_start3A_19] : memref<2x8x128x32xf32, #tpu.memory_space<vmem>> -> memref<1x1x128x32xf32, #tpu.memory_space<vmem>>
    %dma_start3A_21 = tpu.memref_squeeze %dma_start3A_20 : memref<1x1x128x32xf32, #tpu.memory_space<vmem>> -> memref<128x32xf32, #tpu.memory_space<vmem>>
    %dma_start3A_22 = arith.constant 0 : i32
    %dma_start3A_23 = tpu.memref_slice %arg7[%dma_start3A_15, %dma_start3A_22] : memref<80x128xi32, #tpu.memory_space<vmem>> -> memref<1x128xi32, #tpu.memory_space<vmem>>
    %dma_start3A_24 = tpu.memref_squeeze %dma_start3A_23 : memref<1x128xi32, #tpu.memory_space<vmem>> -> memref<128xi32, #tpu.memory_space<vmem>>
    %dma_start3A_25 = arith.constant 0 : i32
    %dma_start3A_26 = arith.constant 0 : i32
    %dma_start3A_27 = tpu.memref_slice %arg2[%dma_start3A_25, %dma_start3A_26] : memref<10112x32xf32, #tpu.memory_space<hbm>> -> memref<10112x32xf32, #tpu.memory_space<hbm>>
    tpu.enqueue_indirect_dma source(%dma_start3A_27 : memref<10112x32xf32, #tpu.memory_space<hbm>>) target(%dma_start3A_21 : memref<128x32xf32, #tpu.memory_space<vmem>>) offsets(%dma_start3A_24 : memref<128xi32, #tpu.memory_space<vmem>>) semaphore(%arg11 : memref<!tpu.dma_semaphore, #tpu.memory_space<semaphore_mem>>)
    %dma_start3A_28 = arith.constant 2 : i32
    %dma_start3A_29 = arith.constant 0 : i32
    %dma_start3A_30 = arith.constant 2 : i32
    %dma_start3A_31 = arith.constant 0 : i32
    %dma_start3A_32 = arith.constant 0 : i32
    %dma_start3A_33 = tpu.memref_slice %arg9[%dma_start3A_29, %dma_start3A_30, %dma_start3A_31, %dma_start3A_32] : memref<2x8x128x32xf32, #tpu.memory_space<vmem>> -> memref<1x1x128x32xf32, #tpu.memory_space<vmem>>
    %dma_start3A_34 = tpu.memref_squeeze %dma_start3A_33 : memref<1x1x128x32xf32, #tpu.memory_space<vmem>> -> memref<128x32xf32, #tpu.memory_space<vmem>>
    %dma_start3A_35 = arith.constant 0 : i32
    %dma_start3A_36 = tpu.memref_slice %arg7[%dma_start3A_28, %dma_start3A_35] : memref<80x128xi32, #tpu.memory_space<vmem>> -> memref<1x128xi32, #tpu.memory_space<vmem>>
    %dma_start3A_37 = tpu.memref_squeeze %dma_start3A_36 : memref<1x128xi32, #tpu.memory_space<vmem>> -> memref<128xi32, #tpu.memory_space<vmem>>
    %dma_start3A_38 = arith.constant 0 : i32
    %dma_start3A_39 = arith.constant 0 : i32
    %dma_start3A_40 = tpu.memref_slice %arg2[%dma_start3A_38, %dma_start3A_39] : memref<10112x32xf32, #tpu.memory_space<hbm>> -> memref<10112x32xf32, #tpu.memory_space<hbm>>
    tpu.enqueue_indirect_dma source(%dma_start3A_40 : memref<10112x32xf32, #tpu.memory_space<hbm>>) target(%dma_start3A_34 : memref<128x32xf32, #tpu.memory_space<vmem>>) offsets(%dma_start3A_37 : memref<128xi32, #tpu.memory_space<vmem>>) semaphore(%arg11 : memref<!tpu.dma_semaphore, #tpu.memory_space<semaphore_mem>>)
    %dma_start3A_41 = arith.constant 3 : i32
    %dma_start3A_42 = arith.constant 0 : i32
    %dma_start3A_43 = arith.constant 3 : i32
    %dma_start3A_44 = arith.constant 0 : i32
    %dma_start3A_45 = arith.constant 0 : i32
    %dma_start3A_46 = tpu.memref_slice %arg9[%dma_start3A_42, %dma_start3A_43, %dma_start3A_44, %dma_start3A_45] : memref<2x8x128x32xf32, #tpu.memory_space<vmem>> -> memref<1x1x128x32xf32, #tpu.memory_space<vmem>>
    %dma_start3A_47 = tpu.memref_squeeze %dma_start3A_46 : memref<1x1x128x32xf32, #tpu.memory_space<vmem>> -> memref<128x32xf32, #tpu.memory_space<vmem>>
    %dma_start3A_48 = arith.constant 0 : i32
    %dma_start3A_49 = tpu.memref_slice %arg7[%dma_start3A_41, %dma_start3A_48] : memref<80x128xi32, #tpu.memory_space<vmem>> -> memref<1x128xi32, #tpu.memory_space<vmem>>
    %dma_start3A_50 = tpu.memref_squeeze %dma_start3A_49 : memref<1x128xi32, #tpu.memory_space<vmem>> -> memref<128xi32, #tpu.memory_space<vmem>>
    %dma_start3A_51 = arith.constant 0 : i32
    %dma_start3A_52 = arith.constant 0 : i32
    %dma_start3A_53 = tpu.memref_slice %arg2[%dma_start3A_51, %dma_start3A_52] : memref<10112x32xf32, #tpu.memory_space<hbm>> -> memref<10112x32xf32, #tpu.memory_space<hbm>>
    tpu.enqueue_indirect_dma source(%dma_start3A_53 : memref<10112x32xf32, #tpu.memory_space<hbm>>) target(%dma_start3A_47 : memref<128x32xf32, #tpu.memory_space<vmem>>) offsets(%dma_start3A_50 : memref<128xi32, #tpu.memory_space<vmem>>) semaphore(%arg11 : memref<!tpu.dma_semaphore, #tpu.memory_space<semaphore_mem>>)
    %dma_start3A_54 = arith.constant 4 : i32
    %dma_start3A_55 = arith.constant 0 : i32
    %dma_start3A_56 = arith.constant 4 : i32
    %dma_start3A_57 = arith.constant 0 : i32
    %dma_start3A_58 = arith.constant 0 : i32
    %dma_start3A_59 = tpu.memref_slice %arg9[%dma_start3A_55, %dma_start3A_56, %dma_start3A_57, %dma_start3A_58] : memref<2x8x128x32xf32, #tpu.memory_space<vmem>> -> memref<1x1x128x32xf32, #tpu.memory_space<vmem>>
    %dma_start3A_60 = tpu.memref_squeeze %dma_start3A_59 : memref<1x1x128x32xf32, #tpu.memory_space<vmem>> -> memref<128x32xf32, #tpu.memory_space<vmem>>
    %dma_start3A_61 = arith.constant 0 : i32
    %dma_start3A_62 = tpu.memref_slice %arg7[%dma_start3A_54, %dma_start3A_61] : memref<80x128xi32, #tpu.memory_space<vmem>> -> memref<1x128xi32, #tpu.memory_space<vmem>>
    %dma_start3A_63 = tpu.memref_squeeze %dma_start3A_62 : memref<1x128xi32, #tpu.memory_space<vmem>> -> memref<128xi32, #tpu.memory_space<vmem>>
    %dma_start3A_64 = arith.constant 0 : i32
    %dma_start3A_65 = arith.constant 0 : i32
    %dma_start3A_66 = tpu.memref_slice %arg2[%dma_start3A_64, %dma_start3A_65] : memref<10112x32xf32, #tpu.memory_space<hbm>> -> memref<10112x32xf32, #tpu.memory_space<hbm>>
    tpu.enqueue_indirect_dma source(%dma_start3A_66 : memref<10112x32xf32, #tpu.memory_space<hbm>>) target(%dma_start3A_60 : memref<128x32xf32, #tpu.memory_space<vmem>>) offsets(%dma_start3A_63 : memref<128xi32, #tpu.memory_space<vmem>>) semaphore(%arg11 : memref<!tpu.dma_semaphore, #tpu.memory_space<semaphore_mem>>)
    %dma_start3A_67 = arith.constant 5 : i32
    %dma_start3A_68 = arith.constant 0 : i32
    %dma_start3A_69 = arith.constant 5 : i32
    %dma_start3A_70 = arith.constant 0 : i32
    %dma_start3A_71 = arith.constant 0 : i32
    %dma_start3A_72 = tpu.memref_slice %arg9[%dma_start3A_68, %dma_start3A_69, %dma_start3A_70, %dma_start3A_71] : memref<2x8x128x32xf32, #tpu.memory_space<vmem>> -> memref<1x1x128x32xf32, #tpu.memory_space<vmem>>
    %dma_start3A_73 = tpu.memref_squeeze %dma_start3A_72 : memref<1x1x128x32xf32, #tpu.memory_space<vmem>> -> memref<128x32xf32, #tpu.memory_space<vmem>>
    %dma_start3A_74 = arith.constant 0 : i32
    %dma_start3A_75 = tpu.memref_slice %arg7[%dma_start3A_67, %dma_start3A_74] : memref<80x128xi32, #tpu.memory_space<vmem>> -> memref<1x128xi32, #tpu.memory_space<vmem>>
    %dma_start3A_76 = tpu.memref_squeeze %dma_start3A_75 : memref<1x128xi32, #tpu.memory_space<vmem>> -> memref<128xi32, #tpu.memory_space<vmem>>
    %dma_start3A_77 = arith.constant 0 : i32
    %dma_start3A_78 = arith.constant 0 : i32
    %dma_start3A_79 = tpu.memref_slice %arg2[%dma_start3A_77, %dma_start3A_78] : memref<10112x32xf32, #tpu.memory_space<hbm>> -> memref<10112x32xf32, #tpu.memory_space<hbm>>
    tpu.enqueue_indirect_dma source(%dma_start3A_79 : memref<10112x32xf32, #tpu.memory_space<hbm>>) target(%dma_start3A_73 : memref<128x32xf32, #tpu.memory_space<vmem>>) offsets(%dma_start3A_76 : memref<128xi32, #tpu.memory_space<vmem>>) semaphore(%arg11 : memref<!tpu.dma_semaphore, #tpu.memory_space<semaphore_mem>>)
    %dma_start3A_80 = arith.constant 6 : i32
    %dma_start3A_81 = arith.constant 0 : i32
    %dma_start3A_82 = arith.constant 6 : i32
    %dma_start3A_83 = arith.constant 0 : i32
    %dma_start3A_84 = arith.constant 0 : i32
    %dma_start3A_85 = tpu.memref_slice %arg9[%dma_start3A_81, %dma_start3A_82, %dma_start3A_83, %dma_start3A_84] : memref<2x8x128x32xf32, #tpu.memory_space<vmem>> -> memref<1x1x128x32xf32, #tpu.memory_space<vmem>>
    %dma_start3A_86 = tpu.memref_squeeze %dma_start3A_85 : memref<1x1x128x32xf32, #tpu.memory_space<vmem>> -> memref<128x32xf32, #tpu.memory_space<vmem>>
    %dma_start3A_87 = arith.constant 0 : i32
    %dma_start3A_88 = tpu.memref_slice %arg7[%dma_start3A_80, %dma_start3A_87] : memref<80x128xi32, #tpu.memory_space<vmem>> -> memref<1x128xi32, #tpu.memory_space<vmem>>
    %dma_start3A_89 = tpu.memref_squeeze %dma_start3A_88 : memref<1x128xi32, #tpu.memory_space<vmem>> -> memref<128xi32, #tpu.memory_space<vmem>>
    %dma_start3A_90 = arith.constant 0 : i32
    %dma_start3A_91 = arith.constant 0 : i32
    %dma_start3A_92 = tpu.memref_slice %arg2[%dma_start3A_90, %dma_start3A_91] : memref<10112x32xf32, #tpu.memory_space<hbm>> -> memref<10112x32xf32, #tpu.memory_space<hbm>>
    tpu.enqueue_indirect_dma source(%dma_start3A_92 : memref<10112x32xf32, #tpu.memory_space<hbm>>) target(%dma_start3A_86 : memref<128x32xf32, #tpu.memory_space<vmem>>) offsets(%dma_start3A_89 : memref<128xi32, #tpu.memory_space<vmem>>) semaphore(%arg11 : memref<!tpu.dma_semaphore, #tpu.memory_space<semaphore_mem>>)
    %dma_start3A_93 = arith.constant 7 : i32
    %dma_start3A_94 = arith.constant 0 : i32
    %dma_start3A_95 = arith.constant 7 : i32
    %dma_start3A_96 = arith.constant 0 : i32
    %dma_start3A_97 = arith.constant 0 : i32
    %dma_start3A_98 = tpu.memref_slice %arg9[%dma_start3A_94, %dma_start3A_95, %dma_start3A_96, %dma_start3A_97] : memref<2x8x128x32xf32, #tpu.memory_space<vmem>> -> memref<1x1x128x32xf32, #tpu.memory_space<vmem>>
    %dma_start3A_99 = tpu.memref_squeeze %dma_start3A_98 : memref<1x1x128x32xf32, #tpu.memory_space<vmem>> -> memref<128x32xf32, #tpu.memory_space<vmem>>
    %dma_start3A_100 = arith.constant 0 : i32
    %dma_start3A_101 = tpu.memref_slice %arg7[%dma_start3A_93, %dma_start3A_100] : memref<80x128xi32, #tpu.memory_space<vmem>> -> memref<1x128xi32, #tpu.memory_space<vmem>>
    %dma_start3A_102 = tpu.memref_squeeze %dma_start3A_101 : memref<1x128xi32, #tpu.memory_space<vmem>> -> memref<128xi32, #tpu.memory_space<vmem>>
    %dma_start3A_103 = arith.constant 0 : i32
    %dma_start3A_104 = arith.constant 0 : i32
    %dma_start3A_105 = tpu.memref_slice %arg2[%dma_start3A_103, %dma_start3A_104] : memref<10112x32xf32, #tpu.memory_space<hbm>> -> memref<10112x32xf32, #tpu.memory_space<hbm>>
    tpu.enqueue_indirect_dma source(%dma_start3A_105 : memref<10112x32xf32, #tpu.memory_space<hbm>>) target(%dma_start3A_99 : memref<128x32xf32, #tpu.memory_space<vmem>>) offsets(%dma_start3A_102 : memref<128xi32, #tpu.memory_space<vmem>>) semaphore(%arg11 : memref<!tpu.dma_semaphore, #tpu.memory_space<semaphore_mem>>)
    %scan3A = arith.constant 0 : i32
    %scan3A_106 = arith.constant 0 : i32
    %scan3A_107 = arith.constant 5 : i32
    %scan3A_108 = arith.addi %scan3A_106, %scan3A_107 : i32
    %scan3A_109 = arith.constant 1 : i32
    scf.for %scan3A_215 = %scan3A_106 to %scan3A_108 step %scan3A_109  : i32 {
      %mul3A_216 = arith.constant 2 : i32
      %mul3A_217 = arith.muli %scan3A_215, %mul3A_216 : i32
      %mul3A_218 = arith.constant 8 : i32
      %mul3A_219 = arith.muli %mul3A_217, %mul3A_218 : i32
      %add3A_220 = arith.constant 8 : i32
      %add3A_221 = arith.addi %mul3A_219, %add3A_220 : i32
      %dma_wait3A_222 = arith.constant 0 : i32
      %dma_wait3A_223 = arith.constant 0 : i32
      %dma_wait3A_224 = arith.constant 0 : i32
      %dma_wait3A_225 = arith.constant 0 : i32
      %dma_wait3A_226 = arith.constant 0 : i32
      %dma_wait3A_227 = tpu.memref_slice %arg9[%dma_wait3A_223, %dma_wait3A_224, %dma_wait3A_225, %dma_wait3A_226] : memref<2x8x128x32xf32, #tpu.memory_space<vmem>> -> memref<1x1x128x32xf32, #tpu.memory_space<vmem>>
      %dma_wait3A_228 = tpu.memref_squeeze %dma_wait3A_227 : memref<1x1x128x32xf32, #tpu.memory_space<vmem>> -> memref<128x32xf32, #tpu.memory_space<vmem>>
      %dma_wait3A_229 = arith.constant 0 : i32
      %dma_wait3A_230 = tpu.memref_slice %arg7[%dma_wait3A_222, %dma_wait3A_229] : memref<80x128xi32, #tpu.memory_space<vmem>> -> memref<1x128xi32, #tpu.memory_space<vmem>>
      %dma_wait3A_231 = tpu.memref_squeeze %dma_wait3A_230 : memref<1x128xi32, #tpu.memory_space<vmem>> -> memref<128xi32, #tpu.memory_space<vmem>>
      %dma_wait3A_232 = arith.constant 0 : i32
      %dma_wait3A_233 = arith.constant 0 : i32
      %dma_wait3A_234 = tpu.memref_slice %arg2[%dma_wait3A_232, %dma_wait3A_233] : memref<10112x32xf32, #tpu.memory_space<hbm>> -> memref<10112x32xf32, #tpu.memory_space<hbm>>
      tpu.wait_indirect_dma semaphore(%arg11 : memref<!tpu.dma_semaphore, #tpu.memory_space<semaphore_mem>>) src(%dma_wait3A_234 : memref<10112x32xf32, #tpu.memory_space<hbm>>) dst(%dma_wait3A_228 : memref<128x32xf32, #tpu.memory_space<vmem>>)
      %dma_wait3A_235 = arith.constant 0 : i32
      %dma_wait3A_236 = arith.constant 0 : i32
      %dma_wait3A_237 = arith.constant 1 : i32
      %dma_wait3A_238 = arith.constant 0 : i32
      %dma_wait3A_239 = arith.constant 0 : i32
      %dma_wait3A_240 = tpu.memref_slice %arg9[%dma_wait3A_236, %dma_wait3A_237, %dma_wait3A_238, %dma_wait3A_239] : memref<2x8x128x32xf32, #tpu.memory_space<vmem>> -> memref<1x1x128x32xf32, #tpu.memory_space<vmem>>
      %dma_wait3A_241 = tpu.memref_squeeze %dma_wait3A_240 : memref<1x1x128x32xf32, #tpu.memory_space<vmem>> -> memref<128x32xf32, #tpu.memory_space<vmem>>
      %dma_wait3A_242 = arith.constant 0 : i32
      %dma_wait3A_243 = tpu.memref_slice %arg7[%dma_wait3A_235, %dma_wait3A_242] : memref<80x128xi32, #tpu.memory_space<vmem>> -> memref<1x128xi32, #tpu.memory_space<vmem>>
      %dma_wait3A_244 = tpu.memref_squeeze %dma_wait3A_243 : memref<1x128xi32, #tpu.memory_space<vmem>> -> memref<128xi32, #tpu.memory_space<vmem>>
      %dma_wait3A_245 = arith.constant 0 : i32
      %dma_wait3A_246 = arith.constant 0 : i32
      %dma_wait3A_247 = tpu.memref_slice %arg2[%dma_wait3A_245, %dma_wait3A_246] : memref<10112x32xf32, #tpu.memory_space<hbm>> -> memref<10112x32xf32, #tpu.memory_space<hbm>>
      tpu.wait_indirect_dma semaphore(%arg11 : memref<!tpu.dma_semaphore, #tpu.memory_space<semaphore_mem>>) src(%dma_wait3A_247 : memref<10112x32xf32, #tpu.memory_space<hbm>>) dst(%dma_wait3A_241 : memref<128x32xf32, #tpu.memory_space<vmem>>)
      %dma_wait3A_248 = arith.constant 0 : i32
      %dma_wait3A_249 = arith.constant 0 : i32
      %dma_wait3A_250 = arith.constant 2 : i32
      %dma_wait3A_251 = arith.constant 0 : i32
      %dma_wait3A_252 = arith.constant 0 : i32
      %dma_wait3A_253 = tpu.memref_slice %arg9[%dma_wait3A_249, %dma_wait3A_250, %dma_wait3A_251, %dma_wait3A_252] : memref<2x8x128x32xf32, #tpu.memory_space<vmem>> -> memref<1x1x128x32xf32, #tpu.memory_space<vmem>>
      %dma_wait3A_254 = tpu.memref_squeeze %dma_wait3A_253 : memref<1x1x128x32xf32, #tpu.memory_space<vmem>> -> memref<128x32xf32, #tpu.memory_space<vmem>>
      %dma_wait3A_255 = arith.constant 0 : i32
      %dma_wait3A_256 = tpu.memref_slice %arg7[%dma_wait3A_248, %dma_wait3A_255] : memref<80x128xi32, #tpu.memory_space<vmem>> -> memref<1x128xi32, #tpu.memory_space<vmem>>
      %dma_wait3A_257 = tpu.memref_squeeze %dma_wait3A_256 : memref<1x128xi32, #tpu.memory_space<vmem>> -> memref<128xi32, #tpu.memory_space<vmem>>
      %dma_wait3A_258 = arith.constant 0 : i32
      %dma_wait3A_259 = arith.constant 0 : i32
      %dma_wait3A_260 = tpu.memref_slice %arg2[%dma_wait3A_258, %dma_wait3A_259] : memref<10112x32xf32, #tpu.memory_space<hbm>> -> memref<10112x32xf32, #tpu.memory_space<hbm>>
      tpu.wait_indirect_dma semaphore(%arg11 : memref<!tpu.dma_semaphore, #tpu.memory_space<semaphore_mem>>) src(%dma_wait3A_260 : memref<10112x32xf32, #tpu.memory_space<hbm>>) dst(%dma_wait3A_254 : memref<128x32xf32, #tpu.memory_space<vmem>>)
      %dma_wait3A_261 = arith.constant 0 : i32
      %dma_wait3A_262 = arith.constant 0 : i32
      %dma_wait3A_263 = arith.constant 3 : i32
      %dma_wait3A_264 = arith.constant 0 : i32
      %dma_wait3A_265 = arith.constant 0 : i32
      %dma_wait3A_266 = tpu.memref_slice %arg9[%dma_wait3A_262, %dma_wait3A_263, %dma_wait3A_264, %dma_wait3A_265] : memref<2x8x128x32xf32, #tpu.memory_space<vmem>> -> memref<1x1x128x32xf32, #tpu.memory_space<vmem>>
      %dma_wait3A_267 = tpu.memref_squeeze %dma_wait3A_266 : memref<1x1x128x32xf32, #tpu.memory_space<vmem>> -> memref<128x32xf32, #tpu.memory_space<vmem>>
      %dma_wait3A_268 = arith.constant 0 : i32
      %dma_wait3A_269 = tpu.memref_slice %arg7[%dma_wait3A_261, %dma_wait3A_268] : memref<80x128xi32, #tpu.memory_space<vmem>> -> memref<1x128xi32, #tpu.memory_space<vmem>>
      %dma_wait3A_270 = tpu.memref_squeeze %dma_wait3A_269 : memref<1x128xi32, #tpu.memory_space<vmem>> -> memref<128xi32, #tpu.memory_space<vmem>>
      %dma_wait3A_271 = arith.constant 0 : i32
      %dma_wait3A_272 = arith.constant 0 : i32
      %dma_wait3A_273 = tpu.memref_slice %arg2[%dma_wait3A_271, %dma_wait3A_272] : memref<10112x32xf32, #tpu.memory_space<hbm>> -> memref<10112x32xf32, #tpu.memory_space<hbm>>
      tpu.wait_indirect_dma semaphore(%arg11 : memref<!tpu.dma_semaphore, #tpu.memory_space<semaphore_mem>>) src(%dma_wait3A_273 : memref<10112x32xf32, #tpu.memory_space<hbm>>) dst(%dma_wait3A_267 : memref<128x32xf32, #tpu.memory_space<vmem>>)
      %dma_wait3A_274 = arith.constant 0 : i32
      %dma_wait3A_275 = arith.constant 0 : i32
      %dma_wait3A_276 = arith.constant 4 : i32
      %dma_wait3A_277 = arith.constant 0 : i32
      %dma_wait3A_278 = arith.constant 0 : i32
      %dma_wait3A_279 = tpu.memref_slice %arg9[%dma_wait3A_275, %dma_wait3A_276, %dma_wait3A_277, %dma_wait3A_278] : memref<2x8x128x32xf32, #tpu.memory_space<vmem>> -> memref<1x1x128x32xf32, #tpu.memory_space<vmem>>
      %dma_wait3A_280 = tpu.memref_squeeze %dma_wait3A_279 : memref<1x1x128x32xf32, #tpu.memory_space<vmem>> -> memref<128x32xf32, #tpu.memory_space<vmem>>
      %dma_wait3A_281 = arith.constant 0 : i32
      %dma_wait3A_282 = tpu.memref_slice %arg7[%dma_wait3A_274, %dma_wait3A_281] : memref<80x128xi32, #tpu.memory_space<vmem>> -> memref<1x128xi32, #tpu.memory_space<vmem>>
      %dma_wait3A_283 = tpu.memref_squeeze %dma_wait3A_282 : memref<1x128xi32, #tpu.memory_space<vmem>> -> memref<128xi32, #tpu.memory_space<vmem>>
      %dma_wait3A_284 = arith.constant 0 : i32
      %dma_wait3A_285 = arith.constant 0 : i32
      %dma_wait3A_286 = tpu.memref_slice %arg2[%dma_wait3A_284, %dma_wait3A_285] : memref<10112x32xf32, #tpu.memory_space<hbm>> -> memref<10112x32xf32, #tpu.memory_space<hbm>>
      tpu.wait_indirect_dma semaphore(%arg11 : memref<!tpu.dma_semaphore, #tpu.memory_space<semaphore_mem>>) src(%dma_wait3A_286 : memref<10112x32xf32, #tpu.memory_space<hbm>>) dst(%dma_wait3A_280 : memref<128x32xf32, #tpu.memory_space<vmem>>)
      %dma_wait3A_287 = arith.constant 0 : i32
      %dma_wait3A_288 = arith.constant 0 : i32
      %dma_wait3A_289 = arith.constant 5 : i32
      %dma_wait3A_290 = arith.constant 0 : i32
      %dma_wait3A_291 = arith.constant 0 : i32
      %dma_wait3A_292 = tpu.memref_slice %arg9[%dma_wait3A_288, %dma_wait3A_289, %dma_wait3A_290, %dma_wait3A_291] : memref<2x8x128x32xf32, #tpu.memory_space<vmem>> -> memref<1x1x128x32xf32, #tpu.memory_space<vmem>>
      %dma_wait3A_293 = tpu.memref_squeeze %dma_wait3A_292 : memref<1x1x128x32xf32, #tpu.memory_space<vmem>> -> memref<128x32xf32, #tpu.memory_space<vmem>>
      %dma_wait3A_294 = arith.constant 0 : i32
      %dma_wait3A_295 = tpu.memref_slice %arg7[%dma_wait3A_287, %dma_wait3A_294] : memref<80x128xi32, #tpu.memory_space<vmem>> -> memref<1x128xi32, #tpu.memory_space<vmem>>
      %dma_wait3A_296 = tpu.memref_squeeze %dma_wait3A_295 : memref<1x128xi32, #tpu.memory_space<vmem>> -> memref<128xi32, #tpu.memory_space<vmem>>
      %dma_wait3A_297 = arith.constant 0 : i32
      %dma_wait3A_298 = arith.constant 0 : i32
      %dma_wait3A_299 = tpu.memref_slice %arg2[%dma_wait3A_297, %dma_wait3A_298] : memref<10112x32xf32, #tpu.memory_space<hbm>> -> memref<10112x32xf32, #tpu.memory_space<hbm>>
      tpu.wait_indirect_dma semaphore(%arg11 : memref<!tpu.dma_semaphore, #tpu.memory_space<semaphore_mem>>) src(%dma_wait3A_299 : memref<10112x32xf32, #tpu.memory_space<hbm>>) dst(%dma_wait3A_293 : memref<128x32xf32, #tpu.memory_space<vmem>>)
      %dma_wait3A_300 = arith.constant 0 : i32
      %dma_wait3A_301 = arith.constant 0 : i32
      %dma_wait3A_302 = arith.constant 6 : i32
      %dma_wait3A_303 = arith.constant 0 : i32
      %dma_wait3A_304 = arith.constant 0 : i32
      %dma_wait3A_305 = tpu.memref_slice %arg9[%dma_wait3A_301, %dma_wait3A_302, %dma_wait3A_303, %dma_wait3A_304] : memref<2x8x128x32xf32, #tpu.memory_space<vmem>> -> memref<1x1x128x32xf32, #tpu.memory_space<vmem>>
      %dma_wait3A_306 = tpu.memref_squeeze %dma_wait3A_305 : memref<1x1x128x32xf32, #tpu.memory_space<vmem>> -> memref<128x32xf32, #tpu.memory_space<vmem>>
      %dma_wait3A_307 = arith.constant 0 : i32
      %dma_wait3A_308 = tpu.memref_slice %arg7[%dma_wait3A_300, %dma_wait3A_307] : memref<80x128xi32, #tpu.memory_space<vmem>> -> memref<1x128xi32, #tpu.memory_space<vmem>>
      %dma_wait3A_309 = tpu.memref_squeeze %dma_wait3A_308 : memref<1x128xi32, #tpu.memory_space<vmem>> -> memref<128xi32, #tpu.memory_space<vmem>>
      %dma_wait3A_310 = arith.constant 0 : i32
      %dma_wait3A_311 = arith.constant 0 : i32
      %dma_wait3A_312 = tpu.memref_slice %arg2[%dma_wait3A_310, %dma_wait3A_311] : memref<10112x32xf32, #tpu.memory_space<hbm>> -> memref<10112x32xf32, #tpu.memory_space<hbm>>
      tpu.wait_indirect_dma semaphore(%arg11 : memref<!tpu.dma_semaphore, #tpu.memory_space<semaphore_mem>>) src(%dma_wait3A_312 : memref<10112x32xf32, #tpu.memory_space<hbm>>) dst(%dma_wait3A_306 : memref<128x32xf32, #tpu.memory_space<vmem>>)
      %dma_wait3A_313 = arith.constant 0 : i32
      %dma_wait3A_314 = arith.constant 0 : i32
      %dma_wait3A_315 = arith.constant 7 : i32
      %dma_wait3A_316 = arith.constant 0 : i32
      %dma_wait3A_317 = arith.constant 0 : i32
      %dma_wait3A_318 = tpu.memref_slice %arg9[%dma_wait3A_314, %dma_wait3A_315, %dma_wait3A_316, %dma_wait3A_317] : memref<2x8x128x32xf32, #tpu.memory_space<vmem>> -> memref<1x1x128x32xf32, #tpu.memory_space<vmem>>
      %dma_wait3A_319 = tpu.memref_squeeze %dma_wait3A_318 : memref<1x1x128x32xf32, #tpu.memory_space<vmem>> -> memref<128x32xf32, #tpu.memory_space<vmem>>
      %dma_wait3A_320 = arith.constant 0 : i32
      %dma_wait3A_321 = tpu.memref_slice %arg7[%dma_wait3A_313, %dma_wait3A_320] : memref<80x128xi32, #tpu.memory_space<vmem>> -> memref<1x128xi32, #tpu.memory_space<vmem>>
      %dma_wait3A_322 = tpu.memref_squeeze %dma_wait3A_321 : memref<1x128xi32, #tpu.memory_space<vmem>> -> memref<128xi32, #tpu.memory_space<vmem>>
      %dma_wait3A_323 = arith.constant 0 : i32
      %dma_wait3A_324 = arith.constant 0 : i32
      %dma_wait3A_325 = tpu.memref_slice %arg2[%dma_wait3A_323, %dma_wait3A_324] : memref<10112x32xf32, #tpu.memory_space<hbm>> -> memref<10112x32xf32, #tpu.memory_space<hbm>>
      tpu.wait_indirect_dma semaphore(%arg11 : memref<!tpu.dma_semaphore, #tpu.memory_space<semaphore_mem>>) src(%dma_wait3A_325 : memref<10112x32xf32, #tpu.memory_space<hbm>>) dst(%dma_wait3A_319 : memref<128x32xf32, #tpu.memory_space<vmem>>)
      %gt3A = arith.constant 0 : i32
      %gt3A_326 = arith.cmpi sgt, %scan3A_215, %gt3A : i32
      %convert_element_type3A = arith.extui %gt3A_326 : i1 to i32
      %cond3A = arith.constant 0 : i32
      %cond3A_327 = arith.cmpi ne, %convert_element_type3A, %cond3A : i32
      scf.if %cond3A_327 {
        %dma_wait3A_878 = arith.constant 1 : i32
        %dma_wait3A_879 = arith.constant 0 : i32
        %dma_wait3A_880 = arith.constant 0 : i32
        %dma_wait3A_881 = arith.constant 0 : i32
        %dma_wait3A_882 = arith.constant 0 : i32
        %dma_wait3A_883 = tpu.memref_slice %arg9[%dma_wait3A_878, %dma_wait3A_879, %dma_wait3A_881, %dma_wait3A_882] : memref<2x8x128x32xf32, #tpu.memory_space<vmem>> -> memref<1x1x128x32xf32, #tpu.memory_space<vmem>>
        %dma_wait3A_884 = tpu.memref_squeeze %dma_wait3A_883 : memref<1x1x128x32xf32, #tpu.memory_space<vmem>> -> memref<128x32xf32, #tpu.memory_space<vmem>>
        %dma_wait3A_885 = arith.constant 0 : i32
        %dma_wait3A_886 = tpu.memref_slice %arg8[%dma_wait3A_880, %dma_wait3A_885] : memref<80x128xi32, #tpu.memory_space<vmem>> -> memref<1x128xi32, #tpu.memory_space<vmem>>
        %dma_wait3A_887 = tpu.memref_squeeze %dma_wait3A_886 : memref<1x128xi32, #tpu.memory_space<vmem>> -> memref<128xi32, #tpu.memory_space<vmem>>
        %dma_wait3A_888 = arith.constant 0 : i32
        %dma_wait3A_889 = arith.constant 0 : i32
        %dma_wait3A_890 = tpu.memref_slice %arg10[%dma_wait3A_888, %dma_wait3A_889] : memref<10112x32xf32, #tpu.memory_space<vmem_shared>> -> memref<10112x32xf32, #tpu.memory_space<vmem_shared>>
        tpu.wait_indirect_dma semaphore(%arg14 : memref<!tpu.dma_semaphore, #tpu.memory_space<semaphore_mem>>) src(%dma_wait3A_884 : memref<128x32xf32, #tpu.memory_space<vmem>>) dst(%dma_wait3A_890 : memref<10112x32xf32, #tpu.memory_space<vmem_shared>>)
        %dma_wait3A_891 = arith.constant 1 : i32
        %dma_wait3A_892 = arith.constant 1 : i32
        %dma_wait3A_893 = arith.constant 0 : i32
        %dma_wait3A_894 = arith.constant 0 : i32
        %dma_wait3A_895 = arith.constant 0 : i32
        %dma_wait3A_896 = tpu.memref_slice %arg9[%dma_wait3A_891, %dma_wait3A_892, %dma_wait3A_894, %dma_wait3A_895] : memref<2x8x128x32xf32, #tpu.memory_space<vmem>> -> memref<1x1x128x32xf32, #tpu.memory_space<vmem>>
        %dma_wait3A_897 = tpu.memref_squeeze %dma_wait3A_896 : memref<1x1x128x32xf32, #tpu.memory_space<vmem>> -> memref<128x32xf32, #tpu.memory_space<vmem>>
        %dma_wait3A_898 = arith.constant 0 : i32
        %dma_wait3A_899 = tpu.memref_slice %arg8[%dma_wait3A_893, %dma_wait3A_898] : memref<80x128xi32, #tpu.memory_space<vmem>> -> memref<1x128xi32, #tpu.memory_space<vmem>>
        %dma_wait3A_900 = tpu.memref_squeeze %dma_wait3A_899 : memref<1x128xi32, #tpu.memory_space<vmem>> -> memref<128xi32, #tpu.memory_space<vmem>>
        %dma_wait3A_901 = arith.constant 0 : i32
        %dma_wait3A_902 = arith.constant 0 : i32
        %dma_wait3A_903 = tpu.memref_slice %arg10[%dma_wait3A_901, %dma_wait3A_902] : memref<10112x32xf32, #tpu.memory_space<vmem_shared>> -> memref<10112x32xf32, #tpu.memory_space<vmem_shared>>
        tpu.wait_indirect_dma semaphore(%arg14 : memref<!tpu.dma_semaphore, #tpu.memory_space<semaphore_mem>>) src(%dma_wait3A_897 : memref<128x32xf32, #tpu.memory_space<vmem>>) dst(%dma_wait3A_903 : memref<10112x32xf32, #tpu.memory_space<vmem_shared>>)
        %dma_wait3A_904 = arith.constant 1 : i32
        %dma_wait3A_905 = arith.constant 2 : i32
        %dma_wait3A_906 = arith.constant 0 : i32
        %dma_wait3A_907 = arith.constant 0 : i32
        %dma_wait3A_908 = arith.constant 0 : i32
        %dma_wait3A_909 = tpu.memref_slice %arg9[%dma_wait3A_904, %dma_wait3A_905, %dma_wait3A_907, %dma_wait3A_908] : memref<2x8x128x32xf32, #tpu.memory_space<vmem>> -> memref<1x1x128x32xf32, #tpu.memory_space<vmem>>
        %dma_wait3A_910 = tpu.memref_squeeze %dma_wait3A_909 : memref<1x1x128x32xf32, #tpu.memory_space<vmem>> -> memref<128x32xf32, #tpu.memory_space<vmem>>
        %dma_wait3A_911 = arith.constant 0 : i32
        %dma_wait3A_912 = tpu.memref_slice %arg8[%dma_wait3A_906, %dma_wait3A_911] : memref<80x128xi32, #tpu.memory_space<vmem>> -> memref<1x128xi32, #tpu.memory_space<vmem>>
        %dma_wait3A_913 = tpu.memref_squeeze %dma_wait3A_912 : memref<1x128xi32, #tpu.memory_space<vmem>> -> memref<128xi32, #tpu.memory_space<vmem>>
        %dma_wait3A_914 = arith.constant 0 : i32
        %dma_wait3A_915 = arith.constant 0 : i32
        %dma_wait3A_916 = tpu.memref_slice %arg10[%dma_wait3A_914, %dma_wait3A_915] : memref<10112x32xf32, #tpu.memory_space<vmem_shared>> -> memref<10112x32xf32, #tpu.memory_space<vmem_shared>>
        tpu.wait_indirect_dma semaphore(%arg14 : memref<!tpu.dma_semaphore, #tpu.memory_space<semaphore_mem>>) src(%dma_wait3A_910 : memref<128x32xf32, #tpu.memory_space<vmem>>) dst(%dma_wait3A_916 : memref<10112x32xf32, #tpu.memory_space<vmem_shared>>)
        %dma_wait3A_917 = arith.constant 1 : i32
        %dma_wait3A_918 = arith.constant 3 : i32
        %dma_wait3A_919 = arith.constant 0 : i32
        %dma_wait3A_920 = arith.constant 0 : i32
        %dma_wait3A_921 = arith.constant 0 : i32
        %dma_wait3A_922 = tpu.memref_slice %arg9[%dma_wait3A_917, %dma_wait3A_918, %dma_wait3A_920, %dma_wait3A_921] : memref<2x8x128x32xf32, #tpu.memory_space<vmem>> -> memref<1x1x128x32xf32, #tpu.memory_space<vmem>>
        %dma_wait3A_923 = tpu.memref_squeeze %dma_wait3A_922 : memref<1x1x128x32xf32, #tpu.memory_space<vmem>> -> memref<128x32xf32, #tpu.memory_space<vmem>>
        %dma_wait3A_924 = arith.constant 0 : i32
        %dma_wait3A_925 = tpu.memref_slice %arg8[%dma_wait3A_919, %dma_wait3A_924] : memref<80x128xi32, #tpu.memory_space<vmem>> -> memref<1x128xi32, #tpu.memory_space<vmem>>
        %dma_wait3A_926 = tpu.memref_squeeze %dma_wait3A_925 : memref<1x128xi32, #tpu.memory_space<vmem>> -> memref<128xi32, #tpu.memory_space<vmem>>
        %dma_wait3A_927 = arith.constant 0 : i32
        %dma_wait3A_928 = arith.constant 0 : i32
        %dma_wait3A_929 = tpu.memref_slice %arg10[%dma_wait3A_927, %dma_wait3A_928] : memref<10112x32xf32, #tpu.memory_space<vmem_shared>> -> memref<10112x32xf32, #tpu.memory_space<vmem_shared>>
        tpu.wait_indirect_dma semaphore(%arg14 : memref<!tpu.dma_semaphore, #tpu.memory_space<semaphore_mem>>) src(%dma_wait3A_923 : memref<128x32xf32, #tpu.memory_space<vmem>>) dst(%dma_wait3A_929 : memref<10112x32xf32, #tpu.memory_space<vmem_shared>>)
        %dma_wait3A_930 = arith.constant 1 : i32
        %dma_wait3A_931 = arith.constant 4 : i32
        %dma_wait3A_932 = arith.constant 0 : i32
        %dma_wait3A_933 = arith.constant 0 : i32
        %dma_wait3A_934 = arith.constant 0 : i32
        %dma_wait3A_935 = tpu.memref_slice %arg9[%dma_wait3A_930, %dma_wait3A_931, %dma_wait3A_933, %dma_wait3A_934] : memref<2x8x128x32xf32, #tpu.memory_space<vmem>> -> memref<1x1x128x32xf32, #tpu.memory_space<vmem>>
        %dma_wait3A_936 = tpu.memref_squeeze %dma_wait3A_935 : memref<1x1x128x32xf32, #tpu.memory_space<vmem>> -> memref<128x32xf32, #tpu.memory_space<vmem>>
        %dma_wait3A_937 = arith.constant 0 : i32
        %dma_wait3A_938 = tpu.memref_slice %arg8[%dma_wait3A_932, %dma_wait3A_937] : memref<80x128xi32, #tpu.memory_space<vmem>> -> memref<1x128xi32, #tpu.memory_space<vmem>>
        %dma_wait3A_939 = tpu.memref_squeeze %dma_wait3A_938 : memref<1x128xi32, #tpu.memory_space<vmem>> -> memref<128xi32, #tpu.memory_space<vmem>>
        %dma_wait3A_940 = arith.constant 0 : i32
        %dma_wait3A_941 = arith.constant 0 : i32
        %dma_wait3A_942 = tpu.memref_slice %arg10[%dma_wait3A_940, %dma_wait3A_941] : memref<10112x32xf32, #tpu.memory_space<vmem_shared>> -> memref<10112x32xf32, #tpu.memory_space<vmem_shared>>
        tpu.wait_indirect_dma semaphore(%arg14 : memref<!tpu.dma_semaphore, #tpu.memory_space<semaphore_mem>>) src(%dma_wait3A_936 : memref<128x32xf32, #tpu.memory_space<vmem>>) dst(%dma_wait3A_942 : memref<10112x32xf32, #tpu.memory_space<vmem_shared>>)
        %dma_wait3A_943 = arith.constant 1 : i32
        %dma_wait3A_944 = arith.constant 5 : i32
        %dma_wait3A_945 = arith.constant 0 : i32
        %dma_wait3A_946 = arith.constant 0 : i32
        %dma_wait3A_947 = arith.constant 0 : i32
        %dma_wait3A_948 = tpu.memref_slice %arg9[%dma_wait3A_943, %dma_wait3A_944, %dma_wait3A_946, %dma_wait3A_947] : memref<2x8x128x32xf32, #tpu.memory_space<vmem>> -> memref<1x1x128x32xf32, #tpu.memory_space<vmem>>
        %dma_wait3A_949 = tpu.memref_squeeze %dma_wait3A_948 : memref<1x1x128x32xf32, #tpu.memory_space<vmem>> -> memref<128x32xf32, #tpu.memory_space<vmem>>
        %dma_wait3A_950 = arith.constant 0 : i32
        %dma_wait3A_951 = tpu.memref_slice %arg8[%dma_wait3A_945, %dma_wait3A_950] : memref<80x128xi32, #tpu.memory_space<vmem>> -> memref<1x128xi32, #tpu.memory_space<vmem>>
        %dma_wait3A_952 = tpu.memref_squeeze %dma_wait3A_951 : memref<1x128xi32, #tpu.memory_space<vmem>> -> memref<128xi32, #tpu.memory_space<vmem>>
        %dma_wait3A_953 = arith.constant 0 : i32
        %dma_wait3A_954 = arith.constant 0 : i32
        %dma_wait3A_955 = tpu.memref_slice %arg10[%dma_wait3A_953, %dma_wait3A_954] : memref<10112x32xf32, #tpu.memory_space<vmem_shared>> -> memref<10112x32xf32, #tpu.memory_space<vmem_shared>>
        tpu.wait_indirect_dma semaphore(%arg14 : memref<!tpu.dma_semaphore, #tpu.memory_space<semaphore_mem>>) src(%dma_wait3A_949 : memref<128x32xf32, #tpu.memory_space<vmem>>) dst(%dma_wait3A_955 : memref<10112x32xf32, #tpu.memory_space<vmem_shared>>)
        %dma_wait3A_956 = arith.constant 1 : i32
        %dma_wait3A_957 = arith.constant 6 : i32
        %dma_wait3A_958 = arith.constant 0 : i32
        %dma_wait3A_959 = arith.constant 0 : i32
        %dma_wait3A_960 = arith.constant 0 : i32
        %dma_wait3A_961 = tpu.memref_slice %arg9[%dma_wait3A_956, %dma_wait3A_957, %dma_wait3A_959, %dma_wait3A_960] : memref<2x8x128x32xf32, #tpu.memory_space<vmem>> -> memref<1x1x128x32xf32, #tpu.memory_space<vmem>>
        %dma_wait3A_962 = tpu.memref_squeeze %dma_wait3A_961 : memref<1x1x128x32xf32, #tpu.memory_space<vmem>> -> memref<128x32xf32, #tpu.memory_space<vmem>>
        %dma_wait3A_963 = arith.constant 0 : i32
        %dma_wait3A_964 = tpu.memref_slice %arg8[%dma_wait3A_958, %dma_wait3A_963] : memref<80x128xi32, #tpu.memory_space<vmem>> -> memref<1x128xi32, #tpu.memory_space<vmem>>
        %dma_wait3A_965 = tpu.memref_squeeze %dma_wait3A_964 : memref<1x128xi32, #tpu.memory_space<vmem>> -> memref<128xi32, #tpu.memory_space<vmem>>
        %dma_wait3A_966 = arith.constant 0 : i32
        %dma_wait3A_967 = arith.constant 0 : i32
        %dma_wait3A_968 = tpu.memref_slice %arg10[%dma_wait3A_966, %dma_wait3A_967] : memref<10112x32xf32, #tpu.memory_space<vmem_shared>> -> memref<10112x32xf32, #tpu.memory_space<vmem_shared>>
        tpu.wait_indirect_dma semaphore(%arg14 : memref<!tpu.dma_semaphore, #tpu.memory_space<semaphore_mem>>) src(%dma_wait3A_962 : memref<128x32xf32, #tpu.memory_space<vmem>>) dst(%dma_wait3A_968 : memref<10112x32xf32, #tpu.memory_space<vmem_shared>>)
        %dma_wait3A_969 = arith.constant 1 : i32
        %dma_wait3A_970 = arith.constant 7 : i32
        %dma_wait3A_971 = arith.constant 0 : i32
        %dma_wait3A_972 = arith.constant 0 : i32
        %dma_wait3A_973 = arith.constant 0 : i32
        %dma_wait3A_974 = tpu.memref_slice %arg9[%dma_wait3A_969, %dma_wait3A_970, %dma_wait3A_972, %dma_wait3A_973] : memref<2x8x128x32xf32, #tpu.memory_space<vmem>> -> memref<1x1x128x32xf32, #tpu.memory_space<vmem>>
        %dma_wait3A_975 = tpu.memref_squeeze %dma_wait3A_974 : memref<1x1x128x32xf32, #tpu.memory_space<vmem>> -> memref<128x32xf32, #tpu.memory_space<vmem>>
        %dma_wait3A_976 = arith.constant 0 : i32
        %dma_wait3A_977 = tpu.memref_slice %arg8[%dma_wait3A_971, %dma_wait3A_976] : memref<80x128xi32, #tpu.memory_space<vmem>> -> memref<1x128xi32, #tpu.memory_space<vmem>>
        %dma_wait3A_978 = tpu.memref_squeeze %dma_wait3A_977 : memref<1x128xi32, #tpu.memory_space<vmem>> -> memref<128xi32, #tpu.memory_space<vmem>>
        %dma_wait3A_979 = arith.constant 0 : i32
        %dma_wait3A_980 = arith.constant 0 : i32
        %dma_wait3A_981 = tpu.memref_slice %arg10[%dma_wait3A_979, %dma_wait3A_980] : memref<10112x32xf32, #tpu.memory_space<vmem_shared>> -> memref<10112x32xf32, #tpu.memory_space<vmem_shared>>
        tpu.wait_indirect_dma semaphore(%arg14 : memref<!tpu.dma_semaphore, #tpu.memory_space<semaphore_mem>>) src(%dma_wait3A_975 : memref<128x32xf32, #tpu.memory_space<vmem>>) dst(%dma_wait3A_981 : memref<10112x32xf32, #tpu.memory_space<vmem_shared>>)
      } else {
      }
      %add3A_328 = arith.constant 0 : i32
      %add3A_329 = arith.addi %add3A_221, %add3A_328 : i32
      %dma_start3A_330 = arith.constant 1 : i32
      %dma_start3A_331 = arith.constant 0 : i32
      %dma_start3A_332 = arith.constant 0 : i32
      %dma_start3A_333 = arith.constant 0 : i32
      %dma_start3A_334 = tpu.memref_slice %arg9[%dma_start3A_330, %dma_start3A_331, %dma_start3A_332, %dma_start3A_333] : memref<2x8x128x32xf32, #tpu.memory_space<vmem>> -> memref<1x1x128x32xf32, #tpu.memory_space<vmem>>
      %dma_start3A_335 = tpu.memref_squeeze %dma_start3A_334 : memref<1x1x128x32xf32, #tpu.memory_space<vmem>> -> memref<128x32xf32, #tpu.memory_space<vmem>>
      %dma_start3A_336 = arith.constant 0 : i32
      %dma_start3A_337 = tpu.memref_slice %arg7[%add3A_329, %dma_start3A_336] : memref<80x128xi32, #tpu.memory_space<vmem>> -> memref<1x128xi32, #tpu.memory_space<vmem>>
      %dma_start3A_338 = tpu.memref_squeeze %dma_start3A_337 : memref<1x128xi32, #tpu.memory_space<vmem>> -> memref<128xi32, #tpu.memory_space<vmem>>
      %dma_start3A_339 = arith.constant 0 : i32
      %dma_start3A_340 = arith.constant 0 : i32
      %dma_start3A_341 = tpu.memref_slice %arg2[%dma_start3A_339, %dma_start3A_340] : memref<10112x32xf32, #tpu.memory_space<hbm>> -> memref<10112x32xf32, #tpu.memory_space<hbm>>
      tpu.enqueue_indirect_dma source(%dma_start3A_341 : memref<10112x32xf32, #tpu.memory_space<hbm>>) target(%dma_start3A_335 : memref<128x32xf32, #tpu.memory_space<vmem>>) offsets(%dma_start3A_338 : memref<128xi32, #tpu.memory_space<vmem>>) semaphore(%arg12 : memref<!tpu.dma_semaphore, #tpu.memory_space<semaphore_mem>>)
      %add3A_342 = arith.constant 1 : i32
      %add3A_343 = arith.addi %add3A_221, %add3A_342 : i32
      %dma_start3A_344 = arith.constant 1 : i32
      %dma_start3A_345 = arith.constant 1 : i32
      %dma_start3A_346 = arith.constant 0 : i32
      %dma_start3A_347 = arith.constant 0 : i32
      %dma_start3A_348 = tpu.memref_slice %arg9[%dma_start3A_344, %dma_start3A_345, %dma_start3A_346, %dma_start3A_347] : memref<2x8x128x32xf32, #tpu.memory_space<vmem>> -> memref<1x1x128x32xf32, #tpu.memory_space<vmem>>
      %dma_start3A_349 = tpu.memref_squeeze %dma_start3A_348 : memref<1x1x128x32xf32, #tpu.memory_space<vmem>> -> memref<128x32xf32, #tpu.memory_space<vmem>>
      %dma_start3A_350 = arith.constant 0 : i32
      %dma_start3A_351 = tpu.memref_slice %arg7[%add3A_343, %dma_start3A_350] : memref<80x128xi32, #tpu.memory_space<vmem>> -> memref<1x128xi32, #tpu.memory_space<vmem>>
      %dma_start3A_352 = tpu.memref_squeeze %dma_start3A_351 : memref<1x128xi32, #tpu.memory_space<vmem>> -> memref<128xi32, #tpu.memory_space<vmem>>
      %dma_start3A_353 = arith.constant 0 : i32
      %dma_start3A_354 = arith.constant 0 : i32
      %dma_start3A_355 = tpu.memref_slice %arg2[%dma_start3A_353, %dma_start3A_354] : memref<10112x32xf32, #tpu.memory_space<hbm>> -> memref<10112x32xf32, #tpu.memory_space<hbm>>
      tpu.enqueue_indirect_dma source(%dma_start3A_355 : memref<10112x32xf32, #tpu.memory_space<hbm>>) target(%dma_start3A_349 : memref<128x32xf32, #tpu.memory_space<vmem>>) offsets(%dma_start3A_352 : memref<128xi32, #tpu.memory_space<vmem>>) semaphore(%arg12 : memref<!tpu.dma_semaphore, #tpu.memory_space<semaphore_mem>>)
      %add3A_356 = arith.constant 2 : i32
      %add3A_357 = arith.addi %add3A_221, %add3A_356 : i32
      %dma_start3A_358 = arith.constant 1 : i32
      %dma_start3A_359 = arith.constant 2 : i32
      %dma_start3A_360 = arith.constant 0 : i32
      %dma_start3A_361 = arith.constant 0 : i32
      %dma_start3A_362 = tpu.memref_slice %arg9[%dma_start3A_358, %dma_start3A_359, %dma_start3A_360, %dma_start3A_361] : memref<2x8x128x32xf32, #tpu.memory_space<vmem>> -> memref<1x1x128x32xf32, #tpu.memory_space<vmem>>
      %dma_start3A_363 = tpu.memref_squeeze %dma_start3A_362 : memref<1x1x128x32xf32, #tpu.memory_space<vmem>> -> memref<128x32xf32, #tpu.memory_space<vmem>>
      %dma_start3A_364 = arith.constant 0 : i32
      %dma_start3A_365 = tpu.memref_slice %arg7[%add3A_357, %dma_start3A_364] : memref<80x128xi32, #tpu.memory_space<vmem>> -> memref<1x128xi32, #tpu.memory_space<vmem>>
      %dma_start3A_366 = tpu.memref_squeeze %dma_start3A_365 : memref<1x128xi32, #tpu.memory_space<vmem>> -> memref<128xi32, #tpu.memory_space<vmem>>
      %dma_start3A_367 = arith.constant 0 : i32
      %dma_start3A_368 = arith.constant 0 : i32
      %dma_start3A_369 = tpu.memref_slice %arg2[%dma_start3A_367, %dma_start3A_368] : memref<10112x32xf32, #tpu.memory_space<hbm>> -> memref<10112x32xf32, #tpu.memory_space<hbm>>
      tpu.enqueue_indirect_dma source(%dma_start3A_369 : memref<10112x32xf32, #tpu.memory_space<hbm>>) target(%dma_start3A_363 : memref<128x32xf32, #tpu.memory_space<vmem>>) offsets(%dma_start3A_366 : memref<128xi32, #tpu.memory_space<vmem>>) semaphore(%arg12 : memref<!tpu.dma_semaphore, #tpu.memory_space<semaphore_mem>>)
      %add3A_370 = arith.constant 3 : i32
      %add3A_371 = arith.addi %add3A_221, %add3A_370 : i32
      %dma_start3A_372 = arith.constant 1 : i32
      %dma_start3A_373 = arith.constant 3 : i32
      %dma_start3A_374 = arith.constant 0 : i32
      %dma_start3A_375 = arith.constant 0 : i32
      %dma_start3A_376 = tpu.memref_slice %arg9[%dma_start3A_372, %dma_start3A_373, %dma_start3A_374, %dma_start3A_375] : memref<2x8x128x32xf32, #tpu.memory_space<vmem>> -> memref<1x1x128x32xf32, #tpu.memory_space<vmem>>
      %dma_start3A_377 = tpu.memref_squeeze %dma_start3A_376 : memref<1x1x128x32xf32, #tpu.memory_space<vmem>> -> memref<128x32xf32, #tpu.memory_space<vmem>>
      %dma_start3A_378 = arith.constant 0 : i32
      %dma_start3A_379 = tpu.memref_slice %arg7[%add3A_371, %dma_start3A_378] : memref<80x128xi32, #tpu.memory_space<vmem>> -> memref<1x128xi32, #tpu.memory_space<vmem>>
      %dma_start3A_380 = tpu.memref_squeeze %dma_start3A_379 : memref<1x128xi32, #tpu.memory_space<vmem>> -> memref<128xi32, #tpu.memory_space<vmem>>
      %dma_start3A_381 = arith.constant 0 : i32
      %dma_start3A_382 = arith.constant 0 : i32
      %dma_start3A_383 = tpu.memref_slice %arg2[%dma_start3A_381, %dma_start3A_382] : memref<10112x32xf32, #tpu.memory_space<hbm>> -> memref<10112x32xf32, #tpu.memory_space<hbm>>
      tpu.enqueue_indirect_dma source(%dma_start3A_383 : memref<10112x32xf32, #tpu.memory_space<hbm>>) target(%dma_start3A_377 : memref<128x32xf32, #tpu.memory_space<vmem>>) offsets(%dma_start3A_380 : memref<128xi32, #tpu.memory_space<vmem>>) semaphore(%arg12 : memref<!tpu.dma_semaphore, #tpu.memory_space<semaphore_mem>>)
      %add3A_384 = arith.constant 4 : i32
      %add3A_385 = arith.addi %add3A_221, %add3A_384 : i32
      %dma_start3A_386 = arith.constant 1 : i32
      %dma_start3A_387 = arith.constant 4 : i32
      %dma_start3A_388 = arith.constant 0 : i32
      %dma_start3A_389 = arith.constant 0 : i32
      %dma_start3A_390 = tpu.memref_slice %arg9[%dma_start3A_386, %dma_start3A_387, %dma_start3A_388, %dma_start3A_389] : memref<2x8x128x32xf32, #tpu.memory_space<vmem>> -> memref<1x1x128x32xf32, #tpu.memory_space<vmem>>
      %dma_start3A_391 = tpu.memref_squeeze %dma_start3A_390 : memref<1x1x128x32xf32, #tpu.memory_space<vmem>> -> memref<128x32xf32, #tpu.memory_space<vmem>>
      %dma_start3A_392 = arith.constant 0 : i32
      %dma_start3A_393 = tpu.memref_slice %arg7[%add3A_385, %dma_start3A_392] : memref<80x128xi32, #tpu.memory_space<vmem>> -> memref<1x128xi32, #tpu.memory_space<vmem>>
      %dma_start3A_394 = tpu.memref_squeeze %dma_start3A_393 : memref<1x128xi32, #tpu.memory_space<vmem>> -> memref<128xi32, #tpu.memory_space<vmem>>
      %dma_start3A_395 = arith.constant 0 : i32
      %dma_start3A_396 = arith.constant 0 : i32
      %dma_start3A_397 = tpu.memref_slice %arg2[%dma_start3A_395, %dma_start3A_396] : memref<10112x32xf32, #tpu.memory_space<hbm>> -> memref<10112x32xf32, #tpu.memory_space<hbm>>
      tpu.enqueue_indirect_dma source(%dma_start3A_397 : memref<10112x32xf32, #tpu.memory_space<hbm>>) target(%dma_start3A_391 : memref<128x32xf32, #tpu.memory_space<vmem>>) offsets(%dma_start3A_394 : memref<128xi32, #tpu.memory_space<vmem>>) semaphore(%arg12 : memref<!tpu.dma_semaphore, #tpu.memory_space<semaphore_mem>>)
      %add3A_398 = arith.constant 5 : i32
      %add3A_399 = arith.addi %add3A_221, %add3A_398 : i32
      %dma_start3A_400 = arith.constant 1 : i32
      %dma_start3A_401 = arith.constant 5 : i32
      %dma_start3A_402 = arith.constant 0 : i32
      %dma_start3A_403 = arith.constant 0 : i32
      %dma_start3A_404 = tpu.memref_slice %arg9[%dma_start3A_400, %dma_start3A_401, %dma_start3A_402, %dma_start3A_403] : memref<2x8x128x32xf32, #tpu.memory_space<vmem>> -> memref<1x1x128x32xf32, #tpu.memory_space<vmem>>
      %dma_start3A_405 = tpu.memref_squeeze %dma_start3A_404 : memref<1x1x128x32xf32, #tpu.memory_space<vmem>> -> memref<128x32xf32, #tpu.memory_space<vmem>>
      %dma_start3A_406 = arith.constant 0 : i32
      %dma_start3A_407 = tpu.memref_slice %arg7[%add3A_399, %dma_start3A_406] : memref<80x128xi32, #tpu.memory_space<vmem>> -> memref<1x128xi32, #tpu.memory_space<vmem>>
      %dma_start3A_408 = tpu.memref_squeeze %dma_start3A_407 : memref<1x128xi32, #tpu.memory_space<vmem>> -> memref<128xi32, #tpu.memory_space<vmem>>
      %dma_start3A_409 = arith.constant 0 : i32
      %dma_start3A_410 = arith.constant 0 : i32
      %dma_start3A_411 = tpu.memref_slice %arg2[%dma_start3A_409, %dma_start3A_410] : memref<10112x32xf32, #tpu.memory_space<hbm>> -> memref<10112x32xf32, #tpu.memory_space<hbm>>
      tpu.enqueue_indirect_dma source(%dma_start3A_411 : memref<10112x32xf32, #tpu.memory_space<hbm>>) target(%dma_start3A_405 : memref<128x32xf32, #tpu.memory_space<vmem>>) offsets(%dma_start3A_408 : memref<128xi32, #tpu.memory_space<vmem>>) semaphore(%arg12 : memref<!tpu.dma_semaphore, #tpu.memory_space<semaphore_mem>>)
      %add3A_412 = arith.constant 6 : i32
      %add3A_413 = arith.addi %add3A_221, %add3A_412 : i32
      %dma_start3A_414 = arith.constant 1 : i32
      %dma_start3A_415 = arith.constant 6 : i32
      %dma_start3A_416 = arith.constant 0 : i32
      %dma_start3A_417 = arith.constant 0 : i32
      %dma_start3A_418 = tpu.memref_slice %arg9[%dma_start3A_414, %dma_start3A_415, %dma_start3A_416, %dma_start3A_417] : memref<2x8x128x32xf32, #tpu.memory_space<vmem>> -> memref<1x1x128x32xf32, #tpu.memory_space<vmem>>
      %dma_start3A_419 = tpu.memref_squeeze %dma_start3A_418 : memref<1x1x128x32xf32, #tpu.memory_space<vmem>> -> memref<128x32xf32, #tpu.memory_space<vmem>>
      %dma_start3A_420 = arith.constant 0 : i32
      %dma_start3A_421 = tpu.memref_slice %arg7[%add3A_413, %dma_start3A_420] : memref<80x128xi32, #tpu.memory_space<vmem>> -> memref<1x128xi32, #tpu.memory_space<vmem>>
      %dma_start3A_422 = tpu.memref_squeeze %dma_start3A_421 : memref<1x128xi32, #tpu.memory_space<vmem>> -> memref<128xi32, #tpu.memory_space<vmem>>
      %dma_start3A_423 = arith.constant 0 : i32
      %dma_start3A_424 = arith.constant 0 : i32
      %dma_start3A_425 = tpu.memref_slice %arg2[%dma_start3A_423, %dma_start3A_424] : memref<10112x32xf32, #tpu.memory_space<hbm>> -> memref<10112x32xf32, #tpu.memory_space<hbm>>
      tpu.enqueue_indirect_dma source(%dma_start3A_425 : memref<10112x32xf32, #tpu.memory_space<hbm>>) target(%dma_start3A_419 : memref<128x32xf32, #tpu.memory_space<vmem>>) offsets(%dma_start3A_422 : memref<128xi32, #tpu.memory_space<vmem>>) semaphore(%arg12 : memref<!tpu.dma_semaphore, #tpu.memory_space<semaphore_mem>>)
      %add3A_426 = arith.constant 7 : i32
      %add3A_427 = arith.addi %add3A_221, %add3A_426 : i32
      %dma_start3A_428 = arith.constant 1 : i32
      %dma_start3A_429 = arith.constant 7 : i32
      %dma_start3A_430 = arith.constant 0 : i32
      %dma_start3A_431 = arith.constant 0 : i32
      %dma_start3A_432 = tpu.memref_slice %arg9[%dma_start3A_428, %dma_start3A_429, %dma_start3A_430, %dma_start3A_431] : memref<2x8x128x32xf32, #tpu.memory_space<vmem>> -> memref<1x1x128x32xf32, #tpu.memory_space<vmem>>
      %dma_start3A_433 = tpu.memref_squeeze %dma_start3A_432 : memref<1x1x128x32xf32, #tpu.memory_space<vmem>> -> memref<128x32xf32, #tpu.memory_space<vmem>>
      %dma_start3A_434 = arith.constant 0 : i32
      %dma_start3A_435 = tpu.memref_slice %arg7[%add3A_427, %dma_start3A_434] : memref<80x128xi32, #tpu.memory_space<vmem>> -> memref<1x128xi32, #tpu.memory_space<vmem>>
      %dma_start3A_436 = tpu.memref_squeeze %dma_start3A_435 : memref<1x128xi32, #tpu.memory_space<vmem>> -> memref<128xi32, #tpu.memory_space<vmem>>
      %dma_start3A_437 = arith.constant 0 : i32
      %dma_start3A_438 = arith.constant 0 : i32
      %dma_start3A_439 = tpu.memref_slice %arg2[%dma_start3A_437, %dma_start3A_438] : memref<10112x32xf32, #tpu.memory_space<hbm>> -> memref<10112x32xf32, #tpu.memory_space<hbm>>
      tpu.enqueue_indirect_dma source(%dma_start3A_439 : memref<10112x32xf32, #tpu.memory_space<hbm>>) target(%dma_start3A_433 : memref<128x32xf32, #tpu.memory_space<vmem>>) offsets(%dma_start3A_436 : memref<128xi32, #tpu.memory_space<vmem>>) semaphore(%arg12 : memref<!tpu.dma_semaphore, #tpu.memory_space<semaphore_mem>>)
      %add3A_440 = arith.constant 0 : i32
      %add3A_441 = arith.addi %mul3A_219, %add3A_440 : i32
      %dma_start3A_442 = arith.constant 0 : i32
      %dma_start3A_443 = arith.constant 0 : i32
      %dma_start3A_444 = arith.constant 0 : i32
      %dma_start3A_445 = arith.constant 0 : i32
      %dma_start3A_446 = tpu.memref_slice %arg9[%dma_start3A_442, %dma_start3A_443, %dma_start3A_444, %dma_start3A_445] : memref<2x8x128x32xf32, #tpu.memory_space<vmem>> -> memref<1x1x128x32xf32, #tpu.memory_space<vmem>>
      %dma_start3A_447 = tpu.memref_squeeze %dma_start3A_446 : memref<1x1x128x32xf32, #tpu.memory_space<vmem>> -> memref<128x32xf32, #tpu.memory_space<vmem>>
      %dma_start3A_448 = arith.constant 0 : i32
      %dma_start3A_449 = tpu.memref_slice %arg8[%add3A_441, %dma_start3A_448] : memref<80x128xi32, #tpu.memory_space<vmem>> -> memref<1x128xi32, #tpu.memory_space<vmem>>
      %dma_start3A_450 = tpu.memref_squeeze %dma_start3A_449 : memref<1x128xi32, #tpu.memory_space<vmem>> -> memref<128xi32, #tpu.memory_space<vmem>>
      %dma_start3A_451 = arith.constant 0 : i32
      %dma_start3A_452 = arith.constant 0 : i32
      %dma_start3A_453 = tpu.memref_slice %arg10[%dma_start3A_451, %dma_start3A_452] : memref<10112x32xf32, #tpu.memory_space<vmem_shared>> -> memref<10112x32xf32, #tpu.memory_space<vmem_shared>>
      tpu.enqueue_indirect_dma source(%dma_start3A_447 : memref<128x32xf32, #tpu.memory_space<vmem>>) target(%dma_start3A_453 : memref<10112x32xf32, #tpu.memory_space<vmem_shared>>) offsets(%dma_start3A_450 : memref<128xi32, #tpu.memory_space<vmem>>) semaphore(%arg13 : memref<!tpu.dma_semaphore, #tpu.memory_space<semaphore_mem>>) {add = true}
      %add3A_454 = arith.constant 1 : i32
      %add3A_455 = arith.addi %mul3A_219, %add3A_454 : i32
      %dma_start3A_456 = arith.constant 0 : i32
      %dma_start3A_457 = arith.constant 1 : i32
      %dma_start3A_458 = arith.constant 0 : i32
      %dma_start3A_459 = arith.constant 0 : i32
      %dma_start3A_460 = tpu.memref_slice %arg9[%dma_start3A_456, %dma_start3A_457, %dma_start3A_458, %dma_start3A_459] : memref<2x8x128x32xf32, #tpu.memory_space<vmem>> -> memref<1x1x128x32xf32, #tpu.memory_space<vmem>>
      %dma_start3A_461 = tpu.memref_squeeze %dma_start3A_460 : memref<1x1x128x32xf32, #tpu.memory_space<vmem>> -> memref<128x32xf32, #tpu.memory_space<vmem>>
      %dma_start3A_462 = arith.constant 0 : i32
      %dma_start3A_463 = tpu.memref_slice %arg8[%add3A_455, %dma_start3A_462] : memref<80x128xi32, #tpu.memory_space<vmem>> -> memref<1x128xi32, #tpu.memory_space<vmem>>
      %dma_start3A_464 = tpu.memref_squeeze %dma_start3A_463 : memref<1x128xi32, #tpu.memory_space<vmem>> -> memref<128xi32, #tpu.memory_space<vmem>>
      %dma_start3A_465 = arith.constant 0 : i32
      %dma_start3A_466 = arith.constant 0 : i32
      %dma_start3A_467 = tpu.memref_slice %arg10[%dma_start3A_465, %dma_start3A_466] : memref<10112x32xf32, #tpu.memory_space<vmem_shared>> -> memref<10112x32xf32, #tpu.memory_space<vmem_shared>>
      tpu.enqueue_indirect_dma source(%dma_start3A_461 : memref<128x32xf32, #tpu.memory_space<vmem>>) target(%dma_start3A_467 : memref<10112x32xf32, #tpu.memory_space<vmem_shared>>) offsets(%dma_start3A_464 : memref<128xi32, #tpu.memory_space<vmem>>) semaphore(%arg13 : memref<!tpu.dma_semaphore, #tpu.memory_space<semaphore_mem>>) {add = true}
      %add3A_468 = arith.constant 2 : i32
      %add3A_469 = arith.addi %mul3A_219, %add3A_468 : i32
      %dma_start3A_470 = arith.constant 0 : i32
      %dma_start3A_471 = arith.constant 2 : i32
      %dma_start3A_472 = arith.constant 0 : i32
      %dma_start3A_473 = arith.constant 0 : i32
      %dma_start3A_474 = tpu.memref_slice %arg9[%dma_start3A_470, %dma_start3A_471, %dma_start3A_472, %dma_start3A_473] : memref<2x8x128x32xf32, #tpu.memory_space<vmem>> -> memref<1x1x128x32xf32, #tpu.memory_space<vmem>>
      %dma_start3A_475 = tpu.memref_squeeze %dma_start3A_474 : memref<1x1x128x32xf32, #tpu.memory_space<vmem>> -> memref<128x32xf32, #tpu.memory_space<vmem>>
      %dma_start3A_476 = arith.constant 0 : i32
      %dma_start3A_477 = tpu.memref_slice %arg8[%add3A_469, %dma_start3A_476] : memref<80x128xi32, #tpu.memory_space<vmem>> -> memref<1x128xi32, #tpu.memory_space<vmem>>
      %dma_start3A_478 = tpu.memref_squeeze %dma_start3A_477 : memref<1x128xi32, #tpu.memory_space<vmem>> -> memref<128xi32, #tpu.memory_space<vmem>>
      %dma_start3A_479 = arith.constant 0 : i32
      %dma_start3A_480 = arith.constant 0 : i32
      %dma_start3A_481 = tpu.memref_slice %arg10[%dma_start3A_479, %dma_start3A_480] : memref<10112x32xf32, #tpu.memory_space<vmem_shared>> -> memref<10112x32xf32, #tpu.memory_space<vmem_shared>>
      tpu.enqueue_indirect_dma source(%dma_start3A_475 : memref<128x32xf32, #tpu.memory_space<vmem>>) target(%dma_start3A_481 : memref<10112x32xf32, #tpu.memory_space<vmem_shared>>) offsets(%dma_start3A_478 : memref<128xi32, #tpu.memory_space<vmem>>) semaphore(%arg13 : memref<!tpu.dma_semaphore, #tpu.memory_space<semaphore_mem>>) {add = true}
      %add3A_482 = arith.constant 3 : i32
      %add3A_483 = arith.addi %mul3A_219, %add3A_482 : i32
      %dma_start3A_484 = arith.constant 0 : i32
      %dma_start3A_485 = arith.constant 3 : i32
      %dma_start3A_486 = arith.constant 0 : i32
      %dma_start3A_487 = arith.constant 0 : i32
      %dma_start3A_488 = tpu.memref_slice %arg9[%dma_start3A_484, %dma_start3A_485, %dma_start3A_486, %dma_start3A_487] : memref<2x8x128x32xf32, #tpu.memory_space<vmem>> -> memref<1x1x128x32xf32, #tpu.memory_space<vmem>>
      %dma_start3A_489 = tpu.memref_squeeze %dma_start3A_488 : memref<1x1x128x32xf32, #tpu.memory_space<vmem>> -> memref<128x32xf32, #tpu.memory_space<vmem>>
      %dma_start3A_490 = arith.constant 0 : i32
      %dma_start3A_491 = tpu.memref_slice %arg8[%add3A_483, %dma_start3A_490] : memref<80x128xi32, #tpu.memory_space<vmem>> -> memref<1x128xi32, #tpu.memory_space<vmem>>
      %dma_start3A_492 = tpu.memref_squeeze %dma_start3A_491 : memref<1x128xi32, #tpu.memory_space<vmem>> -> memref<128xi32, #tpu.memory_space<vmem>>
      %dma_start3A_493 = arith.constant 0 : i32
      %dma_start3A_494 = arith.constant 0 : i32
      %dma_start3A_495 = tpu.memref_slice %arg10[%dma_start3A_493, %dma_start3A_494] : memref<10112x32xf32, #tpu.memory_space<vmem_shared>> -> memref<10112x32xf32, #tpu.memory_space<vmem_shared>>
      tpu.enqueue_indirect_dma source(%dma_start3A_489 : memref<128x32xf32, #tpu.memory_space<vmem>>) target(%dma_start3A_495 : memref<10112x32xf32, #tpu.memory_space<vmem_shared>>) offsets(%dma_start3A_492 : memref<128xi32, #tpu.memory_space<vmem>>) semaphore(%arg13 : memref<!tpu.dma_semaphore, #tpu.memory_space<semaphore_mem>>) {add = true}
      %add3A_496 = arith.constant 4 : i32
      %add3A_497 = arith.addi %mul3A_219, %add3A_496 : i32
      %dma_start3A_498 = arith.constant 0 : i32
      %dma_start3A_499 = arith.constant 4 : i32
      %dma_start3A_500 = arith.constant 0 : i32
      %dma_start3A_501 = arith.constant 0 : i32
      %dma_start3A_502 = tpu.memref_slice %arg9[%dma_start3A_498, %dma_start3A_499, %dma_start3A_500, %dma_start3A_501] : memref<2x8x128x32xf32, #tpu.memory_space<vmem>> -> memref<1x1x128x32xf32, #tpu.memory_space<vmem>>
      %dma_start3A_503 = tpu.memref_squeeze %dma_start3A_502 : memref<1x1x128x32xf32, #tpu.memory_space<vmem>> -> memref<128x32xf32, #tpu.memory_space<vmem>>
      %dma_start3A_504 = arith.constant 0 : i32
      %dma_start3A_505 = tpu.memref_slice %arg8[%add3A_497, %dma_start3A_504] : memref<80x128xi32, #tpu.memory_space<vmem>> -> memref<1x128xi32, #tpu.memory_space<vmem>>
      %dma_start3A_506 = tpu.memref_squeeze %dma_start3A_505 : memref<1x128xi32, #tpu.memory_space<vmem>> -> memref<128xi32, #tpu.memory_space<vmem>>
      %dma_start3A_507 = arith.constant 0 : i32
      %dma_start3A_508 = arith.constant 0 : i32
      %dma_start3A_509 = tpu.memref_slice %arg10[%dma_start3A_507, %dma_start3A_508] : memref<10112x32xf32, #tpu.memory_space<vmem_shared>> -> memref<10112x32xf32, #tpu.memory_space<vmem_shared>>
      tpu.enqueue_indirect_dma source(%dma_start3A_503 : memref<128x32xf32, #tpu.memory_space<vmem>>) target(%dma_start3A_509 : memref<10112x32xf32, #tpu.memory_space<vmem_shared>>) offsets(%dma_start3A_506 : memref<128xi32, #tpu.memory_space<vmem>>) semaphore(%arg13 : memref<!tpu.dma_semaphore, #tpu.memory_space<semaphore_mem>>) {add = true}
      %add3A_510 = arith.constant 5 : i32
      %add3A_511 = arith.addi %mul3A_219, %add3A_510 : i32
      %dma_start3A_512 = arith.constant 0 : i32
      %dma_start3A_513 = arith.constant 5 : i32
      %dma_start3A_514 = arith.constant 0 : i32
      %dma_start3A_515 = arith.constant 0 : i32
      %dma_start3A_516 = tpu.memref_slice %arg9[%dma_start3A_512, %dma_start3A_513, %dma_start3A_514, %dma_start3A_515] : memref<2x8x128x32xf32, #tpu.memory_space<vmem>> -> memref<1x1x128x32xf32, #tpu.memory_space<vmem>>
      %dma_start3A_517 = tpu.memref_squeeze %dma_start3A_516 : memref<1x1x128x32xf32, #tpu.memory_space<vmem>> -> memref<128x32xf32, #tpu.memory_space<vmem>>
      %dma_start3A_518 = arith.constant 0 : i32
      %dma_start3A_519 = tpu.memref_slice %arg8[%add3A_511, %dma_start3A_518] : memref<80x128xi32, #tpu.memory_space<vmem>> -> memref<1x128xi32, #tpu.memory_space<vmem>>
      %dma_start3A_520 = tpu.memref_squeeze %dma_start3A_519 : memref<1x128xi32, #tpu.memory_space<vmem>> -> memref<128xi32, #tpu.memory_space<vmem>>
      %dma_start3A_521 = arith.constant 0 : i32
      %dma_start3A_522 = arith.constant 0 : i32
      %dma_start3A_523 = tpu.memref_slice %arg10[%dma_start3A_521, %dma_start3A_522] : memref<10112x32xf32, #tpu.memory_space<vmem_shared>> -> memref<10112x32xf32, #tpu.memory_space<vmem_shared>>
      tpu.enqueue_indirect_dma source(%dma_start3A_517 : memref<128x32xf32, #tpu.memory_space<vmem>>) target(%dma_start3A_523 : memref<10112x32xf32, #tpu.memory_space<vmem_shared>>) offsets(%dma_start3A_520 : memref<128xi32, #tpu.memory_space<vmem>>) semaphore(%arg13 : memref<!tpu.dma_semaphore, #tpu.memory_space<semaphore_mem>>) {add = true}
      %add3A_524 = arith.constant 6 : i32
      %add3A_525 = arith.addi %mul3A_219, %add3A_524 : i32
      %dma_start3A_526 = arith.constant 0 : i32
      %dma_start3A_527 = arith.constant 6 : i32
      %dma_start3A_528 = arith.constant 0 : i32
      %dma_start3A_529 = arith.constant 0 : i32
      %dma_start3A_530 = tpu.memref_slice %arg9[%dma_start3A_526, %dma_start3A_527, %dma_start3A_528, %dma_start3A_529] : memref<2x8x128x32xf32, #tpu.memory_space<vmem>> -> memref<1x1x128x32xf32, #tpu.memory_space<vmem>>
      %dma_start3A_531 = tpu.memref_squeeze %dma_start3A_530 : memref<1x1x128x32xf32, #tpu.memory_space<vmem>> -> memref<128x32xf32, #tpu.memory_space<vmem>>
      %dma_start3A_532 = arith.constant 0 : i32
      %dma_start3A_533 = tpu.memref_slice %arg8[%add3A_525, %dma_start3A_532] : memref<80x128xi32, #tpu.memory_space<vmem>> -> memref<1x128xi32, #tpu.memory_space<vmem>>
      %dma_start3A_534 = tpu.memref_squeeze %dma_start3A_533 : memref<1x128xi32, #tpu.memory_space<vmem>> -> memref<128xi32, #tpu.memory_space<vmem>>
      %dma_start3A_535 = arith.constant 0 : i32
      %dma_start3A_536 = arith.constant 0 : i32
      %dma_start3A_537 = tpu.memref_slice %arg10[%dma_start3A_535, %dma_start3A_536] : memref<10112x32xf32, #tpu.memory_space<vmem_shared>> -> memref<10112x32xf32, #tpu.memory_space<vmem_shared>>
      tpu.enqueue_indirect_dma source(%dma_start3A_531 : memref<128x32xf32, #tpu.memory_space<vmem>>) target(%dma_start3A_537 : memref<10112x32xf32, #tpu.memory_space<vmem_shared>>) offsets(%dma_start3A_534 : memref<128xi32, #tpu.memory_space<vmem>>) semaphore(%arg13 : memref<!tpu.dma_semaphore, #tpu.memory_space<semaphore_mem>>) {add = true}
      %add3A_538 = arith.constant 7 : i32
      %add3A_539 = arith.addi %mul3A_219, %add3A_538 : i32
      %dma_start3A_540 = arith.constant 0 : i32
      %dma_start3A_541 = arith.constant 7 : i32
      %dma_start3A_542 = arith.constant 0 : i32
      %dma_start3A_543 = arith.constant 0 : i32
      %dma_start3A_544 = tpu.memref_slice %arg9[%dma_start3A_540, %dma_start3A_541, %dma_start3A_542, %dma_start3A_543] : memref<2x8x128x32xf32, #tpu.memory_space<vmem>> -> memref<1x1x128x32xf32, #tpu.memory_space<vmem>>
      %dma_start3A_545 = tpu.memref_squeeze %dma_start3A_544 : memref<1x1x128x32xf32, #tpu.memory_space<vmem>> -> memref<128x32xf32, #tpu.memory_space<vmem>>
      %dma_start3A_546 = arith.constant 0 : i32
      %dma_start3A_547 = tpu.memref_slice %arg8[%add3A_539, %dma_start3A_546] : memref<80x128xi32, #tpu.memory_space<vmem>> -> memref<1x128xi32, #tpu.memory_space<vmem>>
      %dma_start3A_548 = tpu.memref_squeeze %dma_start3A_547 : memref<1x128xi32, #tpu.memory_space<vmem>> -> memref<128xi32, #tpu.memory_space<vmem>>
      %dma_start3A_549 = arith.constant 0 : i32
      %dma_start3A_550 = arith.constant 0 : i32
      %dma_start3A_551 = tpu.memref_slice %arg10[%dma_start3A_549, %dma_start3A_550] : memref<10112x32xf32, #tpu.memory_space<vmem_shared>> -> memref<10112x32xf32, #tpu.memory_space<vmem_shared>>
      tpu.enqueue_indirect_dma source(%dma_start3A_545 : memref<128x32xf32, #tpu.memory_space<vmem>>) target(%dma_start3A_551 : memref<10112x32xf32, #tpu.memory_space<vmem_shared>>) offsets(%dma_start3A_548 : memref<128xi32, #tpu.memory_space<vmem>>) semaphore(%arg13 : memref<!tpu.dma_semaphore, #tpu.memory_space<semaphore_mem>>) {add = true}
      %dma_wait3A_552 = arith.constant 0 : i32
      %dma_wait3A_553 = arith.constant 1 : i32
      %dma_wait3A_554 = arith.constant 0 : i32
      %dma_wait3A_555 = arith.constant 0 : i32
      %dma_wait3A_556 = arith.constant 0 : i32
      %dma_wait3A_557 = tpu.memref_slice %arg9[%dma_wait3A_553, %dma_wait3A_554, %dma_wait3A_555, %dma_wait3A_556] : memref<2x8x128x32xf32, #tpu.memory_space<vmem>> -> memref<1x1x128x32xf32, #tpu.memory_space<vmem>>
      %dma_wait3A_558 = tpu.memref_squeeze %dma_wait3A_557 : memref<1x1x128x32xf32, #tpu.memory_space<vmem>> -> memref<128x32xf32, #tpu.memory_space<vmem>>
      %dma_wait3A_559 = arith.constant 0 : i32
      %dma_wait3A_560 = tpu.memref_slice %arg7[%dma_wait3A_552, %dma_wait3A_559] : memref<80x128xi32, #tpu.memory_space<vmem>> -> memref<1x128xi32, #tpu.memory_space<vmem>>
      %dma_wait3A_561 = tpu.memref_squeeze %dma_wait3A_560 : memref<1x128xi32, #tpu.memory_space<vmem>> -> memref<128xi32, #tpu.memory_space<vmem>>
      %dma_wait3A_562 = arith.constant 0 : i32
      %dma_wait3A_563 = arith.constant 0 : i32
      %dma_wait3A_564 = tpu.memref_slice %arg2[%dma_wait3A_562, %dma_wait3A_563] : memref<10112x32xf32, #tpu.memory_space<hbm>> -> memref<10112x32xf32, #tpu.memory_space<hbm>>
      tpu.wait_indirect_dma semaphore(%arg12 : memref<!tpu.dma_semaphore, #tpu.memory_space<semaphore_mem>>) src(%dma_wait3A_564 : memref<10112x32xf32, #tpu.memory_space<hbm>>) dst(%dma_wait3A_558 : memref<128x32xf32, #tpu.memory_space<vmem>>)
      %dma_wait3A_565 = arith.constant 0 : i32
      %dma_wait3A_566 = arith.constant 1 : i32
      %dma_wait3A_567 = arith.constant 1 : i32
      %dma_wait3A_568 = arith.constant 0 : i32
      %dma_wait3A_569 = arith.constant 0 : i32
      %dma_wait3A_570 = tpu.memref_slice %arg9[%dma_wait3A_566, %dma_wait3A_567, %dma_wait3A_568, %dma_wait3A_569] : memref<2x8x128x32xf32, #tpu.memory_space<vmem>> -> memref<1x1x128x32xf32, #tpu.memory_space<vmem>>
      %dma_wait3A_571 = tpu.memref_squeeze %dma_wait3A_570 : memref<1x1x128x32xf32, #tpu.memory_space<vmem>> -> memref<128x32xf32, #tpu.memory_space<vmem>>
      %dma_wait3A_572 = arith.constant 0 : i32
      %dma_wait3A_573 = tpu.memref_slice %arg7[%dma_wait3A_565, %dma_wait3A_572] : memref<80x128xi32, #tpu.memory_space<vmem>> -> memref<1x128xi32, #tpu.memory_space<vmem>>
      %dma_wait3A_574 = tpu.memref_squeeze %dma_wait3A_573 : memref<1x128xi32, #tpu.memory_space<vmem>> -> memref<128xi32, #tpu.memory_space<vmem>>
      %dma_wait3A_575 = arith.constant 0 : i32
      %dma_wait3A_576 = arith.constant 0 : i32
      %dma_wait3A_577 = tpu.memref_slice %arg2[%dma_wait3A_575, %dma_wait3A_576] : memref<10112x32xf32, #tpu.memory_space<hbm>> -> memref<10112x32xf32, #tpu.memory_space<hbm>>
      tpu.wait_indirect_dma semaphore(%arg12 : memref<!tpu.dma_semaphore, #tpu.memory_space<semaphore_mem>>) src(%dma_wait3A_577 : memref<10112x32xf32, #tpu.memory_space<hbm>>) dst(%dma_wait3A_571 : memref<128x32xf32, #tpu.memory_space<vmem>>)
      %dma_wait3A_578 = arith.constant 0 : i32
      %dma_wait3A_579 = arith.constant 1 : i32
      %dma_wait3A_580 = arith.constant 2 : i32
      %dma_wait3A_581 = arith.constant 0 : i32
      %dma_wait3A_582 = arith.constant 0 : i32
      %dma_wait3A_583 = tpu.memref_slice %arg9[%dma_wait3A_579, %dma_wait3A_580, %dma_wait3A_581, %dma_wait3A_582] : memref<2x8x128x32xf32, #tpu.memory_space<vmem>> -> memref<1x1x128x32xf32, #tpu.memory_space<vmem>>
      %dma_wait3A_584 = tpu.memref_squeeze %dma_wait3A_583 : memref<1x1x128x32xf32, #tpu.memory_space<vmem>> -> memref<128x32xf32, #tpu.memory_space<vmem>>
      %dma_wait3A_585 = arith.constant 0 : i32
      %dma_wait3A_586 = tpu.memref_slice %arg7[%dma_wait3A_578, %dma_wait3A_585] : memref<80x128xi32, #tpu.memory_space<vmem>> -> memref<1x128xi32, #tpu.memory_space<vmem>>
      %dma_wait3A_587 = tpu.memref_squeeze %dma_wait3A_586 : memref<1x128xi32, #tpu.memory_space<vmem>> -> memref<128xi32, #tpu.memory_space<vmem>>
      %dma_wait3A_588 = arith.constant 0 : i32
      %dma_wait3A_589 = arith.constant 0 : i32
      %dma_wait3A_590 = tpu.memref_slice %arg2[%dma_wait3A_588, %dma_wait3A_589] : memref<10112x32xf32, #tpu.memory_space<hbm>> -> memref<10112x32xf32, #tpu.memory_space<hbm>>
      tpu.wait_indirect_dma semaphore(%arg12 : memref<!tpu.dma_semaphore, #tpu.memory_space<semaphore_mem>>) src(%dma_wait3A_590 : memref<10112x32xf32, #tpu.memory_space<hbm>>) dst(%dma_wait3A_584 : memref<128x32xf32, #tpu.memory_space<vmem>>)
      %dma_wait3A_591 = arith.constant 0 : i32
      %dma_wait3A_592 = arith.constant 1 : i32
      %dma_wait3A_593 = arith.constant 3 : i32
      %dma_wait3A_594 = arith.constant 0 : i32
      %dma_wait3A_595 = arith.constant 0 : i32
      %dma_wait3A_596 = tpu.memref_slice %arg9[%dma_wait3A_592, %dma_wait3A_593, %dma_wait3A_594, %dma_wait3A_595] : memref<2x8x128x32xf32, #tpu.memory_space<vmem>> -> memref<1x1x128x32xf32, #tpu.memory_space<vmem>>
      %dma_wait3A_597 = tpu.memref_squeeze %dma_wait3A_596 : memref<1x1x128x32xf32, #tpu.memory_space<vmem>> -> memref<128x32xf32, #tpu.memory_space<vmem>>
      %dma_wait3A_598 = arith.constant 0 : i32
      %dma_wait3A_599 = tpu.memref_slice %arg7[%dma_wait3A_591, %dma_wait3A_598] : memref<80x128xi32, #tpu.memory_space<vmem>> -> memref<1x128xi32, #tpu.memory_space<vmem>>
      %dma_wait3A_600 = tpu.memref_squeeze %dma_wait3A_599 : memref<1x128xi32, #tpu.memory_space<vmem>> -> memref<128xi32, #tpu.memory_space<vmem>>
      %dma_wait3A_601 = arith.constant 0 : i32
      %dma_wait3A_602 = arith.constant 0 : i32
      %dma_wait3A_603 = tpu.memref_slice %arg2[%dma_wait3A_601, %dma_wait3A_602] : memref<10112x32xf32, #tpu.memory_space<hbm>> -> memref<10112x32xf32, #tpu.memory_space<hbm>>
      tpu.wait_indirect_dma semaphore(%arg12 : memref<!tpu.dma_semaphore, #tpu.memory_space<semaphore_mem>>) src(%dma_wait3A_603 : memref<10112x32xf32, #tpu.memory_space<hbm>>) dst(%dma_wait3A_597 : memref<128x32xf32, #tpu.memory_space<vmem>>)
      %dma_wait3A_604 = arith.constant 0 : i32
      %dma_wait3A_605 = arith.constant 1 : i32
      %dma_wait3A_606 = arith.constant 4 : i32
      %dma_wait3A_607 = arith.constant 0 : i32
      %dma_wait3A_608 = arith.constant 0 : i32
      %dma_wait3A_609 = tpu.memref_slice %arg9[%dma_wait3A_605, %dma_wait3A_606, %dma_wait3A_607, %dma_wait3A_608] : memref<2x8x128x32xf32, #tpu.memory_space<vmem>> -> memref<1x1x128x32xf32, #tpu.memory_space<vmem>>
      %dma_wait3A_610 = tpu.memref_squeeze %dma_wait3A_609 : memref<1x1x128x32xf32, #tpu.memory_space<vmem>> -> memref<128x32xf32, #tpu.memory_space<vmem>>
      %dma_wait3A_611 = arith.constant 0 : i32
      %dma_wait3A_612 = tpu.memref_slice %arg7[%dma_wait3A_604, %dma_wait3A_611] : memref<80x128xi32, #tpu.memory_space<vmem>> -> memref<1x128xi32, #tpu.memory_space<vmem>>
      %dma_wait3A_613 = tpu.memref_squeeze %dma_wait3A_612 : memref<1x128xi32, #tpu.memory_space<vmem>> -> memref<128xi32, #tpu.memory_space<vmem>>
      %dma_wait3A_614 = arith.constant 0 : i32
      %dma_wait3A_615 = arith.constant 0 : i32
      %dma_wait3A_616 = tpu.memref_slice %arg2[%dma_wait3A_614, %dma_wait3A_615] : memref<10112x32xf32, #tpu.memory_space<hbm>> -> memref<10112x32xf32, #tpu.memory_space<hbm>>
      tpu.wait_indirect_dma semaphore(%arg12 : memref<!tpu.dma_semaphore, #tpu.memory_space<semaphore_mem>>) src(%dma_wait3A_616 : memref<10112x32xf32, #tpu.memory_space<hbm>>) dst(%dma_wait3A_610 : memref<128x32xf32, #tpu.memory_space<vmem>>)
      %dma_wait3A_617 = arith.constant 0 : i32
      %dma_wait3A_618 = arith.constant 1 : i32
      %dma_wait3A_619 = arith.constant 5 : i32
      %dma_wait3A_620 = arith.constant 0 : i32
      %dma_wait3A_621 = arith.constant 0 : i32
      %dma_wait3A_622 = tpu.memref_slice %arg9[%dma_wait3A_618, %dma_wait3A_619, %dma_wait3A_620, %dma_wait3A_621] : memref<2x8x128x32xf32, #tpu.memory_space<vmem>> -> memref<1x1x128x32xf32, #tpu.memory_space<vmem>>
      %dma_wait3A_623 = tpu.memref_squeeze %dma_wait3A_622 : memref<1x1x128x32xf32, #tpu.memory_space<vmem>> -> memref<128x32xf32, #tpu.memory_space<vmem>>
      %dma_wait3A_624 = arith.constant 0 : i32
      %dma_wait3A_625 = tpu.memref_slice %arg7[%dma_wait3A_617, %dma_wait3A_624] : memref<80x128xi32, #tpu.memory_space<vmem>> -> memref<1x128xi32, #tpu.memory_space<vmem>>
      %dma_wait3A_626 = tpu.memref_squeeze %dma_wait3A_625 : memref<1x128xi32, #tpu.memory_space<vmem>> -> memref<128xi32, #tpu.memory_space<vmem>>
      %dma_wait3A_627 = arith.constant 0 : i32
      %dma_wait3A_628 = arith.constant 0 : i32
      %dma_wait3A_629 = tpu.memref_slice %arg2[%dma_wait3A_627, %dma_wait3A_628] : memref<10112x32xf32, #tpu.memory_space<hbm>> -> memref<10112x32xf32, #tpu.memory_space<hbm>>
      tpu.wait_indirect_dma semaphore(%arg12 : memref<!tpu.dma_semaphore, #tpu.memory_space<semaphore_mem>>) src(%dma_wait3A_629 : memref<10112x32xf32, #tpu.memory_space<hbm>>) dst(%dma_wait3A_623 : memref<128x32xf32, #tpu.memory_space<vmem>>)
      %dma_wait3A_630 = arith.constant 0 : i32
      %dma_wait3A_631 = arith.constant 1 : i32
      %dma_wait3A_632 = arith.constant 6 : i32
      %dma_wait3A_633 = arith.constant 0 : i32
      %dma_wait3A_634 = arith.constant 0 : i32
      %dma_wait3A_635 = tpu.memref_slice %arg9[%dma_wait3A_631, %dma_wait3A_632, %dma_wait3A_633, %dma_wait3A_634] : memref<2x8x128x32xf32, #tpu.memory_space<vmem>> -> memref<1x1x128x32xf32, #tpu.memory_space<vmem>>
      %dma_wait3A_636 = tpu.memref_squeeze %dma_wait3A_635 : memref<1x1x128x32xf32, #tpu.memory_space<vmem>> -> memref<128x32xf32, #tpu.memory_space<vmem>>
      %dma_wait3A_637 = arith.constant 0 : i32
      %dma_wait3A_638 = tpu.memref_slice %arg7[%dma_wait3A_630, %dma_wait3A_637] : memref<80x128xi32, #tpu.memory_space<vmem>> -> memref<1x128xi32, #tpu.memory_space<vmem>>
      %dma_wait3A_639 = tpu.memref_squeeze %dma_wait3A_638 : memref<1x128xi32, #tpu.memory_space<vmem>> -> memref<128xi32, #tpu.memory_space<vmem>>
      %dma_wait3A_640 = arith.constant 0 : i32
      %dma_wait3A_641 = arith.constant 0 : i32
      %dma_wait3A_642 = tpu.memref_slice %arg2[%dma_wait3A_640, %dma_wait3A_641] : memref<10112x32xf32, #tpu.memory_space<hbm>> -> memref<10112x32xf32, #tpu.memory_space<hbm>>
      tpu.wait_indirect_dma semaphore(%arg12 : memref<!tpu.dma_semaphore, #tpu.memory_space<semaphore_mem>>) src(%dma_wait3A_642 : memref<10112x32xf32, #tpu.memory_space<hbm>>) dst(%dma_wait3A_636 : memref<128x32xf32, #tpu.memory_space<vmem>>)
      %dma_wait3A_643 = arith.constant 0 : i32
      %dma_wait3A_644 = arith.constant 1 : i32
      %dma_wait3A_645 = arith.constant 7 : i32
      %dma_wait3A_646 = arith.constant 0 : i32
      %dma_wait3A_647 = arith.constant 0 : i32
      %dma_wait3A_648 = tpu.memref_slice %arg9[%dma_wait3A_644, %dma_wait3A_645, %dma_wait3A_646, %dma_wait3A_647] : memref<2x8x128x32xf32, #tpu.memory_space<vmem>> -> memref<1x1x128x32xf32, #tpu.memory_space<vmem>>
      %dma_wait3A_649 = tpu.memref_squeeze %dma_wait3A_648 : memref<1x1x128x32xf32, #tpu.memory_space<vmem>> -> memref<128x32xf32, #tpu.memory_space<vmem>>
      %dma_wait3A_650 = arith.constant 0 : i32
      %dma_wait3A_651 = tpu.memref_slice %arg7[%dma_wait3A_643, %dma_wait3A_650] : memref<80x128xi32, #tpu.memory_space<vmem>> -> memref<1x128xi32, #tpu.memory_space<vmem>>
      %dma_wait3A_652 = tpu.memref_squeeze %dma_wait3A_651 : memref<1x128xi32, #tpu.memory_space<vmem>> -> memref<128xi32, #tpu.memory_space<vmem>>
      %dma_wait3A_653 = arith.constant 0 : i32
      %dma_wait3A_654 = arith.constant 0 : i32
      %dma_wait3A_655 = tpu.memref_slice %arg2[%dma_wait3A_653, %dma_wait3A_654] : memref<10112x32xf32, #tpu.memory_space<hbm>> -> memref<10112x32xf32, #tpu.memory_space<hbm>>
      tpu.wait_indirect_dma semaphore(%arg12 : memref<!tpu.dma_semaphore, #tpu.memory_space<semaphore_mem>>) src(%dma_wait3A_655 : memref<10112x32xf32, #tpu.memory_space<hbm>>) dst(%dma_wait3A_649 : memref<128x32xf32, #tpu.memory_space<vmem>>)
      %dma_wait3A_656 = arith.constant 0 : i32
      %dma_wait3A_657 = arith.constant 0 : i32
      %dma_wait3A_658 = arith.constant 0 : i32
      %dma_wait3A_659 = arith.constant 0 : i32
      %dma_wait3A_660 = arith.constant 0 : i32
      %dma_wait3A_661 = tpu.memref_slice %arg9[%dma_wait3A_656, %dma_wait3A_657, %dma_wait3A_659, %dma_wait3A_660] : memref<2x8x128x32xf32, #tpu.memory_space<vmem>> -> memref<1x1x128x32xf32, #tpu.memory_space<vmem>>
      %dma_wait3A_662 = tpu.memref_squeeze %dma_wait3A_661 : memref<1x1x128x32xf32, #tpu.memory_space<vmem>> -> memref<128x32xf32, #tpu.memory_space<vmem>>
      %dma_wait3A_663 = arith.constant 0 : i32
      %dma_wait3A_664 = tpu.memref_slice %arg8[%dma_wait3A_658, %dma_wait3A_663] : memref<80x128xi32, #tpu.memory_space<vmem>> -> memref<1x128xi32, #tpu.memory_space<vmem>>
      %dma_wait3A_665 = tpu.memref_squeeze %dma_wait3A_664 : memref<1x128xi32, #tpu.memory_space<vmem>> -> memref<128xi32, #tpu.memory_space<vmem>>
      %dma_wait3A_666 = arith.constant 0 : i32
      %dma_wait3A_667 = arith.constant 0 : i32
      %dma_wait3A_668 = tpu.memref_slice %arg10[%dma_wait3A_666, %dma_wait3A_667] : memref<10112x32xf32, #tpu.memory_space<vmem_shared>> -> memref<10112x32xf32, #tpu.memory_space<vmem_shared>>
      tpu.wait_indirect_dma semaphore(%arg13 : memref<!tpu.dma_semaphore, #tpu.memory_space<semaphore_mem>>) src(%dma_wait3A_662 : memref<128x32xf32, #tpu.memory_space<vmem>>) dst(%dma_wait3A_668 : memref<10112x32xf32, #tpu.memory_space<vmem_shared>>)
      %dma_wait3A_669 = arith.constant 0 : i32
      %dma_wait3A_670 = arith.constant 1 : i32
      %dma_wait3A_671 = arith.constant 0 : i32
      %dma_wait3A_672 = arith.constant 0 : i32
      %dma_wait3A_673 = arith.constant 0 : i32
      %dma_wait3A_674 = tpu.memref_slice %arg9[%dma_wait3A_669, %dma_wait3A_670, %dma_wait3A_672, %dma_wait3A_673] : memref<2x8x128x32xf32, #tpu.memory_space<vmem>> -> memref<1x1x128x32xf32, #tpu.memory_space<vmem>>
      %dma_wait3A_675 = tpu.memref_squeeze %dma_wait3A_674 : memref<1x1x128x32xf32, #tpu.memory_space<vmem>> -> memref<128x32xf32, #tpu.memory_space<vmem>>
      %dma_wait3A_676 = arith.constant 0 : i32
      %dma_wait3A_677 = tpu.memref_slice %arg8[%dma_wait3A_671, %dma_wait3A_676] : memref<80x128xi32, #tpu.memory_space<vmem>> -> memref<1x128xi32, #tpu.memory_space<vmem>>
      %dma_wait3A_678 = tpu.memref_squeeze %dma_wait3A_677 : memref<1x128xi32, #tpu.memory_space<vmem>> -> memref<128xi32, #tpu.memory_space<vmem>>
      %dma_wait3A_679 = arith.constant 0 : i32
      %dma_wait3A_680 = arith.constant 0 : i32
      %dma_wait3A_681 = tpu.memref_slice %arg10[%dma_wait3A_679, %dma_wait3A_680] : memref<10112x32xf32, #tpu.memory_space<vmem_shared>> -> memref<10112x32xf32, #tpu.memory_space<vmem_shared>>
      tpu.wait_indirect_dma semaphore(%arg13 : memref<!tpu.dma_semaphore, #tpu.memory_space<semaphore_mem>>) src(%dma_wait3A_675 : memref<128x32xf32, #tpu.memory_space<vmem>>) dst(%dma_wait3A_681 : memref<10112x32xf32, #tpu.memory_space<vmem_shared>>)
      %dma_wait3A_682 = arith.constant 0 : i32
      %dma_wait3A_683 = arith.constant 2 : i32
      %dma_wait3A_684 = arith.constant 0 : i32
      %dma_wait3A_685 = arith.constant 0 : i32
      %dma_wait3A_686 = arith.constant 0 : i32
      %dma_wait3A_687 = tpu.memref_slice %arg9[%dma_wait3A_682, %dma_wait3A_683, %dma_wait3A_685, %dma_wait3A_686] : memref<2x8x128x32xf32, #tpu.memory_space<vmem>> -> memref<1x1x128x32xf32, #tpu.memory_space<vmem>>
      %dma_wait3A_688 = tpu.memref_squeeze %dma_wait3A_687 : memref<1x1x128x32xf32, #tpu.memory_space<vmem>> -> memref<128x32xf32, #tpu.memory_space<vmem>>
      %dma_wait3A_689 = arith.constant 0 : i32
      %dma_wait3A_690 = tpu.memref_slice %arg8[%dma_wait3A_684, %dma_wait3A_689] : memref<80x128xi32, #tpu.memory_space<vmem>> -> memref<1x128xi32, #tpu.memory_space<vmem>>
      %dma_wait3A_691 = tpu.memref_squeeze %dma_wait3A_690 : memref<1x128xi32, #tpu.memory_space<vmem>> -> memref<128xi32, #tpu.memory_space<vmem>>
      %dma_wait3A_692 = arith.constant 0 : i32
      %dma_wait3A_693 = arith.constant 0 : i32
      %dma_wait3A_694 = tpu.memref_slice %arg10[%dma_wait3A_692, %dma_wait3A_693] : memref<10112x32xf32, #tpu.memory_space<vmem_shared>> -> memref<10112x32xf32, #tpu.memory_space<vmem_shared>>
      tpu.wait_indirect_dma semaphore(%arg13 : memref<!tpu.dma_semaphore, #tpu.memory_space<semaphore_mem>>) src(%dma_wait3A_688 : memref<128x32xf32, #tpu.memory_space<vmem>>) dst(%dma_wait3A_694 : memref<10112x32xf32, #tpu.memory_space<vmem_shared>>)
      %dma_wait3A_695 = arith.constant 0 : i32
      %dma_wait3A_696 = arith.constant 3 : i32
      %dma_wait3A_697 = arith.constant 0 : i32
      %dma_wait3A_698 = arith.constant 0 : i32
      %dma_wait3A_699 = arith.constant 0 : i32
      %dma_wait3A_700 = tpu.memref_slice %arg9[%dma_wait3A_695, %dma_wait3A_696, %dma_wait3A_698, %dma_wait3A_699] : memref<2x8x128x32xf32, #tpu.memory_space<vmem>> -> memref<1x1x128x32xf32, #tpu.memory_space<vmem>>
      %dma_wait3A_701 = tpu.memref_squeeze %dma_wait3A_700 : memref<1x1x128x32xf32, #tpu.memory_space<vmem>> -> memref<128x32xf32, #tpu.memory_space<vmem>>
      %dma_wait3A_702 = arith.constant 0 : i32
      %dma_wait3A_703 = tpu.memref_slice %arg8[%dma_wait3A_697, %dma_wait3A_702] : memref<80x128xi32, #tpu.memory_space<vmem>> -> memref<1x128xi32, #tpu.memory_space<vmem>>
      %dma_wait3A_704 = tpu.memref_squeeze %dma_wait3A_703 : memref<1x128xi32, #tpu.memory_space<vmem>> -> memref<128xi32, #tpu.memory_space<vmem>>
      %dma_wait3A_705 = arith.constant 0 : i32
      %dma_wait3A_706 = arith.constant 0 : i32
      %dma_wait3A_707 = tpu.memref_slice %arg10[%dma_wait3A_705, %dma_wait3A_706] : memref<10112x32xf32, #tpu.memory_space<vmem_shared>> -> memref<10112x32xf32, #tpu.memory_space<vmem_shared>>
      tpu.wait_indirect_dma semaphore(%arg13 : memref<!tpu.dma_semaphore, #tpu.memory_space<semaphore_mem>>) src(%dma_wait3A_701 : memref<128x32xf32, #tpu.memory_space<vmem>>) dst(%dma_wait3A_707 : memref<10112x32xf32, #tpu.memory_space<vmem_shared>>)
      %dma_wait3A_708 = arith.constant 0 : i32
      %dma_wait3A_709 = arith.constant 4 : i32
      %dma_wait3A_710 = arith.constant 0 : i32
      %dma_wait3A_711 = arith.constant 0 : i32
      %dma_wait3A_712 = arith.constant 0 : i32
      %dma_wait3A_713 = tpu.memref_slice %arg9[%dma_wait3A_708, %dma_wait3A_709, %dma_wait3A_711, %dma_wait3A_712] : memref<2x8x128x32xf32, #tpu.memory_space<vmem>> -> memref<1x1x128x32xf32, #tpu.memory_space<vmem>>
      %dma_wait3A_714 = tpu.memref_squeeze %dma_wait3A_713 : memref<1x1x128x32xf32, #tpu.memory_space<vmem>> -> memref<128x32xf32, #tpu.memory_space<vmem>>
      %dma_wait3A_715 = arith.constant 0 : i32
      %dma_wait3A_716 = tpu.memref_slice %arg8[%dma_wait3A_710, %dma_wait3A_715] : memref<80x128xi32, #tpu.memory_space<vmem>> -> memref<1x128xi32, #tpu.memory_space<vmem>>
      %dma_wait3A_717 = tpu.memref_squeeze %dma_wait3A_716 : memref<1x128xi32, #tpu.memory_space<vmem>> -> memref<128xi32, #tpu.memory_space<vmem>>
      %dma_wait3A_718 = arith.constant 0 : i32
      %dma_wait3A_719 = arith.constant 0 : i32
      %dma_wait3A_720 = tpu.memref_slice %arg10[%dma_wait3A_718, %dma_wait3A_719] : memref<10112x32xf32, #tpu.memory_space<vmem_shared>> -> memref<10112x32xf32, #tpu.memory_space<vmem_shared>>
      tpu.wait_indirect_dma semaphore(%arg13 : memref<!tpu.dma_semaphore, #tpu.memory_space<semaphore_mem>>) src(%dma_wait3A_714 : memref<128x32xf32, #tpu.memory_space<vmem>>) dst(%dma_wait3A_720 : memref<10112x32xf32, #tpu.memory_space<vmem_shared>>)
      %dma_wait3A_721 = arith.constant 0 : i32
      %dma_wait3A_722 = arith.constant 5 : i32
      %dma_wait3A_723 = arith.constant 0 : i32
      %dma_wait3A_724 = arith.constant 0 : i32
      %dma_wait3A_725 = arith.constant 0 : i32
      %dma_wait3A_726 = tpu.memref_slice %arg9[%dma_wait3A_721, %dma_wait3A_722, %dma_wait3A_724, %dma_wait3A_725] : memref<2x8x128x32xf32, #tpu.memory_space<vmem>> -> memref<1x1x128x32xf32, #tpu.memory_space<vmem>>
      %dma_wait3A_727 = tpu.memref_squeeze %dma_wait3A_726 : memref<1x1x128x32xf32, #tpu.memory_space<vmem>> -> memref<128x32xf32, #tpu.memory_space<vmem>>
      %dma_wait3A_728 = arith.constant 0 : i32
      %dma_wait3A_729 = tpu.memref_slice %arg8[%dma_wait3A_723, %dma_wait3A_728] : memref<80x128xi32, #tpu.memory_space<vmem>> -> memref<1x128xi32, #tpu.memory_space<vmem>>
      %dma_wait3A_730 = tpu.memref_squeeze %dma_wait3A_729 : memref<1x128xi32, #tpu.memory_space<vmem>> -> memref<128xi32, #tpu.memory_space<vmem>>
      %dma_wait3A_731 = arith.constant 0 : i32
      %dma_wait3A_732 = arith.constant 0 : i32
      %dma_wait3A_733 = tpu.memref_slice %arg10[%dma_wait3A_731, %dma_wait3A_732] : memref<10112x32xf32, #tpu.memory_space<vmem_shared>> -> memref<10112x32xf32, #tpu.memory_space<vmem_shared>>
      tpu.wait_indirect_dma semaphore(%arg13 : memref<!tpu.dma_semaphore, #tpu.memory_space<semaphore_mem>>) src(%dma_wait3A_727 : memref<128x32xf32, #tpu.memory_space<vmem>>) dst(%dma_wait3A_733 : memref<10112x32xf32, #tpu.memory_space<vmem_shared>>)
      %dma_wait3A_734 = arith.constant 0 : i32
      %dma_wait3A_735 = arith.constant 6 : i32
      %dma_wait3A_736 = arith.constant 0 : i32
      %dma_wait3A_737 = arith.constant 0 : i32
      %dma_wait3A_738 = arith.constant 0 : i32
      %dma_wait3A_739 = tpu.memref_slice %arg9[%dma_wait3A_734, %dma_wait3A_735, %dma_wait3A_737, %dma_wait3A_738] : memref<2x8x128x32xf32, #tpu.memory_space<vmem>> -> memref<1x1x128x32xf32, #tpu.memory_space<vmem>>
      %dma_wait3A_740 = tpu.memref_squeeze %dma_wait3A_739 : memref<1x1x128x32xf32, #tpu.memory_space<vmem>> -> memref<128x32xf32, #tpu.memory_space<vmem>>
      %dma_wait3A_741 = arith.constant 0 : i32
      %dma_wait3A_742 = tpu.memref_slice %arg8[%dma_wait3A_736, %dma_wait3A_741] : memref<80x128xi32, #tpu.memory_space<vmem>> -> memref<1x128xi32, #tpu.memory_space<vmem>>
      %dma_wait3A_743 = tpu.memref_squeeze %dma_wait3A_742 : memref<1x128xi32, #tpu.memory_space<vmem>> -> memref<128xi32, #tpu.memory_space<vmem>>
      %dma_wait3A_744 = arith.constant 0 : i32
      %dma_wait3A_745 = arith.constant 0 : i32
      %dma_wait3A_746 = tpu.memref_slice %arg10[%dma_wait3A_744, %dma_wait3A_745] : memref<10112x32xf32, #tpu.memory_space<vmem_shared>> -> memref<10112x32xf32, #tpu.memory_space<vmem_shared>>
      tpu.wait_indirect_dma semaphore(%arg13 : memref<!tpu.dma_semaphore, #tpu.memory_space<semaphore_mem>>) src(%dma_wait3A_740 : memref<128x32xf32, #tpu.memory_space<vmem>>) dst(%dma_wait3A_746 : memref<10112x32xf32, #tpu.memory_space<vmem_shared>>)
      %dma_wait3A_747 = arith.constant 0 : i32
      %dma_wait3A_748 = arith.constant 7 : i32
      %dma_wait3A_749 = arith.constant 0 : i32
      %dma_wait3A_750 = arith.constant 0 : i32
      %dma_wait3A_751 = arith.constant 0 : i32
      %dma_wait3A_752 = tpu.memref_slice %arg9[%dma_wait3A_747, %dma_wait3A_748, %dma_wait3A_750, %dma_wait3A_751] : memref<2x8x128x32xf32, #tpu.memory_space<vmem>> -> memref<1x1x128x32xf32, #tpu.memory_space<vmem>>
      %dma_wait3A_753 = tpu.memref_squeeze %dma_wait3A_752 : memref<1x1x128x32xf32, #tpu.memory_space<vmem>> -> memref<128x32xf32, #tpu.memory_space<vmem>>
      %dma_wait3A_754 = arith.constant 0 : i32
      %dma_wait3A_755 = tpu.memref_slice %arg8[%dma_wait3A_749, %dma_wait3A_754] : memref<80x128xi32, #tpu.memory_space<vmem>> -> memref<1x128xi32, #tpu.memory_space<vmem>>
      %dma_wait3A_756 = tpu.memref_squeeze %dma_wait3A_755 : memref<1x128xi32, #tpu.memory_space<vmem>> -> memref<128xi32, #tpu.memory_space<vmem>>
      %dma_wait3A_757 = arith.constant 0 : i32
      %dma_wait3A_758 = arith.constant 0 : i32
      %dma_wait3A_759 = tpu.memref_slice %arg10[%dma_wait3A_757, %dma_wait3A_758] : memref<10112x32xf32, #tpu.memory_space<vmem_shared>> -> memref<10112x32xf32, #tpu.memory_space<vmem_shared>>
      tpu.wait_indirect_dma semaphore(%arg13 : memref<!tpu.dma_semaphore, #tpu.memory_space<semaphore_mem>>) src(%dma_wait3A_753 : memref<128x32xf32, #tpu.memory_space<vmem>>) dst(%dma_wait3A_759 : memref<10112x32xf32, #tpu.memory_space<vmem_shared>>)
      %add3A_760 = arith.constant 1 : i32
      %add3A_761 = arith.addi %scan3A_215, %add3A_760 : i32
      %lt3A = arith.constant 5 : i32
      %lt3A_762 = arith.cmpi slt, %add3A_761, %lt3A : i32
      %convert_element_type3A_763 = arith.extui %lt3A_762 : i1 to i32
      %cond3A_764 = arith.constant 0 : i32
      %cond3A_765 = arith.cmpi ne, %convert_element_type3A_763, %cond3A_764 : i32
      scf.if %cond3A_765 {
        %add3A_878 = arith.constant 16 : i32
        %add3A_879 = arith.addi %mul3A_219, %add3A_878 : i32
        %add3A_880 = arith.constant 0 : i32
        %add3A_881 = arith.addi %add3A_879, %add3A_880 : i32
        %dma_start3A_882 = arith.constant 0 : i32
        %dma_start3A_883 = arith.constant 0 : i32
        %dma_start3A_884 = arith.constant 0 : i32
        %dma_start3A_885 = arith.constant 0 : i32
        %dma_start3A_886 = tpu.memref_slice %arg9[%dma_start3A_882, %dma_start3A_883, %dma_start3A_884, %dma_start3A_885] : memref<2x8x128x32xf32, #tpu.memory_space<vmem>> -> memref<1x1x128x32xf32, #tpu.memory_space<vmem>>
        %dma_start3A_887 = tpu.memref_squeeze %dma_start3A_886 : memref<1x1x128x32xf32, #tpu.memory_space<vmem>> -> memref<128x32xf32, #tpu.memory_space<vmem>>
        %dma_start3A_888 = arith.constant 0 : i32
        %dma_start3A_889 = tpu.memref_slice %arg7[%add3A_881, %dma_start3A_888] : memref<80x128xi32, #tpu.memory_space<vmem>> -> memref<1x128xi32, #tpu.memory_space<vmem>>
        %dma_start3A_890 = tpu.memref_squeeze %dma_start3A_889 : memref<1x128xi32, #tpu.memory_space<vmem>> -> memref<128xi32, #tpu.memory_space<vmem>>
        %dma_start3A_891 = arith.constant 0 : i32
        %dma_start3A_892 = arith.constant 0 : i32
        %dma_start3A_893 = tpu.memref_slice %arg2[%dma_start3A_891, %dma_start3A_892] : memref<10112x32xf32, #tpu.memory_space<hbm>> -> memref<10112x32xf32, #tpu.memory_space<hbm>>
        tpu.enqueue_indirect_dma source(%dma_start3A_893 : memref<10112x32xf32, #tpu.memory_space<hbm>>) target(%dma_start3A_887 : memref<128x32xf32, #tpu.memory_space<vmem>>) offsets(%dma_start3A_890 : memref<128xi32, #tpu.memory_space<vmem>>) semaphore(%arg11 : memref<!tpu.dma_semaphore, #tpu.memory_space<semaphore_mem>>)
        %add3A_894 = arith.constant 1 : i32
        %add3A_895 = arith.addi %add3A_879, %add3A_894 : i32
        %dma_start3A_896 = arith.constant 0 : i32
        %dma_start3A_897 = arith.constant 1 : i32
        %dma_start3A_898 = arith.constant 0 : i32
        %dma_start3A_899 = arith.constant 0 : i32
        %dma_start3A_900 = tpu.memref_slice %arg9[%dma_start3A_896, %dma_start3A_897, %dma_start3A_898, %dma_start3A_899] : memref<2x8x128x32xf32, #tpu.memory_space<vmem>> -> memref<1x1x128x32xf32, #tpu.memory_space<vmem>>
        %dma_start3A_901 = tpu.memref_squeeze %dma_start3A_900 : memref<1x1x128x32xf32, #tpu.memory_space<vmem>> -> memref<128x32xf32, #tpu.memory_space<vmem>>
        %dma_start3A_902 = arith.constant 0 : i32
        %dma_start3A_903 = tpu.memref_slice %arg7[%add3A_895, %dma_start3A_902] : memref<80x128xi32, #tpu.memory_space<vmem>> -> memref<1x128xi32, #tpu.memory_space<vmem>>
        %dma_start3A_904 = tpu.memref_squeeze %dma_start3A_903 : memref<1x128xi32, #tpu.memory_space<vmem>> -> memref<128xi32, #tpu.memory_space<vmem>>
        %dma_start3A_905 = arith.constant 0 : i32
        %dma_start3A_906 = arith.constant 0 : i32
        %dma_start3A_907 = tpu.memref_slice %arg2[%dma_start3A_905, %dma_start3A_906] : memref<10112x32xf32, #tpu.memory_space<hbm>> -> memref<10112x32xf32, #tpu.memory_space<hbm>>
        tpu.enqueue_indirect_dma source(%dma_start3A_907 : memref<10112x32xf32, #tpu.memory_space<hbm>>) target(%dma_start3A_901 : memref<128x32xf32, #tpu.memory_space<vmem>>) offsets(%dma_start3A_904 : memref<128xi32, #tpu.memory_space<vmem>>) semaphore(%arg11 : memref<!tpu.dma_semaphore, #tpu.memory_space<semaphore_mem>>)
        %add3A_908 = arith.constant 2 : i32
        %add3A_909 = arith.addi %add3A_879, %add3A_908 : i32
        %dma_start3A_910 = arith.constant 0 : i32
        %dma_start3A_911 = arith.constant 2 : i32
        %dma_start3A_912 = arith.constant 0 : i32
        %dma_start3A_913 = arith.constant 0 : i32
        %dma_start3A_914 = tpu.memref_slice %arg9[%dma_start3A_910, %dma_start3A_911, %dma_start3A_912, %dma_start3A_913] : memref<2x8x128x32xf32, #tpu.memory_space<vmem>> -> memref<1x1x128x32xf32, #tpu.memory_space<vmem>>
        %dma_start3A_915 = tpu.memref_squeeze %dma_start3A_914 : memref<1x1x128x32xf32, #tpu.memory_space<vmem>> -> memref<128x32xf32, #tpu.memory_space<vmem>>
        %dma_start3A_916 = arith.constant 0 : i32
        %dma_start3A_917 = tpu.memref_slice %arg7[%add3A_909, %dma_start3A_916] : memref<80x128xi32, #tpu.memory_space<vmem>> -> memref<1x128xi32, #tpu.memory_space<vmem>>
        %dma_start3A_918 = tpu.memref_squeeze %dma_start3A_917 : memref<1x128xi32, #tpu.memory_space<vmem>> -> memref<128xi32, #tpu.memory_space<vmem>>
        %dma_start3A_919 = arith.constant 0 : i32
        %dma_start3A_920 = arith.constant 0 : i32
        %dma_start3A_921 = tpu.memref_slice %arg2[%dma_start3A_919, %dma_start3A_920] : memref<10112x32xf32, #tpu.memory_space<hbm>> -> memref<10112x32xf32, #tpu.memory_space<hbm>>
        tpu.enqueue_indirect_dma source(%dma_start3A_921 : memref<10112x32xf32, #tpu.memory_space<hbm>>) target(%dma_start3A_915 : memref<128x32xf32, #tpu.memory_space<vmem>>) offsets(%dma_start3A_918 : memref<128xi32, #tpu.memory_space<vmem>>) semaphore(%arg11 : memref<!tpu.dma_semaphore, #tpu.memory_space<semaphore_mem>>)
        %add3A_922 = arith.constant 3 : i32
        %add3A_923 = arith.addi %add3A_879, %add3A_922 : i32
        %dma_start3A_924 = arith.constant 0 : i32
        %dma_start3A_925 = arith.constant 3 : i32
        %dma_start3A_926 = arith.constant 0 : i32
        %dma_start3A_927 = arith.constant 0 : i32
        %dma_start3A_928 = tpu.memref_slice %arg9[%dma_start3A_924, %dma_start3A_925, %dma_start3A_926, %dma_start3A_927] : memref<2x8x128x32xf32, #tpu.memory_space<vmem>> -> memref<1x1x128x32xf32, #tpu.memory_space<vmem>>
        %dma_start3A_929 = tpu.memref_squeeze %dma_start3A_928 : memref<1x1x128x32xf32, #tpu.memory_space<vmem>> -> memref<128x32xf32, #tpu.memory_space<vmem>>
        %dma_start3A_930 = arith.constant 0 : i32
        %dma_start3A_931 = tpu.memref_slice %arg7[%add3A_923, %dma_start3A_930] : memref<80x128xi32, #tpu.memory_space<vmem>> -> memref<1x128xi32, #tpu.memory_space<vmem>>
        %dma_start3A_932 = tpu.memref_squeeze %dma_start3A_931 : memref<1x128xi32, #tpu.memory_space<vmem>> -> memref<128xi32, #tpu.memory_space<vmem>>
        %dma_start3A_933 = arith.constant 0 : i32
        %dma_start3A_934 = arith.constant 0 : i32
        %dma_start3A_935 = tpu.memref_slice %arg2[%dma_start3A_933, %dma_start3A_934] : memref<10112x32xf32, #tpu.memory_space<hbm>> -> memref<10112x32xf32, #tpu.memory_space<hbm>>
        tpu.enqueue_indirect_dma source(%dma_start3A_935 : memref<10112x32xf32, #tpu.memory_space<hbm>>) target(%dma_start3A_929 : memref<128x32xf32, #tpu.memory_space<vmem>>) offsets(%dma_start3A_932 : memref<128xi32, #tpu.memory_space<vmem>>) semaphore(%arg11 : memref<!tpu.dma_semaphore, #tpu.memory_space<semaphore_mem>>)
        %add3A_936 = arith.constant 4 : i32
        %add3A_937 = arith.addi %add3A_879, %add3A_936 : i32
        %dma_start3A_938 = arith.constant 0 : i32
        %dma_start3A_939 = arith.constant 4 : i32
        %dma_start3A_940 = arith.constant 0 : i32
        %dma_start3A_941 = arith.constant 0 : i32
        %dma_start3A_942 = tpu.memref_slice %arg9[%dma_start3A_938, %dma_start3A_939, %dma_start3A_940, %dma_start3A_941] : memref<2x8x128x32xf32, #tpu.memory_space<vmem>> -> memref<1x1x128x32xf32, #tpu.memory_space<vmem>>
        %dma_start3A_943 = tpu.memref_squeeze %dma_start3A_942 : memref<1x1x128x32xf32, #tpu.memory_space<vmem>> -> memref<128x32xf32, #tpu.memory_space<vmem>>
        %dma_start3A_944 = arith.constant 0 : i32
        %dma_start3A_945 = tpu.memref_slice %arg7[%add3A_937, %dma_start3A_944] : memref<80x128xi32, #tpu.memory_space<vmem>> -> memref<1x128xi32, #tpu.memory_space<vmem>>
        %dma_start3A_946 = tpu.memref_squeeze %dma_start3A_945 : memref<1x128xi32, #tpu.memory_space<vmem>> -> memref<128xi32, #tpu.memory_space<vmem>>
        %dma_start3A_947 = arith.constant 0 : i32
        %dma_start3A_948 = arith.constant 0 : i32
        %dma_start3A_949 = tpu.memref_slice %arg2[%dma_start3A_947, %dma_start3A_948] : memref<10112x32xf32, #tpu.memory_space<hbm>> -> memref<10112x32xf32, #tpu.memory_space<hbm>>
        tpu.enqueue_indirect_dma source(%dma_start3A_949 : memref<10112x32xf32, #tpu.memory_space<hbm>>) target(%dma_start3A_943 : memref<128x32xf32, #tpu.memory_space<vmem>>) offsets(%dma_start3A_946 : memref<128xi32, #tpu.memory_space<vmem>>) semaphore(%arg11 : memref<!tpu.dma_semaphore, #tpu.memory_space<semaphore_mem>>)
        %add3A_950 = arith.constant 5 : i32
        %add3A_951 = arith.addi %add3A_879, %add3A_950 : i32
        %dma_start3A_952 = arith.constant 0 : i32
        %dma_start3A_953 = arith.constant 5 : i32
        %dma_start3A_954 = arith.constant 0 : i32
        %dma_start3A_955 = arith.constant 0 : i32
        %dma_start3A_956 = tpu.memref_slice %arg9[%dma_start3A_952, %dma_start3A_953, %dma_start3A_954, %dma_start3A_955] : memref<2x8x128x32xf32, #tpu.memory_space<vmem>> -> memref<1x1x128x32xf32, #tpu.memory_space<vmem>>
        %dma_start3A_957 = tpu.memref_squeeze %dma_start3A_956 : memref<1x1x128x32xf32, #tpu.memory_space<vmem>> -> memref<128x32xf32, #tpu.memory_space<vmem>>
        %dma_start3A_958 = arith.constant 0 : i32
        %dma_start3A_959 = tpu.memref_slice %arg7[%add3A_951, %dma_start3A_958] : memref<80x128xi32, #tpu.memory_space<vmem>> -> memref<1x128xi32, #tpu.memory_space<vmem>>
        %dma_start3A_960 = tpu.memref_squeeze %dma_start3A_959 : memref<1x128xi32, #tpu.memory_space<vmem>> -> memref<128xi32, #tpu.memory_space<vmem>>
        %dma_start3A_961 = arith.constant 0 : i32
        %dma_start3A_962 = arith.constant 0 : i32
        %dma_start3A_963 = tpu.memref_slice %arg2[%dma_start3A_961, %dma_start3A_962] : memref<10112x32xf32, #tpu.memory_space<hbm>> -> memref<10112x32xf32, #tpu.memory_space<hbm>>
        tpu.enqueue_indirect_dma source(%dma_start3A_963 : memref<10112x32xf32, #tpu.memory_space<hbm>>) target(%dma_start3A_957 : memref<128x32xf32, #tpu.memory_space<vmem>>) offsets(%dma_start3A_960 : memref<128xi32, #tpu.memory_space<vmem>>) semaphore(%arg11 : memref<!tpu.dma_semaphore, #tpu.memory_space<semaphore_mem>>)
        %add3A_964 = arith.constant 6 : i32
        %add3A_965 = arith.addi %add3A_879, %add3A_964 : i32
        %dma_start3A_966 = arith.constant 0 : i32
        %dma_start3A_967 = arith.constant 6 : i32
        %dma_start3A_968 = arith.constant 0 : i32
        %dma_start3A_969 = arith.constant 0 : i32
        %dma_start3A_970 = tpu.memref_slice %arg9[%dma_start3A_966, %dma_start3A_967, %dma_start3A_968, %dma_start3A_969] : memref<2x8x128x32xf32, #tpu.memory_space<vmem>> -> memref<1x1x128x32xf32, #tpu.memory_space<vmem>>
        %dma_start3A_971 = tpu.memref_squeeze %dma_start3A_970 : memref<1x1x128x32xf32, #tpu.memory_space<vmem>> -> memref<128x32xf32, #tpu.memory_space<vmem>>
        %dma_start3A_972 = arith.constant 0 : i32
        %dma_start3A_973 = tpu.memref_slice %arg7[%add3A_965, %dma_start3A_972] : memref<80x128xi32, #tpu.memory_space<vmem>> -> memref<1x128xi32, #tpu.memory_space<vmem>>
        %dma_start3A_974 = tpu.memref_squeeze %dma_start3A_973 : memref<1x128xi32, #tpu.memory_space<vmem>> -> memref<128xi32, #tpu.memory_space<vmem>>
        %dma_start3A_975 = arith.constant 0 : i32
        %dma_start3A_976 = arith.constant 0 : i32
        %dma_start3A_977 = tpu.memref_slice %arg2[%dma_start3A_975, %dma_start3A_976] : memref<10112x32xf32, #tpu.memory_space<hbm>> -> memref<10112x32xf32, #tpu.memory_space<hbm>>
        tpu.enqueue_indirect_dma source(%dma_start3A_977 : memref<10112x32xf32, #tpu.memory_space<hbm>>) target(%dma_start3A_971 : memref<128x32xf32, #tpu.memory_space<vmem>>) offsets(%dma_start3A_974 : memref<128xi32, #tpu.memory_space<vmem>>) semaphore(%arg11 : memref<!tpu.dma_semaphore, #tpu.memory_space<semaphore_mem>>)
        %add3A_978 = arith.constant 7 : i32
        %add3A_979 = arith.addi %add3A_879, %add3A_978 : i32
        %dma_start3A_980 = arith.constant 0 : i32
        %dma_start3A_981 = arith.constant 7 : i32
        %dma_start3A_982 = arith.constant 0 : i32
        %dma_start3A_983 = arith.constant 0 : i32
        %dma_start3A_984 = tpu.memref_slice %arg9[%dma_start3A_980, %dma_start3A_981, %dma_start3A_982, %dma_start3A_983] : memref<2x8x128x32xf32, #tpu.memory_space<vmem>> -> memref<1x1x128x32xf32, #tpu.memory_space<vmem>>
        %dma_start3A_985 = tpu.memref_squeeze %dma_start3A_984 : memref<1x1x128x32xf32, #tpu.memory_space<vmem>> -> memref<128x32xf32, #tpu.memory_space<vmem>>
        %dma_start3A_986 = arith.constant 0 : i32
        %dma_start3A_987 = tpu.memref_slice %arg7[%add3A_979, %dma_start3A_986] : memref<80x128xi32, #tpu.memory_space<vmem>> -> memref<1x128xi32, #tpu.memory_space<vmem>>
        %dma_start3A_988 = tpu.memref_squeeze %dma_start3A_987 : memref<1x128xi32, #tpu.memory_space<vmem>> -> memref<128xi32, #tpu.memory_space<vmem>>
        %dma_start3A_989 = arith.constant 0 : i32
        %dma_start3A_990 = arith.constant 0 : i32
        %dma_start3A_991 = tpu.memref_slice %arg2[%dma_start3A_989, %dma_start3A_990] : memref<10112x32xf32, #tpu.memory_space<hbm>> -> memref<10112x32xf32, #tpu.memory_space<hbm>>
        tpu.enqueue_indirect_dma source(%dma_start3A_991 : memref<10112x32xf32, #tpu.memory_space<hbm>>) target(%dma_start3A_985 : memref<128x32xf32, #tpu.memory_space<vmem>>) offsets(%dma_start3A_988 : memref<128xi32, #tpu.memory_space<vmem>>) semaphore(%arg11 : memref<!tpu.dma_semaphore, #tpu.memory_space<semaphore_mem>>)
      } else {
      }
      %add3A_766 = arith.constant 0 : i32
      %add3A_767 = arith.addi %add3A_221, %add3A_766 : i32
      %dma_start3A_768 = arith.constant 1 : i32
      %dma_start3A_769 = arith.constant 0 : i32
      %dma_start3A_770 = arith.constant 0 : i32
      %dma_start3A_771 = arith.constant 0 : i32
      %dma_start3A_772 = tpu.memref_slice %arg9[%dma_start3A_768, %dma_start3A_769, %dma_start3A_770, %dma_start3A_771] : memref<2x8x128x32xf32, #tpu.memory_space<vmem>> -> memref<1x1x128x32xf32, #tpu.memory_space<vmem>>
      %dma_start3A_773 = tpu.memref_squeeze %dma_start3A_772 : memref<1x1x128x32xf32, #tpu.memory_space<vmem>> -> memref<128x32xf32, #tpu.memory_space<vmem>>
      %dma_start3A_774 = arith.constant 0 : i32
      %dma_start3A_775 = tpu.memref_slice %arg8[%add3A_767, %dma_start3A_774] : memref<80x128xi32, #tpu.memory_space<vmem>> -> memref<1x128xi32, #tpu.memory_space<vmem>>
      %dma_start3A_776 = tpu.memref_squeeze %dma_start3A_775 : memref<1x128xi32, #tpu.memory_space<vmem>> -> memref<128xi32, #tpu.memory_space<vmem>>
      %dma_start3A_777 = arith.constant 0 : i32
      %dma_start3A_778 = arith.constant 0 : i32
      %dma_start3A_779 = tpu.memref_slice %arg10[%dma_start3A_777, %dma_start3A_778] : memref<10112x32xf32, #tpu.memory_space<vmem_shared>> -> memref<10112x32xf32, #tpu.memory_space<vmem_shared>>
      tpu.enqueue_indirect_dma source(%dma_start3A_773 : memref<128x32xf32, #tpu.memory_space<vmem>>) target(%dma_start3A_779 : memref<10112x32xf32, #tpu.memory_space<vmem_shared>>) offsets(%dma_start3A_776 : memref<128xi32, #tpu.memory_space<vmem>>) semaphore(%arg14 : memref<!tpu.dma_semaphore, #tpu.memory_space<semaphore_mem>>) {add = true}
      %add3A_780 = arith.constant 1 : i32
      %add3A_781 = arith.addi %add3A_221, %add3A_780 : i32
      %dma_start3A_782 = arith.constant 1 : i32
      %dma_start3A_783 = arith.constant 1 : i32
      %dma_start3A_784 = arith.constant 0 : i32
      %dma_start3A_785 = arith.constant 0 : i32
      %dma_start3A_786 = tpu.memref_slice %arg9[%dma_start3A_782, %dma_start3A_783, %dma_start3A_784, %dma_start3A_785] : memref<2x8x128x32xf32, #tpu.memory_space<vmem>> -> memref<1x1x128x32xf32, #tpu.memory_space<vmem>>
      %dma_start3A_787 = tpu.memref_squeeze %dma_start3A_786 : memref<1x1x128x32xf32, #tpu.memory_space<vmem>> -> memref<128x32xf32, #tpu.memory_space<vmem>>
      %dma_start3A_788 = arith.constant 0 : i32
      %dma_start3A_789 = tpu.memref_slice %arg8[%add3A_781, %dma_start3A_788] : memref<80x128xi32, #tpu.memory_space<vmem>> -> memref<1x128xi32, #tpu.memory_space<vmem>>
      %dma_start3A_790 = tpu.memref_squeeze %dma_start3A_789 : memref<1x128xi32, #tpu.memory_space<vmem>> -> memref<128xi32, #tpu.memory_space<vmem>>
      %dma_start3A_791 = arith.constant 0 : i32
      %dma_start3A_792 = arith.constant 0 : i32
      %dma_start3A_793 = tpu.memref_slice %arg10[%dma_start3A_791, %dma_start3A_792] : memref<10112x32xf32, #tpu.memory_space<vmem_shared>> -> memref<10112x32xf32, #tpu.memory_space<vmem_shared>>
      tpu.enqueue_indirect_dma source(%dma_start3A_787 : memref<128x32xf32, #tpu.memory_space<vmem>>) target(%dma_start3A_793 : memref<10112x32xf32, #tpu.memory_space<vmem_shared>>) offsets(%dma_start3A_790 : memref<128xi32, #tpu.memory_space<vmem>>) semaphore(%arg14 : memref<!tpu.dma_semaphore, #tpu.memory_space<semaphore_mem>>) {add = true}
      %add3A_794 = arith.constant 2 : i32
      %add3A_795 = arith.addi %add3A_221, %add3A_794 : i32
      %dma_start3A_796 = arith.constant 1 : i32
      %dma_start3A_797 = arith.constant 2 : i32
      %dma_start3A_798 = arith.constant 0 : i32
      %dma_start3A_799 = arith.constant 0 : i32
      %dma_start3A_800 = tpu.memref_slice %arg9[%dma_start3A_796, %dma_start3A_797, %dma_start3A_798, %dma_start3A_799] : memref<2x8x128x32xf32, #tpu.memory_space<vmem>> -> memref<1x1x128x32xf32, #tpu.memory_space<vmem>>
      %dma_start3A_801 = tpu.memref_squeeze %dma_start3A_800 : memref<1x1x128x32xf32, #tpu.memory_space<vmem>> -> memref<128x32xf32, #tpu.memory_space<vmem>>
      %dma_start3A_802 = arith.constant 0 : i32
      %dma_start3A_803 = tpu.memref_slice %arg8[%add3A_795, %dma_start3A_802] : memref<80x128xi32, #tpu.memory_space<vmem>> -> memref<1x128xi32, #tpu.memory_space<vmem>>
      %dma_start3A_804 = tpu.memref_squeeze %dma_start3A_803 : memref<1x128xi32, #tpu.memory_space<vmem>> -> memref<128xi32, #tpu.memory_space<vmem>>
      %dma_start3A_805 = arith.constant 0 : i32
      %dma_start3A_806 = arith.constant 0 : i32
      %dma_start3A_807 = tpu.memref_slice %arg10[%dma_start3A_805, %dma_start3A_806] : memref<10112x32xf32, #tpu.memory_space<vmem_shared>> -> memref<10112x32xf32, #tpu.memory_space<vmem_shared>>
      tpu.enqueue_indirect_dma source(%dma_start3A_801 : memref<128x32xf32, #tpu.memory_space<vmem>>) target(%dma_start3A_807 : memref<10112x32xf32, #tpu.memory_space<vmem_shared>>) offsets(%dma_start3A_804 : memref<128xi32, #tpu.memory_space<vmem>>) semaphore(%arg14 : memref<!tpu.dma_semaphore, #tpu.memory_space<semaphore_mem>>) {add = true}
      %add3A_808 = arith.constant 3 : i32
      %add3A_809 = arith.addi %add3A_221, %add3A_808 : i32
      %dma_start3A_810 = arith.constant 1 : i32
      %dma_start3A_811 = arith.constant 3 : i32
      %dma_start3A_812 = arith.constant 0 : i32
      %dma_start3A_813 = arith.constant 0 : i32
      %dma_start3A_814 = tpu.memref_slice %arg9[%dma_start3A_810, %dma_start3A_811, %dma_start3A_812, %dma_start3A_813] : memref<2x8x128x32xf32, #tpu.memory_space<vmem>> -> memref<1x1x128x32xf32, #tpu.memory_space<vmem>>
      %dma_start3A_815 = tpu.memref_squeeze %dma_start3A_814 : memref<1x1x128x32xf32, #tpu.memory_space<vmem>> -> memref<128x32xf32, #tpu.memory_space<vmem>>
      %dma_start3A_816 = arith.constant 0 : i32
      %dma_start3A_817 = tpu.memref_slice %arg8[%add3A_809, %dma_start3A_816] : memref<80x128xi32, #tpu.memory_space<vmem>> -> memref<1x128xi32, #tpu.memory_space<vmem>>
      %dma_start3A_818 = tpu.memref_squeeze %dma_start3A_817 : memref<1x128xi32, #tpu.memory_space<vmem>> -> memref<128xi32, #tpu.memory_space<vmem>>
      %dma_start3A_819 = arith.constant 0 : i32
      %dma_start3A_820 = arith.constant 0 : i32
      %dma_start3A_821 = tpu.memref_slice %arg10[%dma_start3A_819, %dma_start3A_820] : memref<10112x32xf32, #tpu.memory_space<vmem_shared>> -> memref<10112x32xf32, #tpu.memory_space<vmem_shared>>
      tpu.enqueue_indirect_dma source(%dma_start3A_815 : memref<128x32xf32, #tpu.memory_space<vmem>>) target(%dma_start3A_821 : memref<10112x32xf32, #tpu.memory_space<vmem_shared>>) offsets(%dma_start3A_818 : memref<128xi32, #tpu.memory_space<vmem>>) semaphore(%arg14 : memref<!tpu.dma_semaphore, #tpu.memory_space<semaphore_mem>>) {add = true}
      %add3A_822 = arith.constant 4 : i32
      %add3A_823 = arith.addi %add3A_221, %add3A_822 : i32
      %dma_start3A_824 = arith.constant 1 : i32
      %dma_start3A_825 = arith.constant 4 : i32
      %dma_start3A_826 = arith.constant 0 : i32
      %dma_start3A_827 = arith.constant 0 : i32
      %dma_start3A_828 = tpu.memref_slice %arg9[%dma_start3A_824, %dma_start3A_825, %dma_start3A_826, %dma_start3A_827] : memref<2x8x128x32xf32, #tpu.memory_space<vmem>> -> memref<1x1x128x32xf32, #tpu.memory_space<vmem>>
      %dma_start3A_829 = tpu.memref_squeeze %dma_start3A_828 : memref<1x1x128x32xf32, #tpu.memory_space<vmem>> -> memref<128x32xf32, #tpu.memory_space<vmem>>
      %dma_start3A_830 = arith.constant 0 : i32
      %dma_start3A_831 = tpu.memref_slice %arg8[%add3A_823, %dma_start3A_830] : memref<80x128xi32, #tpu.memory_space<vmem>> -> memref<1x128xi32, #tpu.memory_space<vmem>>
      %dma_start3A_832 = tpu.memref_squeeze %dma_start3A_831 : memref<1x128xi32, #tpu.memory_space<vmem>> -> memref<128xi32, #tpu.memory_space<vmem>>
      %dma_start3A_833 = arith.constant 0 : i32
      %dma_start3A_834 = arith.constant 0 : i32
      %dma_start3A_835 = tpu.memref_slice %arg10[%dma_start3A_833, %dma_start3A_834] : memref<10112x32xf32, #tpu.memory_space<vmem_shared>> -> memref<10112x32xf32, #tpu.memory_space<vmem_shared>>
      tpu.enqueue_indirect_dma source(%dma_start3A_829 : memref<128x32xf32, #tpu.memory_space<vmem>>) target(%dma_start3A_835 : memref<10112x32xf32, #tpu.memory_space<vmem_shared>>) offsets(%dma_start3A_832 : memref<128xi32, #tpu.memory_space<vmem>>) semaphore(%arg14 : memref<!tpu.dma_semaphore, #tpu.memory_space<semaphore_mem>>) {add = true}
      %add3A_836 = arith.constant 5 : i32
      %add3A_837 = arith.addi %add3A_221, %add3A_836 : i32
      %dma_start3A_838 = arith.constant 1 : i32
      %dma_start3A_839 = arith.constant 5 : i32
      %dma_start3A_840 = arith.constant 0 : i32
      %dma_start3A_841 = arith.constant 0 : i32
      %dma_start3A_842 = tpu.memref_slice %arg9[%dma_start3A_838, %dma_start3A_839, %dma_start3A_840, %dma_start3A_841] : memref<2x8x128x32xf32, #tpu.memory_space<vmem>> -> memref<1x1x128x32xf32, #tpu.memory_space<vmem>>
      %dma_start3A_843 = tpu.memref_squeeze %dma_start3A_842 : memref<1x1x128x32xf32, #tpu.memory_space<vmem>> -> memref<128x32xf32, #tpu.memory_space<vmem>>
      %dma_start3A_844 = arith.constant 0 : i32
      %dma_start3A_845 = tpu.memref_slice %arg8[%add3A_837, %dma_start3A_844] : memref<80x128xi32, #tpu.memory_space<vmem>> -> memref<1x128xi32, #tpu.memory_space<vmem>>
      %dma_start3A_846 = tpu.memref_squeeze %dma_start3A_845 : memref<1x128xi32, #tpu.memory_space<vmem>> -> memref<128xi32, #tpu.memory_space<vmem>>
      %dma_start3A_847 = arith.constant 0 : i32
      %dma_start3A_848 = arith.constant 0 : i32
      %dma_start3A_849 = tpu.memref_slice %arg10[%dma_start3A_847, %dma_start3A_848] : memref<10112x32xf32, #tpu.memory_space<vmem_shared>> -> memref<10112x32xf32, #tpu.memory_space<vmem_shared>>
      tpu.enqueue_indirect_dma source(%dma_start3A_843 : memref<128x32xf32, #tpu.memory_space<vmem>>) target(%dma_start3A_849 : memref<10112x32xf32, #tpu.memory_space<vmem_shared>>) offsets(%dma_start3A_846 : memref<128xi32, #tpu.memory_space<vmem>>) semaphore(%arg14 : memref<!tpu.dma_semaphore, #tpu.memory_space<semaphore_mem>>) {add = true}
      %add3A_850 = arith.constant 6 : i32
      %add3A_851 = arith.addi %add3A_221, %add3A_850 : i32
      %dma_start3A_852 = arith.constant 1 : i32
      %dma_start3A_853 = arith.constant 6 : i32
      %dma_start3A_854 = arith.constant 0 : i32
      %dma_start3A_855 = arith.constant 0 : i32
      %dma_start3A_856 = tpu.memref_slice %arg9[%dma_start3A_852, %dma_start3A_853, %dma_start3A_854, %dma_start3A_855] : memref<2x8x128x32xf32, #tpu.memory_space<vmem>> -> memref<1x1x128x32xf32, #tpu.memory_space<vmem>>
      %dma_start3A_857 = tpu.memref_squeeze %dma_start3A_856 : memref<1x1x128x32xf32, #tpu.memory_space<vmem>> -> memref<128x32xf32, #tpu.memory_space<vmem>>
      %dma_start3A_858 = arith.constant 0 : i32
      %dma_start3A_859 = tpu.memref_slice %arg8[%add3A_851, %dma_start3A_858] : memref<80x128xi32, #tpu.memory_space<vmem>> -> memref<1x128xi32, #tpu.memory_space<vmem>>
      %dma_start3A_860 = tpu.memref_squeeze %dma_start3A_859 : memref<1x128xi32, #tpu.memory_space<vmem>> -> memref<128xi32, #tpu.memory_space<vmem>>
      %dma_start3A_861 = arith.constant 0 : i32
      %dma_start3A_862 = arith.constant 0 : i32
      %dma_start3A_863 = tpu.memref_slice %arg10[%dma_start3A_861, %dma_start3A_862] : memref<10112x32xf32, #tpu.memory_space<vmem_shared>> -> memref<10112x32xf32, #tpu.memory_space<vmem_shared>>
      tpu.enqueue_indirect_dma source(%dma_start3A_857 : memref<128x32xf32, #tpu.memory_space<vmem>>) target(%dma_start3A_863 : memref<10112x32xf32, #tpu.memory_space<vmem_shared>>) offsets(%dma_start3A_860 : memref<128xi32, #tpu.memory_space<vmem>>) semaphore(%arg14 : memref<!tpu.dma_semaphore, #tpu.memory_space<semaphore_mem>>) {add = true}
      %add3A_864 = arith.constant 7 : i32
      %add3A_865 = arith.addi %add3A_221, %add3A_864 : i32
      %dma_start3A_866 = arith.constant 1 : i32
      %dma_start3A_867 = arith.constant 7 : i32
      %dma_start3A_868 = arith.constant 0 : i32
      %dma_start3A_869 = arith.constant 0 : i32
      %dma_start3A_870 = tpu.memref_slice %arg9[%dma_start3A_866, %dma_start3A_867, %dma_start3A_868, %dma_start3A_869] : memref<2x8x128x32xf32, #tpu.memory_space<vmem>> -> memref<1x1x128x32xf32, #tpu.memory_space<vmem>>
      %dma_start3A_871 = tpu.memref_squeeze %dma_start3A_870 : memref<1x1x128x32xf32, #tpu.memory_space<vmem>> -> memref<128x32xf32, #tpu.memory_space<vmem>>
      %dma_start3A_872 = arith.constant 0 : i32
      %dma_start3A_873 = tpu.memref_slice %arg8[%add3A_865, %dma_start3A_872] : memref<80x128xi32, #tpu.memory_space<vmem>> -> memref<1x128xi32, #tpu.memory_space<vmem>>
      %dma_start3A_874 = tpu.memref_squeeze %dma_start3A_873 : memref<1x128xi32, #tpu.memory_space<vmem>> -> memref<128xi32, #tpu.memory_space<vmem>>
      %dma_start3A_875 = arith.constant 0 : i32
      %dma_start3A_876 = arith.constant 0 : i32
      %dma_start3A_877 = tpu.memref_slice %arg10[%dma_start3A_875, %dma_start3A_876] : memref<10112x32xf32, #tpu.memory_space<vmem_shared>> -> memref<10112x32xf32, #tpu.memory_space<vmem_shared>>
      tpu.enqueue_indirect_dma source(%dma_start3A_871 : memref<128x32xf32, #tpu.memory_space<vmem>>) target(%dma_start3A_877 : memref<10112x32xf32, #tpu.memory_space<vmem_shared>>) offsets(%dma_start3A_874 : memref<128xi32, #tpu.memory_space<vmem>>) semaphore(%arg14 : memref<!tpu.dma_semaphore, #tpu.memory_space<semaphore_mem>>) {add = true}
    }
    %scan3A_110 = arith.constant 5 : i32
    %dma_wait3A = arith.constant 1 : i32
    %dma_wait3A_111 = arith.constant 0 : i32
    %dma_wait3A_112 = arith.constant 0 : i32
    %dma_wait3A_113 = arith.constant 0 : i32
    %dma_wait3A_114 = arith.constant 0 : i32
    %dma_wait3A_115 = tpu.memref_slice %arg9[%dma_wait3A, %dma_wait3A_111, %dma_wait3A_113, %dma_wait3A_114] : memref<2x8x128x32xf32, #tpu.memory_space<vmem>> -> memref<1x1x128x32xf32, #tpu.memory_space<vmem>>
    %dma_wait3A_116 = tpu.memref_squeeze %dma_wait3A_115 : memref<1x1x128x32xf32, #tpu.memory_space<vmem>> -> memref<128x32xf32, #tpu.memory_space<vmem>>
    %dma_wait3A_117 = arith.constant 0 : i32
    %dma_wait3A_118 = tpu.memref_slice %arg8[%dma_wait3A_112, %dma_wait3A_117] : memref<80x128xi32, #tpu.memory_space<vmem>> -> memref<1x128xi32, #tpu.memory_space<vmem>>
    %dma_wait3A_119 = tpu.memref_squeeze %dma_wait3A_118 : memref<1x128xi32, #tpu.memory_space<vmem>> -> memref<128xi32, #tpu.memory_space<vmem>>
    %dma_wait3A_120 = arith.constant 0 : i32
    %dma_wait3A_121 = arith.constant 0 : i32
    %dma_wait3A_122 = tpu.memref_slice %arg10[%dma_wait3A_120, %dma_wait3A_121] : memref<10112x32xf32, #tpu.memory_space<vmem_shared>> -> memref<10112x32xf32, #tpu.memory_space<vmem_shared>>
    tpu.wait_indirect_dma semaphore(%arg14 : memref<!tpu.dma_semaphore, #tpu.memory_space<semaphore_mem>>) src(%dma_wait3A_116 : memref<128x32xf32, #tpu.memory_space<vmem>>) dst(%dma_wait3A_122 : memref<10112x32xf32, #tpu.memory_space<vmem_shared>>)
    %dma_wait3A_123 = arith.constant 1 : i32
    %dma_wait3A_124 = arith.constant 1 : i32
    %dma_wait3A_125 = arith.constant 0 : i32
    %dma_wait3A_126 = arith.constant 0 : i32
    %dma_wait3A_127 = arith.constant 0 : i32
    %dma_wait3A_128 = tpu.memref_slice %arg9[%dma_wait3A_123, %dma_wait3A_124, %dma_wait3A_126, %dma_wait3A_127] : memref<2x8x128x32xf32, #tpu.memory_space<vmem>> -> memref<1x1x128x32xf32, #tpu.memory_space<vmem>>
    %dma_wait3A_129 = tpu.memref_squeeze %dma_wait3A_128 : memref<1x1x128x32xf32, #tpu.memory_space<vmem>> -> memref<128x32xf32, #tpu.memory_space<vmem>>
    %dma_wait3A_130 = arith.constant 0 : i32
    %dma_wait3A_131 = tpu.memref_slice %arg8[%dma_wait3A_125, %dma_wait3A_130] : memref<80x128xi32, #tpu.memory_space<vmem>> -> memref<1x128xi32, #tpu.memory_space<vmem>>
    %dma_wait3A_132 = tpu.memref_squeeze %dma_wait3A_131 : memref<1x128xi32, #tpu.memory_space<vmem>> -> memref<128xi32, #tpu.memory_space<vmem>>
    %dma_wait3A_133 = arith.constant 0 : i32
    %dma_wait3A_134 = arith.constant 0 : i32
    %dma_wait3A_135 = tpu.memref_slice %arg10[%dma_wait3A_133, %dma_wait3A_134] : memref<10112x32xf32, #tpu.memory_space<vmem_shared>> -> memref<10112x32xf32, #tpu.memory_space<vmem_shared>>
    tpu.wait_indirect_dma semaphore(%arg14 : memref<!tpu.dma_semaphore, #tpu.memory_space<semaphore_mem>>) src(%dma_wait3A_129 : memref<128x32xf32, #tpu.memory_space<vmem>>) dst(%dma_wait3A_135 : memref<10112x32xf32, #tpu.memory_space<vmem_shared>>)
    %dma_wait3A_136 = arith.constant 1 : i32
    %dma_wait3A_137 = arith.constant 2 : i32
    %dma_wait3A_138 = arith.constant 0 : i32
    %dma_wait3A_139 = arith.constant 0 : i32
    %dma_wait3A_140 = arith.constant 0 : i32
    %dma_wait3A_141 = tpu.memref_slice %arg9[%dma_wait3A_136, %dma_wait3A_137, %dma_wait3A_139, %dma_wait3A_140] : memref<2x8x128x32xf32, #tpu.memory_space<vmem>> -> memref<1x1x128x32xf32, #tpu.memory_space<vmem>>
    %dma_wait3A_142 = tpu.memref_squeeze %dma_wait3A_141 : memref<1x1x128x32xf32, #tpu.memory_space<vmem>> -> memref<128x32xf32, #tpu.memory_space<vmem>>
    %dma_wait3A_143 = arith.constant 0 : i32
    %dma_wait3A_144 = tpu.memref_slice %arg8[%dma_wait3A_138, %dma_wait3A_143] : memref<80x128xi32, #tpu.memory_space<vmem>> -> memref<1x128xi32, #tpu.memory_space<vmem>>
    %dma_wait3A_145 = tpu.memref_squeeze %dma_wait3A_144 : memref<1x128xi32, #tpu.memory_space<vmem>> -> memref<128xi32, #tpu.memory_space<vmem>>
    %dma_wait3A_146 = arith.constant 0 : i32
    %dma_wait3A_147 = arith.constant 0 : i32
    %dma_wait3A_148 = tpu.memref_slice %arg10[%dma_wait3A_146, %dma_wait3A_147] : memref<10112x32xf32, #tpu.memory_space<vmem_shared>> -> memref<10112x32xf32, #tpu.memory_space<vmem_shared>>
    tpu.wait_indirect_dma semaphore(%arg14 : memref<!tpu.dma_semaphore, #tpu.memory_space<semaphore_mem>>) src(%dma_wait3A_142 : memref<128x32xf32, #tpu.memory_space<vmem>>) dst(%dma_wait3A_148 : memref<10112x32xf32, #tpu.memory_space<vmem_shared>>)
    %dma_wait3A_149 = arith.constant 1 : i32
    %dma_wait3A_150 = arith.constant 3 : i32
    %dma_wait3A_151 = arith.constant 0 : i32
    %dma_wait3A_152 = arith.constant 0 : i32
    %dma_wait3A_153 = arith.constant 0 : i32
    %dma_wait3A_154 = tpu.memref_slice %arg9[%dma_wait3A_149, %dma_wait3A_150, %dma_wait3A_152, %dma_wait3A_153] : memref<2x8x128x32xf32, #tpu.memory_space<vmem>> -> memref<1x1x128x32xf32, #tpu.memory_space<vmem>>
    %dma_wait3A_155 = tpu.memref_squeeze %dma_wait3A_154 : memref<1x1x128x32xf32, #tpu.memory_space<vmem>> -> memref<128x32xf32, #tpu.memory_space<vmem>>
    %dma_wait3A_156 = arith.constant 0 : i32
    %dma_wait3A_157 = tpu.memref_slice %arg8[%dma_wait3A_151, %dma_wait3A_156] : memref<80x128xi32, #tpu.memory_space<vmem>> -> memref<1x128xi32, #tpu.memory_space<vmem>>
    %dma_wait3A_158 = tpu.memref_squeeze %dma_wait3A_157 : memref<1x128xi32, #tpu.memory_space<vmem>> -> memref<128xi32, #tpu.memory_space<vmem>>
    %dma_wait3A_159 = arith.constant 0 : i32
    %dma_wait3A_160 = arith.constant 0 : i32
    %dma_wait3A_161 = tpu.memref_slice %arg10[%dma_wait3A_159, %dma_wait3A_160] : memref<10112x32xf32, #tpu.memory_space<vmem_shared>> -> memref<10112x32xf32, #tpu.memory_space<vmem_shared>>
    tpu.wait_indirect_dma semaphore(%arg14 : memref<!tpu.dma_semaphore, #tpu.memory_space<semaphore_mem>>) src(%dma_wait3A_155 : memref<128x32xf32, #tpu.memory_space<vmem>>) dst(%dma_wait3A_161 : memref<10112x32xf32, #tpu.memory_space<vmem_shared>>)
    %dma_wait3A_162 = arith.constant 1 : i32
    %dma_wait3A_163 = arith.constant 4 : i32
    %dma_wait3A_164 = arith.constant 0 : i32
    %dma_wait3A_165 = arith.constant 0 : i32
    %dma_wait3A_166 = arith.constant 0 : i32
    %dma_wait3A_167 = tpu.memref_slice %arg9[%dma_wait3A_162, %dma_wait3A_163, %dma_wait3A_165, %dma_wait3A_166] : memref<2x8x128x32xf32, #tpu.memory_space<vmem>> -> memref<1x1x128x32xf32, #tpu.memory_space<vmem>>
    %dma_wait3A_168 = tpu.memref_squeeze %dma_wait3A_167 : memref<1x1x128x32xf32, #tpu.memory_space<vmem>> -> memref<128x32xf32, #tpu.memory_space<vmem>>
    %dma_wait3A_169 = arith.constant 0 : i32
    %dma_wait3A_170 = tpu.memref_slice %arg8[%dma_wait3A_164, %dma_wait3A_169] : memref<80x128xi32, #tpu.memory_space<vmem>> -> memref<1x128xi32, #tpu.memory_space<vmem>>
    %dma_wait3A_171 = tpu.memref_squeeze %dma_wait3A_170 : memref<1x128xi32, #tpu.memory_space<vmem>> -> memref<128xi32, #tpu.memory_space<vmem>>
    %dma_wait3A_172 = arith.constant 0 : i32
    %dma_wait3A_173 = arith.constant 0 : i32
    %dma_wait3A_174 = tpu.memref_slice %arg10[%dma_wait3A_172, %dma_wait3A_173] : memref<10112x32xf32, #tpu.memory_space<vmem_shared>> -> memref<10112x32xf32, #tpu.memory_space<vmem_shared>>
    tpu.wait_indirect_dma semaphore(%arg14 : memref<!tpu.dma_semaphore, #tpu.memory_space<semaphore_mem>>) src(%dma_wait3A_168 : memref<128x32xf32, #tpu.memory_space<vmem>>) dst(%dma_wait3A_174 : memref<10112x32xf32, #tpu.memory_space<vmem_shared>>)
    %dma_wait3A_175 = arith.constant 1 : i32
    %dma_wait3A_176 = arith.constant 5 : i32
    %dma_wait3A_177 = arith.constant 0 : i32
    %dma_wait3A_178 = arith.constant 0 : i32
    %dma_wait3A_179 = arith.constant 0 : i32
    %dma_wait3A_180 = tpu.memref_slice %arg9[%dma_wait3A_175, %dma_wait3A_176, %dma_wait3A_178, %dma_wait3A_179] : memref<2x8x128x32xf32, #tpu.memory_space<vmem>> -> memref<1x1x128x32xf32, #tpu.memory_space<vmem>>
    %dma_wait3A_181 = tpu.memref_squeeze %dma_wait3A_180 : memref<1x1x128x32xf32, #tpu.memory_space<vmem>> -> memref<128x32xf32, #tpu.memory_space<vmem>>
    %dma_wait3A_182 = arith.constant 0 : i32
    %dma_wait3A_183 = tpu.memref_slice %arg8[%dma_wait3A_177, %dma_wait3A_182] : memref<80x128xi32, #tpu.memory_space<vmem>> -> memref<1x128xi32, #tpu.memory_space<vmem>>
    %dma_wait3A_184 = tpu.memref_squeeze %dma_wait3A_183 : memref<1x128xi32, #tpu.memory_space<vmem>> -> memref<128xi32, #tpu.memory_space<vmem>>
    %dma_wait3A_185 = arith.constant 0 : i32
    %dma_wait3A_186 = arith.constant 0 : i32
    %dma_wait3A_187 = tpu.memref_slice %arg10[%dma_wait3A_185, %dma_wait3A_186] : memref<10112x32xf32, #tpu.memory_space<vmem_shared>> -> memref<10112x32xf32, #tpu.memory_space<vmem_shared>>
    tpu.wait_indirect_dma semaphore(%arg14 : memref<!tpu.dma_semaphore, #tpu.memory_space<semaphore_mem>>) src(%dma_wait3A_181 : memref<128x32xf32, #tpu.memory_space<vmem>>) dst(%dma_wait3A_187 : memref<10112x32xf32, #tpu.memory_space<vmem_shared>>)
    %dma_wait3A_188 = arith.constant 1 : i32
    %dma_wait3A_189 = arith.constant 6 : i32
    %dma_wait3A_190 = arith.constant 0 : i32
    %dma_wait3A_191 = arith.constant 0 : i32
    %dma_wait3A_192 = arith.constant 0 : i32
    %dma_wait3A_193 = tpu.memref_slice %arg9[%dma_wait3A_188, %dma_wait3A_189, %dma_wait3A_191, %dma_wait3A_192] : memref<2x8x128x32xf32, #tpu.memory_space<vmem>> -> memref<1x1x128x32xf32, #tpu.memory_space<vmem>>
    %dma_wait3A_194 = tpu.memref_squeeze %dma_wait3A_193 : memref<1x1x128x32xf32, #tpu.memory_space<vmem>> -> memref<128x32xf32, #tpu.memory_space<vmem>>
    %dma_wait3A_195 = arith.constant 0 : i32
    %dma_wait3A_196 = tpu.memref_slice %arg8[%dma_wait3A_190, %dma_wait3A_195] : memref<80x128xi32, #tpu.memory_space<vmem>> -> memref<1x128xi32, #tpu.memory_space<vmem>>
    %dma_wait3A_197 = tpu.memref_squeeze %dma_wait3A_196 : memref<1x128xi32, #tpu.memory_space<vmem>> -> memref<128xi32, #tpu.memory_space<vmem>>
    %dma_wait3A_198 = arith.constant 0 : i32
    %dma_wait3A_199 = arith.constant 0 : i32
    %dma_wait3A_200 = tpu.memref_slice %arg10[%dma_wait3A_198, %dma_wait3A_199] : memref<10112x32xf32, #tpu.memory_space<vmem_shared>> -> memref<10112x32xf32, #tpu.memory_space<vmem_shared>>
    tpu.wait_indirect_dma semaphore(%arg14 : memref<!tpu.dma_semaphore, #tpu.memory_space<semaphore_mem>>) src(%dma_wait3A_194 : memref<128x32xf32, #tpu.memory_space<vmem>>) dst(%dma_wait3A_200 : memref<10112x32xf32, #tpu.memory_space<vmem_shared>>)
    %dma_wait3A_201 = arith.constant 1 : i32
    %dma_wait3A_202 = arith.constant 7 : i32
    %dma_wait3A_203 = arith.constant 0 : i32
    %dma_wait3A_204 = arith.constant 0 : i32
    %dma_wait3A_205 = arith.constant 0 : i32
    %dma_wait3A_206 = tpu.memref_slice %arg9[%dma_wait3A_201, %dma_wait3A_202, %dma_wait3A_204, %dma_wait3A_205] : memref<2x8x128x32xf32, #tpu.memory_space<vmem>> -> memref<1x1x128x32xf32, #tpu.memory_space<vmem>>
    %dma_wait3A_207 = tpu.memref_squeeze %dma_wait3A_206 : memref<1x1x128x32xf32, #tpu.memory_space<vmem>> -> memref<128x32xf32, #tpu.memory_space<vmem>>
    %dma_wait3A_208 = arith.constant 0 : i32
    %dma_wait3A_209 = tpu.memref_slice %arg8[%dma_wait3A_203, %dma_wait3A_208] : memref<80x128xi32, #tpu.memory_space<vmem>> -> memref<1x128xi32, #tpu.memory_space<vmem>>
    %dma_wait3A_210 = tpu.memref_squeeze %dma_wait3A_209 : memref<1x128xi32, #tpu.memory_space<vmem>> -> memref<128xi32, #tpu.memory_space<vmem>>
    %dma_wait3A_211 = arith.constant 0 : i32
    %dma_wait3A_212 = arith.constant 0 : i32
    %dma_wait3A_213 = tpu.memref_slice %arg10[%dma_wait3A_211, %dma_wait3A_212] : memref<10112x32xf32, #tpu.memory_space<vmem_shared>> -> memref<10112x32xf32, #tpu.memory_space<vmem_shared>>
    tpu.wait_indirect_dma semaphore(%arg14 : memref<!tpu.dma_semaphore, #tpu.memory_space<semaphore_mem>>) src(%dma_wait3A_207 : memref<128x32xf32, #tpu.memory_space<vmem>>) dst(%dma_wait3A_213 : memref<10112x32xf32, #tpu.memory_space<vmem_shared>>)
    %barrier3A_214 = arith.constant 0 : index
    tpu.barrier barrier_id(%barrier3A_214)
    "tpu.region"() ({
      %run_scoped3A = tpu.sem_alloc : memref<!tpu.dma_semaphore, #tpu.memory_space<semaphore_mem>>
      %dma_start3A_215 = arith.constant 0 : i32
      %dma_start3A_216 = tpu.memref_slice %arg6[%arg0, %mul3A_2, %dma_start3A_215] : memref<2x10112x32xf32, #tpu.memory_space<hbm>> -> memref<1x632x32xf32, #tpu.memory_space<hbm>>
      %dma_start3A_217 = tpu.memref_squeeze %dma_start3A_216 : memref<1x632x32xf32, #tpu.memory_space<hbm>> -> memref<632x32xf32, #tpu.memory_space<hbm>>
      %dma_start3A_218 = arith.constant 0 : i32
      %dma_start3A_219 = tpu.memref_slice %arg10[%mul3A_2, %dma_start3A_218] : memref<10112x32xf32, #tpu.memory_space<vmem_shared>> -> memref<632x32xf32, #tpu.memory_space<vmem_shared>>
      tpu.enqueue_dma source(%dma_start3A_219 : memref<632x32xf32, #tpu.memory_space<vmem_shared>>) target(%dma_start3A_217 : memref<632x32xf32, #tpu.memory_space<hbm>>) target_semaphore(%run_scoped3A : memref<!tpu.dma_semaphore, #tpu.memory_space<semaphore_mem>>)
      %dma_wait3A_220 = arith.constant 0 : i32
      %dma_wait3A_221 = tpu.memref_slice %arg6[%arg0, %mul3A_2, %dma_wait3A_220] : memref<2x10112x32xf32, #tpu.memory_space<hbm>> -> memref<1x632x32xf32, #tpu.memory_space<hbm>>
      %dma_wait3A_222 = tpu.memref_squeeze %dma_wait3A_221 : memref<1x632x32xf32, #tpu.memory_space<hbm>> -> memref<632x32xf32, #tpu.memory_space<hbm>>
      %dma_wait3A_223 = arith.constant 0 : i32
      %dma_wait3A_224 = tpu.memref_slice %arg10[%mul3A_2, %dma_wait3A_223] : memref<10112x32xf32, #tpu.memory_space<vmem_shared>> -> memref<632x32xf32, #tpu.memory_space<vmem_shared>>
      tpu.wait_dma2 semaphore(%run_scoped3A : memref<!tpu.dma_semaphore, #tpu.memory_space<semaphore_mem>>) src(%dma_wait3A_224 : memref<632x32xf32, #tpu.memory_space<vmem_shared>>) dst(%dma_wait3A_222 : memref<632x32xf32, #tpu.memory_space<hbm>>)
      tpu.yield
    }) : () -> ()
    return
  }
}

module attributes {stable_mosaic.version = 14 : i64} {
  func.func @_prep1_body(%arg0: i32, %arg1: memref<1264x128xf32, #tpu.memory_space<vmem>>, %arg2: memref<2x2x1264x16xf32, #tpu.memory_space<vmem>>, %arg3: memref<128x20xf32, #tpu.memory_space<vmem>>, %arg4: memref<1x20xf32, #tpu.memory_space<vmem>>, %arg5: memref<1264x32xf32, #tpu.memory_space<vmem>>) attributes {dimension_semantics = [#tpu.dimension_semantics<arbitrary>], iteration_bounds = array<i64: 8>, scalar_prefetch = 0 : i64, scratch_operands = 0 : i64, tpu.core_type = #tpu.core_type<tc>, window_params = [{transform_indices = @transform_0, window_bounds = array<i64: 1264, 128>}, {transform_indices = @transform_1, window_bounds = array<i64: 2, 2, 1264, 16>}, {pipeline_mode = #tpu.pipeline_mode<synchronous>, transform_indices = @transform_2, window_bounds = array<i64: 128, 20>}, {pipeline_mode = #tpu.pipeline_mode<synchronous>, transform_indices = @transform_3, window_bounds = array<i64: 1, 20>}, {transform_indices = @transform_4, window_bounds = array<i64: 1264, 32>}]} {
    %get3A = arith.constant 0 : index
    %get3A_0 = arith.constant 0 : index
    %get3A_1 = arith.constant 0 : index
    %get3A_2 = arith.constant 0 : index
    %get3A_3 = vector.load %arg2[%get3A, %get3A_0, %get3A_1, %get3A_2] : memref<2x2x1264x16xf32, #tpu.memory_space<vmem>>, vector<2x2x1264x16xf32>
    %slice3A = vector.extract_strided_slice %get3A_3 {offsets = [0, 0, 0, 0], sizes = [1, 1, 1264, 1], strides = [1, 1, 1, 1]} : vector<2x2x1264x16xf32> to vector<1x1x1264x1xf32>
    %squeeze3A = vector.shape_cast %slice3A : vector<1x1x1264x1xf32> to vector<1264x1xf32>
    %slice3A_4 = vector.extract_strided_slice %get3A_3 {offsets = [1, 0, 0, 0], sizes = [1, 1, 1264, 1], strides = [1, 1, 1, 1]} : vector<2x2x1264x16xf32> to vector<1x1x1264x1xf32>
    %squeeze3A_5 = vector.shape_cast %slice3A_4 : vector<1x1x1264x1xf32> to vector<1264x1xf32>
    %add3A = arith.addf %squeeze3A, %squeeze3A_5 : vector<1264x1xf32>
    %max3A = arith.constant 1.000000e+00 : f32
    %max3A_6 = vector.broadcast %max3A : f32 to vector<1264x1xf32>
    %max3A_7 = arith.maximumf %add3A, %max3A_6 : vector<1264x1xf32>
    %rsqrt3A = math.rsqrt %max3A_7 : vector<1264x1xf32>
    %get3A_8 = arith.constant 0 : index
    %get3A_9 = arith.constant 0 : index
    %get3A_10 = vector.load %arg1[%get3A_8, %get3A_9] : memref<1264x128xf32, #tpu.memory_space<vmem>>, vector<1264x128xf32>
    %get3A_11 = arith.constant 0 : index
    %get3A_12 = arith.constant 0 : index
    %get3A_13 = vector.load %arg3[%get3A_11, %get3A_12] : memref<128x20xf32, #tpu.memory_space<vmem>>, vector<128x20xf32>
    %dot_general3A = arith.constant dense<0.000000e+00> : vector<1264x20xf32>
    %dot_general3A_14 = tpu.matmul %get3A_10, %get3A_13, %dot_general3A {dimension_numbers = #tpu.dot_dimension_numbers<[1], [0], [0], [1], [0, 0, 1, 1], [], []>, precision = #tpu.contract_precision<fp32>, transpose_lhs_hint = false} : vector<1264x128xf32>, vector<128x20xf32>, vector<1264x20xf32> -> vector<1264x20xf32>
    %get3A_15 = arith.constant 0 : index
    %get3A_16 = arith.constant 0 : index
    %get3A_17 = vector.load %arg4[%get3A_15, %get3A_16] : memref<1x20xf32, #tpu.memory_space<vmem>>, vector<1x20xf32>
    %add3A_18 = vector.broadcast %get3A_17 : vector<1x20xf32> to vector<1264x20xf32>
    %add3A_19 = arith.addf %dot_general3A_14, %add3A_18 : vector<1264x20xf32>
    %max3A_20 = arith.constant 0.000000e+00 : f32
    %max3A_21 = vector.broadcast %max3A_20 : f32 to vector<1264x20xf32>
    %max3A_22 = arith.maximumf %add3A_19, %max3A_21 : vector<1264x20xf32>
    %reduce_max3A = arith.constant dense<0xFF800000> : vector<1264xf32>
    %reduce_max3A_23 = vector.multi_reduction <maximumf>, %max3A_22, %reduce_max3A [1] : vector<1264x20xf32> to vector<1264xf32>
    %broadcast_in_dim3A = vector.shape_cast %reduce_max3A_23 : vector<1264xf32> to vector<1264x1xf32>
    %sub3A = vector.broadcast %broadcast_in_dim3A : vector<1264x1xf32> to vector<1264x20xf32>
    %sub3A_24 = arith.subf %max3A_22, %sub3A : vector<1264x20xf32>
    %exp3A = math.exp %sub3A_24 : vector<1264x20xf32>
    %reduce_sum3A = arith.constant dense<0.000000e+00> : vector<1264xf32>
    %reduce_sum3A_25 = vector.multi_reduction <add>, %exp3A, %reduce_sum3A [1] : vector<1264x20xf32> to vector<1264xf32>
    %broadcast_in_dim3A_26 = vector.shape_cast %reduce_sum3A_25 : vector<1264xf32> to vector<1264x1xf32>
    %div3A = vector.broadcast %broadcast_in_dim3A_26 : vector<1264x1xf32> to vector<1264x20xf32>
    %div3A_27 = arith.divf %exp3A, %div3A : vector<1264x20xf32>
    %mul3A = vector.broadcast %rsqrt3A : vector<1264x1xf32> to vector<1264x20xf32>
    %mul3A_28 = arith.mulf %div3A_27, %mul3A : vector<1264x20xf32>
    %broadcast_in_dim3A_29 = arith.constant 0.000000e+00 : f32
    %broadcast_in_dim3A_30 = vector.broadcast %broadcast_in_dim3A_29 : f32 to vector<1264x12xf32>
    %concatenate3A = tpu.concatenate %mul3A_28, %broadcast_in_dim3A_30 in 1 : vector<1264x20xf32>, vector<1264x12xf32> -> vector<1264x32xf32>
    %swap3A = arith.constant 0 : index
    %swap3A_31 = arith.constant 0 : index
    %swap3A_32 = vector.load %arg5[%swap3A, %swap3A_31] : memref<1264x32xf32, #tpu.memory_space<vmem>>, vector<1264x32xf32>
    tpu.vector_store %arg5[%swap3A, %swap3A_31], %concatenate3A {strides = array<i32>} : memref<1264x32xf32, #tpu.memory_space<vmem>>, vector<1264x32xf32>,
    return
  }
  func.func @transform_0(%arg0: i32) -> (i32, i32) {
    %c0_i32 = arith.constant 0 : i32
    %c0_i32_0 = arith.constant 0 : i32
    return %arg0, %c0_i32 : i32, i32
  }
  func.func @transform_1(%arg0: i32) -> (i32, i32, i32, i32) {
    %c0_i32 = arith.constant 0 : i32
    %c0_i32_0 = arith.constant 0 : i32
    %c0_i32_1 = arith.constant 0 : i32
    %c0_i32_2 = arith.constant 0 : i32
    return %c0_i32, %c0_i32_0, %arg0, %c0_i32_1 : i32, i32, i32, i32
  }
  func.func @transform_2(%arg0: i32) -> (i32, i32) {
    %c0_i32 = arith.constant 0 : i32
    %c0_i32_0 = arith.constant 0 : i32
    %c0_i32_1 = arith.constant 0 : i32
    return %c0_i32, %c0_i32_0 : i32, i32
  }
  func.func @transform_3(%arg0: i32) -> (i32, i32) {
    %c0_i32 = arith.constant 0 : i32
    %c0_i32_0 = arith.constant 0 : i32
    %c0_i32_1 = arith.constant 0 : i32
    return %c0_i32, %c0_i32_0 : i32, i32
  }
  func.func @transform_4(%arg0: i32) -> (i32, i32) {
    %c0_i32 = arith.constant 0 : i32
    %c0_i32_0 = arith.constant 0 : i32
    return %arg0, %c0_i32 : i32, i32
  }
}

module attributes {stable_mosaic.version = 14 : i64} {
  func.func @_prep2_body(%arg0: i32, %arg1: memref<2x1264x32xf32, #tpu.memory_space<vmem>>, %arg2: memref<2x2x1264x16xf32, #tpu.memory_space<vmem>>, %arg3: memref<20x20xf32, #tpu.memory_space<vmem>>, %arg4: memref<1x20xf32, #tpu.memory_space<vmem>>, %arg5: memref<1264x32xf32, #tpu.memory_space<vmem>>) attributes {dimension_semantics = [#tpu.dimension_semantics<arbitrary>], iteration_bounds = array<i64: 8>, scalar_prefetch = 0 : i64, scratch_operands = 0 : i64, tpu.core_type = #tpu.core_type<tc>, window_params = [{transform_indices = @transform_0, window_bounds = array<i64: 2, 1264, 32>}, {transform_indices = @transform_1, window_bounds = array<i64: 2, 2, 1264, 16>}, {pipeline_mode = #tpu.pipeline_mode<synchronous>, transform_indices = @transform_2, window_bounds = array<i64: 20, 20>}, {pipeline_mode = #tpu.pipeline_mode<synchronous>, transform_indices = @transform_3, window_bounds = array<i64: 1, 20>}, {transform_indices = @transform_4, window_bounds = array<i64: 1264, 32>}]} {
    %get3A = arith.constant 0 : index
    %get3A_0 = arith.constant 0 : index
    %get3A_1 = arith.constant 0 : index
    %get3A_2 = arith.constant 0 : index
    %get3A_3 = vector.load %arg2[%get3A, %get3A_0, %get3A_1, %get3A_2] : memref<2x2x1264x16xf32, #tpu.memory_space<vmem>>, vector<2x2x1264x16xf32>
    %slice3A = vector.extract_strided_slice %get3A_3 {offsets = [0, 0, 0, 0], sizes = [1, 1, 1264, 1], strides = [1, 1, 1, 1]} : vector<2x2x1264x16xf32> to vector<1x1x1264x1xf32>
    %squeeze3A = vector.shape_cast %slice3A : vector<1x1x1264x1xf32> to vector<1264x1xf32>
    %slice3A_4 = vector.extract_strided_slice %get3A_3 {offsets = [1, 0, 0, 0], sizes = [1, 1, 1264, 1], strides = [1, 1, 1, 1]} : vector<2x2x1264x16xf32> to vector<1x1x1264x1xf32>
    %squeeze3A_5 = vector.shape_cast %slice3A_4 : vector<1x1x1264x1xf32> to vector<1264x1xf32>
    %add3A = arith.addf %squeeze3A, %squeeze3A_5 : vector<1264x1xf32>
    %slice3A_6 = vector.extract_strided_slice %get3A_3 {offsets = [0, 1, 0, 0], sizes = [1, 1, 1264, 1], strides = [1, 1, 1, 1]} : vector<2x2x1264x16xf32> to vector<1x1x1264x1xf32>
    %squeeze3A_7 = vector.shape_cast %slice3A_6 : vector<1x1x1264x1xf32> to vector<1264x1xf32>
    %slice3A_8 = vector.extract_strided_slice %get3A_3 {offsets = [1, 1, 0, 0], sizes = [1, 1, 1264, 1], strides = [1, 1, 1, 1]} : vector<2x2x1264x16xf32> to vector<1x1x1264x1xf32>
    %squeeze3A_9 = vector.shape_cast %slice3A_8 : vector<1x1x1264x1xf32> to vector<1264x1xf32>
    %add3A_10 = arith.addf %squeeze3A_7, %squeeze3A_9 : vector<1264x1xf32>
    %max3A = arith.constant 1.000000e+00 : f32
    %max3A_11 = vector.broadcast %max3A : f32 to vector<1264x1xf32>
    %max3A_12 = arith.maximumf %add3A, %max3A_11 : vector<1264x1xf32>
    %rsqrt3A = math.rsqrt %max3A_12 : vector<1264x1xf32>
    %max3A_13 = arith.constant 1.000000e+00 : f32
    %max3A_14 = vector.broadcast %max3A_13 : f32 to vector<1264x1xf32>
    %max3A_15 = arith.maximumf %add3A_10, %max3A_14 : vector<1264x1xf32>
    %rsqrt3A_16 = math.rsqrt %max3A_15 : vector<1264x1xf32>
    %get3A_17 = arith.constant 0 : index
    %get3A_18 = arith.constant 0 : index
    %get3A_19 = arith.constant 0 : index
    %get3A_20 = vector.load %arg1[%get3A_17, %get3A_18, %get3A_19] : memref<2x1264x32xf32, #tpu.memory_space<vmem>>, vector<1x1264x32xf32>
    %get3A_21 = vector.shape_cast %get3A_20 : vector<1x1264x32xf32> to vector<1264x32xf32>
    %get3A_22 = arith.constant 1 : index
    %get3A_23 = arith.constant 0 : index
    %get3A_24 = arith.constant 0 : index
    %get3A_25 = vector.load %arg1[%get3A_22, %get3A_23, %get3A_24] : memref<2x1264x32xf32, #tpu.memory_space<vmem>>, vector<1x1264x32xf32>
    %get3A_26 = vector.shape_cast %get3A_25 : vector<1x1264x32xf32> to vector<1264x32xf32>
    %add3A_27 = arith.addf %get3A_21, %get3A_26 : vector<1264x32xf32>
    %slice3A_28 = vector.extract_strided_slice %add3A_27 {offsets = [0, 0], sizes = [1264, 20], strides = [1, 1]} : vector<1264x32xf32> to vector<1264x20xf32>
    %mul3A = vector.broadcast %rsqrt3A_16 : vector<1264x1xf32> to vector<1264x20xf32>
    %mul3A_29 = arith.mulf %slice3A_28, %mul3A : vector<1264x20xf32>
    %get3A_30 = arith.constant 0 : index
    %get3A_31 = arith.constant 0 : index
    %get3A_32 = vector.load %arg3[%get3A_30, %get3A_31] : memref<20x20xf32, #tpu.memory_space<vmem>>, vector<20x20xf32>
    %dot_general3A = arith.constant dense<0.000000e+00> : vector<1264x20xf32>
    %dot_general3A_33 = tpu.matmul %mul3A_29, %get3A_32, %dot_general3A {dimension_numbers = #tpu.dot_dimension_numbers<[1], [0], [0], [1], [0, 0, 1, 1], [], []>, precision = #tpu.contract_precision<fp32>, transpose_lhs_hint = false} : vector<1264x20xf32>, vector<20x20xf32>, vector<1264x20xf32> -> vector<1264x20xf32>
    %get3A_34 = arith.constant 0 : index
    %get3A_35 = arith.constant 0 : index
    %get3A_36 = vector.load %arg4[%get3A_34, %get3A_35] : memref<1x20xf32, #tpu.memory_space<vmem>>, vector<1x20xf32>
    %add3A_37 = vector.broadcast %get3A_36 : vector<1x20xf32> to vector<1264x20xf32>
    %add3A_38 = arith.addf %dot_general3A_33, %add3A_37 : vector<1264x20xf32>
    %max3A_39 = arith.constant 0.000000e+00 : f32
    %max3A_40 = vector.broadcast %max3A_39 : f32 to vector<1264x20xf32>
    %max3A_41 = arith.maximumf %add3A_38, %max3A_40 : vector<1264x20xf32>
    %reduce_max3A = arith.constant dense<0xFF800000> : vector<1264xf32>
    %reduce_max3A_42 = vector.multi_reduction <maximumf>, %max3A_41, %reduce_max3A [1] : vector<1264x20xf32> to vector<1264xf32>
    %broadcast_in_dim3A = vector.shape_cast %reduce_max3A_42 : vector<1264xf32> to vector<1264x1xf32>
    %sub3A = vector.broadcast %broadcast_in_dim3A : vector<1264x1xf32> to vector<1264x20xf32>
    %sub3A_43 = arith.subf %max3A_41, %sub3A : vector<1264x20xf32>
    %exp3A = math.exp %sub3A_43 : vector<1264x20xf32>
    %reduce_sum3A = arith.constant dense<0.000000e+00> : vector<1264xf32>
    %reduce_sum3A_44 = vector.multi_reduction <add>, %exp3A, %reduce_sum3A [1] : vector<1264x20xf32> to vector<1264xf32>
    %broadcast_in_dim3A_45 = vector.shape_cast %reduce_sum3A_44 : vector<1264xf32> to vector<1264x1xf32>
    %div3A = vector.broadcast %broadcast_in_dim3A_45 : vector<1264x1xf32> to vector<1264x20xf32>
    %div3A_46 = arith.divf %exp3A, %div3A : vector<1264x20xf32>
    %mul3A_47 = vector.broadcast %rsqrt3A : vector<1264x1xf32> to vector<1264x20xf32>
    %mul3A_48 = arith.mulf %div3A_46, %mul3A_47 : vector<1264x20xf32>
    %broadcast_in_dim3A_49 = arith.constant 0.000000e+00 : f32
    %broadcast_in_dim3A_50 = vector.broadcast %broadcast_in_dim3A_49 : f32 to vector<1264x12xf32>
    %concatenate3A = tpu.concatenate %mul3A_48, %broadcast_in_dim3A_50 in 1 : vector<1264x20xf32>, vector<1264x12xf32> -> vector<1264x32xf32>
    %swap3A = arith.constant 0 : index
    %swap3A_51 = arith.constant 0 : index
    %swap3A_52 = vector.load %arg5[%swap3A, %swap3A_51] : memref<1264x32xf32, #tpu.memory_space<vmem>>, vector<1264x32xf32>
    tpu.vector_store %arg5[%swap3A, %swap3A_51], %concatenate3A {strides = array<i32>} : memref<1264x32xf32, #tpu.memory_space<vmem>>, vector<1264x32xf32>,
    return
  }
  func.func @transform_0(%arg0: i32) -> (i32, i32, i32) {
    %c0_i32 = arith.constant 0 : i32
    %c0_i32_0 = arith.constant 0 : i32
    %c0_i32_1 = arith.constant 0 : i32
    return %c0_i32, %arg0, %c0_i32_0 : i32, i32, i32
  }
  func.func @transform_1(%arg0: i32) -> (i32, i32, i32, i32) {
    %c0_i32 = arith.constant 0 : i32
    %c0_i32_0 = arith.constant 0 : i32
    %c0_i32_1 = arith.constant 0 : i32
    %c0_i32_2 = arith.constant 0 : i32
    return %c0_i32, %c0_i32_0, %arg0, %c0_i32_1 : i32, i32, i32, i32
  }
  func.func @transform_2(%arg0: i32) -> (i32, i32) {
    %c0_i32 = arith.constant 0 : i32
    %c0_i32_0 = arith.constant 0 : i32
    %c0_i32_1 = arith.constant 0 : i32
    return %c0_i32, %c0_i32_0 : i32, i32
  }
  func.func @transform_3(%arg0: i32) -> (i32, i32) {
    %c0_i32 = arith.constant 0 : i32
    %c0_i32_0 = arith.constant 0 : i32
    %c0_i32_1 = arith.constant 0 : i32
    return %c0_i32, %c0_i32_0 : i32, i32
  }
  func.func @transform_4(%arg0: i32) -> (i32, i32) {
    %c0_i32 = arith.constant 0 : i32
    %c0_i32_0 = arith.constant 0 : i32
    return %arg0, %c0_i32 : i32, i32
  }
}

module attributes {stable_mosaic.version = 14 : i64} {
  func.func @_final_body(%arg0: i32, %arg1: memref<2x1264x32xf32, #tpu.memory_space<vmem>>, %arg2: memref<2x2x1264x16xf32, #tpu.memory_space<vmem>>, %arg3: memref<1264x128xf32, #tpu.memory_space<vmem>>, %arg4: memref<1264x64xf32, #tpu.memory_space<vmem>>, %arg5: memref<148x64xf32, #tpu.memory_space<vmem>>, %arg6: memref<1x64xf32, #tpu.memory_space<vmem>>, %arg7: memref<148x64xf32, #tpu.memory_space<vmem>>, %arg8: memref<1x64xf32, #tpu.memory_space<vmem>>, %arg9: memref<64x40xf32, #tpu.memory_space<vmem>>, %arg10: memref<1x40xf32, #tpu.memory_space<vmem>>, %arg11: memref<40x128xf32, #tpu.memory_space<vmem>>, %arg12: memref<1x128xf32, #tpu.memory_space<vmem>>, %arg13: memref<1264x128xf32, #tpu.memory_space<vmem>>, %arg14: memref<1264x64xf32, #tpu.memory_space<vmem>>, %arg15: memref<1264x64xf32, #tpu.memory_space<vmem>>) attributes {dimension_semantics = [#tpu.dimension_semantics<arbitrary>], iteration_bounds = array<i64: 8>, scalar_prefetch = 0 : i64, scratch_operands = 0 : i64, tpu.core_type = #tpu.core_type<tc>, window_params = [{transform_indices = @transform_0, window_bounds = array<i64: 2, 1264, 32>}, {transform_indices = @transform_1, window_bounds = array<i64: 2, 2, 1264, 16>}, {transform_indices = @transform_2, window_bounds = array<i64: 1264, 128>}, {transform_indices = @transform_3, window_bounds = array<i64: 1264, 64>}, {pipeline_mode = #tpu.pipeline_mode<synchronous>, transform_indices = @transform_4, window_bounds = array<i64: 148, 64>}, {pipeline_mode = #tpu.pipeline_mode<synchronous>, transform_indices = @transform_5, window_bounds = array<i64: 1, 64>}, {pipeline_mode = #tpu.pipeline_mode<synchronous>, transform_indices = @transform_6, window_bounds = array<i64: 148, 64>}, {pipeline_mode = #tpu.pipeline_mode<synchronous>, transform_indices = @transform_7, window_bounds = array<i64: 1, 64>}, {pipeline_mode = #tpu.pipeline_mode<synchronous>, transform_indices = @transform_8, window_bounds = array<i64: 64, 40>}, {pipeline_mode = #tpu.pipeline_mode<synchronous>, transform_indices = @transform_9, window_bounds = array<i64: 1, 40>}, {pipeline_mode = #tpu.pipeline_mode<synchronous>, transform_indices = @transform_10, window_bounds = array<i64: 40, 128>}, {pipeline_mode = #tpu.pipeline_mode<synchronous>, transform_indices = @transform_11, window_bounds = array<i64: 1, 128>}, {transform_indices = @transform_12, window_bounds = array<i64: 1264, 128>}, {transform_indices = @transform_13, window_bounds = array<i64: 1264, 64>}, {transform_indices = @transform_14, window_bounds = array<i64: 1264, 64>}]} {
    %get3A = arith.constant 0 : index
    %get3A_0 = arith.constant 0 : index
    %get3A_1 = arith.constant 0 : index
    %get3A_2 = arith.constant 0 : index
    %get3A_3 = vector.load %arg2[%get3A, %get3A_0, %get3A_1, %get3A_2] : memref<2x2x1264x16xf32, #tpu.memory_space<vmem>>, vector<2x2x1264x16xf32>
    %slice3A = vector.extract_strided_slice %get3A_3 {offsets = [0, 1, 0, 0], sizes = [1, 1, 1264, 1], strides = [1, 1, 1, 1]} : vector<2x2x1264x16xf32> to vector<1x1x1264x1xf32>
    %squeeze3A = vector.shape_cast %slice3A : vector<1x1x1264x1xf32> to vector<1264x1xf32>
    %slice3A_4 = vector.extract_strided_slice %get3A_3 {offsets = [1, 1, 0, 0], sizes = [1, 1, 1264, 1], strides = [1, 1, 1, 1]} : vector<2x2x1264x16xf32> to vector<1x1x1264x1xf32>
    %squeeze3A_5 = vector.shape_cast %slice3A_4 : vector<1x1x1264x1xf32> to vector<1264x1xf32>
    %add3A = arith.addf %squeeze3A, %squeeze3A_5 : vector<1264x1xf32>
    %max3A = arith.constant 1.000000e+00 : f32
    %max3A_6 = vector.broadcast %max3A : f32 to vector<1264x1xf32>
    %max3A_7 = arith.maximumf %add3A, %max3A_6 : vector<1264x1xf32>
    %rsqrt3A = math.rsqrt %max3A_7 : vector<1264x1xf32>
    %get3A_8 = arith.constant 0 : index
    %get3A_9 = arith.constant 0 : index
    %get3A_10 = arith.constant 0 : index
    %get3A_11 = vector.load %arg1[%get3A_8, %get3A_9, %get3A_10] : memref<2x1264x32xf32, #tpu.memory_space<vmem>>, vector<1x1264x32xf32>
    %get3A_12 = vector.shape_cast %get3A_11 : vector<1x1264x32xf32> to vector<1264x32xf32>
    %get3A_13 = arith.constant 1 : index
    %get3A_14 = arith.constant 0 : index
    %get3A_15 = arith.constant 0 : index
    %get3A_16 = vector.load %arg1[%get3A_13, %get3A_14, %get3A_15] : memref<2x1264x32xf32, #tpu.memory_space<vmem>>, vector<1x1264x32xf32>
    %get3A_17 = vector.shape_cast %get3A_16 : vector<1x1264x32xf32> to vector<1264x32xf32>
    %add3A_18 = arith.addf %get3A_12, %get3A_17 : vector<1264x32xf32>
    %slice3A_19 = vector.extract_strided_slice %add3A_18 {offsets = [0, 0], sizes = [1264, 20], strides = [1, 1]} : vector<1264x32xf32> to vector<1264x20xf32>
    %mul3A = vector.broadcast %rsqrt3A : vector<1264x1xf32> to vector<1264x20xf32>
    %mul3A_20 = arith.mulf %slice3A_19, %mul3A : vector<1264x20xf32>
    %get3A_21 = arith.constant 0 : index
    %get3A_22 = arith.constant 0 : index
    %get3A_23 = vector.load %arg3[%get3A_21, %get3A_22] : memref<1264x128xf32, #tpu.memory_space<vmem>>, vector<1264x128xf32>
    %get3A_24 = arith.constant 0 : index
    %get3A_25 = arith.constant 0 : index
    %get3A_26 = vector.load %arg5[%get3A_24, %get3A_25] : memref<148x64xf32, #tpu.memory_space<vmem>>, vector<148x64xf32>
    %get3A_27 = arith.constant 0 : index
    %get3A_28 = arith.constant 0 : index
    %get3A_29 = vector.load %arg7[%get3A_27, %get3A_28] : memref<148x64xf32, #tpu.memory_space<vmem>>, vector<148x64xf32>
    %slice3A_30 = vector.extract_strided_slice %get3A_26 {offsets = [0, 0], sizes = [20, 64], strides = [1, 1]} : vector<148x64xf32> to vector<20x64xf32>
    %dot_general3A = arith.constant dense<0.000000e+00> : vector<1264x64xf32>
    %dot_general3A_31 = tpu.matmul %mul3A_20, %slice3A_30, %dot_general3A {dimension_numbers = #tpu.dot_dimension_numbers<[1], [0], [0], [1], [0, 0, 1, 1], [], []>, precision = #tpu.contract_precision<fp32>, transpose_lhs_hint = false} : vector<1264x20xf32>, vector<20x64xf32>, vector<1264x64xf32> -> vector<1264x64xf32>
    %slice3A_32 = vector.extract_strided_slice %get3A_26 {offsets = [20, 0], sizes = [128, 64], strides = [1, 1]} : vector<148x64xf32> to vector<128x64xf32>
    %dot_general3A_33 = arith.constant dense<0.000000e+00> : vector<1264x64xf32>
    %dot_general3A_34 = tpu.matmul %get3A_23, %slice3A_32, %dot_general3A_33 {dimension_numbers = #tpu.dot_dimension_numbers<[1], [0], [0], [1], [0, 0, 1, 1], [], []>, precision = #tpu.contract_precision<fp32>, transpose_lhs_hint = false} : vector<1264x128xf32>, vector<128x64xf32>, vector<1264x64xf32> -> vector<1264x64xf32>
    %add3A_35 = arith.addf %dot_general3A_31, %dot_general3A_34 : vector<1264x64xf32>
    %get3A_36 = arith.constant 0 : index
    %get3A_37 = arith.constant 0 : index
    %get3A_38 = vector.load %arg6[%get3A_36, %get3A_37] : memref<1x64xf32, #tpu.memory_space<vmem>>, vector<1x64xf32>
    %add3A_39 = vector.broadcast %get3A_38 : vector<1x64xf32> to vector<1264x64xf32>
    %add3A_40 = arith.addf %add3A_35, %add3A_39 : vector<1264x64xf32>
    %slice3A_41 = vector.extract_strided_slice %get3A_29 {offsets = [0, 0], sizes = [20, 64], strides = [1, 1]} : vector<148x64xf32> to vector<20x64xf32>
    %dot_general3A_42 = arith.constant dense<0.000000e+00> : vector<1264x64xf32>
    %dot_general3A_43 = tpu.matmul %mul3A_20, %slice3A_41, %dot_general3A_42 {dimension_numbers = #tpu.dot_dimension_numbers<[1], [0], [0], [1], [0, 0, 1, 1], [], []>, precision = #tpu.contract_precision<fp32>, transpose_lhs_hint = false} : vector<1264x20xf32>, vector<20x64xf32>, vector<1264x64xf32> -> vector<1264x64xf32>
    %slice3A_44 = vector.extract_strided_slice %get3A_29 {offsets = [20, 0], sizes = [128, 64], strides = [1, 1]} : vector<148x64xf32> to vector<128x64xf32>
    %dot_general3A_45 = arith.constant dense<0.000000e+00> : vector<1264x64xf32>
    %dot_general3A_46 = tpu.matmul %get3A_23, %slice3A_44, %dot_general3A_45 {dimension_numbers = #tpu.dot_dimension_numbers<[1], [0], [0], [1], [0, 0, 1, 1], [], []>, precision = #tpu.contract_precision<fp32>, transpose_lhs_hint = false} : vector<1264x128xf32>, vector<128x64xf32>, vector<1264x64xf32> -> vector<1264x64xf32>
    %add3A_47 = arith.addf %dot_general3A_43, %dot_general3A_46 : vector<1264x64xf32>
    %get3A_48 = arith.constant 0 : index
    %get3A_49 = arith.constant 0 : index
    %get3A_50 = vector.load %arg8[%get3A_48, %get3A_49] : memref<1x64xf32, #tpu.memory_space<vmem>>, vector<1x64xf32>
    %add3A_51 = vector.broadcast %get3A_50 : vector<1x64xf32> to vector<1264x64xf32>
    %add3A_52 = arith.addf %add3A_47, %add3A_51 : vector<1264x64xf32>
    %mul3A_53 = arith.constant 5.000000e-01 : f32
    %mul3A_54 = vector.broadcast %mul3A_53 : f32 to vector<1264x64xf32>
    %mul3A_55 = arith.mulf %mul3A_54, %add3A_52 : vector<1264x64xf32>
    %exp3A = math.exp %mul3A_55 : vector<1264x64xf32>
    %add3A_56 = arith.constant 9.99999974E-5 : f32
    %add3A_57 = vector.broadcast %add3A_56 : f32 to vector<1264x64xf32>
    %add3A_58 = arith.addf %add3A_57, %exp3A : vector<1264x64xf32>
    %get3A_59 = arith.constant 0 : index
    %get3A_60 = arith.constant 0 : index
    %get3A_61 = vector.load %arg4[%get3A_59, %get3A_60] : memref<1264x64xf32, #tpu.memory_space<vmem>>, vector<1264x64xf32>
    %mul3A_62 = arith.mulf %add3A_58, %get3A_61 : vector<1264x64xf32>
    %add3A_63 = arith.addf %add3A_40, %mul3A_62 : vector<1264x64xf32>
    %get3A_64 = arith.constant 0 : index
    %get3A_65 = arith.constant 0 : index
    %get3A_66 = vector.load %arg9[%get3A_64, %get3A_65] : memref<64x40xf32, #tpu.memory_space<vmem>>, vector<64x40xf32>
    %dot_general3A_67 = arith.constant dense<0.000000e+00> : vector<1264x40xf32>
    %dot_general3A_68 = tpu.matmul %add3A_63, %get3A_66, %dot_general3A_67 {dimension_numbers = #tpu.dot_dimension_numbers<[1], [0], [0], [1], [0, 0, 1, 1], [], []>, precision = #tpu.contract_precision<fp32>, transpose_lhs_hint = false} : vector<1264x64xf32>, vector<64x40xf32>, vector<1264x40xf32> -> vector<1264x40xf32>
    %get3A_69 = arith.constant 0 : index
    %get3A_70 = arith.constant 0 : index
    %get3A_71 = vector.load %arg10[%get3A_69, %get3A_70] : memref<1x40xf32, #tpu.memory_space<vmem>>, vector<1x40xf32>
    %add3A_72 = vector.broadcast %get3A_71 : vector<1x40xf32> to vector<1264x40xf32>
    %add3A_73 = arith.addf %dot_general3A_68, %add3A_72 : vector<1264x40xf32>
    %max3A_74 = arith.constant 0.000000e+00 : f32
    %max3A_75 = vector.broadcast %max3A_74 : f32 to vector<1264x40xf32>
    %max3A_76 = arith.maximumf %add3A_73, %max3A_75 : vector<1264x40xf32>
    %get3A_77 = arith.constant 0 : index
    %get3A_78 = arith.constant 0 : index
    %get3A_79 = vector.load %arg11[%get3A_77, %get3A_78] : memref<40x128xf32, #tpu.memory_space<vmem>>, vector<40x128xf32>
    %dot_general3A_80 = arith.constant dense<0.000000e+00> : vector<1264x128xf32>
    %dot_general3A_81 = tpu.matmul %max3A_76, %get3A_79, %dot_general3A_80 {dimension_numbers = #tpu.dot_dimension_numbers<[1], [0], [0], [1], [0, 0, 1, 1], [], []>, precision = #tpu.contract_precision<fp32>, transpose_lhs_hint = false} : vector<1264x40xf32>, vector<40x128xf32>, vector<1264x128xf32> -> vector<1264x128xf32>
    %get3A_82 = arith.constant 0 : index
    %get3A_83 = arith.constant 0 : index
    %get3A_84 = vector.load %arg12[%get3A_82, %get3A_83] : memref<1x128xf32, #tpu.memory_space<vmem>>, vector<1x128xf32>
    %add3A_85 = vector.broadcast %get3A_84 : vector<1x128xf32> to vector<1264x128xf32>
    %add3A_86 = arith.addf %dot_general3A_81, %add3A_85 : vector<1264x128xf32>
    %swap3A = arith.constant 0 : index
    %swap3A_87 = arith.constant 0 : index
    %swap3A_88 = vector.load %arg13[%swap3A, %swap3A_87] : memref<1264x128xf32, #tpu.memory_space<vmem>>, vector<1264x128xf32>
    tpu.vector_store %arg13[%swap3A, %swap3A_87], %add3A_86 {strides = array<i32>} : memref<1264x128xf32, #tpu.memory_space<vmem>>, vector<1264x128xf32>,
    %swap3A_89 = arith.constant 0 : index
    %swap3A_90 = arith.constant 0 : index
    %swap3A_91 = vector.load %arg14[%swap3A_89, %swap3A_90] : memref<1264x64xf32, #tpu.memory_space<vmem>>, vector<1264x64xf32>
    tpu.vector_store %arg14[%swap3A_89, %swap3A_90], %add3A_40 {strides = array<i32>} : memref<1264x64xf32, #tpu.memory_space<vmem>>, vector<1264x64xf32>,
    %swap3A_92 = arith.constant 0 : index
    %swap3A_93 = arith.constant 0 : index
    %swap3A_94 = vector.load %arg15[%swap3A_92, %swap3A_93] : memref<1264x64xf32, #tpu.memory_space<vmem>>, vector<1264x64xf32>
    tpu.vector_store %arg15[%swap3A_92, %swap3A_93], %add3A_52 {strides = array<i32>} : memref<1264x64xf32, #tpu.memory_space<vmem>>, vector<1264x64xf32>,
    return
  }
  func.func @transform_0(%arg0: i32) -> (i32, i32, i32) {
    %c0_i32 = arith.constant 0 : i32
    %c0_i32_0 = arith.constant 0 : i32
    %c0_i32_1 = arith.constant 0 : i32
    return %c0_i32, %arg0, %c0_i32_0 : i32, i32, i32
  }
  func.func @transform_1(%arg0: i32) -> (i32, i32, i32, i32) {
    %c0_i32 = arith.constant 0 : i32
    %c0_i32_0 = arith.constant 0 : i32
    %c0_i32_1 = arith.constant 0 : i32
    %c0_i32_2 = arith.constant 0 : i32
    return %c0_i32, %c0_i32_0, %arg0, %c0_i32_1 : i32, i32, i32, i32
  }
  func.func @transform_2(%arg0: i32) -> (i32, i32) {
    %c0_i32 = arith.constant 0 : i32
    %c0_i32_0 = arith.constant 0 : i32
    return %arg0, %c0_i32 : i32, i32
  }
  func.func @transform_3(%arg0: i32) -> (i32, i32) {
    %c0_i32 = arith.constant 0 : i32
    %c0_i32_0 = arith.constant 0 : i32
    return %arg0, %c0_i32 : i32, i32
  }
  func.func @transform_4(%arg0: i32) -> (i32, i32) {
    %c0_i32 = arith.constant 0 : i32
    %c0_i32_0 = arith.constant 0 : i32
    %c0_i32_1 = arith.constant 0 : i32
    return %c0_i32, %c0_i32_0 : i32, i32
  }
  func.func @transform_5(%arg0: i32) -> (i32, i32) {
    %c0_i32 = arith.constant 0 : i32
    %c0_i32_0 = arith.constant 0 : i32
    %c0_i32_1 = arith.constant 0 : i32
    return %c0_i32, %c0_i32_0 : i32, i32
  }
  func.func @transform_6(%arg0: i32) -> (i32, i32) {
    %c0_i32 = arith.constant 0 : i32
    %c0_i32_0 = arith.constant 0 : i32
    %c0_i32_1 = arith.constant 0 : i32
    return %c0_i32, %c0_i32_0 : i32, i32
  }
  func.func @transform_7(%arg0: i32) -> (i32, i32) {
    %c0_i32 = arith.constant 0 : i32
    %c0_i32_0 = arith.constant 0 : i32
    %c0_i32_1 = arith.constant 0 : i32
    return %c0_i32, %c0_i32_0 : i32, i32
  }
  func.func @transform_8(%arg0: i32) -> (i32, i32) {
    %c0_i32 = arith.constant 0 : i32
    %c0_i32_0 = arith.constant 0 : i32
    %c0_i32_1 = arith.constant 0 : i32
    return %c0_i32, %c0_i32_0 : i32, i32
  }
  func.func @transform_9(%arg0: i32) -> (i32, i32) {
    %c0_i32 = arith.constant 0 : i32
    %c0_i32_0 = arith.constant 0 : i32
    %c0_i32_1 = arith.constant 0 : i32
    return %c0_i32, %c0_i32_0 : i32, i32
  }
  func.func @transform_10(%arg0: i32) -> (i32, i32) {
    %c0_i32 = arith.constant 0 : i32
    %c0_i32_0 = arith.constant 0 : i32
    %c0_i32_1 = arith.constant 0 : i32
    return %c0_i32, %c0_i32_0 : i32, i32
  }
  func.func @transform_11(%arg0: i32) -> (i32, i32) {
    %c0_i32 = arith.constant 0 : i32
    %c0_i32_0 = arith.constant 0 : i32
    %c0_i32_1 = arith.constant 0 : i32
    return %c0_i32, %c0_i32_0 : i32, i32
  }
  func.func @transform_12(%arg0: i32) -> (i32, i32) {
    %c0_i32 = arith.constant 0 : i32
    %c0_i32_0 = arith.constant 0 : i32
    return %arg0, %c0_i32 : i32, i32
  }
  func.func @transform_13(%arg0: i32) -> (i32, i32) {
    %c0_i32 = arith.constant 0 : i32
    %c0_i32_0 = arith.constant 0 : i32
    return %arg0, %c0_i32 : i32, i32
  }
  func.func @transform_14(%arg0: i32) -> (i32, i32) {
    %c0_i32 = arith.constant 0 : i32
    %c0_i32_0 = arith.constant 0 : i32
    return %arg0, %c0_i32 : i32, i32
  }
}

</mosaic_0001>

<sc_bundles>
// kernel: kernel.11.cloned.1.call-start
scs
__scs_entry_jumppad:
0x0: {  	(pc) =	sbr.rel $0x88, $3  }
0x1: {  	(tag) =	ssettag $0x0;
	lr =	simm.s32 $0x1  }
0x2: {  	[smem:$0x3F92] =	sst lr;
	_ =	strace $0xD0000000  }
0x3: {  	_ = 	snop  }
0x4: {  	_ = 	snop  }
0x5: {  	_ = 	snop  }
0x6: {  	_ = 	snop  }
0x7: {  	_ = 	snop  }
__scs_overlays_trampoline_lowered:
0x8: {  	[smem:$0x3FA1] =	sst s0  }
0x9: {  	[smem:$0x3FA2] =	sst s1  }
0xa: {  	[smem:$0x3FA3] =	sst s2  }
0xb: {  	[smem:$0x3FA4] =	sst s3  }
0xc: {  	[smem:$0x3FA5] =	sst s4  }
0xd: {  	[smem:$0x3FA6] =	sst s5  }
0xe: {  	[smem:$0x3FA7] =	sst s6  }
0xf: {  	[smem:$0x3FA8] =	sst s7  }
0x10: {  	[smem:$0x3FA9] =	sst s8  }
0x11: {  	[smem:$0x3FAA] =	sst s9;
	s0 =	simm.s32 @!p0 $0x0  }
0x12: {  	s1 =	sld [smem:$0x3F90];
	s0 =	simm.s32 @p0 $0x1  }
0x13: {  	[smem:$0x3FAB] =	sst s0;
	s0 =	simm.s32 @!p1 $0x0  }
0x14: {  	s2 =	sld [smem:$0x3F8F];
	s0 =	simm.s32 @p1 $0x1  }
0x15: {  	[smem:$0x3FAC] =	sst s0;
	s0 =	simm.s32 @!p2 $0x0  }
0x16: {  	s3 =	sld [smem:$0x3FDB];
	s0 =	simm.s32 @p2 $0x1  }
0x17: {  	s4 =	simm.s32 $0x1BF5;
	[smem:$0x3FAE] =	sst s0  }
0x18: {  	s0 =	sld [smem:$0x3F91];
	_ =	swait.ge [sflag:s4], $0x0  }
0x19: {  	s7 =	sld [smem:$0x3F92]  }
0x1a: {  	s8 =	sadd.s32 $0xFFFFE003, lr  }
0x1b: {  	s9 =	sadd.s32 $0xFFFFFEF7, lr;
	s5 =	simm.s32 $0xFFFFFFFF;
	p2 =	slt.u32 s8, $0xFFFFF086  }
0x1c: {  	p1 =	slt.u32 s9, $0xF7A;
	s5 =	simm.s32 @!p2 $0x0  }
0x1d: {  	s5 =	simm.s32 @p1 $0x1;
	p0 =	seq.s32 s7, s2  }
0x1e: {  	s7 =	smul.u32 @!p0 $0xF7A, s2;
	p2 =	seq.s32 @!p0 s5, $0x0  }
0x1f: {  	s9 =	smul.u32 $0xF7A, s1;
	s8 =	simm.s32 @!p0 $0x1BF5;
	p2 =	por !p2, p0  }
0x20: {  	[sflag:s8] =	ssyncset.s32 @!p0 $0xFFFFF086;
	s6 =	sadd.s32 @!p0 s3, s7;
	s7 =	simm.s32 @!p0 $0x108  }
0x21: {  	s3 =	sadd.s32 s3, s9;
	s6 =	sadd.s32 @!p0 $0x88, s6;
	s7 =	simm.s32 @p2 $0x1082  }
0x22: {  	[simem:s7], [sflag:s8] =	dma.local @!p0 [hbm:s6], $0xF7A  }
0x23: {  	s9 =	sor.u32 $0xD0000000, s2;
	s6 =	simm.s32 $0x108;
	_ =	swait.ge @!p0 [sflag:s8], $0x0  }
0x24: {  	s3 =	sadd.s32 $0x88, s3;
	s6 =	simm.s32 @!p1 $0x1082;
	[sflag:s4] =	ssyncset.s32 $0xFFFFF086  }
0x25: {  	[simem:s6], [sflag:s4] =	dma.local [hbm:s3], $0xF7A  }
0x26: {  	[smem:$0x3F92] =	sst s1;
	(tag) =	ssettag s2;
	_ =	strace s9  }
0x27: {  	s1 =	sld [smem:$0x3FA2]  }
0x28: {  	s2 =	sld [smem:$0x3FA3]  }
0x29: {  	s4 =	sld [smem:$0x3FA5]  }
0x2a: {  	p0 =	seq.s32 s5, $0x0;
	s5 =	sld [smem:$0x3FA6]  }
0x2b: {  	s6 =	sld [smem:$0x3FA7]  }
0x2c: {  	s7 =	sld [smem:$0x3FA8]  }
0x2d: {  	s3 =	simm.s32 $0x108;
	s8 =	sld [smem:$0x3FA9]  }
0x2e: {  	s3 =	simm.s32 @!p0 $0x1082;
	s9 =	sld [smem:$0x3FAA]  }
0x2f: {  	lr =	sadd.s32 s0, s3;
	s0 =	sld [smem:$0x3FA1]  }
0x30: {  	s3 =	sld [smem:$0x3FA4]  }
0x31: {  	[smem:$0x3FAD] =	sst s10  }
0x32: {  	s10 =	sld [smem:$0x3FAB];
	_ =	sdelay $0x3  }
0x33: {  	p0 =	seq.s32 s10, $0x1;
	s10 =	sld [smem:$0x3FAD];
	_ =	sdelay $0x3  }
0x34: {  	[smem:$0x3FAD] =	sst s10  }
0x35: {  	s10 =	sld [smem:$0x3FAC];
	_ =	sdelay $0x3  }
0x36: {  	p1 =	seq.s32 s10, $0x1;
	s10 =	sld [smem:$0x3FAD];
	_ =	sdelay $0x3  }
0x37: {  	[smem:$0x3FAD] =	sst s10  }
0x38: {  	s10 =	sld [smem:$0x3FAE]  }
0x39: {  	_ = 	snop;
	(pc) =	sbr.ind lr, $3  }
0x3a: {  	_ = 	snop  }
0x3b: {  	_ = 	snop  }
0x3c: {  	p2 =	seq.s32 s10, $0x1;
	s10 =	sld [smem:$0x3FAD]  }
0x3d: {  	_ =	shalt  }
0x3e: {  	_ =	shalt  }
0x3f: {  	_ =	shalt  }
0x40: {  	_ =	shalt  }
0x41: {  	_ =	shalt  }
0x42: {  	_ =	shalt  }
0x43: {  	_ =	shalt  }
0x44: {  	_ =	shalt  }
0x45: {  	_ =	shalt  }
0x46: {  	_ =	shalt  }
0x47: {  	_ =	shalt  }
0x48: {  	_ =	shalt  }
0x49: {  	_ =	shalt  }
0x4a: {  	_ =	shalt  }
0x4b: {  	_ =	shalt  }
0x4c: {  	_ =	shalt  }
0x4d: {  	_ =	shalt  }
0x4e: {  	_ =	shalt  }
0x4f: {  	_ =	shalt  }
0x50: {  	_ =	shalt  }
0x51: {  	_ =	shalt  }
0x52: {  	_ =	shalt  }
0x53: {  	_ =	shalt  }
0x54: {  	_ =	shalt  }
0x55: {  	_ =	shalt  }
0x56: {  	_ =	shalt  }
0x57: {  	_ =	shalt  }
0x58: {  	_ =	shalt  }
0x59: {  	_ =	shalt  }
0x5a: {  	_ =	shalt  }
0x5b: {  	_ =	shalt  }
0x5c: {  	_ =	shalt  }
0x5d: {  	_ =	shalt  }
0x5e: {  	_ =	shalt  }
0x5f: {  	_ =	shalt  }
0x60: {  	_ =	shalt  }
0x61: {  	_ =	shalt  }
0x62: {  	_ =	shalt  }
0x63: {  	_ =	shalt  }
0x64: {  	_ =	shalt  }
0x65: {  	_ =	shalt  }
0x66: {  	_ =	shalt  }
0x67: {  	_ =	shalt  }
0x68: {  	_ =	shalt  }
0x69: {  	_ =	shalt  }
0x6a: {  	_ =	shalt  }
0x6b: {  	_ =	shalt  }
0x6c: {  	_ =	shalt  }
0x6d: {  	_ =	shalt  }
0x6e: {  	_ =	shalt  }
0x6f: {  	_ =	shalt  }
0x70: {  	_ =	shalt  }
0x71: {  	_ =	shalt  }
0x72: {  	_ =	shalt  }
0x73: {  	_ =	shalt  }
0x74: {  	_ =	shalt  }
0x75: {  	_ =	shalt  }
0x76: {  	_ =	shalt  }
0x77: {  	_ =	shalt  }
0x78: {  	_ =	shalt  }
0x79: {  	_ =	shalt  }
0x7a: {  	_ =	shalt  }
0x7b: {  	_ =	shalt  }
0x7c: {  	_ =	shalt  }
0x7d: {  	_ =	shalt  }
0x7e: {  	_ =	shalt  }
0x7f: {  	_ =	shalt  }
0x80: {  	_ =	shalt  }
0x81: {  	_ =	shalt  }
0x82: {  	_ =	shalt  }
0x83: {  	_ =	shalt  }
0x84: {  	_ =	shalt  }
0x85: {  	_ =	shalt  }
0x86: {  	_ =	shalt  }
0x87: {  	_ =	shalt  }
.Lfunc_end0:
.L_simem_size_0:
called_computation.1_lowered:
.L_overlay_start_0:
0x88: {  	s2 =	sld [smem:$0x3FD9]  }
0x89: {  	s3 =	sld [smem:$0x3FFE];
	_ =	sdelay $0x1  }
0x8a: {  	s1 =	srdreg.scid  }
0x8b: {  	s0 =	sand.u32 $0x1, s1  }
0x8c: {  	s14 =	sshll.u32 s0, $0xA;
	s2 =	sadd.s32 s3, s2  }
0x8d: {  	s2 =	sadd.s32 s2, s14  }
0x8e: {  	[smem:$0x3FB9] =	sst s2  }
0x8f: {  	_ = 	snop  }
0x90: {  	s2 =	sld [smem:$0x3FD0];
	_ =	sdelay $0x2  }
0x91: {  	s15 =	simm.s32 $0xA;
	s4 =	simm.s32 $0x10  }
0x92: {  	[smem:s4], [sflag:s15] =	dma.local [hbm:s2], $0x1  }
0x93: {  	_ =	swait.eq [sflag:s15], $0x1  }
0x94: {  	s16 =	sld [smem:$0x10];
	[sflag:s15] =	ssyncset.done $0x0  }
0x95: {  	s17 =	sld [smem:$0x11];
	[sflag:s15] =	ssyncadd.s32 $0xFFFFFFFF  }
0x96: {  	s18 =	sld [smem:$0x12];
	(tm) =	ssettm $0x1  }
0x97: {  	s5 =	sld [smem:$0x3FFB];
	_ =	sdelay $0x3  }
0x98: {  	_ =	strace s5  }
0x99: {  	s5 =	sld [smem:$0x3FFC];
	_ =	sdelay $0x3  }
0x9a: {  	_ =	strace s5  }
0x9b: {  	s5 =	sld [smem:$0x3FFD];
	_ =	sdelay $0x3  }
0x9c: {  	_ =	strace s5  }
0x9d: {  	_ =	strace $0x8FFFFFFF  }
0x9e: {  	s19 =	sld [smem:$0x3FDB];
	_ =	sdelay $0x1  }
0x9f: {  	s6 =	simm.s32 $_scs_section_size  }
0xa0: {  	s7 =	simm.s32 $_size__tile_overlayer_lowered;
	s8 =	simm.s32 $_tile_overlayer_lowered  }
0xa1: {  	s22 =	simm.s32 $0x1BFF;
	s21 =	sshll.u32 s8, $0x1;
	s5 =	sadd.s32 s6, s19  }
0xa2: {  	s9 =	simm.s32 $0x0;
	s20 =	sshll.u32 s7, $0x1;
	s7 =	sadd.s32 s21, s5  }
0xa3: {  	[timem:s9], [sflag:s22] =	dma.local [hbm:s7], s20  }
0xa4: {  	_ =	swait.ge [sflag:s22], s20  }
0xa5: {  	s6 =	ssub.s32 $0x0, s20;
	[sflag:s22] =	ssyncset.done $0x0  }
0xa6: {  	[sflag:s22] =	ssyncadd.s32 s6;
	_ =	sdelay $0x1  }
0xa7: {  	s23 =	simm.s32 $0x1B8B  }
0xa8: {  	_ =	swait.ge [sflag:s23], $0x1  }
0xa9: {  	[sflag:s23] =	ssyncset.done $0x0  }
0xaa: {  	s25 =	simm.s32 $0x1B8E;
	s24 =	sld [smem:$0x3FFE];
	[sflag:s23] =	ssyncadd.s32 $0xFFFFFFFF  }
0xab: {  	s26 =	simm.s32 $execute0_lowered;
	[smem:$0x3FD2] =	sst s25  }
0xac: {  	s7 =	sshll.u32 s26, $0x1;
	_ =	strace $0x80000049;
	[dreg:$0x1] =	wrdreg $0xFFFFFFFF  }
0xad: {  	s28 =	simm.s32 $_size_execute0_lowered;
	s5 =	sadd.s32 s5, s7;
	[dreg:$0x0] =	wrdreg $0x0  }
0xae: {  	s7 =	sshll.u32 s28, $0x1;
	[dreg:$0x2] =	wrdreg s5  }
0xaf: {  	[dreg:$0x3] =	wrdreg s7  }
0xb0: {  	[dreg:$0x4] =	wrdreg $0xC0  }
0xb1: {  	_ =	task [dreg:s9], $0x5FFFF  }
0xb2: {  	[dreg:$0x1] =	wrdreg $0xFFFFFFFF  }
0xb3: {  	[dreg:$0x0] =	wrdreg $0x60  }
0xb4: {  	[dreg:$0x2] =	wrdreg s24  }
0xb5: {  	[dreg:$0x3] =	wrdreg s16  }
0xb6: {  	[dreg:$0x4] =	wrdreg s17  }
0xb7: {  	[dreg:$0x5] =	wrdreg s18  }
0xb8: {  	[dreg:$0x6] =	wrdreg $0x150000  }
0xb9: {  	[dreg:$0x7] =	wrdreg $0x9  }
0xba: {  	_ =	task.clear_ibuf [dreg:s9], $0x8FFFF;
	_ =	strace $0x90000049  }
0xbb: {  	s29 =	simm.s32 $0x9;
	_ =	strace $0x8000004B  }
0xbc: {  	_ =	swait.ge [sflag:s29], $0x1  }
0xbd: {  	[sflag:s29] =	ssyncadd.s32 $0xFFFFFFFF  }
0xbe: {  	_ =	strace $0x9000004B  }
0xbf: {  	_ =	sfence  }
0xc0: {  	s30 =	sld [smem:$0x0];
	_ =	sdelay $0x2  }
0xc1: {  	s31 =	sshll.u32 s1, $0xD;
	s1 =	sshrl.u32 s1, $0x2  }
0xc2: {  	s3 =	sand.u32 $0x4000, s31;
	s1 =	sadd.s32 s1, s30  }
0xc3: {  	s0 =	sor.u32 s3, s0;
	s1 =	sshll.u32 s1, $0x11  }
0xc4: {  	s0 =	sor.u32 s1, s0  }
0xc5: {  	s0 =	sadd.s32 $0x8F2B, s0  }
0xc6: {  	[sflag:s0] =	ssyncadd.remote.s32 $0x1  }
0xc7: {  	_ =	sfence.sel $0xFFFF  }
0xc8: {  	[dreg:$0x0] =	wrdreg $0xFFFFFFFF;
	(pc) =	sbr.abs _section_cstart, $3  }
0xc9: {  	[dreg:$0x1] =	wrdreg $0xFFFFFFFF  }
0xca: {  	_ =	task.clear_ibuf [dreg:s9], $0x2FFFF;
	_ =	strace $0x9FFFFFFF  }
0xcb: {  	(tm) =	ssettm $0x7FFFFFFF  }
tec
execute0_lowered:
.L_overlay_start_1:
0x0: {  	(tag) =	ssettag $0x1  }
0x1: {  	s0 =	rddreg [dreg:$0x0]  }
0x2: {  	s1 =	rddreg [dreg:$0x1]  }
0x3: {  	s5 =	rddreg [dreg:$0x2]  }
0x4: {  	s7 =	rddreg [dreg:$0x3]  }
0x5: {  	s2 =	rddreg [dreg:$0x4]  }
0x6: {  	s3 =	simm.s32 $0x0;
	s19 =	stileid.u32;
	s4 =	srdreg.scid  }
0x7: {  	s14 =	simm.s32 $0x80;
	s15 =	simm.s32 $0x5000;
	s16 =	simm.s32 $0x6000  }
0x8: {  	s18 =	simm.s32 $0x7000;
	s29 =	simm.s32 $0xC000;
	s30 =	simm.s32 $0x1  }
0x9: {  	s31 =	simm.s32 $0xD000;
	s13 =	simm.s32 $0x10000;
	s17 =	simm.s32 $0x11000  }
0xa: {  	s28 =	simm.s32 $0x3;
	[smem:$0x7FF] =	sst s3;
	s8 =	smul.u32 $0x4F00, s19  }
0xb: {  	s6 =	sand.u32 $0x1, s4;
	s4 =	sadd.s32 $0xA0A00, s0;
	s23 =	sshll.u32 s19, $0x6  }
0xc: {  	_ =	strace $0x8000004A;
	s10 =	ssub.s32 $0x2, s6;
	s11 =	sshll.u32 s6, $0x4  }
0xd: {  	s22 =	smul.u32 $0x4F000, s6;
	s6 =	sor.u32 $0x1C05, s23;
	s23 =	simm.s32 $0x14000  }
0xe: {  	s9 =	sshrl.u32 s8, $0x3;
	s20 =	sshrl.u32 s10, $0x1;
	s21 =	sor.u32 s19, s11  }
0xf: {  	s12 =	sadd.s32 s8, s2;
	s19 =	simm.s32 $0x12000;
	[dreg:$0x7] =	wrdreg s6  }
0x10: {  	s0 =	sadd.s32 s9, s0;
	s9 =	ssub.s32 s10, s20;
	s10 =	smul.u32 $0x500, s21  }
0x11: {  	s24 =	sadd.s32 s8, s22;
	s20 =	simm.s32 $0x8000;
	s22 =	simm.s32 $0x9000  }
0x12: {  	s21 =	simm.s32 $0x13000;
	s8 =	simm.s32 $0x0;
	s0 =	sadd.s32 $0xAA800, s0  }
0x13: {  	s26 =	smax.u32 s9, $0x1;
	[dreg:$0x6] =	wrdreg s0;
	s1 =	sadd.s32 s1, s10  }
0x14: {  	s25 =	sadd.s32 s5, s10;
	s0 =	sshrl.u32 s24, $0x3;
	[dreg:$0xb] =	wrdreg s26  }
0x15: {  	s5 =	sshrl.u32 s12, $0x3;
	s24 =	simm.s32 $0xA000;
	[dreg:$0x8] =	wrdreg s1  }
0x16: {  	s26 =	simm.s32 $0xB000;
	[dreg:$0x9] =	wrdreg s25;
	s0 =	sadd.s32 s7, s0  }
0x17: {  	s7 =	simm.s32 $0x5;
	s1 =	simm.s32 $0xF000;
	[dreg:$0xc] =	wrdreg s5  }
0x18: {  	s25 =	simm.s32 $0x2;
	[dreg:$0xa] =	wrdreg s0;
	s0 =	simm.s32 $0xE000  }
.LBB2_1:
0x19: {  	[dreg:$0xd] =	wrdreg s8  }
0x1a: {  	s3 =	rddreg [dreg:$0x6]  }
0x1b: {  	[spmem:s5], [sflag:s6] =	dma.local [hbm:s3], $0x9E0  }
0x1c: {  	_ =	swait.ge [sflag:s7], $0x9E0  }
0x1d: {  	[sflag:s7] =	ssyncset.done $0x0  }
0x1e: {  	s9 =	simm.s32 $0x0;
	s10 =	rddreg [dreg:$0x8];
	[sflag:s7] =	ssyncadd.s32 $0xFFFFF620  }
0x1f: {  	[tilespmem:s9], [sflag:$0x5] =	stream.linear.gather [hbm4b:s10+s9], $0x2800, $0x38;
	[tilespmem:$0x19F00] =	vst v63  }
0x20: {  	_ =	swait.ge [sflag:s7], $0x2800  }
0x21: {  	[sflag:s7] =	ssyncset.done $0x0  }
0x22: {  	s12 =	simm.s32 $0x2800;
	s11 =	rddreg [dreg:$0x9];
	[sflag:s7] =	ssyncadd.s32 $0xFFFFD800  }
0x23: {  	[tilespmem:s12], [sflag:$0x5] =	stream.linear.gather [hbm4b:s11+s9], $0x2800, $0x38;
	[tilespmem:$0x19F00] =	vst v63  }
0x24: {  	_ =	swait.ge [sflag:s7], $0x2800  }
0x25: {  	[sflag:s7] =	ssyncset.done $0x0  }
0x26: {  	[sflag:s7] =	ssyncadd.s32 $0xFFFFD800  }
0x27: {  	[bflag:$0x0] =	sbarrier.arrive $0xFFFF  }
0x28: {  	[tilespmem:s15], [sflag:$0x1] =	stream.indirect.gather [hbm4b:s4+s14], $0x20, s9, s14, $0xb8;
	[tilespmem:$0x19F00] =	vst v63  }
0x29: {  	_ = 	snop  }
0x2a: {  	[tilespmem:s16], [sflag:$0x1] =	stream.indirect.gather [hbm4b:s4+s14], $0x20, s14, s14, $0xb8;
	[tilespmem:$0x19F00] =	vst v63  }
0x2b: {  	s7 =	simm.s32 $0x100  }
0x2c: {  	[tilespmem:s18], [sflag:$0x1] =	stream.indirect.gather [hbm4b:s4+s14], $0x20, s7, s14, $0xb8;
	[tilespmem:$0x19F00] =	vst v63  }
0x2d: {  	s8 =	simm.s32 $0x180  }
0x2e: {  	[tilespmem:s20], [sflag:$0x1] =	stream.indirect.gather [hbm4b:s4+s14], $0x20, s8, s14, $0xb8;
	[tilespmem:$0x19F00] =	vst v63  }
0x2f: {  	s9 =	simm.s32 $0x200  }
0x30: {  	[tilespmem:s22], [sflag:$0x1] =	stream.indirect.gather [hbm4b:s4+s14], $0x20, s9, s14, $0xb8;
	[tilespmem:$0x19F00] =	vst v63  }
0x31: {  	s10 =	simm.s32 $0x280  }
0x32: {  	[tilespmem:s24], [sflag:$0x1] =	stream.indirect.gather [hbm4b:s4+s14], $0x20, s10, s14, $0xb8;
	[tilespmem:$0x19F00] =	vst v63  }
0x33: {  	s11 =	simm.s32 $0x300  }
0x34: {  	[tilespmem:s26], [sflag:$0x1] =	stream.indirect.gather [hbm4b:s4+s14], $0x20, s11, s14, $0xb8;
	[tilespmem:$0x19F00] =	vst v63  }
0x35: {  	s12 =	simm.s32 $0x380  }
0x36: {  	[tilespmem:s29], [sflag:$0x1] =	stream.indirect.gather [hbm4b:s4+s14], $0x20, s12, s14, $0xb8;
	[tilespmem:$0x19F00] =	vst v63  }
0x37: {  	_ =	swait.ge [sflag:s30], $0x1000  }
0x38: {  	[sflag:s30] =	ssyncset.done $0x0  }
0x39: {  	[sflag:s30] =	ssyncadd.s32 $0xFFFFF000  }
0x3a: {  	_ =	swait.ge [sflag:s30], $0x1000  }
0x3b: {  	[sflag:s30] =	ssyncset.done $0x0  }
0x3c: {  	[sflag:s30] =	ssyncadd.s32 $0xFFFFF000  }
0x3d: {  	_ =	swait.ge [sflag:s30], $0x1000  }
0x3e: {  	[sflag:s30] =	ssyncset.done $0x0  }
0x3f: {  	[sflag:s30] =	ssyncadd.s32 $0xFFFFF000  }
0x40: {  	_ =	swait.ge [sflag:s30], $0x1000  }
0x41: {  	[sflag:s30] =	ssyncset.done $0x0  }
0x42: {  	[sflag:s30] =	ssyncadd.s32 $0xFFFFF000  }
0x43: {  	_ =	swait.ge [sflag:s30], $0x1000  }
0x44: {  	[sflag:s30] =	ssyncset.done $0x0  }
0x45: {  	[sflag:s30] =	ssyncadd.s32 $0xFFFFF000  }
0x46: {  	_ =	swait.ge [sflag:s30], $0x1000  }
0x47: {  	[sflag:s30] =	ssyncset.done $0x0  }
0x48: {  	[sflag:s30] =	ssyncadd.s32 $0xFFFFF000  }
0x49: {  	_ =	swait.ge [sflag:s30], $0x1000  }
0x4a: {  	[sflag:s30] =	ssyncset.done $0x0  }
0x4b: {  	[sflag:s30] =	ssyncadd.s32 $0xFFFFF000  }
0x4c: {  	_ =	swait.ge [sflag:s30], $0x1000  }
0x4d: {  	p0 =	por $0x1, $0x1;
	[sflag:s30] =	ssyncset.done $0x0  }
0x4e: {  	s8 =	simm.s32 @!p0 $0x4;
	[sflag:s30] =	ssyncadd.s32 $0xFFFFF000  }
0x4f: {  	_ =	swait.ge @!p0 [sflag:s8], $0x1000  }
0x50: {  	[sflag:s8] =	ssyncset.done @!p0 $0x0  }
0x51: {  	[sflag:s8] =	ssyncadd.s32 @!p0 $0xFFFFF000  }
0x52: {  	_ =	swait.ge @!p0 [sflag:s8], $0x1000  }
0x53: {  	[sflag:s8] =	ssyncset.done @!p0 $0x0  }
0x54: {  	[sflag:s8] =	ssyncadd.s32 @!p0 $0xFFFFF000  }
0x55: {  	_ =	swait.ge @!p0 [sflag:s8], $0x1000  }
0x56: {  	[sflag:s8] =	ssyncset.done @!p0 $0x0  }
0x57: {  	[sflag:s8] =	ssyncadd.s32 @!p0 $0xFFFFF000  }
0x58: {  	_ =	swait.ge @!p0 [sflag:s8], $0x1000  }
0x59: {  	[sflag:s8] =	ssyncset.done @!p0 $0x0  }
0x5a: {  	[sflag:s8] =	ssyncadd.s32 @!p0 $0xFFFFF000  }
0x5b: {  	_ =	swait.ge @!p0 [sflag:s8], $0x1000  }
0x5c: {  	[sflag:s8] =	ssyncset.done @!p0 $0x0  }
0x5d: {  	[sflag:s8] =	ssyncadd.s32 @!p0 $0xFFFFF000  }
0x5e: {  	_ =	swait.ge @!p0 [sflag:s8], $0x1000  }
0x5f: {  	[sflag:s8] =	ssyncset.done @!p0 $0x0  }
0x60: {  	[sflag:s8] =	ssyncadd.s32 @!p0 $0xFFFFF000  }
0x61: {  	_ =	swait.ge @!p0 [sflag:s8], $0x1000  }
0x62: {  	[sflag:s8] =	ssyncset.done @!p0 $0x0  }
0x63: {  	[sflag:s8] =	ssyncadd.s32 @!p0 $0xFFFFF000  }
0x64: {  	_ =	swait.ge @!p0 [sflag:s8], $0x1000  }
0x65: {  	[sflag:s8] =	ssyncset.done @!p0 $0x0  }
0x66: {  	s5 =	simm.s32 $0x400;
	[sflag:s8] =	ssyncadd.s32 @!p0 $0xFFFFF000  }
0x67: {  	[tilespmem:s31], [sflag:$0x2] =	stream.indirect.gather [hbm4b:s4+s14], $0x20, s5, s14, $0xb8;
	[tilespmem:$0x19F00] =	vst v63  }
0x68: {  	s6 =	simm.s32 $0x480  }
0x69: {  	[tilespmem:s0], [sflag:$0x2] =	stream.indirect.gather [hbm4b:s4+s14], $0x20, s6, s14, $0xb8;
	[tilespmem:$0x19F00] =	vst v63  }
0x6a: {  	s7 =	simm.s32 $0x500  }
0x6b: {  	[tilespmem:s1], [sflag:$0x2] =	stream.indirect.gather [hbm4b:s4+s14], $0x20, s7, s14, $0xb8;
	[tilespmem:$0x19F00] =	vst v63  }
0x6c: {  	s9 =	simm.s32 $0x580  }
0x6d: {  	[tilespmem:s13], [sflag:$0x2] =	stream.indirect.gather [hbm4b:s4+s14], $0x20, s9, s14, $0xb8;
	[tilespmem:$0x19F00] =	vst v63  }
0x6e: {  	s10 =	simm.s32 $0x600  }
0x6f: {  	[tilespmem:s17], [sflag:$0x2] =	stream.indirect.gather [hbm4b:s4+s14], $0x20, s10, s14, $0xb8;
	[tilespmem:$0x19F00] =	vst v63  }
0x70: {  	s11 =	simm.s32 $0x680  }
0x71: {  	[tilespmem:s19], [sflag:$0x2] =	stream.indirect.gather [hbm4b:s4+s14], $0x20, s11, s14, $0xb8;
	[tilespmem:$0x19F00] =	vst v63  }
0x72: {  	s12 =	simm.s32 $0x700  }
0x73: {  	[tilespmem:s21], [sflag:$0x2] =	stream.indirect.gather [hbm4b:s4+s14], $0x20, s12, s14, $0xb8;
	[tilespmem:$0x19F00] =	vst v63  }
0x74: {  	s3 =	simm.s32 $0x780  }
0x75: {  	[tilespmem:s23], [sflag:$0x2] =	stream.indirect.gather [hbm4b:s4+s14], $0x20, s3, s14, $0xb8;
	[tilespmem:$0x19F00] =	vst v63  }
0x76: {  	s5 =	simm.s32 $0x2800  }
0x77: {  	[spmem:s2] =	stream.indirect.scatter.add.f32 [tilespmem:s15], [sflag:$0x3], $0x20, s5, s14, $0xb8;
	[tilespmem:$0x19F00] =	vst v63  }
0x78: {  	s6 =	simm.s32 $0x2880  }
0x79: {  	[spmem:s2] =	stream.indirect.scatter.add.f32 [tilespmem:s16], [sflag:$0x3], $0x20, s6, s14, $0xb8;
	[tilespmem:$0x19F00] =	vst v63  }
0x7a: {  	s7 =	simm.s32 $0x2900  }
0x7b: {  	[spmem:s2] =	stream.indirect.scatter.add.f32 [tilespmem:s18], [sflag:$0x3], $0x20, s7, s14, $0xb8;
	[tilespmem:$0x19F00] =	vst v63  }
0x7c: {  	s9 =	simm.s32 $0x2980  }
0x7d: {  	[spmem:s2] =	stream.indirect.scatter.add.f32 [tilespmem:s20], [sflag:$0x3], $0x20, s9, s14, $0xb8;
	[tilespmem:$0x19F00] =	vst v63  }
0x7e: {  	s10 =	simm.s32 $0x2A00  }
0x7f: {  	[spmem:s2] =	stream.indirect.scatter.add.f32 [tilespmem:s22], [sflag:$0x3], $0x20, s10, s14, $0xb8;
	[tilespmem:$0x19F00] =	vst v63  }
0x80: {  	s11 =	simm.s32 $0x2A80  }
0x81: {  	[spmem:s2] =	stream.indirect.scatter.add.f32 [tilespmem:s24], [sflag:$0x3], $0x20, s11, s14, $0xb8;
	[tilespmem:$0x19F00] =	vst v63  }
0x82: {  	s12 =	simm.s32 $0x2B00  }
0x83: {  	[spmem:s2] =	stream.indirect.scatter.add.f32 [tilespmem:s26], [sflag:$0x3], $0x20, s12, s14, $0xb8;
	[tilespmem:$0x19F00] =	vst v63  }
0x84: {  	s3 =	simm.s32 $0x2B80  }
0x85: {  	[spmem:s2] =	stream.indirect.scatter.add.f32 [tilespmem:s29], [sflag:$0x3], $0x20, s3, s14, $0xb8;
	[tilespmem:$0x19F00] =	vst v63  }
0x86: {  	_ =	swait.ge [sflag:s25], $0x1000  }
0x87: {  	[sflag:s25] =	ssyncset.done $0x0  }
0x88: {  	[sflag:s25] =	ssyncadd.s32 $0xFFFFF000  }
0x89: {  	_ =	swait.ge [sflag:s25], $0x1000  }
0x8a: {  	[sflag:s25] =	ssyncset.done $0x0  }
0x8b: {  	[sflag:s25] =	ssyncadd.s32 $0xFFFFF000  }
0x8c: {  	_ =	swait.ge [sflag:s25], $0x1000  }
0x8d: {  	[sflag:s25] =	ssyncset.done $0x0  }
0x8e: {  	[sflag:s25] =	ssyncadd.s32 $0xFFFFF000  }
0x8f: {  	_ =	swait.ge [sflag:s25], $0x1000  }
0x90: {  	[sflag:s25] =	ssyncset.done $0x0  }
0x91: {  	[sflag:s25] =	ssyncadd.s32 $0xFFFFF000  }
0x92: {  	_ =	swait.ge [sflag:s25], $0x1000  }
0x93: {  	[sflag:s25] =	ssyncset.done $0x0  }
0x94: {  	[sflag:s25] =	ssyncadd.s32 $0xFFFFF000  }
0x95: {  	_ =	swait.ge [sflag:s25], $0x1000  }
0x96: {  	[sflag:s25] =	ssyncset.done $0x0  }
0x97: {  	[sflag:s25] =	ssyncadd.s32 $0xFFFFF000  }
0x98: {  	_ =	swait.ge [sflag:s25], $0x1000  }
0x99: {  	[sflag:s25] =	ssyncset.done $0x0  }
0x9a: {  	[sflag:s25] =	ssyncadd.s32 $0xFFFFF000  }
0x9b: {  	_ =	swait.ge [sflag:s25], $0x1000  }
0x9c: {  	[sflag:s25] =	ssyncset.done $0x0  }
0x9d: {  	[sflag:s25] =	ssyncadd.s32 $0xFFFFF000  }
0x9e: {  	_ =	swait.ge [sflag:s28], $0x1000  }
0x9f: {  	[sflag:s28] =	ssyncset.done $0x0  }
0xa0: {  	[sflag:s28] =	ssyncadd.s32 $0xFFFFF000  }
0xa1: {  	_ =	swait.ge [sflag:s28], $0x1000  }
0xa2: {  	[sflag:s28] =	ssyncset.done $0x0  }
0xa3: {  	[sflag:s28] =	ssyncadd.s32 $0xFFFFF000  }
0xa4: {  	_ =	swait.ge [sflag:s28], $0x1000  }
0xa5: {  	[sflag:s28] =	ssyncset.done $0x0  }
0xa6: {  	[sflag:s28] =	ssyncadd.s32 $0xFFFFF000  }
0xa7: {  	_ =	swait.ge [sflag:s28], $0x1000  }
0xa8: {  	[sflag:s28] =	ssyncset.done $0x0  }
0xa9: {  	[sflag:s28] =	ssyncadd.s32 $0xFFFFF000  }
0xaa: {  	_ =	swait.ge [sflag:s28], $0x1000  }
0xab: {  	[sflag:s28] =	ssyncset.done $0x0  }
0xac: {  	[sflag:s28] =	ssyncadd.s32 $0xFFFFF000  }
0xad: {  	_ =	swait.ge [sflag:s28], $0x1000  }
0xae: {  	[sflag:s28] =	ssyncset.done $0x0  }
0xaf: {  	[sflag:s28] =	ssyncadd.s32 $0xFFFFF000  }
0xb0: {  	_ =	swait.ge [sflag:s28], $0x1000  }
0xb1: {  	[sflag:s28] =	ssyncset.done $0x0  }
0xb2: {  	[sflag:s28] =	ssyncadd.s32 $0xFFFFF000  }
0xb3: {  	p0 =	por $0x0, $0x0;
	_ =	swait.ge [sflag:s28], $0x1000  }
0xb4: {  	s8 =	simm.s32 @!p0 $0x5000;
	[sflag:s28] =	ssyncset.done $0x0  }
0xb5: {  	s9 =	simm.s32 @!p0 $0x800;
	s10 =	simm.s32 @!p0 $0x80;
	[sflag:s28] =	ssyncadd.s32 $0xFFFFF000  }
0xb6: {  	[tilespmem:s8], [sflag:$0x1] =	stream.indirect.gather @!p0 [hbm4b:s4+s10], $0x20, s9, s10, $0xb8;
	[tilespmem:$0x19F00] =	vst v63  }
0xb7: {  	s8 =	simm.s32 @!p0 $0x880;
	s9 =	simm.s32 @!p0 $0x6000  }
0xb8: {  	[tilespmem:s9], [sflag:$0x1] =	stream.indirect.gather @!p0 [hbm4b:s4+s10], $0x20, s8, s10, $0xb8;
	[tilespmem:$0x19F00] =	vst v63  }
0xb9: {  	s8 =	simm.s32 @!p0 $0x900;
	s9 =	simm.s32 @!p0 $0x7000  }
0xba: {  	[tilespmem:s9], [sflag:$0x1] =	stream.indirect.gather @!p0 [hbm4b:s4+s10], $0x20, s8, s10, $0xb8;
	[tilespmem:$0x19F00] =	vst v63  }
0xbb: {  	s8 =	simm.s32 @!p0 $0x980;
	s9 =	simm.s32 @!p0 $0x8000  }
0xbc: {  	[tilespmem:s9], [sflag:$0x1] =	stream.indirect.gather @!p0 [hbm4b:s4+s10], $0x20, s8, s10, $0xb8;
	[tilespmem:$0x19F00] =	vst v63  }
0xbd: {  	s8 =	simm.s32 @!p0 $0xA00;
	s9 =	simm.s32 @!p0 $0x9000  }
0xbe: {  	[tilespmem:s9], [sflag:$0x1] =	stream.indirect.gather @!p0 [hbm4b:s4+s10], $0x20, s8, s10, $0xb8;
	[tilespmem:$0x19F00] =	vst v63  }
0xbf: {  	s8 =	simm.s32 @!p0 $0xA80;
	s9 =	simm.s32 @!p0 $0xA000  }
0xc0: {  	[tilespmem:s9], [sflag:$0x1] =	stream.indirect.gather @!p0 [hbm4b:s4+s10], $0x20, s8, s10, $0xb8;
	[tilespmem:$0x19F00] =	vst v63  }
0xc1: {  	s8 =	simm.s32 @!p0 $0xB00;
	s9 =	simm.s32 @!p0 $0xB000  }
0xc2: {  	[tilespmem:s9], [sflag:$0x1] =	stream.indirect.gather @!p0 [hbm4b:s4+s10], $0x20, s8, s10, $0xb8;
	[tilespmem:$0x19F00] =	vst v63  }
0xc3: {  	s8 =	simm.s32 @!p0 $0xB80;
	s9 =	simm.s32 @!p0 $0xC000  }
0xc4: {  	[tilespmem:s9], [sflag:$0x1] =	stream.indirect.gather @!p0 [hbm4b:s4+s10], $0x20, s8, s10, $0xb8;
	[tilespmem:$0x19F00] =	vst v63  }
0xc5: {  	s5 =	simm.s32 $0x2C00  }
0xc6: {  	[spmem:s2] =	stream.indirect.scatter.add.f32 [tilespmem:s31], [sflag:$0x4], $0x20, s5, s14, $0xb8;
	[tilespmem:$0x19F00] =	vst v63  }
0xc7: {  	s6 =	simm.s32 $0x2C80  }
0xc8: {  	[spmem:s2] =	stream.indirect.scatter.add.f32 [tilespmem:s0], [sflag:$0x4], $0x20, s6, s14, $0xb8;
	[tilespmem:$0x19F00] =	vst v63  }
0xc9: {  	s7 =	simm.s32 $0x2D00  }
0xca: {  	[spmem:s2] =	stream.indirect.scatter.add.f32 [tilespmem:s1], [sflag:$0x4], $0x20, s7, s14, $0xb8;
	[tilespmem:$0x19F00] =	vst v63  }
0xcb: {  	s9 =	simm.s32 $0x2D80  }
0xcc: {  	[spmem:s2] =	stream.indirect.scatter.add.f32 [tilespmem:s13], [sflag:$0x4], $0x20, s9, s14, $0xb8;
	[tilespmem:$0x19F00] =	vst v63  }
0xcd: {  	s10 =	simm.s32 $0x2E00  }
0xce: {  	[spmem:s2] =	stream.indirect.scatter.add.f32 [tilespmem:s17], [sflag:$0x4], $0x20, s10, s14, $0xb8;
	[tilespmem:$0x19F00] =	vst v63  }
0xcf: {  	s11 =	simm.s32 $0x2E80  }
0xd0: {  	[spmem:s2] =	stream.indirect.scatter.add.f32 [tilespmem:s19], [sflag:$0x4], $0x20, s11, s14, $0xb8;
	[tilespmem:$0x19F00] =	vst v63  }
0xd1: {  	s12 =	simm.s32 $0x2F00;
	s8 =	simm.s32 $0x2000;
	s9 =	simm.s32 $0x2F80  }
0xd2: {  	[spmem:s2] =	stream.indirect.scatter.add.f32 [tilespmem:s21], [sflag:$0x4], $0x20, s12, s14, $0xb8;
	[tilespmem:$0x19F00] =	vst v63  }
.LBB2_2:
0xd3: {  	[spmem:s2] =	stream.indirect.scatter.add.f32 [tilespmem:s23], [sflag:$0x4], $0x20, s9, s14, $0xb8;
	[tilespmem:$0x19F00] =	vst v63  }
0xd4: {  	s9 =	smov.u32 s8;
	s8 =	sadd.s32 $0x2000, s8;
	_ =	swait.ge [sflag:s30], $0x1000  }
0xd5: {  	p0 =	sne.s32 s8, $0xA000;
	[sflag:s30] =	ssyncset.done $0x0  }
0xd6: {  	[sflag:s30] =	ssyncadd.s32 $0xFFFFF000  }
0xd7: {  	_ =	swait.ge [sflag:s30], $0x1000  }
0xd8: {  	[sflag:s30] =	ssyncset.done $0x0  }
0xd9: {  	[sflag:s30] =	ssyncadd.s32 $0xFFFFF000  }
0xda: {  	_ =	swait.ge [sflag:s30], $0x1000  }
0xdb: {  	[sflag:s30] =	ssyncset.done $0x0  }
0xdc: {  	[sflag:s30] =	ssyncadd.s32 $0xFFFFF000  }
0xdd: {  	_ =	swait.ge [sflag:s30], $0x1000  }
0xde: {  	[sflag:s30] =	ssyncset.done $0x0  }
0xdf: {  	[sflag:s30] =	ssyncadd.s32 $0xFFFFF000  }
0xe0: {  	_ =	swait.ge [sflag:s30], $0x1000  }
0xe1: {  	[sflag:s30] =	ssyncset.done $0x0  }
0xe2: {  	[sflag:s30] =	ssyncadd.s32 $0xFFFFF000  }
0xe3: {  	_ =	swait.ge [sflag:s30], $0x1000  }
0xe4: {  	[sflag:s30] =	ssyncset.done $0x0  }
0xe5: {  	[sflag:s30] =	ssyncadd.s32 $0xFFFFF000  }
0xe6: {  	_ =	swait.ge [sflag:s30], $0x1000  }
0xe7: {  	[sflag:s30] =	ssyncset.done $0x0  }
0xe8: {  	[sflag:s30] =	ssyncadd.s32 $0xFFFFF000  }
0xe9: {  	_ =	swait.ge [sflag:s30], $0x1000  }
0xea: {  	p1 =	seq.s32 s9, $0x0;
	[sflag:s30] =	ssyncset.done $0x0  }
0xeb: {  	s3 =	simm.s32 @!p1 $0x4;
	[sflag:s30] =	ssyncadd.s32 $0xFFFFF000  }
0xec: {  	_ =	swait.ge @!p1 [sflag:s3], $0x1000  }
0xed: {  	[sflag:s3] =	ssyncset.done @!p1 $0x0  }
0xee: {  	[sflag:s3] =	ssyncadd.s32 @!p1 $0xFFFFF000  }
0xef: {  	_ =	swait.ge @!p1 [sflag:s3], $0x1000  }
0xf0: {  	[sflag:s3] =	ssyncset.done @!p1 $0x0  }
0xf1: {  	[sflag:s3] =	ssyncadd.s32 @!p1 $0xFFFFF000  }
0xf2: {  	_ =	swait.ge @!p1 [sflag:s3], $0x1000  }
0xf3: {  	[sflag:s3] =	ssyncset.done @!p1 $0x0  }
0xf4: {  	[sflag:s3] =	ssyncadd.s32 @!p1 $0xFFFFF000  }
0xf5: {  	_ =	swait.ge @!p1 [sflag:s3], $0x1000  }
0xf6: {  	[sflag:s3] =	ssyncset.done @!p1 $0x0  }
0xf7: {  	[sflag:s3] =	ssyncadd.s32 @!p1 $0xFFFFF000  }
0xf8: {  	_ =	swait.ge @!p1 [sflag:s3], $0x1000  }
0xf9: {  	[sflag:s3] =	ssyncset.done @!p1 $0x0  }
0xfa: {  	[sflag:s3] =	ssyncadd.s32 @!p1 $0xFFFFF000  }
0xfb: {  	_ =	swait.ge @!p1 [sflag:s3], $0x1000  }
0xfc: {  	[sflag:s3] =	ssyncset.done @!p1 $0x0  }
0xfd: {  	[sflag:s3] =	ssyncadd.s32 @!p1 $0xFFFFF000  }
0xfe: {  	_ =	swait.ge @!p1 [sflag:s3], $0x1000  }
0xff: {  	[sflag:s3] =	ssyncset.done @!p1 $0x0  }
0x100: {  	[sflag:s3] =	ssyncadd.s32 @!p1 $0xFFFFF000  }
0x101: {  	_ =	swait.ge @!p1 [sflag:s3], $0x1000  }
0x102: {  	s10 =	sshra.s32 s9, $0x2;
	[sflag:s3] =	ssyncset.done @!p1 $0x0  }
0x103: {  	[sflag:s3] =	ssyncadd.s32 @!p1 $0xFFFFF000;
	s3 =	sadd.s32 $0x400, s10  }
0x104: {  	[tilespmem:s31], [sflag:$0x2] =	stream.indirect.gather [hbm4b:s4+s14], $0x20, s3, s14, $0xb8;
	[tilespmem:$0x19F00] =	vst v63  }
0x105: {  	s3 =	sadd.s32 $0x480, s10  }
0x106: {  	[tilespmem:s0], [sflag:$0x2] =	stream.indirect.gather [hbm4b:s4+s14], $0x20, s3, s14, $0xb8;
	[tilespmem:$0x19F00] =	vst v63  }
0x107: {  	s3 =	sadd.s32 $0x500, s10  }
0x108: {  	[tilespmem:s1], [sflag:$0x2] =	stream.indirect.gather [hbm4b:s4+s14], $0x20, s3, s14, $0xb8;
	[tilespmem:$0x19F00] =	vst v63  }
0x109: {  	s3 =	sadd.s32 $0x580, s10  }
0x10a: {  	[tilespmem:s13], [sflag:$0x2] =	stream.indirect.gather [hbm4b:s4+s14], $0x20, s3, s14, $0xb8;
	[tilespmem:$0x19F00] =	vst v63  }
0x10b: {  	s3 =	sadd.s32 $0x600, s10  }
0x10c: {  	[tilespmem:s17], [sflag:$0x2] =	stream.indirect.gather [hbm4b:s4+s14], $0x20, s3, s14, $0xb8;
	[tilespmem:$0x19F00] =	vst v63  }
0x10d: {  	s3 =	sadd.s32 $0x680, s10  }
0x10e: {  	[tilespmem:s19], [sflag:$0x2] =	stream.indirect.gather [hbm4b:s4+s14], $0x20, s3, s14, $0xb8;
	[tilespmem:$0x19F00] =	vst v63  }
0x10f: {  	s3 =	sadd.s32 $0x700, s10  }
0x110: {  	[tilespmem:s21], [sflag:$0x2] =	stream.indirect.gather [hbm4b:s4+s14], $0x20, s3, s14, $0xb8;
	[tilespmem:$0x19F00] =	vst v63  }
0x111: {  	s3 =	sadd.s32 $0x780, s10  }
0x112: {  	[tilespmem:s23], [sflag:$0x2] =	stream.indirect.gather [hbm4b:s4+s14], $0x20, s3, s14, $0xb8;
	[tilespmem:$0x19F00] =	vst v63  }
0x113: {  	s3 =	sadd.s32 $0x2800, s10  }
0x114: {  	[spmem:s2] =	stream.indirect.scatter.add.f32 [tilespmem:s15], [sflag:$0x3], $0x20, s3, s14, $0xb8;
	[tilespmem:$0x19F00] =	vst v63  }
0x115: {  	s3 =	sadd.s32 $0x2880, s10  }
0x116: {  	[spmem:s2] =	stream.indirect.scatter.add.f32 [tilespmem:s16], [sflag:$0x3], $0x20, s3, s14, $0xb8;
	[tilespmem:$0x19F00] =	vst v63  }
0x117: {  	s3 =	sadd.s32 $0x2900, s10  }
0x118: {  	[spmem:s2] =	stream.indirect.scatter.add.f32 [tilespmem:s18], [sflag:$0x3], $0x20, s3, s14, $0xb8;
	[tilespmem:$0x19F00] =	vst v63  }
0x119: {  	s3 =	sadd.s32 $0x2980, s10  }
0x11a: {  	[spmem:s2] =	stream.indirect.scatter.add.f32 [tilespmem:s20], [sflag:$0x3], $0x20, s3, s14, $0xb8;
	[tilespmem:$0x19F00] =	vst v63  }
0x11b: {  	s3 =	sadd.s32 $0x2A00, s10  }
0x11c: {  	[spmem:s2] =	stream.indirect.scatter.add.f32 [tilespmem:s22], [sflag:$0x3], $0x20, s3, s14, $0xb8;
	[tilespmem:$0x19F00] =	vst v63  }
0x11d: {  	s3 =	sadd.s32 $0x2A80, s10  }
0x11e: {  	[spmem:s2] =	stream.indirect.scatter.add.f32 [tilespmem:s24], [sflag:$0x3], $0x20, s3, s14, $0xb8;
	[tilespmem:$0x19F00] =	vst v63  }
0x11f: {  	s3 =	sadd.s32 $0x2B00, s10  }
0x120: {  	[spmem:s2] =	stream.indirect.scatter.add.f32 [tilespmem:s26], [sflag:$0x3], $0x20, s3, s14, $0xb8;
	[tilespmem:$0x19F00] =	vst v63  }
0x121: {  	s3 =	sadd.s32 $0x2B80, s10  }
0x122: {  	[spmem:s2] =	stream.indirect.scatter.add.f32 [tilespmem:s29], [sflag:$0x3], $0x20, s3, s14, $0xb8;
	[tilespmem:$0x19F00] =	vst v63  }
0x123: {  	_ =	swait.ge [sflag:s25], $0x1000  }
0x124: {  	[sflag:s25] =	ssyncset.done $0x0  }
0x125: {  	[sflag:s25] =	ssyncadd.s32 $0xFFFFF000  }
0x126: {  	_ =	swait.ge [sflag:s25], $0x1000  }
0x127: {  	[sflag:s25] =	ssyncset.done $0x0  }
0x128: {  	[sflag:s25] =	ssyncadd.s32 $0xFFFFF000  }
0x129: {  	_ =	swait.ge [sflag:s25], $0x1000  }
0x12a: {  	[sflag:s25] =	ssyncset.done $0x0  }
0x12b: {  	[sflag:s25] =	ssyncadd.s32 $0xFFFFF000  }
0x12c: {  	_ =	swait.ge [sflag:s25], $0x1000  }
0x12d: {  	[sflag:s25] =	ssyncset.done $0x0  }
0x12e: {  	[sflag:s25] =	ssyncadd.s32 $0xFFFFF000  }
0x12f: {  	_ =	swait.ge [sflag:s25], $0x1000  }
0x130: {  	[sflag:s25] =	ssyncset.done $0x0  }
0x131: {  	[sflag:s25] =	ssyncadd.s32 $0xFFFFF000  }
0x132: {  	_ =	swait.ge [sflag:s25], $0x1000  }
0x133: {  	[sflag:s25] =	ssyncset.done $0x0  }
0x134: {  	[sflag:s25] =	ssyncadd.s32 $0xFFFFF000  }
0x135: {  	_ =	swait.ge [sflag:s25], $0x1000  }
0x136: {  	[sflag:s25] =	ssyncset.done $0x0  }
0x137: {  	[sflag:s25] =	ssyncadd.s32 $0xFFFFF000  }
0x138: {  	_ =	swait.ge [sflag:s25], $0x1000  }
0x139: {  	[sflag:s25] =	ssyncset.done $0x0  }
0x13a: {  	[sflag:s25] =	ssyncadd.s32 $0xFFFFF000  }
0x13b: {  	_ =	swait.ge [sflag:s28], $0x1000  }
0x13c: {  	[sflag:s28] =	ssyncset.done $0x0  }
0x13d: {  	[sflag:s28] =	ssyncadd.s32 $0xFFFFF000  }
0x13e: {  	_ =	swait.ge [sflag:s28], $0x1000  }
0x13f: {  	[sflag:s28] =	ssyncset.done $0x0  }
0x140: {  	[sflag:s28] =	ssyncadd.s32 $0xFFFFF000  }
0x141: {  	_ =	swait.ge [sflag:s28], $0x1000  }
0x142: {  	[sflag:s28] =	ssyncset.done $0x0  }
0x143: {  	[sflag:s28] =	ssyncadd.s32 $0xFFFFF000  }
0x144: {  	_ =	swait.ge [sflag:s28], $0x1000  }
0x145: {  	[sflag:s28] =	ssyncset.done $0x0  }
0x146: {  	[sflag:s28] =	ssyncadd.s32 $0xFFFFF000  }
0x147: {  	_ =	swait.ge [sflag:s28], $0x1000  }
0x148: {  	[sflag:s28] =	ssyncset.done $0x0  }
0x149: {  	[sflag:s28] =	ssyncadd.s32 $0xFFFFF000  }
0x14a: {  	_ =	swait.ge [sflag:s28], $0x1000  }
0x14b: {  	[sflag:s28] =	ssyncset.done $0x0  }
0x14c: {  	[sflag:s28] =	ssyncadd.s32 $0xFFFFF000  }
0x14d: {  	_ =	swait.ge [sflag:s28], $0x1000  }
0x14e: {  	[sflag:s28] =	ssyncset.done $0x0  }
0x14f: {  	[sflag:s28] =	ssyncadd.s32 $0xFFFFF000  }
0x150: {  	p1 =	seq.s32 s9, $0x8000;
	_ =	swait.ge [sflag:s28], $0x1000  }
0x151: {  	s3 =	sshra.s32 @!p1 s9, $0x2;
	s9 =	simm.s32 @!p1 $0x5000;
	[sflag:s28] =	ssyncset.done $0x0  }
0x152: {  	s11 =	simm.s32 @!p1 $0x80;
	s6 =	sadd.s32 @!p1 $0x800, s3;
	[sflag:s28] =	ssyncadd.s32 $0xFFFFF000  }
0x153: {  	[tilespmem:s9], [sflag:$0x1] =	stream.indirect.gather @!p1 [hbm4b:s4+s11], $0x20, s6, s11, $0xb8;
	[tilespmem:$0x19F00] =	vst v63  }
0x154: {  	s12 =	sadd.s32 @!p1 $0x900, s3;
	s6 =	sadd.s32 @!p1 $0x880, s3;
	s9 =	simm.s32 @!p1 $0x6000  }
0x155: {  	[tilespmem:s9], [sflag:$0x1] =	stream.indirect.gather @!p1 [hbm4b:s4+s11], $0x20, s6, s11, $0xb8;
	[tilespmem:$0x19F00] =	vst v63  }
0x156: {  	s7 =	sadd.s32 @!p1 $0xA00, s3;
	s6 =	simm.s32 @!p1 $0x7000;
	s9 =	sadd.s32 @!p1 $0x980, s3  }
0x157: {  	[tilespmem:s6], [sflag:$0x1] =	stream.indirect.gather @!p1 [hbm4b:s4+s11], $0x20, s12, s11, $0xb8;
	[tilespmem:$0x19F00] =	vst v63  }
0x158: {  	s5 =	sadd.s32 @!p1 $0xB00, s3;
	s6 =	simm.s32 @!p1 $0x8000;
	s12 =	sadd.s32 @!p1 $0xA80, s3  }
0x159: {  	[tilespmem:s6], [sflag:$0x1] =	stream.indirect.gather @!p1 [hbm4b:s4+s11], $0x20, s9, s11, $0xb8;
	[tilespmem:$0x19F00] =	vst v63  }
0x15a: {  	s3 =	sadd.s32 @!p1 $0xB80, s3;
	s6 =	simm.s32 @!p1 $0x9000  }
0x15b: {  	[tilespmem:s6], [sflag:$0x1] =	stream.indirect.gather @!p1 [hbm4b:s4+s11], $0x20, s7, s11, $0xb8;
	[tilespmem:$0x19F00] =	vst v63  }
0x15c: {  	s6 =	simm.s32 @!p1 $0xA000  }
0x15d: {  	[tilespmem:s6], [sflag:$0x1] =	stream.indirect.gather @!p1 [hbm4b:s4+s11], $0x20, s12, s11, $0xb8;
	[tilespmem:$0x19F00] =	vst v63  }
0x15e: {  	s6 =	simm.s32 @!p1 $0xB000  }
0x15f: {  	[tilespmem:s6], [sflag:$0x1] =	stream.indirect.gather @!p1 [hbm4b:s4+s11], $0x20, s5, s11, $0xb8;
	[tilespmem:$0x19F00] =	vst v63  }
0x160: {  	s5 =	simm.s32 @!p1 $0xC000  }
0x161: {  	[tilespmem:s5], [sflag:$0x1] =	stream.indirect.gather @!p1 [hbm4b:s4+s11], $0x20, s3, s11, $0xb8;
	[tilespmem:$0x19F00] =	vst v63  }
0x162: {  	s3 =	sadd.s32 $0x2C00, s10  }
0x163: {  	[spmem:s2] =	stream.indirect.scatter.add.f32 [tilespmem:s31], [sflag:$0x4], $0x20, s3, s14, $0xb8;
	[tilespmem:$0x19F00] =	vst v63  }
0x164: {  	s3 =	sadd.s32 $0x2C80, s10  }
0x165: {  	[spmem:s2] =	stream.indirect.scatter.add.f32 [tilespmem:s0], [sflag:$0x4], $0x20, s3, s14, $0xb8;
	[tilespmem:$0x19F00] =	vst v63  }
0x166: {  	s3 =	sadd.s32 $0x2D00, s10  }
0x167: {  	[spmem:s2] =	stream.indirect.scatter.add.f32 [tilespmem:s1], [sflag:$0x4], $0x20, s3, s14, $0xb8;
	[tilespmem:$0x19F00] =	vst v63  }
0x168: {  	s3 =	sadd.s32 $0x2D80, s10  }
0x169: {  	[spmem:s2] =	stream.indirect.scatter.add.f32 [tilespmem:s13], [sflag:$0x4], $0x20, s3, s14, $0xb8;
	[tilespmem:$0x19F00] =	vst v63  }
0x16a: {  	s3 =	sadd.s32 $0x2E00, s10  }
0x16b: {  	[spmem:s2] =	stream.indirect.scatter.add.f32 [tilespmem:s17], [sflag:$0x4], $0x20, s3, s14, $0xb8;
	[tilespmem:$0x19F00] =	vst v63  }
.Ltmp0:
0x16c: {  	s3 =	sadd.s32 $0x2E80, s10;
	(pc) =	sbr.rel @p0 .LBB2_2-.Ltmp0, $4  }
0x16d: {  	[spmem:s2] =	stream.indirect.scatter.add.f32 [tilespmem:s19], [sflag:$0x4], $0x20, s3, s14, $0xb8;
	[tilespmem:$0x19F00] =	vst v63  }
0x16e: {  	s3 =	sadd.s32 $0x2F00, s10  }
0x16f: {  	[spmem:s2] =	stream.indirect.scatter.add.f32 [tilespmem:s21], [sflag:$0x4], $0x20, s3, s14, $0xb8;
	[tilespmem:$0x19F00] =	vst v63  }
0x170: {  	s9 =	sadd.s32 $0x2F80, s10  }
0x171: {  	[spmem:s2] =	stream.indirect.scatter.add.f32 [tilespmem:s23], [sflag:$0x4], $0x20, s9, s14, $0xb8;
	[tilespmem:$0x19F00] =	vst v63  }
0x172: {  	s3 =	simm.s32 $0x4  }
0x173: {  	_ =	swait.ge [sflag:s3], $0x1000  }
0x174: {  	[sflag:s3] =	ssyncset.done $0x0  }
0x175: {  	[sflag:s3] =	ssyncadd.s32 $0xFFFFF000  }
0x176: {  	_ =	swait.ge [sflag:s3], $0x1000  }
0x177: {  	[sflag:s3] =	ssyncset.done $0x0  }
0x178: {  	[sflag:s3] =	ssyncadd.s32 $0xFFFFF000  }
0x179: {  	_ =	swait.ge [sflag:s3], $0x1000  }
0x17a: {  	[sflag:s3] =	ssyncset.done $0x0  }
0x17b: {  	[sflag:s3] =	ssyncadd.s32 $0xFFFFF000  }
0x17c: {  	_ =	swait.ge [sflag:s3], $0x1000  }
0x17d: {  	[sflag:s3] =	ssyncset.done $0x0  }
0x17e: {  	[sflag:s3] =	ssyncadd.s32 $0xFFFFF000  }
0x17f: {  	_ =	swait.ge [sflag:s3], $0x1000  }
0x180: {  	[sflag:s3] =	ssyncset.done $0x0  }
0x181: {  	[sflag:s3] =	ssyncadd.s32 $0xFFFFF000  }
0x182: {  	_ =	swait.ge [sflag:s3], $0x1000  }
0x183: {  	[sflag:s3] =	ssyncset.done $0x0  }
0x184: {  	[sflag:s3] =	ssyncadd.s32 $0xFFFFF000  }
0x185: {  	_ =	swait.ge [sflag:s3], $0x1000  }
0x186: {  	[sflag:s3] =	ssyncset.done $0x0  }
0x187: {  	[sflag:s3] =	ssyncadd.s32 $0xFFFFF000  }
0x188: {  	_ =	swait.ge [sflag:s3], $0x1000  }
0x189: {  	[sflag:s3] =	ssyncset.done $0x0  }
0x18a: {  	[sflag:s3] =	ssyncadd.s32 $0xFFFFF000  }
0x18b: {  	[bflag:$0x0] =	sbarrier.arrive $0xFFFF  }
0x18c: {  	s6 =	rddreg [dreg:$0x7]  }
0x18d: {  	s11 =	rddreg [dreg:$0xa]  }
0x18e: {  	s7 =	simm.s32 $0x5;
	s5 =	rddreg [dreg:$0xc]  }
0x18f: {  	[hbm:s11], [sflag:s6] =	dma.local [spmem:s5], $0x9E0  }
0x190: {  	_ =	swait.ge [sflag:s7], $0x9E0  }
0x191: {  	s8 =	rddreg [dreg:$0xd]  }
0x192: {  	s12 =	rddreg [dreg:$0xb];
	s8 =	sadd.s32 $0x1, s8  }
0x193: {  	p0 =	sne.s32 s8, s12  }
.Ltmp1:
0x194: {  	_ = 	snop;
	(pc) =	sbr.rel @p0 .LBB2_1-.Ltmp1, $3  }
0x195: {  	_ =	sdelay $0x1  }
0x196: {  	[sflag:s7] =	ssyncset.done $0x0  }
0x197: {  	[sflag:s7] =	ssyncadd.s32 $0xFFFFF620  }
0x198: {  	_ =	sfence.sel $0x180000  }
0x199: {  	[bflag:$0x0] =	sbarrier.arrive $0xFFFF  }
0x19a: {  	_ =	strace $0x9000004A  }
0x19b: {  	s0 =	stileid.u32;
	[bflag:$0x2] =	sbarrier.arrive $0xFFFF  }
0x19c: {  	p0 =	sne.s32 s0, $0x0;
	s0 =	rddreg [dreg:$0x5]  }
0x19d: {  	s0 =	sadd.s32 @!p0 $0x100000, s0  }
0x19e: {  	[sflag:s0] =	ssyncadd.tile.s32 @!p0 $0x1;
	_ =	shalt  }
.Lfunc_end2:
_tile_overlayer_lowered:
.L_overlay_start_2:
0x19f: {  	(tag) =	ssettag $0x2  }
0x1a0: {  	s0 =	rddreg [dreg:$0x0];
	s2 =	stileid.u32  }
0x1a1: {  	s1 =	rddreg [dreg:$0x1];
	p0 =	sne.s32 s2, $0x0  }
0x1a2: {  	s3 =	rddreg [dreg:$0x2];
	[bflag:$0x3] =	sbarrier.arrive $0xFFFF;
	s2 =	simm.s32 @!p0 $0x1C05  }
0x1a3: {  	[timem:s3], [sflag:s2] =	dma.local @!p0 [hbm:s0], s1  }
0x1a4: {  	s0 =	simm.s32 @!p0 $0x5  }
0x1a5: {  	_ =	swait.ge @!p0 [sflag:s0], s1  }
0x1a6: {  	s1 =	ssub.s32 @!p0 $0x0, s1;
	[sflag:s0] =	ssyncset.done @!p0 $0x0  }
0x1a7: {  	[sflag:s0] =	ssyncadd.s32 @!p0 s1  }
0x1a8: {  	[bflag:$0x3] =	sbarrier.arrive $0xFFFF  }
0x1a9: {  	_ =	shalt  }

// kernel: kernel.14.cloned.1.call-start
scs
__scs_entry_jumppad:
0x0: {  	(pc) =	sbr.rel $0x88, $3  }
0x1: {  	(tag) =	ssettag $0x0;
	lr =	simm.s32 $0x1  }
0x2: {  	[smem:$0x3F92] =	sst lr;
	_ =	strace $0xD0000000  }
0x3: {  	_ = 	snop  }
0x4: {  	_ = 	snop  }
0x5: {  	_ = 	snop  }
0x6: {  	_ = 	snop  }
0x7: {  	_ = 	snop  }
__scs_overlays_trampoline_lowered:
0x8: {  	[smem:$0x3FA1] =	sst s0  }
0x9: {  	[smem:$0x3FA2] =	sst s1  }
0xa: {  	[smem:$0x3FA3] =	sst s2  }
0xb: {  	[smem:$0x3FA4] =	sst s3  }
0xc: {  	[smem:$0x3FA5] =	sst s4  }
0xd: {  	[smem:$0x3FA6] =	sst s5  }
0xe: {  	[smem:$0x3FA7] =	sst s6  }
0xf: {  	[smem:$0x3FA8] =	sst s7  }
0x10: {  	[smem:$0x3FA9] =	sst s8  }
0x11: {  	[smem:$0x3FAA] =	sst s9;
	s0 =	simm.s32 @!p0 $0x0  }
0x12: {  	s1 =	sld [smem:$0x3F90];
	s0 =	simm.s32 @p0 $0x1  }
0x13: {  	[smem:$0x3FAB] =	sst s0;
	s0 =	simm.s32 @!p1 $0x0  }
0x14: {  	s2 =	sld [smem:$0x3F8F];
	s0 =	simm.s32 @p1 $0x1  }
0x15: {  	[smem:$0x3FAC] =	sst s0;
	s0 =	simm.s32 @!p2 $0x0  }
0x16: {  	s3 =	sld [smem:$0x3FDB];
	s0 =	simm.s32 @p2 $0x1  }
0x17: {  	s4 =	simm.s32 $0x1BF5;
	[smem:$0x3FAE] =	sst s0  }
0x18: {  	s0 =	sld [smem:$0x3F91];
	_ =	swait.ge [sflag:s4], $0x0  }
0x19: {  	s7 =	sld [smem:$0x3F92]  }
0x1a: {  	s8 =	sadd.s32 $0xFFFFE003, lr  }
0x1b: {  	s9 =	sadd.s32 $0xFFFFFEF7, lr;
	s5 =	simm.s32 $0xFFFFFFFF;
	p2 =	slt.u32 s8, $0xFFFFF086  }
0x1c: {  	p1 =	slt.u32 s9, $0xF7A;
	s5 =	simm.s32 @!p2 $0x0  }
0x1d: {  	s5 =	simm.s32 @p1 $0x1;
	p0 =	seq.s32 s7, s2  }
0x1e: {  	s7 =	smul.u32 @!p0 $0xF7A, s2;
	p2 =	seq.s32 @!p0 s5, $0x0  }
0x1f: {  	s9 =	smul.u32 $0xF7A, s1;
	s8 =	simm.s32 @!p0 $0x1BF5;
	p2 =	por !p2, p0  }
0x20: {  	[sflag:s8] =	ssyncset.s32 @!p0 $0xFFFFF086;
	s6 =	sadd.s32 @!p0 s3, s7;
	s7 =	simm.s32 @!p0 $0x108  }
0x21: {  	s3 =	sadd.s32 s3, s9;
	s6 =	sadd.s32 @!p0 $0x88, s6;
	s7 =	simm.s32 @p2 $0x1082  }
0x22: {  	[simem:s7], [sflag:s8] =	dma.local @!p0 [hbm:s6], $0xF7A  }
0x23: {  	s9 =	sor.u32 $0xD0000000, s2;
	s6 =	simm.s32 $0x108;
	_ =	swait.ge @!p0 [sflag:s8], $0x0  }
0x24: {  	s3 =	sadd.s32 $0x88, s3;
	s6 =	simm.s32 @!p1 $0x1082;
	[sflag:s4] =	ssyncset.s32 $0xFFFFF086  }
0x25: {  	[simem:s6], [sflag:s4] =	dma.local [hbm:s3], $0xF7A  }
0x26: {  	[smem:$0x3F92] =	sst s1;
	(tag) =	ssettag s2;
	_ =	strace s9  }
0x27: {  	s1 =	sld [smem:$0x3FA2]  }
0x28: {  	s2 =	sld [smem:$0x3FA3]  }
0x29: {  	s4 =	sld [smem:$0x3FA5]  }
0x2a: {  	p0 =	seq.s32 s5, $0x0;
	s5 =	sld [smem:$0x3FA6]  }
0x2b: {  	s6 =	sld [smem:$0x3FA7]  }
0x2c: {  	s7 =	sld [smem:$0x3FA8]  }
0x2d: {  	s3 =	simm.s32 $0x108;
	s8 =	sld [smem:$0x3FA9]  }
0x2e: {  	s3 =	simm.s32 @!p0 $0x1082;
	s9 =	sld [smem:$0x3FAA]  }
0x2f: {  	lr =	sadd.s32 s0, s3;
	s0 =	sld [smem:$0x3FA1]  }
0x30: {  	s3 =	sld [smem:$0x3FA4]  }
0x31: {  	[smem:$0x3FAD] =	sst s10  }
0x32: {  	s10 =	sld [smem:$0x3FAB];
	_ =	sdelay $0x3  }
0x33: {  	p0 =	seq.s32 s10, $0x1;
	s10 =	sld [smem:$0x3FAD];
	_ =	sdelay $0x3  }
0x34: {  	[smem:$0x3FAD] =	sst s10  }
0x35: {  	s10 =	sld [smem:$0x3FAC];
	_ =	sdelay $0x3  }
0x36: {  	p1 =	seq.s32 s10, $0x1;
	s10 =	sld [smem:$0x3FAD];
	_ =	sdelay $0x3  }
0x37: {  	[smem:$0x3FAD] =	sst s10  }
0x38: {  	s10 =	sld [smem:$0x3FAE]  }
0x39: {  	_ = 	snop;
	(pc) =	sbr.ind lr, $3  }
0x3a: {  	_ = 	snop  }
0x3b: {  	_ = 	snop  }
0x3c: {  	p2 =	seq.s32 s10, $0x1;
	s10 =	sld [smem:$0x3FAD]  }
0x3d: {  	_ =	shalt  }
0x3e: {  	_ =	shalt  }
0x3f: {  	_ =	shalt  }
0x40: {  	_ =	shalt  }
0x41: {  	_ =	shalt  }
0x42: {  	_ =	shalt  }
0x43: {  	_ =	shalt  }
0x44: {  	_ =	shalt  }
0x45: {  	_ =	shalt  }
0x46: {  	_ =	shalt  }
0x47: {  	_ =	shalt  }
0x48: {  	_ =	shalt  }
0x49: {  	_ =	shalt  }
0x4a: {  	_ =	shalt  }
0x4b: {  	_ =	shalt  }
0x4c: {  	_ =	shalt  }
0x4d: {  	_ =	shalt  }
0x4e: {  	_ =	shalt  }
0x4f: {  	_ =	shalt  }
0x50: {  	_ =	shalt  }
0x51: {  	_ =	shalt  }
0x52: {  	_ =	shalt  }
0x53: {  	_ =	shalt  }
0x54: {  	_ =	shalt  }
0x55: {  	_ =	shalt  }
0x56: {  	_ =	shalt  }
0x57: {  	_ =	shalt  }
0x58: {  	_ =	shalt  }
0x59: {  	_ =	shalt  }
0x5a: {  	_ =	shalt  }
0x5b: {  	_ =	shalt  }
0x5c: {  	_ =	shalt  }
0x5d: {  	_ =	shalt  }
0x5e: {  	_ =	shalt  }
0x5f: {  	_ =	shalt  }
0x60: {  	_ =	shalt  }
0x61: {  	_ =	shalt  }
0x62: {  	_ =	shalt  }
0x63: {  	_ =	shalt  }
0x64: {  	_ =	shalt  }
0x65: {  	_ =	shalt  }
0x66: {  	_ =	shalt  }
0x67: {  	_ =	shalt  }
0x68: {  	_ =	shalt  }
0x69: {  	_ =	shalt  }
0x6a: {  	_ =	shalt  }
0x6b: {  	_ =	shalt  }
0x6c: {  	_ =	shalt  }
0x6d: {  	_ =	shalt  }
0x6e: {  	_ =	shalt  }
0x6f: {  	_ =	shalt  }
0x70: {  	_ =	shalt  }
0x71: {  	_ =	shalt  }
0x72: {  	_ =	shalt  }
0x73: {  	_ =	shalt  }
0x74: {  	_ =	shalt  }
0x75: {  	_ =	shalt  }
0x76: {  	_ =	shalt  }
0x77: {  	_ =	shalt  }
0x78: {  	_ =	shalt  }
0x79: {  	_ =	shalt  }
0x7a: {  	_ =	shalt  }
0x7b: {  	_ =	shalt  }
0x7c: {  	_ =	shalt  }
0x7d: {  	_ =	shalt  }
0x7e: {  	_ =	shalt  }
0x7f: {  	_ =	shalt  }
0x80: {  	_ =	shalt  }
0x81: {  	_ =	shalt  }
0x82: {  	_ =	shalt  }
0x83: {  	_ =	shalt  }
0x84: {  	_ =	shalt  }
0x85: {  	_ =	shalt  }
0x86: {  	_ =	shalt  }
0x87: {  	_ =	shalt  }
.Lfunc_end0:
.L_simem_size_0:
called_computation.2_lowered:
.L_overlay_start_0:
0x88: {  	s2 =	sld [smem:$0x3FD9]  }
0x89: {  	s3 =	sld [smem:$0x3FFE];
	_ =	sdelay $0x1  }
0x8a: {  	s1 =	srdreg.scid  }
0x8b: {  	s0 =	sand.u32 $0x1, s1  }
0x8c: {  	s14 =	sshll.u32 s0, $0xA;
	s2 =	sadd.s32 s3, s2  }
0x8d: {  	s2 =	sadd.s32 s2, s14  }
0x8e: {  	[smem:$0x3FB9] =	sst s2  }
0x8f: {  	_ = 	snop  }
0x90: {  	s2 =	sld [smem:$0x3FD0];
	_ =	sdelay $0x2  }
0x91: {  	s15 =	simm.s32 $0xA;
	s4 =	simm.s32 $0x10  }
0x92: {  	[smem:s4], [sflag:s15] =	dma.local [hbm:s2], $0x1  }
0x93: {  	_ =	swait.eq [sflag:s15], $0x1  }
0x94: {  	s16 =	sld [smem:$0x10];
	[sflag:s15] =	ssyncset.done $0x0  }
0x95: {  	s17 =	sld [smem:$0x11];
	[sflag:s15] =	ssyncadd.s32 $0xFFFFFFFF  }
0x96: {  	s18 =	sld [smem:$0x12];
	(tm) =	ssettm $0x1  }
0x97: {  	s5 =	sld [smem:$0x3FFB];
	_ =	sdelay $0x3  }
0x98: {  	_ =	strace s5  }
0x99: {  	s5 =	sld [smem:$0x3FFC];
	_ =	sdelay $0x3  }
0x9a: {  	_ =	strace s5  }
0x9b: {  	s5 =	sld [smem:$0x3FFD];
	_ =	sdelay $0x3  }
0x9c: {  	_ =	strace s5  }
0x9d: {  	_ =	strace $0x8FFFFFFF  }
0x9e: {  	s19 =	sld [smem:$0x3FDB];
	_ =	sdelay $0x1  }
0x9f: {  	s6 =	simm.s32 $_scs_section_size  }
0xa0: {  	s7 =	simm.s32 $_size__tile_overlayer_lowered;
	s8 =	simm.s32 $_tile_overlayer_lowered  }
0xa1: {  	s22 =	simm.s32 $0x1BFF;
	s21 =	sshll.u32 s8, $0x1;
	s5 =	sadd.s32 s6, s19  }
0xa2: {  	s9 =	simm.s32 $0x0;
	s20 =	sshll.u32 s7, $0x1;
	s7 =	sadd.s32 s21, s5  }
0xa3: {  	[timem:s9], [sflag:s22] =	dma.local [hbm:s7], s20  }
0xa4: {  	_ =	swait.ge [sflag:s22], s20  }
0xa5: {  	s6 =	ssub.s32 $0x0, s20;
	[sflag:s22] =	ssyncset.done $0x0  }
0xa6: {  	[sflag:s22] =	ssyncadd.s32 s6;
	_ =	sdelay $0x1  }
0xa7: {  	s23 =	simm.s32 $0x1B8B  }
0xa8: {  	_ =	swait.ge [sflag:s23], $0x1  }
0xa9: {  	[sflag:s23] =	ssyncset.done $0x0  }
0xaa: {  	s25 =	simm.s32 $0x1B8E;
	s24 =	sld [smem:$0x3FFE];
	[sflag:s23] =	ssyncadd.s32 $0xFFFFFFFF  }
0xab: {  	s26 =	simm.s32 $execute0_lowered;
	[smem:$0x3FD2] =	sst s25  }
0xac: {  	s7 =	sshll.u32 s26, $0x1;
	_ =	strace $0x8000004C;
	[dreg:$0x1] =	wrdreg $0xFFFFFFFF  }
0xad: {  	s28 =	simm.s32 $_size_execute0_lowered;
	s5 =	sadd.s32 s5, s7;
	[dreg:$0x0] =	wrdreg $0x0  }
0xae: {  	s7 =	sshll.u32 s28, $0x1;
	[dreg:$0x2] =	wrdreg s5  }
0xaf: {  	[dreg:$0x3] =	wrdreg s7  }
0xb0: {  	[dreg:$0x4] =	wrdreg $0xC0  }
0xb1: {  	_ =	task [dreg:s9], $0x5FFFF  }
0xb2: {  	[dreg:$0x1] =	wrdreg $0xFFFFFFFF  }
0xb3: {  	[dreg:$0x0] =	wrdreg $0x60  }
0xb4: {  	[dreg:$0x2] =	wrdreg s24  }
0xb5: {  	[dreg:$0x3] =	wrdreg s16  }
0xb6: {  	[dreg:$0x4] =	wrdreg s17  }
0xb7: {  	[dreg:$0x5] =	wrdreg s18  }
0xb8: {  	[dreg:$0x6] =	wrdreg $0x150000  }
0xb9: {  	[dreg:$0x7] =	wrdreg $0x9  }
0xba: {  	_ =	task.clear_ibuf [dreg:s9], $0x8FFFF;
	_ =	strace $0x9000004C  }
0xbb: {  	s29 =	simm.s32 $0x9;
	_ =	strace $0x8000004E  }
0xbc: {  	_ =	swait.ge [sflag:s29], $0x1  }
0xbd: {  	[sflag:s29] =	ssyncadd.s32 $0xFFFFFFFF  }
0xbe: {  	_ =	strace $0x9000004E  }
0xbf: {  	_ =	sfence  }
0xc0: {  	s30 =	sld [smem:$0x0];
	_ =	sdelay $0x2  }
0xc1: {  	s31 =	sshll.u32 s1, $0xD;
	s1 =	sshrl.u32 s1, $0x2  }
0xc2: {  	s3 =	sand.u32 $0x4000, s31;
	s1 =	sadd.s32 s1, s30  }
0xc3: {  	s0 =	sor.u32 s3, s0;
	s1 =	sshll.u32 s1, $0x11  }
0xc4: {  	s0 =	sor.u32 s1, s0  }
0xc5: {  	s0 =	sadd.s32 $0x8F2B, s0  }
0xc6: {  	[sflag:s0] =	ssyncadd.remote.s32 $0x1  }
0xc7: {  	_ =	sfence.sel $0xFFFF  }
0xc8: {  	[dreg:$0x0] =	wrdreg $0xFFFFFFFF;
	(pc) =	sbr.abs _section_cstart, $3  }
0xc9: {  	[dreg:$0x1] =	wrdreg $0xFFFFFFFF  }
0xca: {  	_ =	task.clear_ibuf [dreg:s9], $0x2FFFF;
	_ =	strace $0x9FFFFFFF  }
0xcb: {  	(tm) =	ssettm $0x7FFFFFFF  }
tec
execute0_lowered:
.L_overlay_start_1:
0x0: {  	(tag) =	ssettag $0x1  }
0x1: {  	s0 =	rddreg [dreg:$0x0]  }
0x2: {  	s1 =	rddreg [dreg:$0x1]  }
0x3: {  	s5 =	rddreg [dreg:$0x2]  }
0x4: {  	s7 =	rddreg [dreg:$0x3]  }
0x5: {  	s2 =	rddreg [dreg:$0x4]  }
0x6: {  	s3 =	simm.s32 $0x0;
	s19 =	stileid.u32;
	s4 =	srdreg.scid  }
0x7: {  	s14 =	simm.s32 $0x80;
	s15 =	simm.s32 $0x5000;
	s16 =	simm.s32 $0x6000  }
0x8: {  	s18 =	simm.s32 $0x7000;
	s29 =	simm.s32 $0xC000;
	s30 =	simm.s32 $0x1  }
0x9: {  	s31 =	simm.s32 $0xD000;
	s13 =	simm.s32 $0x10000;
	s17 =	simm.s32 $0x11000  }
0xa: {  	s28 =	simm.s32 $0x3;
	[smem:$0x7FF] =	sst s3;
	s8 =	smul.u32 $0x4F00, s19  }
0xb: {  	s6 =	sand.u32 $0x1, s4;
	s4 =	sadd.s32 $0xA0A00, s0;
	s23 =	sshll.u32 s19, $0x6  }
0xc: {  	_ =	strace $0x8000004D;
	s10 =	ssub.s32 $0x2, s6;
	s11 =	sshll.u32 s6, $0x4  }
0xd: {  	s22 =	smul.u32 $0x4F000, s6;
	s6 =	sor.u32 $0x1C05, s23;
	s23 =	simm.s32 $0x14000  }
0xe: {  	s9 =	sshrl.u32 s8, $0x3;
	s20 =	sshrl.u32 s10, $0x1;
	s21 =	sor.u32 s19, s11  }
0xf: {  	s12 =	sadd.s32 s8, s2;
	s19 =	simm.s32 $0x12000;
	[dreg:$0x7] =	wrdreg s6  }
0x10: {  	s0 =	sadd.s32 s9, s0;
	s9 =	ssub.s32 s10, s20;
	s10 =	smul.u32 $0x500, s21  }
0x11: {  	s24 =	sadd.s32 s8, s22;
	s20 =	simm.s32 $0x8000;
	s22 =	simm.s32 $0x9000  }
0x12: {  	s21 =	simm.s32 $0x13000;
	s8 =	simm.s32 $0x0;
	s0 =	sadd.s32 $0xAA800, s0  }
0x13: {  	s26 =	smax.u32 s9, $0x1;
	[dreg:$0x6] =	wrdreg s0;
	s1 =	sadd.s32 s1, s10  }
0x14: {  	s25 =	sadd.s32 s5, s10;
	s0 =	sshrl.u32 s24, $0x3;
	[dreg:$0xb] =	wrdreg s26  }
0x15: {  	s5 =	sshrl.u32 s12, $0x3;
	s24 =	simm.s32 $0xA000;
	[dreg:$0x8] =	wrdreg s1  }
0x16: {  	s26 =	simm.s32 $0xB000;
	[dreg:$0x9] =	wrdreg s25;
	s0 =	sadd.s32 s7, s0  }
0x17: {  	s7 =	simm.s32 $0x5;
	s1 =	simm.s32 $0xF000;
	[dreg:$0xc] =	wrdreg s5  }
0x18: {  	s25 =	simm.s32 $0x2;
	[dreg:$0xa] =	wrdreg s0;
	s0 =	simm.s32 $0xE000  }
.LBB2_1:
0x19: {  	[dreg:$0xd] =	wrdreg s8  }
0x1a: {  	s3 =	rddreg [dreg:$0x6]  }
0x1b: {  	[spmem:s5], [sflag:s6] =	dma.local [hbm:s3], $0x9E0  }
0x1c: {  	_ =	swait.ge [sflag:s7], $0x9E0  }
0x1d: {  	[sflag:s7] =	ssyncset.done $0x0  }
0x1e: {  	s9 =	simm.s32 $0x0;
	s10 =	rddreg [dreg:$0x8];
	[sflag:s7] =	ssyncadd.s32 $0xFFFFF620  }
0x1f: {  	[tilespmem:s9], [sflag:$0x5] =	stream.linear.gather [hbm4b:s10+s9], $0x2800, $0x38;
	[tilespmem:$0x19F00] =	vst v63  }
0x20: {  	_ =	swait.ge [sflag:s7], $0x2800  }
0x21: {  	[sflag:s7] =	ssyncset.done $0x0  }
0x22: {  	s12 =	simm.s32 $0x2800;
	s11 =	rddreg [dreg:$0x9];
	[sflag:s7] =	ssyncadd.s32 $0xFFFFD800  }
0x23: {  	[tilespmem:s12], [sflag:$0x5] =	stream.linear.gather [hbm4b:s11+s9], $0x2800, $0x38;
	[tilespmem:$0x19F00] =	vst v63  }
0x24: {  	_ =	swait.ge [sflag:s7], $0x2800  }
0x25: {  	[sflag:s7] =	ssyncset.done $0x0  }
0x26: {  	[sflag:s7] =	ssyncadd.s32 $0xFFFFD800  }
0x27: {  	[bflag:$0x0] =	sbarrier.arrive $0xFFFF  }
0x28: {  	[tilespmem:s15], [sflag:$0x1] =	stream.indirect.gather [hbm4b:s4+s14], $0x20, s9, s14, $0xb8;
	[tilespmem:$0x19F00] =	vst v63  }
0x29: {  	_ = 	snop  }
0x2a: {  	[tilespmem:s16], [sflag:$0x1] =	stream.indirect.gather [hbm4b:s4+s14], $0x20, s14, s14, $0xb8;
	[tilespmem:$0x19F00] =	vst v63  }
0x2b: {  	s7 =	simm.s32 $0x100  }
0x2c: {  	[tilespmem:s18], [sflag:$0x1] =	stream.indirect.gather [hbm4b:s4+s14], $0x20, s7, s14, $0xb8;
	[tilespmem:$0x19F00] =	vst v63  }
0x2d: {  	s8 =	simm.s32 $0x180  }
0x2e: {  	[tilespmem:s20], [sflag:$0x1] =	stream.indirect.gather [hbm4b:s4+s14], $0x20, s8, s14, $0xb8;
	[tilespmem:$0x19F00] =	vst v63  }
0x2f: {  	s9 =	simm.s32 $0x200  }
0x30: {  	[tilespmem:s22], [sflag:$0x1] =	stream.indirect.gather [hbm4b:s4+s14], $0x20, s9, s14, $0xb8;
	[tilespmem:$0x19F00] =	vst v63  }
0x31: {  	s10 =	simm.s32 $0x280  }
0x32: {  	[tilespmem:s24], [sflag:$0x1] =	stream.indirect.gather [hbm4b:s4+s14], $0x20, s10, s14, $0xb8;
	[tilespmem:$0x19F00] =	vst v63  }
0x33: {  	s11 =	simm.s32 $0x300  }
0x34: {  	[tilespmem:s26], [sflag:$0x1] =	stream.indirect.gather [hbm4b:s4+s14], $0x20, s11, s14, $0xb8;
	[tilespmem:$0x19F00] =	vst v63  }
0x35: {  	s12 =	simm.s32 $0x380  }
0x36: {  	[tilespmem:s29], [sflag:$0x1] =	stream.indirect.gather [hbm4b:s4+s14], $0x20, s12, s14, $0xb8;
	[tilespmem:$0x19F00] =	vst v63  }
0x37: {  	_ =	swait.ge [sflag:s30], $0x1000  }
0x38: {  	[sflag:s30] =	ssyncset.done $0x0  }
0x39: {  	[sflag:s30] =	ssyncadd.s32 $0xFFFFF000  }
0x3a: {  	_ =	swait.ge [sflag:s30], $0x1000  }
0x3b: {  	[sflag:s30] =	ssyncset.done $0x0  }
0x3c: {  	[sflag:s30] =	ssyncadd.s32 $0xFFFFF000  }
0x3d: {  	_ =	swait.ge [sflag:s30], $0x1000  }
0x3e: {  	[sflag:s30] =	ssyncset.done $0x0  }
0x3f: {  	[sflag:s30] =	ssyncadd.s32 $0xFFFFF000  }
0x40: {  	_ =	swait.ge [sflag:s30], $0x1000  }
0x41: {  	[sflag:s30] =	ssyncset.done $0x0  }
0x42: {  	[sflag:s30] =	ssyncadd.s32 $0xFFFFF000  }
0x43: {  	_ =	swait.ge [sflag:s30], $0x1000  }
0x44: {  	[sflag:s30] =	ssyncset.done $0x0  }
0x45: {  	[sflag:s30] =	ssyncadd.s32 $0xFFFFF000  }
0x46: {  	_ =	swait.ge [sflag:s30], $0x1000  }
0x47: {  	[sflag:s30] =	ssyncset.done $0x0  }
0x48: {  	[sflag:s30] =	ssyncadd.s32 $0xFFFFF000  }
0x49: {  	_ =	swait.ge [sflag:s30], $0x1000  }
0x4a: {  	[sflag:s30] =	ssyncset.done $0x0  }
0x4b: {  	[sflag:s30] =	ssyncadd.s32 $0xFFFFF000  }
0x4c: {  	_ =	swait.ge [sflag:s30], $0x1000  }
0x4d: {  	p0 =	por $0x1, $0x1;
	[sflag:s30] =	ssyncset.done $0x0  }
0x4e: {  	s8 =	simm.s32 @!p0 $0x4;
	[sflag:s30] =	ssyncadd.s32 $0xFFFFF000  }
0x4f: {  	_ =	swait.ge @!p0 [sflag:s8], $0x1000  }
0x50: {  	[sflag:s8] =	ssyncset.done @!p0 $0x0  }
0x51: {  	[sflag:s8] =	ssyncadd.s32 @!p0 $0xFFFFF000  }
0x52: {  	_ =	swait.ge @!p0 [sflag:s8], $0x1000  }
0x53: {  	[sflag:s8] =	ssyncset.done @!p0 $0x0  }
0x54: {  	[sflag:s8] =	ssyncadd.s32 @!p0 $0xFFFFF000  }
0x55: {  	_ =	swait.ge @!p0 [sflag:s8], $0x1000  }
0x56: {  	[sflag:s8] =	ssyncset.done @!p0 $0x0  }
0x57: {  	[sflag:s8] =	ssyncadd.s32 @!p0 $0xFFFFF000  }
0x58: {  	_ =	swait.ge @!p0 [sflag:s8], $0x1000  }
0x59: {  	[sflag:s8] =	ssyncset.done @!p0 $0x0  }
0x5a: {  	[sflag:s8] =	ssyncadd.s32 @!p0 $0xFFFFF000  }
0x5b: {  	_ =	swait.ge @!p0 [sflag:s8], $0x1000  }
0x5c: {  	[sflag:s8] =	ssyncset.done @!p0 $0x0  }
0x5d: {  	[sflag:s8] =	ssyncadd.s32 @!p0 $0xFFFFF000  }
0x5e: {  	_ =	swait.ge @!p0 [sflag:s8], $0x1000  }
0x5f: {  	[sflag:s8] =	ssyncset.done @!p0 $0x0  }
0x60: {  	[sflag:s8] =	ssyncadd.s32 @!p0 $0xFFFFF000  }
0x61: {  	_ =	swait.ge @!p0 [sflag:s8], $0x1000  }
0x62: {  	[sflag:s8] =	ssyncset.done @!p0 $0x0  }
0x63: {  	[sflag:s8] =	ssyncadd.s32 @!p0 $0xFFFFF000  }
0x64: {  	_ =	swait.ge @!p0 [sflag:s8], $0x1000  }
0x65: {  	[sflag:s8] =	ssyncset.done @!p0 $0x0  }
0x66: {  	s5 =	simm.s32 $0x400;
	[sflag:s8] =	ssyncadd.s32 @!p0 $0xFFFFF000  }
0x67: {  	[tilespmem:s31], [sflag:$0x2] =	stream.indirect.gather [hbm4b:s4+s14], $0x20, s5, s14, $0xb8;
	[tilespmem:$0x19F00] =	vst v63  }
0x68: {  	s6 =	simm.s32 $0x480  }
0x69: {  	[tilespmem:s0], [sflag:$0x2] =	stream.indirect.gather [hbm4b:s4+s14], $0x20, s6, s14, $0xb8;
	[tilespmem:$0x19F00] =	vst v63  }
0x6a: {  	s7 =	simm.s32 $0x500  }
0x6b: {  	[tilespmem:s1], [sflag:$0x2] =	stream.indirect.gather [hbm4b:s4+s14], $0x20, s7, s14, $0xb8;
	[tilespmem:$0x19F00] =	vst v63  }
0x6c: {  	s9 =	simm.s32 $0x580  }
0x6d: {  	[tilespmem:s13], [sflag:$0x2] =	stream.indirect.gather [hbm4b:s4+s14], $0x20, s9, s14, $0xb8;
	[tilespmem:$0x19F00] =	vst v63  }
0x6e: {  	s10 =	simm.s32 $0x600  }
0x6f: {  	[tilespmem:s17], [sflag:$0x2] =	stream.indirect.gather [hbm4b:s4+s14], $0x20, s10, s14, $0xb8;
	[tilespmem:$0x19F00] =	vst v63  }
0x70: {  	s11 =	simm.s32 $0x680  }
0x71: {  	[tilespmem:s19], [sflag:$0x2] =	stream.indirect.gather [hbm4b:s4+s14], $0x20, s11, s14, $0xb8;
	[tilespmem:$0x19F00] =	vst v63  }
0x72: {  	s12 =	simm.s32 $0x700  }
0x73: {  	[tilespmem:s21], [sflag:$0x2] =	stream.indirect.gather [hbm4b:s4+s14], $0x20, s12, s14, $0xb8;
	[tilespmem:$0x19F00] =	vst v63  }
0x74: {  	s3 =	simm.s32 $0x780  }
0x75: {  	[tilespmem:s23], [sflag:$0x2] =	stream.indirect.gather [hbm4b:s4+s14], $0x20, s3, s14, $0xb8;
	[tilespmem:$0x19F00] =	vst v63  }
0x76: {  	s5 =	simm.s32 $0x2800  }
0x77: {  	[spmem:s2] =	stream.indirect.scatter.add.f32 [tilespmem:s15], [sflag:$0x3], $0x20, s5, s14, $0xb8;
	[tilespmem:$0x19F00] =	vst v63  }
0x78: {  	s6 =	simm.s32 $0x2880  }
0x79: {  	[spmem:s2] =	stream.indirect.scatter.add.f32 [tilespmem:s16], [sflag:$0x3], $0x20, s6, s14, $0xb8;
	[tilespmem:$0x19F00] =	vst v63  }
0x7a: {  	s7 =	simm.s32 $0x2900  }
0x7b: {  	[spmem:s2] =	stream.indirect.scatter.add.f32 [tilespmem:s18], [sflag:$0x3], $0x20, s7, s14, $0xb8;
	[tilespmem:$0x19F00] =	vst v63  }
0x7c: {  	s9 =	simm.s32 $0x2980  }
0x7d: {  	[spmem:s2] =	stream.indirect.scatter.add.f32 [tilespmem:s20], [sflag:$0x3], $0x20, s9, s14, $0xb8;
	[tilespmem:$0x19F00] =	vst v63  }
0x7e: {  	s10 =	simm.s32 $0x2A00  }
0x7f: {  	[spmem:s2] =	stream.indirect.scatter.add.f32 [tilespmem:s22], [sflag:$0x3], $0x20, s10, s14, $0xb8;
	[tilespmem:$0x19F00] =	vst v63  }
0x80: {  	s11 =	simm.s32 $0x2A80  }
0x81: {  	[spmem:s2] =	stream.indirect.scatter.add.f32 [tilespmem:s24], [sflag:$0x3], $0x20, s11, s14, $0xb8;
	[tilespmem:$0x19F00] =	vst v63  }
0x82: {  	s12 =	simm.s32 $0x2B00  }
0x83: {  	[spmem:s2] =	stream.indirect.scatter.add.f32 [tilespmem:s26], [sflag:$0x3], $0x20, s12, s14, $0xb8;
	[tilespmem:$0x19F00] =	vst v63  }
0x84: {  	s3 =	simm.s32 $0x2B80  }
0x85: {  	[spmem:s2] =	stream.indirect.scatter.add.f32 [tilespmem:s29], [sflag:$0x3], $0x20, s3, s14, $0xb8;
	[tilespmem:$0x19F00] =	vst v63  }
0x86: {  	_ =	swait.ge [sflag:s25], $0x1000  }
0x87: {  	[sflag:s25] =	ssyncset.done $0x0  }
0x88: {  	[sflag:s25] =	ssyncadd.s32 $0xFFFFF000  }
0x89: {  	_ =	swait.ge [sflag:s25], $0x1000  }
0x8a: {  	[sflag:s25] =	ssyncset.done $0x0  }
0x8b: {  	[sflag:s25] =	ssyncadd.s32 $0xFFFFF000  }
0x8c: {  	_ =	swait.ge [sflag:s25], $0x1000  }
0x8d: {  	[sflag:s25] =	ssyncset.done $0x0  }
0x8e: {  	[sflag:s25] =	ssyncadd.s32 $0xFFFFF000  }
0x8f: {  	_ =	swait.ge [sflag:s25], $0x1000  }
0x90: {  	[sflag:s25] =	ssyncset.done $0x0  }
0x91: {  	[sflag:s25] =	ssyncadd.s32 $0xFFFFF000  }
0x92: {  	_ =	swait.ge [sflag:s25], $0x1000  }
0x93: {  	[sflag:s25] =	ssyncset.done $0x0  }
0x94: {  	[sflag:s25] =	ssyncadd.s32 $0xFFFFF000  }
0x95: {  	_ =	swait.ge [sflag:s25], $0x1000  }
0x96: {  	[sflag:s25] =	ssyncset.done $0x0  }
0x97: {  	[sflag:s25] =	ssyncadd.s32 $0xFFFFF000  }
0x98: {  	_ =	swait.ge [sflag:s25], $0x1000  }
0x99: {  	[sflag:s25] =	ssyncset.done $0x0  }
0x9a: {  	[sflag:s25] =	ssyncadd.s32 $0xFFFFF000  }
0x9b: {  	_ =	swait.ge [sflag:s25], $0x1000  }
0x9c: {  	[sflag:s25] =	ssyncset.done $0x0  }
0x9d: {  	[sflag:s25] =	ssyncadd.s32 $0xFFFFF000  }
0x9e: {  	_ =	swait.ge [sflag:s28], $0x1000  }
0x9f: {  	[sflag:s28] =	ssyncset.done $0x0  }
0xa0: {  	[sflag:s28] =	ssyncadd.s32 $0xFFFFF000  }
0xa1: {  	_ =	swait.ge [sflag:s28], $0x1000  }
0xa2: {  	[sflag:s28] =	ssyncset.done $0x0  }
0xa3: {  	[sflag:s28] =	ssyncadd.s32 $0xFFFFF000  }
0xa4: {  	_ =	swait.ge [sflag:s28], $0x1000  }
0xa5: {  	[sflag:s28] =	ssyncset.done $0x0  }
0xa6: {  	[sflag:s28] =	ssyncadd.s32 $0xFFFFF000  }
0xa7: {  	_ =	swait.ge [sflag:s28], $0x1000  }
0xa8: {  	[sflag:s28] =	ssyncset.done $0x0  }
0xa9: {  	[sflag:s28] =	ssyncadd.s32 $0xFFFFF000  }
0xaa: {  	_ =	swait.ge [sflag:s28], $0x1000  }
0xab: {  	[sflag:s28] =	ssyncset.done $0x0  }
0xac: {  	[sflag:s28] =	ssyncadd.s32 $0xFFFFF000  }
0xad: {  	_ =	swait.ge [sflag:s28], $0x1000  }
0xae: {  	[sflag:s28] =	ssyncset.done $0x0  }
0xaf: {  	[sflag:s28] =	ssyncadd.s32 $0xFFFFF000  }
0xb0: {  	_ =	swait.ge [sflag:s28], $0x1000  }
0xb1: {  	[sflag:s28] =	ssyncset.done $0x0  }
0xb2: {  	[sflag:s28] =	ssyncadd.s32 $0xFFFFF000  }
0xb3: {  	p0 =	por $0x0, $0x0;
	_ =	swait.ge [sflag:s28], $0x1000  }
0xb4: {  	s8 =	simm.s32 @!p0 $0x5000;
	[sflag:s28] =	ssyncset.done $0x0  }
0xb5: {  	s9 =	simm.s32 @!p0 $0x800;
	s10 =	simm.s32 @!p0 $0x80;
	[sflag:s28] =	ssyncadd.s32 $0xFFFFF000  }
0xb6: {  	[tilespmem:s8], [sflag:$0x1] =	stream.indirect.gather @!p0 [hbm4b:s4+s10], $0x20, s9, s10, $0xb8;
	[tilespmem:$0x19F00] =	vst v63  }
0xb7: {  	s8 =	simm.s32 @!p0 $0x880;
	s9 =	simm.s32 @!p0 $0x6000  }
0xb8: {  	[tilespmem:s9], [sflag:$0x1] =	stream.indirect.gather @!p0 [hbm4b:s4+s10], $0x20, s8, s10, $0xb8;
	[tilespmem:$0x19F00] =	vst v63  }
0xb9: {  	s8 =	simm.s32 @!p0 $0x900;
	s9 =	simm.s32 @!p0 $0x7000  }
0xba: {  	[tilespmem:s9], [sflag:$0x1] =	stream.indirect.gather @!p0 [hbm4b:s4+s10], $0x20, s8, s10, $0xb8;
	[tilespmem:$0x19F00] =	vst v63  }
0xbb: {  	s8 =	simm.s32 @!p0 $0x980;
	s9 =	simm.s32 @!p0 $0x8000  }
0xbc: {  	[tilespmem:s9], [sflag:$0x1] =	stream.indirect.gather @!p0 [hbm4b:s4+s10], $0x20, s8, s10, $0xb8;
	[tilespmem:$0x19F00] =	vst v63  }
0xbd: {  	s8 =	simm.s32 @!p0 $0xA00;
	s9 =	simm.s32 @!p0 $0x9000  }
0xbe: {  	[tilespmem:s9], [sflag:$0x1] =	stream.indirect.gather @!p0 [hbm4b:s4+s10], $0x20, s8, s10, $0xb8;
	[tilespmem:$0x19F00] =	vst v63  }
0xbf: {  	s8 =	simm.s32 @!p0 $0xA80;
	s9 =	simm.s32 @!p0 $0xA000  }
0xc0: {  	[tilespmem:s9], [sflag:$0x1] =	stream.indirect.gather @!p0 [hbm4b:s4+s10], $0x20, s8, s10, $0xb8;
	[tilespmem:$0x19F00] =	vst v63  }
0xc1: {  	s8 =	simm.s32 @!p0 $0xB00;
	s9 =	simm.s32 @!p0 $0xB000  }
0xc2: {  	[tilespmem:s9], [sflag:$0x1] =	stream.indirect.gather @!p0 [hbm4b:s4+s10], $0x20, s8, s10, $0xb8;
	[tilespmem:$0x19F00] =	vst v63  }
0xc3: {  	s8 =	simm.s32 @!p0 $0xB80;
	s9 =	simm.s32 @!p0 $0xC000  }
0xc4: {  	[tilespmem:s9], [sflag:$0x1] =	stream.indirect.gather @!p0 [hbm4b:s4+s10], $0x20, s8, s10, $0xb8;
	[tilespmem:$0x19F00] =	vst v63  }
0xc5: {  	s5 =	simm.s32 $0x2C00  }
0xc6: {  	[spmem:s2] =	stream.indirect.scatter.add.f32 [tilespmem:s31], [sflag:$0x4], $0x20, s5, s14, $0xb8;
	[tilespmem:$0x19F00] =	vst v63  }
0xc7: {  	s6 =	simm.s32 $0x2C80  }
0xc8: {  	[spmem:s2] =	stream.indirect.scatter.add.f32 [tilespmem:s0], [sflag:$0x4], $0x20, s6, s14, $0xb8;
	[tilespmem:$0x19F00] =	vst v63  }
0xc9: {  	s7 =	simm.s32 $0x2D00  }
0xca: {  	[spmem:s2] =	stream.indirect.scatter.add.f32 [tilespmem:s1], [sflag:$0x4], $0x20, s7, s14, $0xb8;
	[tilespmem:$0x19F00] =	vst v63  }
0xcb: {  	s9 =	simm.s32 $0x2D80  }
0xcc: {  	[spmem:s2] =	stream.indirect.scatter.add.f32 [tilespmem:s13], [sflag:$0x4], $0x20, s9, s14, $0xb8;
	[tilespmem:$0x19F00] =	vst v63  }
0xcd: {  	s10 =	simm.s32 $0x2E00  }
0xce: {  	[spmem:s2] =	stream.indirect.scatter.add.f32 [tilespmem:s17], [sflag:$0x4], $0x20, s10, s14, $0xb8;
	[tilespmem:$0x19F00] =	vst v63  }
0xcf: {  	s11 =	simm.s32 $0x2E80  }
0xd0: {  	[spmem:s2] =	stream.indirect.scatter.add.f32 [tilespmem:s19], [sflag:$0x4], $0x20, s11, s14, $0xb8;
	[tilespmem:$0x19F00] =	vst v63  }
0xd1: {  	s12 =	simm.s32 $0x2F00;
	s8 =	simm.s32 $0x2000;
	s9 =	simm.s32 $0x2F80  }
0xd2: {  	[spmem:s2] =	stream.indirect.scatter.add.f32 [tilespmem:s21], [sflag:$0x4], $0x20, s12, s14, $0xb8;
	[tilespmem:$0x19F00] =	vst v63  }
.LBB2_2:
0xd3: {  	[spmem:s2] =	stream.indirect.scatter.add.f32 [tilespmem:s23], [sflag:$0x4], $0x20, s9, s14, $0xb8;
	[tilespmem:$0x19F00] =	vst v63  }
0xd4: {  	s9 =	smov.u32 s8;
	s8 =	sadd.s32 $0x2000, s8;
	_ =	swait.ge [sflag:s30], $0x1000  }
0xd5: {  	p0 =	sne.s32 s8, $0xA000;
	[sflag:s30] =	ssyncset.done $0x0  }
0xd6: {  	[sflag:s30] =	ssyncadd.s32 $0xFFFFF000  }
0xd7: {  	_ =	swait.ge [sflag:s30], $0x1000  }
0xd8: {  	[sflag:s30] =	ssyncset.done $0x0  }
0xd9: {  	[sflag:s30] =	ssyncadd.s32 $0xFFFFF000  }
0xda: {  	_ =	swait.ge [sflag:s30], $0x1000  }
0xdb: {  	[sflag:s30] =	ssyncset.done $0x0  }
0xdc: {  	[sflag:s30] =	ssyncadd.s32 $0xFFFFF000  }
0xdd: {  	_ =	swait.ge [sflag:s30], $0x1000  }
0xde: {  	[sflag:s30] =	ssyncset.done $0x0  }
0xdf: {  	[sflag:s30] =	ssyncadd.s32 $0xFFFFF000  }
0xe0: {  	_ =	swait.ge [sflag:s30], $0x1000  }
0xe1: {  	[sflag:s30] =	ssyncset.done $0x0  }
0xe2: {  	[sflag:s30] =	ssyncadd.s32 $0xFFFFF000  }
0xe3: {  	_ =	swait.ge [sflag:s30], $0x1000  }
0xe4: {  	[sflag:s30] =	ssyncset.done $0x0  }
0xe5: {  	[sflag:s30] =	ssyncadd.s32 $0xFFFFF000  }
0xe6: {  	_ =	swait.ge [sflag:s30], $0x1000  }
0xe7: {  	[sflag:s30] =	ssyncset.done $0x0  }
0xe8: {  	[sflag:s30] =	ssyncadd.s32 $0xFFFFF000  }
0xe9: {  	_ =	swait.ge [sflag:s30], $0x1000  }
0xea: {  	p1 =	seq.s32 s9, $0x0;
	[sflag:s30] =	ssyncset.done $0x0  }
0xeb: {  	s3 =	simm.s32 @!p1 $0x4;
	[sflag:s30] =	ssyncadd.s32 $0xFFFFF000  }
0xec: {  	_ =	swait.ge @!p1 [sflag:s3], $0x1000  }
0xed: {  	[sflag:s3] =	ssyncset.done @!p1 $0x0  }
0xee: {  	[sflag:s3] =	ssyncadd.s32 @!p1 $0xFFFFF000  }
0xef: {  	_ =	swait.ge @!p1 [sflag:s3], $0x1000  }
0xf0: {  	[sflag:s3] =	ssyncset.done @!p1 $0x0  }
0xf1: {  	[sflag:s3] =	ssyncadd.s32 @!p1 $0xFFFFF000  }
0xf2: {  	_ =	swait.ge @!p1 [sflag:s3], $0x1000  }
0xf3: {  	[sflag:s3] =	ssyncset.done @!p1 $0x0  }
0xf4: {  	[sflag:s3] =	ssyncadd.s32 @!p1 $0xFFFFF000  }
0xf5: {  	_ =	swait.ge @!p1 [sflag:s3], $0x1000  }
0xf6: {  	[sflag:s3] =	ssyncset.done @!p1 $0x0  }
0xf7: {  	[sflag:s3] =	ssyncadd.s32 @!p1 $0xFFFFF000  }
0xf8: {  	_ =	swait.ge @!p1 [sflag:s3], $0x1000  }
0xf9: {  	[sflag:s3] =	ssyncset.done @!p1 $0x0  }
0xfa: {  	[sflag:s3] =	ssyncadd.s32 @!p1 $0xFFFFF000  }
0xfb: {  	_ =	swait.ge @!p1 [sflag:s3], $0x1000  }
0xfc: {  	[sflag:s3] =	ssyncset.done @!p1 $0x0  }
0xfd: {  	[sflag:s3] =	ssyncadd.s32 @!p1 $0xFFFFF000  }
0xfe: {  	_ =	swait.ge @!p1 [sflag:s3], $0x1000  }
0xff: {  	[sflag:s3] =	ssyncset.done @!p1 $0x0  }
0x100: {  	[sflag:s3] =	ssyncadd.s32 @!p1 $0xFFFFF000  }
0x101: {  	_ =	swait.ge @!p1 [sflag:s3], $0x1000  }
0x102: {  	s10 =	sshra.s32 s9, $0x2;
	[sflag:s3] =	ssyncset.done @!p1 $0x0  }
0x103: {  	[sflag:s3] =	ssyncadd.s32 @!p1 $0xFFFFF000;
	s3 =	sadd.s32 $0x400, s10  }
0x104: {  	[tilespmem:s31], [sflag:$0x2] =	stream.indirect.gather [hbm4b:s4+s14], $0x20, s3, s14, $0xb8;
	[tilespmem:$0x19F00] =	vst v63  }
0x105: {  	s3 =	sadd.s32 $0x480, s10  }
0x106: {  	[tilespmem:s0], [sflag:$0x2] =	stream.indirect.gather [hbm4b:s4+s14], $0x20, s3, s14, $0xb8;
	[tilespmem:$0x19F00] =	vst v63  }
0x107: {  	s3 =	sadd.s32 $0x500, s10  }
0x108: {  	[tilespmem:s1], [sflag:$0x2] =	stream.indirect.gather [hbm4b:s4+s14], $0x20, s3, s14, $0xb8;
	[tilespmem:$0x19F00] =	vst v63  }
0x109: {  	s3 =	sadd.s32 $0x580, s10  }
0x10a: {  	[tilespmem:s13], [sflag:$0x2] =	stream.indirect.gather [hbm4b:s4+s14], $0x20, s3, s14, $0xb8;
	[tilespmem:$0x19F00] =	vst v63  }
0x10b: {  	s3 =	sadd.s32 $0x600, s10  }
0x10c: {  	[tilespmem:s17], [sflag:$0x2] =	stream.indirect.gather [hbm4b:s4+s14], $0x20, s3, s14, $0xb8;
	[tilespmem:$0x19F00] =	vst v63  }
0x10d: {  	s3 =	sadd.s32 $0x680, s10  }
0x10e: {  	[tilespmem:s19], [sflag:$0x2] =	stream.indirect.gather [hbm4b:s4+s14], $0x20, s3, s14, $0xb8;
	[tilespmem:$0x19F00] =	vst v63  }
0x10f: {  	s3 =	sadd.s32 $0x700, s10  }
0x110: {  	[tilespmem:s21], [sflag:$0x2] =	stream.indirect.gather [hbm4b:s4+s14], $0x20, s3, s14, $0xb8;
	[tilespmem:$0x19F00] =	vst v63  }
0x111: {  	s3 =	sadd.s32 $0x780, s10  }
0x112: {  	[tilespmem:s23], [sflag:$0x2] =	stream.indirect.gather [hbm4b:s4+s14], $0x20, s3, s14, $0xb8;
	[tilespmem:$0x19F00] =	vst v63  }
0x113: {  	s3 =	sadd.s32 $0x2800, s10  }
0x114: {  	[spmem:s2] =	stream.indirect.scatter.add.f32 [tilespmem:s15], [sflag:$0x3], $0x20, s3, s14, $0xb8;
	[tilespmem:$0x19F00] =	vst v63  }
0x115: {  	s3 =	sadd.s32 $0x2880, s10  }
0x116: {  	[spmem:s2] =	stream.indirect.scatter.add.f32 [tilespmem:s16], [sflag:$0x3], $0x20, s3, s14, $0xb8;
	[tilespmem:$0x19F00] =	vst v63  }
0x117: {  	s3 =	sadd.s32 $0x2900, s10  }
0x118: {  	[spmem:s2] =	stream.indirect.scatter.add.f32 [tilespmem:s18], [sflag:$0x3], $0x20, s3, s14, $0xb8;
	[tilespmem:$0x19F00] =	vst v63  }
0x119: {  	s3 =	sadd.s32 $0x2980, s10  }
0x11a: {  	[spmem:s2] =	stream.indirect.scatter.add.f32 [tilespmem:s20], [sflag:$0x3], $0x20, s3, s14, $0xb8;
	[tilespmem:$0x19F00] =	vst v63  }
0x11b: {  	s3 =	sadd.s32 $0x2A00, s10  }
0x11c: {  	[spmem:s2] =	stream.indirect.scatter.add.f32 [tilespmem:s22], [sflag:$0x3], $0x20, s3, s14, $0xb8;
	[tilespmem:$0x19F00] =	vst v63  }
0x11d: {  	s3 =	sadd.s32 $0x2A80, s10  }
0x11e: {  	[spmem:s2] =	stream.indirect.scatter.add.f32 [tilespmem:s24], [sflag:$0x3], $0x20, s3, s14, $0xb8;
	[tilespmem:$0x19F00] =	vst v63  }
0x11f: {  	s3 =	sadd.s32 $0x2B00, s10  }
0x120: {  	[spmem:s2] =	stream.indirect.scatter.add.f32 [tilespmem:s26], [sflag:$0x3], $0x20, s3, s14, $0xb8;
	[tilespmem:$0x19F00] =	vst v63  }
0x121: {  	s3 =	sadd.s32 $0x2B80, s10  }
0x122: {  	[spmem:s2] =	stream.indirect.scatter.add.f32 [tilespmem:s29], [sflag:$0x3], $0x20, s3, s14, $0xb8;
	[tilespmem:$0x19F00] =	vst v63  }
0x123: {  	_ =	swait.ge [sflag:s25], $0x1000  }
0x124: {  	[sflag:s25] =	ssyncset.done $0x0  }
0x125: {  	[sflag:s25] =	ssyncadd.s32 $0xFFFFF000  }
0x126: {  	_ =	swait.ge [sflag:s25], $0x1000  }
0x127: {  	[sflag:s25] =	ssyncset.done $0x0  }
0x128: {  	[sflag:s25] =	ssyncadd.s32 $0xFFFFF000  }
0x129: {  	_ =	swait.ge [sflag:s25], $0x1000  }
0x12a: {  	[sflag:s25] =	ssyncset.done $0x0  }
0x12b: {  	[sflag:s25] =	ssyncadd.s32 $0xFFFFF000  }
0x12c: {  	_ =	swait.ge [sflag:s25], $0x1000  }
0x12d: {  	[sflag:s25] =	ssyncset.done $0x0  }
0x12e: {  	[sflag:s25] =	ssyncadd.s32 $0xFFFFF000  }
0x12f: {  	_ =	swait.ge [sflag:s25], $0x1000  }
0x130: {  	[sflag:s25] =	ssyncset.done $0x0  }
0x131: {  	[sflag:s25] =	ssyncadd.s32 $0xFFFFF000  }
0x132: {  	_ =	swait.ge [sflag:s25], $0x1000  }
0x133: {  	[sflag:s25] =	ssyncset.done $0x0  }
0x134: {  	[sflag:s25] =	ssyncadd.s32 $0xFFFFF000  }
0x135: {  	_ =	swait.ge [sflag:s25], $0x1000  }
0x136: {  	[sflag:s25] =	ssyncset.done $0x0  }
0x137: {  	[sflag:s25] =	ssyncadd.s32 $0xFFFFF000  }
0x138: {  	_ =	swait.ge [sflag:s25], $0x1000  }
0x139: {  	[sflag:s25] =	ssyncset.done $0x0  }
0x13a: {  	[sflag:s25] =	ssyncadd.s32 $0xFFFFF000  }
0x13b: {  	_ =	swait.ge [sflag:s28], $0x1000  }
0x13c: {  	[sflag:s28] =	ssyncset.done $0x0  }
0x13d: {  	[sflag:s28] =	ssyncadd.s32 $0xFFFFF000  }
0x13e: {  	_ =	swait.ge [sflag:s28], $0x1000  }
0x13f: {  	[sflag:s28] =	ssyncset.done $0x0  }
0x140: {  	[sflag:s28] =	ssyncadd.s32 $0xFFFFF000  }
0x141: {  	_ =	swait.ge [sflag:s28], $0x1000  }
0x142: {  	[sflag:s28] =	ssyncset.done $0x0  }
0x143: {  	[sflag:s28] =	ssyncadd.s32 $0xFFFFF000  }
0x144: {  	_ =	swait.ge [sflag:s28], $0x1000  }
0x145: {  	[sflag:s28] =	ssyncset.done $0x0  }
0x146: {  	[sflag:s28] =	ssyncadd.s32 $0xFFFFF000  }
0x147: {  	_ =	swait.ge [sflag:s28], $0x1000  }
0x148: {  	[sflag:s28] =	ssyncset.done $0x0  }
0x149: {  	[sflag:s28] =	ssyncadd.s32 $0xFFFFF000  }
0x14a: {  	_ =	swait.ge [sflag:s28], $0x1000  }
0x14b: {  	[sflag:s28] =	ssyncset.done $0x0  }
0x14c: {  	[sflag:s28] =	ssyncadd.s32 $0xFFFFF000  }
0x14d: {  	_ =	swait.ge [sflag:s28], $0x1000  }
0x14e: {  	[sflag:s28] =	ssyncset.done $0x0  }
0x14f: {  	[sflag:s28] =	ssyncadd.s32 $0xFFFFF000  }
0x150: {  	p1 =	seq.s32 s9, $0x8000;
	_ =	swait.ge [sflag:s28], $0x1000  }
0x151: {  	s3 =	sshra.s32 @!p1 s9, $0x2;
	s9 =	simm.s32 @!p1 $0x5000;
	[sflag:s28] =	ssyncset.done $0x0  }
0x152: {  	s11 =	simm.s32 @!p1 $0x80;
	s6 =	sadd.s32 @!p1 $0x800, s3;
	[sflag:s28] =	ssyncadd.s32 $0xFFFFF000  }
0x153: {  	[tilespmem:s9], [sflag:$0x1] =	stream.indirect.gather @!p1 [hbm4b:s4+s11], $0x20, s6, s11, $0xb8;
	[tilespmem:$0x19F00] =	vst v63  }
0x154: {  	s12 =	sadd.s32 @!p1 $0x900, s3;
	s6 =	sadd.s32 @!p1 $0x880, s3;
	s9 =	simm.s32 @!p1 $0x6000  }
0x155: {  	[tilespmem:s9], [sflag:$0x1] =	stream.indirect.gather @!p1 [hbm4b:s4+s11], $0x20, s6, s11, $0xb8;
	[tilespmem:$0x19F00] =	vst v63  }
0x156: {  	s7 =	sadd.s32 @!p1 $0xA00, s3;
	s6 =	simm.s32 @!p1 $0x7000;
	s9 =	sadd.s32 @!p1 $0x980, s3  }
0x157: {  	[tilespmem:s6], [sflag:$0x1] =	stream.indirect.gather @!p1 [hbm4b:s4+s11], $0x20, s12, s11, $0xb8;
	[tilespmem:$0x19F00] =	vst v63  }
0x158: {  	s5 =	sadd.s32 @!p1 $0xB00, s3;
	s6 =	simm.s32 @!p1 $0x8000;
	s12 =	sadd.s32 @!p1 $0xA80, s3  }
0x159: {  	[tilespmem:s6], [sflag:$0x1] =	stream.indirect.gather @!p1 [hbm4b:s4+s11], $0x20, s9, s11, $0xb8;
	[tilespmem:$0x19F00] =	vst v63  }
0x15a: {  	s3 =	sadd.s32 @!p1 $0xB80, s3;
	s6 =	simm.s32 @!p1 $0x9000  }
0x15b: {  	[tilespmem:s6], [sflag:$0x1] =	stream.indirect.gather @!p1 [hbm4b:s4+s11], $0x20, s7, s11, $0xb8;
	[tilespmem:$0x19F00] =	vst v63  }
0x15c: {  	s6 =	simm.s32 @!p1 $0xA000  }
0x15d: {  	[tilespmem:s6], [sflag:$0x1] =	stream.indirect.gather @!p1 [hbm4b:s4+s11], $0x20, s12, s11, $0xb8;
	[tilespmem:$0x19F00] =	vst v63  }
0x15e: {  	s6 =	simm.s32 @!p1 $0xB000  }
0x15f: {  	[tilespmem:s6], [sflag:$0x1] =	stream.indirect.gather @!p1 [hbm4b:s4+s11], $0x20, s5, s11, $0xb8;
	[tilespmem:$0x19F00] =	vst v63  }
0x160: {  	s5 =	simm.s32 @!p1 $0xC000  }
0x161: {  	[tilespmem:s5], [sflag:$0x1] =	stream.indirect.gather @!p1 [hbm4b:s4+s11], $0x20, s3, s11, $0xb8;
	[tilespmem:$0x19F00] =	vst v63  }
0x162: {  	s3 =	sadd.s32 $0x2C00, s10  }
0x163: {  	[spmem:s2] =	stream.indirect.scatter.add.f32 [tilespmem:s31], [sflag:$0x4], $0x20, s3, s14, $0xb8;
	[tilespmem:$0x19F00] =	vst v63  }
0x164: {  	s3 =	sadd.s32 $0x2C80, s10  }
0x165: {  	[spmem:s2] =	stream.indirect.scatter.add.f32 [tilespmem:s0], [sflag:$0x4], $0x20, s3, s14, $0xb8;
	[tilespmem:$0x19F00] =	vst v63  }
0x166: {  	s3 =	sadd.s32 $0x2D00, s10  }
0x167: {  	[spmem:s2] =	stream.indirect.scatter.add.f32 [tilespmem:s1], [sflag:$0x4], $0x20, s3, s14, $0xb8;
	[tilespmem:$0x19F00] =	vst v63  }
0x168: {  	s3 =	sadd.s32 $0x2D80, s10  }
0x169: {  	[spmem:s2] =	stream.indirect.scatter.add.f32 [tilespmem:s13], [sflag:$0x4], $0x20, s3, s14, $0xb8;
	[tilespmem:$0x19F00] =	vst v63  }
0x16a: {  	s3 =	sadd.s32 $0x2E00, s10  }
0x16b: {  	[spmem:s2] =	stream.indirect.scatter.add.f32 [tilespmem:s17], [sflag:$0x4], $0x20, s3, s14, $0xb8;
	[tilespmem:$0x19F00] =	vst v63  }
.Ltmp0:
0x16c: {  	s3 =	sadd.s32 $0x2E80, s10;
	(pc) =	sbr.rel @p0 .LBB2_2-.Ltmp0, $4  }
0x16d: {  	[spmem:s2] =	stream.indirect.scatter.add.f32 [tilespmem:s19], [sflag:$0x4], $0x20, s3, s14, $0xb8;
	[tilespmem:$0x19F00] =	vst v63  }
0x16e: {  	s3 =	sadd.s32 $0x2F00, s10  }
0x16f: {  	[spmem:s2] =	stream.indirect.scatter.add.f32 [tilespmem:s21], [sflag:$0x4], $0x20, s3, s14, $0xb8;
	[tilespmem:$0x19F00] =	vst v63  }
0x170: {  	s9 =	sadd.s32 $0x2F80, s10  }
0x171: {  	[spmem:s2] =	stream.indirect.scatter.add.f32 [tilespmem:s23], [sflag:$0x4], $0x20, s9, s14, $0xb8;
	[tilespmem:$0x19F00] =	vst v63  }
0x172: {  	s3 =	simm.s32 $0x4  }
0x173: {  	_ =	swait.ge [sflag:s3], $0x1000  }
0x174: {  	[sflag:s3] =	ssyncset.done $0x0  }
0x175: {  	[sflag:s3] =	ssyncadd.s32 $0xFFFFF000  }
0x176: {  	_ =	swait.ge [sflag:s3], $0x1000  }
0x177: {  	[sflag:s3] =	ssyncset.done $0x0  }
0x178: {  	[sflag:s3] =	ssyncadd.s32 $0xFFFFF000  }
0x179: {  	_ =	swait.ge [sflag:s3], $0x1000  }
0x17a: {  	[sflag:s3] =	ssyncset.done $0x0  }
0x17b: {  	[sflag:s3] =	ssyncadd.s32 $0xFFFFF000  }
0x17c: {  	_ =	swait.ge [sflag:s3], $0x1000  }
0x17d: {  	[sflag:s3] =	ssyncset.done $0x0  }
0x17e: {  	[sflag:s3] =	ssyncadd.s32 $0xFFFFF000  }
0x17f: {  	_ =	swait.ge [sflag:s3], $0x1000  }
0x180: {  	[sflag:s3] =	ssyncset.done $0x0  }
0x181: {  	[sflag:s3] =	ssyncadd.s32 $0xFFFFF000  }
0x182: {  	_ =	swait.ge [sflag:s3], $0x1000  }
0x183: {  	[sflag:s3] =	ssyncset.done $0x0  }
0x184: {  	[sflag:s3] =	ssyncadd.s32 $0xFFFFF000  }
0x185: {  	_ =	swait.ge [sflag:s3], $0x1000  }
0x186: {  	[sflag:s3] =	ssyncset.done $0x0  }
0x187: {  	[sflag:s3] =	ssyncadd.s32 $0xFFFFF000  }
0x188: {  	_ =	swait.ge [sflag:s3], $0x1000  }
0x189: {  	[sflag:s3] =	ssyncset.done $0x0  }
0x18a: {  	[sflag:s3] =	ssyncadd.s32 $0xFFFFF000  }
0x18b: {  	[bflag:$0x0] =	sbarrier.arrive $0xFFFF  }
0x18c: {  	s6 =	rddreg [dreg:$0x7]  }
0x18d: {  	s11 =	rddreg [dreg:$0xa]  }
0x18e: {  	s7 =	simm.s32 $0x5;
	s5 =	rddreg [dreg:$0xc]  }
0x18f: {  	[hbm:s11], [sflag:s6] =	dma.local [spmem:s5], $0x9E0  }
0x190: {  	_ =	swait.ge [sflag:s7], $0x9E0  }
0x191: {  	s8 =	rddreg [dreg:$0xd]  }
0x192: {  	s12 =	rddreg [dreg:$0xb];
	s8 =	sadd.s32 $0x1, s8  }
0x193: {  	p0 =	sne.s32 s8, s12  }
.Ltmp1:
0x194: {  	_ = 	snop;
	(pc) =	sbr.rel @p0 .LBB2_1-.Ltmp1, $3  }
0x195: {  	_ =	sdelay $0x1  }
0x196: {  	[sflag:s7] =	ssyncset.done $0x0  }
0x197: {  	[sflag:s7] =	ssyncadd.s32 $0xFFFFF620  }
0x198: {  	_ =	sfence.sel $0x180000  }
0x199: {  	[bflag:$0x0] =	sbarrier.arrive $0xFFFF  }
0x19a: {  	_ =	strace $0x9000004D  }
0x19b: {  	s0 =	stileid.u32;
	[bflag:$0x2] =	sbarrier.arrive $0xFFFF  }
0x19c: {  	p0 =	sne.s32 s0, $0x0;
	s0 =	rddreg [dreg:$0x5]  }
0x19d: {  	s0 =	sadd.s32 @!p0 $0x100000, s0  }
0x19e: {  	[sflag:s0] =	ssyncadd.tile.s32 @!p0 $0x1;
	_ =	shalt  }
.Lfunc_end2:
_tile_overlayer_lowered:
.L_overlay_start_2:
0x19f: {  	(tag) =	ssettag $0x2  }
0x1a0: {  	s0 =	rddreg [dreg:$0x0];
	s2 =	stileid.u32  }
0x1a1: {  	s1 =	rddreg [dreg:$0x1];
	p0 =	sne.s32 s2, $0x0  }
0x1a2: {  	s3 =	rddreg [dreg:$0x2];
	[bflag:$0x3] =	sbarrier.arrive $0xFFFF;
	s2 =	simm.s32 @!p0 $0x1C05  }
0x1a3: {  	[timem:s3], [sflag:s2] =	dma.local @!p0 [hbm:s0], s1  }
0x1a4: {  	s0 =	simm.s32 @!p0 $0x5  }
0x1a5: {  	_ =	swait.ge @!p0 [sflag:s0], s1  }
0x1a6: {  	s1 =	ssub.s32 @!p0 $0x0, s1;
	[sflag:s0] =	ssyncset.done @!p0 $0x0  }
0x1a7: {  	[sflag:s0] =	ssyncadd.s32 @!p0 s1  }
0x1a8: {  	[bflag:$0x3] =	sbarrier.arrive $0xFFFF  }
0x1a9: {  	_ =	shalt  }

// kernel: kernel.8.cloned.1.call-start
scs
__scs_entry_jumppad:
0x0: {  	(pc) =	sbr.rel $0x88, $3  }
0x1: {  	(tag) =	ssettag $0x0;
	lr =	simm.s32 $0x1  }
0x2: {  	[smem:$0x3F92] =	sst lr;
	_ =	strace $0xD0000000  }
0x3: {  	_ = 	snop  }
0x4: {  	_ = 	snop  }
0x5: {  	_ = 	snop  }
0x6: {  	_ = 	snop  }
0x7: {  	_ = 	snop  }
__scs_overlays_trampoline_lowered:
0x8: {  	[smem:$0x3FA1] =	sst s0  }
0x9: {  	[smem:$0x3FA2] =	sst s1  }
0xa: {  	[smem:$0x3FA3] =	sst s2  }
0xb: {  	[smem:$0x3FA4] =	sst s3  }
0xc: {  	[smem:$0x3FA5] =	sst s4  }
0xd: {  	[smem:$0x3FA6] =	sst s5  }
0xe: {  	[smem:$0x3FA7] =	sst s6  }
0xf: {  	[smem:$0x3FA8] =	sst s7  }
0x10: {  	[smem:$0x3FA9] =	sst s8  }
0x11: {  	[smem:$0x3FAA] =	sst s9;
	s0 =	simm.s32 @!p0 $0x0  }
0x12: {  	s1 =	sld [smem:$0x3F90];
	s0 =	simm.s32 @p0 $0x1  }
0x13: {  	[smem:$0x3FAB] =	sst s0;
	s0 =	simm.s32 @!p1 $0x0  }
0x14: {  	s2 =	sld [smem:$0x3F8F];
	s0 =	simm.s32 @p1 $0x1  }
0x15: {  	[smem:$0x3FAC] =	sst s0;
	s0 =	simm.s32 @!p2 $0x0  }
0x16: {  	s3 =	sld [smem:$0x3FDB];
	s0 =	simm.s32 @p2 $0x1  }
0x17: {  	s4 =	simm.s32 $0x1BF5;
	[smem:$0x3FAE] =	sst s0  }
0x18: {  	s0 =	sld [smem:$0x3F91];
	_ =	swait.ge [sflag:s4], $0x0  }
0x19: {  	s7 =	sld [smem:$0x3F92]  }
0x1a: {  	s8 =	sadd.s32 $0xFFFFE003, lr  }
0x1b: {  	s9 =	sadd.s32 $0xFFFFFEF7, lr;
	s5 =	simm.s32 $0xFFFFFFFF;
	p2 =	slt.u32 s8, $0xFFFFF086  }
0x1c: {  	p1 =	slt.u32 s9, $0xF7A;
	s5 =	simm.s32 @!p2 $0x0  }
0x1d: {  	s5 =	simm.s32 @p1 $0x1;
	p0 =	seq.s32 s7, s2  }
0x1e: {  	s7 =	smul.u32 @!p0 $0xF7A, s2;
	p2 =	seq.s32 @!p0 s5, $0x0  }
0x1f: {  	s9 =	smul.u32 $0xF7A, s1;
	s8 =	simm.s32 @!p0 $0x1BF5;
	p2 =	por !p2, p0  }
0x20: {  	[sflag:s8] =	ssyncset.s32 @!p0 $0xFFFFF086;
	s6 =	sadd.s32 @!p0 s3, s7;
	s7 =	simm.s32 @!p0 $0x108  }
0x21: {  	s3 =	sadd.s32 s3, s9;
	s6 =	sadd.s32 @!p0 $0x88, s6;
	s7 =	simm.s32 @p2 $0x1082  }
0x22: {  	[simem:s7], [sflag:s8] =	dma.local @!p0 [hbm:s6], $0xF7A  }
0x23: {  	s9 =	sor.u32 $0xD0000000, s2;
	s6 =	simm.s32 $0x108;
	_ =	swait.ge @!p0 [sflag:s8], $0x0  }
0x24: {  	s3 =	sadd.s32 $0x88, s3;
	s6 =	simm.s32 @!p1 $0x1082;
	[sflag:s4] =	ssyncset.s32 $0xFFFFF086  }
0x25: {  	[simem:s6], [sflag:s4] =	dma.local [hbm:s3], $0xF7A  }
0x26: {  	[smem:$0x3F92] =	sst s1;
	(tag) =	ssettag s2;
	_ =	strace s9  }
0x27: {  	s1 =	sld [smem:$0x3FA2]  }
0x28: {  	s2 =	sld [smem:$0x3FA3]  }
0x29: {  	s4 =	sld [smem:$0x3FA5]  }
0x2a: {  	p0 =	seq.s32 s5, $0x0;
	s5 =	sld [smem:$0x3FA6]  }
0x2b: {  	s6 =	sld [smem:$0x3FA7]  }
0x2c: {  	s7 =	sld [smem:$0x3FA8]  }
0x2d: {  	s3 =	simm.s32 $0x108;
	s8 =	sld [smem:$0x3FA9]  }
0x2e: {  	s3 =	simm.s32 @!p0 $0x1082;
	s9 =	sld [smem:$0x3FAA]  }
0x2f: {  	lr =	sadd.s32 s0, s3;
	s0 =	sld [smem:$0x3FA1]  }
0x30: {  	s3 =	sld [smem:$0x3FA4]  }
0x31: {  	[smem:$0x3FAD] =	sst s10  }
0x32: {  	s10 =	sld [smem:$0x3FAB];
	_ =	sdelay $0x3  }
0x33: {  	p0 =	seq.s32 s10, $0x1;
	s10 =	sld [smem:$0x3FAD];
	_ =	sdelay $0x3  }
0x34: {  	[smem:$0x3FAD] =	sst s10  }
0x35: {  	s10 =	sld [smem:$0x3FAC];
	_ =	sdelay $0x3  }
0x36: {  	p1 =	seq.s32 s10, $0x1;
	s10 =	sld [smem:$0x3FAD];
	_ =	sdelay $0x3  }
0x37: {  	[smem:$0x3FAD] =	sst s10  }
0x38: {  	s10 =	sld [smem:$0x3FAE]  }
0x39: {  	_ = 	snop;
	(pc) =	sbr.ind lr, $3  }
0x3a: {  	_ = 	snop  }
0x3b: {  	_ = 	snop  }
0x3c: {  	p2 =	seq.s32 s10, $0x1;
	s10 =	sld [smem:$0x3FAD]  }
0x3d: {  	_ =	shalt  }
0x3e: {  	_ =	shalt  }
0x3f: {  	_ =	shalt  }
0x40: {  	_ =	shalt  }
0x41: {  	_ =	shalt  }
0x42: {  	_ =	shalt  }
0x43: {  	_ =	shalt  }
0x44: {  	_ =	shalt  }
0x45: {  	_ =	shalt  }
0x46: {  	_ =	shalt  }
0x47: {  	_ =	shalt  }
0x48: {  	_ =	shalt  }
0x49: {  	_ =	shalt  }
0x4a: {  	_ =	shalt  }
0x4b: {  	_ =	shalt  }
0x4c: {  	_ =	shalt  }
0x4d: {  	_ =	shalt  }
0x4e: {  	_ =	shalt  }
0x4f: {  	_ =	shalt  }
0x50: {  	_ =	shalt  }
0x51: {  	_ =	shalt  }
0x52: {  	_ =	shalt  }
0x53: {  	_ =	shalt  }
0x54: {  	_ =	shalt  }
0x55: {  	_ =	shalt  }
0x56: {  	_ =	shalt  }
0x57: {  	_ =	shalt  }
0x58: {  	_ =	shalt  }
0x59: {  	_ =	shalt  }
0x5a: {  	_ =	shalt  }
0x5b: {  	_ =	shalt  }
0x5c: {  	_ =	shalt  }
0x5d: {  	_ =	shalt  }
0x5e: {  	_ =	shalt  }
0x5f: {  	_ =	shalt  }
0x60: {  	_ =	shalt  }
0x61: {  	_ =	shalt  }
0x62: {  	_ =	shalt  }
0x63: {  	_ =	shalt  }
0x64: {  	_ =	shalt  }
0x65: {  	_ =	shalt  }
0x66: {  	_ =	shalt  }
0x67: {  	_ =	shalt  }
0x68: {  	_ =	shalt  }
0x69: {  	_ =	shalt  }
0x6a: {  	_ =	shalt  }
0x6b: {  	_ =	shalt  }
0x6c: {  	_ =	shalt  }
0x6d: {  	_ =	shalt  }
0x6e: {  	_ =	shalt  }
0x6f: {  	_ =	shalt  }
0x70: {  	_ =	shalt  }
0x71: {  	_ =	shalt  }
0x72: {  	_ =	shalt  }
0x73: {  	_ =	shalt  }
0x74: {  	_ =	shalt  }
0x75: {  	_ =	shalt  }
0x76: {  	_ =	shalt  }
0x77: {  	_ =	shalt  }
0x78: {  	_ =	shalt  }
0x79: {  	_ =	shalt  }
0x7a: {  	_ =	shalt  }
0x7b: {  	_ =	shalt  }
0x7c: {  	_ =	shalt  }
0x7d: {  	_ =	shalt  }
0x7e: {  	_ =	shalt  }
0x7f: {  	_ =	shalt  }
0x80: {  	_ =	shalt  }
0x81: {  	_ =	shalt  }
0x82: {  	_ =	shalt  }
0x83: {  	_ =	shalt  }
0x84: {  	_ =	shalt  }
0x85: {  	_ =	shalt  }
0x86: {  	_ =	shalt  }
0x87: {  	_ =	shalt  }
.Lfunc_end0:
.L_simem_size_0:
called_computation_lowered:
.L_overlay_start_0:
0x88: {  	s2 =	sld [smem:$0x3FD9]  }
0x89: {  	s3 =	sld [smem:$0x3FFE];
	_ =	sdelay $0x1  }
0x8a: {  	s1 =	srdreg.scid  }
0x8b: {  	s0 =	sand.u32 $0x1, s1  }
0x8c: {  	s14 =	sshll.u32 s0, $0xA;
	s2 =	sadd.s32 s3, s2  }
0x8d: {  	s2 =	sadd.s32 s2, s14  }
0x8e: {  	[smem:$0x3FB9] =	sst s2  }
0x8f: {  	_ = 	snop  }
0x90: {  	s2 =	sld [smem:$0x3FD0];
	_ =	sdelay $0x2  }
0x91: {  	s15 =	simm.s32 $0xA;
	s4 =	simm.s32 $0x10  }
0x92: {  	[smem:s4], [sflag:s15] =	dma.local [hbm:s2], $0x1  }
0x93: {  	_ =	swait.eq [sflag:s15], $0x1  }
0x94: {  	s16 =	sld [smem:$0x10];
	[sflag:s15] =	ssyncset.done $0x0  }
0x95: {  	s17 =	sld [smem:$0x11];
	[sflag:s15] =	ssyncadd.s32 $0xFFFFFFFF  }
0x96: {  	s18 =	sld [smem:$0x12];
	(tm) =	ssettm $0x1  }
0x97: {  	s5 =	sld [smem:$0x3FFB];
	_ =	sdelay $0x3  }
0x98: {  	_ =	strace s5  }
0x99: {  	s5 =	sld [smem:$0x3FFC];
	_ =	sdelay $0x3  }
0x9a: {  	_ =	strace s5  }
0x9b: {  	s5 =	sld [smem:$0x3FFD];
	_ =	sdelay $0x3  }
0x9c: {  	_ =	strace s5  }
0x9d: {  	_ =	strace $0x8FFFFFFF  }
0x9e: {  	s19 =	sld [smem:$0x3FDB];
	_ =	sdelay $0x1  }
0x9f: {  	s6 =	simm.s32 $_scs_section_size  }
0xa0: {  	s7 =	simm.s32 $_size__tile_overlayer_lowered;
	s8 =	simm.s32 $_tile_overlayer_lowered  }
0xa1: {  	s22 =	simm.s32 $0x1BFF;
	s21 =	sshll.u32 s8, $0x1;
	s5 =	sadd.s32 s6, s19  }
0xa2: {  	s9 =	simm.s32 $0x0;
	s20 =	sshll.u32 s7, $0x1;
	s7 =	sadd.s32 s21, s5  }
0xa3: {  	[timem:s9], [sflag:s22] =	dma.local [hbm:s7], s20  }
0xa4: {  	_ =	swait.ge [sflag:s22], s20  }
0xa5: {  	s6 =	ssub.s32 $0x0, s20;
	[sflag:s22] =	ssyncset.done $0x0  }
0xa6: {  	[sflag:s22] =	ssyncadd.s32 s6;
	_ =	sdelay $0x1  }
0xa7: {  	s23 =	simm.s32 $0x1B8B  }
0xa8: {  	_ =	swait.ge [sflag:s23], $0x1  }
0xa9: {  	[sflag:s23] =	ssyncset.done $0x0  }
0xaa: {  	s25 =	simm.s32 $0x1B8E;
	s24 =	sld [smem:$0x3FFE];
	[sflag:s23] =	ssyncadd.s32 $0xFFFFFFFF  }
0xab: {  	s26 =	simm.s32 $execute0_lowered;
	[smem:$0x3FD2] =	sst s25  }
0xac: {  	s7 =	sshll.u32 s26, $0x1;
	_ =	strace $0x80000046;
	[dreg:$0x1] =	wrdreg $0xFFFFFFFF  }
0xad: {  	s28 =	simm.s32 $_size_execute0_lowered;
	s5 =	sadd.s32 s5, s7;
	[dreg:$0x0] =	wrdreg $0x0  }
0xae: {  	s7 =	sshll.u32 s28, $0x1;
	[dreg:$0x2] =	wrdreg s5  }
0xaf: {  	[dreg:$0x3] =	wrdreg s7  }
0xb0: {  	[dreg:$0x4] =	wrdreg $0xC0  }
0xb1: {  	_ =	task [dreg:s9], $0x5FFFF  }
0xb2: {  	[dreg:$0x1] =	wrdreg $0xFFFFFFFF  }
0xb3: {  	[dreg:$0x0] =	wrdreg $0x60  }
0xb4: {  	[dreg:$0x2] =	wrdreg s16  }
0xb5: {  	[dreg:$0x3] =	wrdreg s17  }
0xb6: {  	[dreg:$0x4] =	wrdreg s24  }
0xb7: {  	[dreg:$0x5] =	wrdreg s18  }
0xb8: {  	[dreg:$0x6] =	wrdreg $0x58000  }
0xb9: {  	[dreg:$0x7] =	wrdreg $0x7F800  }
0xba: {  	[dreg:$0x8] =	wrdreg $0x9  }
0xbb: {  	_ =	task.clear_ibuf [dreg:s9], $0x9FFFF;
	_ =	strace $0x90000046  }
0xbc: {  	s29 =	simm.s32 $0x9;
	_ =	strace $0x80000048  }
0xbd: {  	_ =	swait.ge [sflag:s29], $0x1  }
0xbe: {  	[sflag:s29] =	ssyncadd.s32 $0xFFFFFFFF  }
0xbf: {  	_ =	strace $0x90000048  }
0xc0: {  	_ =	sfence  }
0xc1: {  	s30 =	sld [smem:$0x0];
	_ =	sdelay $0x2  }
0xc2: {  	s31 =	sshll.u32 s1, $0xD;
	s1 =	sshrl.u32 s1, $0x2  }
0xc3: {  	s3 =	sand.u32 $0x4000, s31;
	s1 =	sadd.s32 s1, s30  }
0xc4: {  	s0 =	sor.u32 s3, s0;
	s1 =	sshll.u32 s1, $0x11  }
0xc5: {  	s0 =	sor.u32 s1, s0  }
0xc6: {  	s0 =	sadd.s32 $0x8F2B, s0  }
0xc7: {  	[sflag:s0] =	ssyncadd.remote.s32 $0x1  }
0xc8: {  	_ =	sfence.sel $0xFFFF  }
0xc9: {  	[dreg:$0x0] =	wrdreg $0xFFFFFFFF;
	(pc) =	sbr.abs _section_cstart, $3  }
0xca: {  	[dreg:$0x1] =	wrdreg $0xFFFFFFFF  }
0xcb: {  	_ =	task.clear_ibuf [dreg:s9], $0x2FFFF;
	_ =	strace $0x9FFFFFFF  }
0xcc: {  	(tm) =	ssettm $0x7FFFFFFF  }
0xcd: {  	_ =	shalt  }
tec
execute0_lowered:
.L_overlay_start_1:
0x0: {  	(tag) =	ssettag $0x1  }
0x1: {  	s9 =	rddreg [dreg:$0x0]  }
0x2: {  	s10 =	rddreg [dreg:$0x1]  }
0x3: {  	s6 =	rddreg [dreg:$0x2]  }
0x4: {  	s8 =	rddreg [dreg:$0x3]  }
0x5: {  	s1 =	rddreg [dreg:$0x4]  }
0x6: {  	s3 =	rddreg [dreg:$0x5]  }
0x7: {  	s0 =	rddreg [dreg:$0x6];
	s4 =	simm.s32 $0x0  }
0x8: {  	s2 =	stileid.u32;
	s5 =	srdreg.scid;
	s17 =	simm.s32 $0x2800  }
0x9: {  	s18 =	simm.s32 $0x80;
	s19 =	simm.s32 $0x1;
	s20 =	simm.s32 $0x0  }
0xa: {  	[smem:$0x7FF] =	sst s4;
	s11 =	smul.u32 $0x2780, s2;
	s7 =	sand.u32 $0x1, s5  }
0xb: {  	s5 =	sadd.s32 $0x2A00, s6;
	s30 =	sshll.u32 s2, $0x6;
	_ =	strace $0x80000047  }
0xc: {  	s13 =	ssub.s32 $0x2, s7;
	s15 =	sshll.u32 s7, $0x4;
	s7 =	smul.u32 $0x4F000, s7  }
0xd: {  	s12 =	sshrl.u32 s11, $0x3;
	s14 =	sshrl.u32 s13, $0x1;
	s28 =	sor.u32 s2, s15  }
0xe: {  	s29 =	sadd.s32 s11, s1;
	s31 =	sadd.s32 s11, s3;
	s6 =	sadd.s32 s12, s6  }
0xf: {  	s26 =	ssub.s32 s13, s14;
	s7 =	sadd.s32 s11, s7;
	s13 =	smul.u32 $0x500, s28  }
0x10: {  	s14 =	simm.s32 $0x2;
	s15 =	sshrl.u32 s31, $0x3;
	s6 =	sadd.s32 $0x2C00, s6  }
0x11: {  	s16 =	sshrl.u32 s7, $0x3;
	s7 =	sor.u32 $0x1C02, s30;
	s12 =	smax.u32 s26, $0x1  }
0x12: {  	s8 =	sadd.s32 s8, s16;
	s9 =	sadd.s32 s9, s13;
	s10 =	sadd.s32 s10, s13  }
0x13: {  	s13 =	sshrl.u32 s29, $0x3;
	s16 =	simm.s32 $0x5000;
	s11 =	sadd.s32 $0x4F00, s8  }
.LBB2_1:
0x14: {  	[spmem:s13], [sflag:s7] =	dma.local [hbm:s6], $0x4F0  }
0x15: {  	_ =	swait.ge [sflag:s14], $0x4F0  }
0x16: {  	[sflag:s14] =	ssyncset.done $0x0  }
0x17: {  	[sflag:s14] =	ssyncadd.s32 $0xFFFFFB10  }
0x18: {  	[spmem:s15], [sflag:s7] =	dma.local [hbm:s6], $0x4F0  }
0x19: {  	_ =	swait.ge [sflag:s14], $0x4F0  }
0x1a: {  	[sflag:s14] =	ssyncset.done $0x0  }
0x1b: {  	[sflag:s14] =	ssyncadd.s32 $0xFFFFFB10  }
0x1c: {  	[tilespmem:s16], [sflag:$0x2] =	stream.linear.gather [hbm4b:s5+s4], $0x800, $0x38;
	[tilespmem:$0xA700] =	vst v63  }
0x1d: {  	_ =	swait.ge [sflag:s14], $0x800  }
0x1e: {  	[sflag:s14] =	ssyncset.done $0x0  }
0x1f: {  	[sflag:s14] =	ssyncadd.s32 $0xFFFFF800  }
0x20: {  	[tilespmem:s4], [sflag:$0x2] =	stream.linear.gather [hbm4b:s9+s4], $0x2800, $0x38;
	[tilespmem:$0xA700] =	vst v63  }
0x21: {  	_ =	swait.ge [sflag:s14], $0x2800  }
0x22: {  	[sflag:s14] =	ssyncset.done $0x0  }
0x23: {  	[sflag:s14] =	ssyncadd.s32 $0xFFFFD800  }
0x24: {  	[tilespmem:s17], [sflag:$0x2] =	stream.linear.gather [hbm4b:s10+s4], $0x2800, $0x38;
	[tilespmem:$0xA700] =	vst v63  }
0x25: {  	_ =	swait.ge [sflag:s14], $0x2800  }
0x26: {  	[sflag:s14] =	ssyncset.done $0x0  }
0x27: {  	[sflag:s14] =	ssyncadd.s32 $0xFFFFD800  }
0x28: {  	s21 =	simm.s32 $0x0;
	[bflag:$0x0] =	sbarrier.arrive $0xFFFF  }
0x29: {  	[spmem:s1] =	stream.indirect.scatter.add.f32 [tilespmem:s16], [sflag:$0x1], $0x10, s21, s18, $0xb8;
	[tilespmem:$0xA700] =	vst v63  }
0x2a: {  	s22 =	simm.s32 $0x2800;
	s21 =	simm.s32 $0x200  }
.LBB2_2:
0x2b: {  	[spmem:s3] =	stream.indirect.scatter.add.f32 [tilespmem:s16], [sflag:$0x1], $0x10, s22, s18, $0xb8;
	[tilespmem:$0xA700] =	vst v63  }
0x2c: {  	s22 =	smov.u32 s21;
	p0 =	sne.s32 s21, $0x9E00  }
.Ltmp0:
0x2d: {  	s21 =	sadd.s32 $0x200, s21;
	(pc) =	sbr.rel @p0 .LBB2_2-.Ltmp0, $4  }
0x2e: {  	_ = 	snop  }
0x2f: {  	s22 =	sshra.s32 s22, $0x2  }
0x30: {  	[spmem:s1] =	stream.indirect.scatter.add.f32 [tilespmem:s16], [sflag:$0x1], $0x10, s22, s18, $0xb8;
	[tilespmem:$0xA700] =	vst v63  }
0x31: {  	s22 =	sadd.s32 $0x2800, s22  }
0x32: {  	[spmem:s3] =	stream.indirect.scatter.add.f32 [tilespmem:s16], [sflag:$0x1], $0x10, s22, s18, $0xb8;
	[tilespmem:$0xA700] =	vst v63  }
0x33: {  	_ =	swait.ge [sflag:s19], $0x800  }
0x34: {  	[sflag:s19] =	ssyncset.done $0x0  }
0x35: {  	[sflag:s19] =	ssyncadd.s32 $0xFFFFF800  }
0x36: {  	_ =	swait.ge [sflag:s19], $0x800  }
0x37: {  	s21 =	simm.s32 $0x4F;
	[sflag:s19] =	ssyncset.done $0x0  }
.LBB2_4:
0x38: {  	p0 =	sne.s32 s21, $0x1;
	s21 =	sadd.s32 $0xFFFFFFFF, s21;
	[sflag:s19] =	ssyncadd.s32 $0xFFFFF800  }
.Ltmp1:
0x39: {  	_ =	swait.ge [sflag:s19], $0x800;
	(pc) =	sbr.rel @p0 .LBB2_4-.Ltmp1, $4  }
0x3a: {  	[sflag:s19] =	ssyncset.done $0x0  }
0x3b: {  	[sflag:s19] =	ssyncadd.s32 $0xFFFFF800  }
0x3c: {  	_ =	swait.ge [sflag:s19], $0x800  }
0x3d: {  	[sflag:s19] =	ssyncset.done $0x0  }
0x3e: {  	[sflag:s19] =	ssyncadd.s32 $0xFFFFF800  }
0x3f: {  	[bflag:$0x0] =	sbarrier.arrive $0xFFFF  }
0x40: {  	[hbm:s8], [sflag:s7] =	dma.local [spmem:s13], $0x4F0  }
0x41: {  	s20 =	sadd.s32 $0x1, s20;
	_ =	swait.ge [sflag:s14], $0x4F0  }
0x42: {  	p0 =	sne.s32 s20, s12;
	[sflag:s14] =	ssyncset.done $0x0  }
.Ltmp2:
0x43: {  	[sflag:s14] =	ssyncadd.s32 $0xFFFFFB10;
	(pc) =	sbr.rel @p0 .LBB2_1-.Ltmp2, $4  }
0x44: {  	[hbm:s11], [sflag:s7] =	dma.local [spmem:s15], $0x4F0  }
0x45: {  	_ =	swait.ge [sflag:s14], $0x4F0  }
0x46: {  	[sflag:s14] =	ssyncset.done $0x0  }
0x47: {  	[sflag:s14] =	ssyncadd.s32 $0xFFFFFB10  }
0x48: {  	_ =	sfence.sel $0x180000  }
0x49: {  	[bflag:$0x0] =	sbarrier.arrive $0xFFFF  }
0x4a: {  	p0 =	sne.s32 s2, $0x0;
	_ =	strace $0x90000047  }
0x4b: {  	s0 =	sadd.s32 @!p0 $0x100000, s0;
	[bflag:$0x2] =	sbarrier.arrive $0xFFFF  }
0x4c: {  	[sflag:s0] =	ssyncadd.tile.s32 @!p0 $0x1;
	_ =	shalt  }
.Lfunc_end2:
_tile_overlayer_lowered:
.L_overlay_start_2:
0x4d: {  	(tag) =	ssettag $0x2  }
0x4e: {  	s0 =	rddreg [dreg:$0x0];
	s2 =	stileid.u32  }
0x4f: {  	s1 =	rddreg [dreg:$0x1];
	p0 =	sne.s32 s2, $0x0  }
0x50: {  	s3 =	rddreg [dreg:$0x2];
	[bflag:$0x3] =	sbarrier.arrive $0xFFFF;
	s2 =	simm.s32 @!p0 $0x1C02  }
0x51: {  	[timem:s3], [sflag:s2] =	dma.local @!p0 [hbm:s0], s1  }
0x52: {  	s0 =	simm.s32 @!p0 $0x2  }
0x53: {  	_ =	swait.ge @!p0 [sflag:s0], s1  }
0x54: {  	s1 =	ssub.s32 @!p0 $0x0, s1;
	[sflag:s0] =	ssyncset.done @!p0 $0x0  }
0x55: {  	[sflag:s0] =	ssyncadd.s32 @!p0 s1  }
0x56: {  	[bflag:$0x3] =	sbarrier.arrive $0xFFFF  }
0x57: {  	_ =	shalt  }

</sc_bundles>
